<compile_context>
chip_gen: v7x
topology: tpu7x:2x2x1
jax: 0.10.2.dev20260603
libtpu: 0.0.44.dev20260713+nightly
codegen_flags: <defaults>
</compile_context>

<pallas_src>
import functools

import jax
import jax.numpy as jnp
from jax import lax
from jax.experimental import pallas as pl
from jax.experimental.pallas import tpu as pltpu
from jax.experimental.pallas import tpu_sc as plsc

IN_DIM = 128
OUT_DIM = 32
N_NODES = 10000
N_INST = 320000
ALPHA = 0.2

NUM_CORES = 2
NUM_SUBCORES = 16
NW = NUM_CORES * NUM_SUBCORES
B_PER_W = N_INST // NW
CHUNK = 80
NCHUNK = B_PER_W // CHUNK


def _tables_body(dis_ref, chem_ref, pd_ref, pc_ref, w_ref, g0_ref, g1_ref, g2_ref):
    q0 = jnp.dot(pd_ref[...], w_ref[0:32, :], preferred_element_type=jnp.float32)
    q1 = jnp.dot(pd_ref[...], w_ref[32:64, :], preferred_element_type=jnp.float32)
    q2 = jnp.dot(pc_ref[...], w_ref[64:96, :], preferred_element_type=jnp.float32)
    d = dis_ref[...]
    c = chem_ref[...]
    g0_ref[...] = jnp.dot(d, q0, preferred_element_type=jnp.float32)
    g1_ref[...] = jnp.dot(d, q1, preferred_element_type=jnp.float32)
    g2_ref[...] = jnp.dot(c, q2, preferred_element_type=jnp.float32)


def _make_tables(disease_feats, chemical_feats, P_disease, P_chemical, W_CDD):
    blk = 2000
    grid = N_NODES // blk
    return pl.pallas_call(
        _tables_body,
        grid=(grid,),
        in_specs=[
            pl.BlockSpec((blk, IN_DIM), lambda i: (i, 0)),
            pl.BlockSpec((blk, IN_DIM), lambda i: (i, 0)),
            pl.BlockSpec((IN_DIM, OUT_DIM), lambda i: (0, 0)),
            pl.BlockSpec((IN_DIM, OUT_DIM), lambda i: (0, 0)),
            pl.BlockSpec((3 * OUT_DIM, OUT_DIM), lambda i: (0, 0)),
        ],
        out_specs=[
            pl.BlockSpec((blk, OUT_DIM), lambda i: (i, 0)),
            pl.BlockSpec((blk, OUT_DIM), lambda i: (i, 0)),
            pl.BlockSpec((blk, OUT_DIM), lambda i: (i, 0)),
        ],
        out_shape=[jax.ShapeDtypeStruct((N_NODES, OUT_DIM), jnp.float32)] * 3,
    )(disease_feats, chemical_feats, P_disease, P_chemical, W_CDD)


def _sc_body(g0_hbm, g1_hbm, g2_hbm, idx_hbm, out_hbm,
             i_v, r_v, o_v, isem, gsem, osem):
    wid = lax.axis_index("s") * NUM_CORES + lax.axis_index("c")
    base = wid * B_PER_W
    tables = (g0_hbm, g1_hbm, g2_hbm)

    def load_idx(chunk, slot):
        off = base + chunk * CHUNK
        for k in range(3):
            pltpu.async_copy(idx_hbm.at[k, pl.ds(off, CHUNK)], i_v.at[slot, k], isem)

    def wait_idx(slot):
        for k in range(3):
            pltpu.make_async_copy(
                idx_hbm.at[k, pl.ds(base, CHUNK)], i_v.at[slot, k], isem).wait()

    def issue_gathers(slot):
        for k in range(3):
            pltpu.async_copy(tables[k].at[i_v.at[slot, k]], r_v.at[slot, k], gsem)

    def wait_gathers(slot):
        for k in range(3):
            pltpu.make_async_copy(
                tables[k].at[i_v.at[slot, k]], r_v.at[slot, k], gsem).wait()

    lane = lax.iota(jnp.int32, 16)

    def compute(slot):
        @plsc.parallel_loop(0, (CHUNK // 16) * 2, 1)
        def _(b):
            bi = b // 2
            h = lax.rem(b, 2)
            r0 = bi * 16
            s = pl.ds(h * 16, 16)
            v = []
            for i in range(16):
                r = r0 + i
                x = r_v[slot, 0, r, s] + r_v[slot, 1, r, s] + r_v[slot, 2, r, s]
                v.append(jnp.maximum(x, ALPHA * x))
            for st in (1, 2, 4, 8):
                perm = jnp.bitwise_xor(lane, st)
                v = [jnp.where((lane & st) == (i & st), v[i],
                               v[i ^ st].at[perm].get(mode="promise_in_bounds"))
                     for i in range(16)]
            for j in range(16):
                o_v[slot, h * 16 + j, pl.ds(r0, 16)] = v[j]

    def wait_store(slot):
        pltpu.make_async_copy(
            o_v.at[slot],
            out_hbm.at[pl.ds(0, OUT_DIM), pl.ds(base, CHUNK)], osem).wait()

    load_idx(0, 0)
    wait_idx(0)
    issue_gathers(0)
    load_idx(1, 1)

    def step(j, carry):
        slot = lax.rem(j, 2)
        nslot = 1 - slot
        wait_idx(nslot)
        issue_gathers(nslot)
        wait_gathers(slot)

        @pl.when(j < NCHUNK - 2)
        def _():
            load_idx(j + 2, slot)

        compute(slot)

        @pl.when(j > 0)
        def _():
            wait_store(nslot)
        pltpu.async_copy(
            o_v.at[slot],
            out_hbm.at[pl.ds(0, OUT_DIM), pl.ds(base + j * CHUNK, CHUNK)],
            osem)
        return carry

    lax.fori_loop(0, NCHUNK - 1, step, 0)

    last = NCHUNK - 1
    wait_gathers(0)
    compute(0)
    wait_store(1)
    pltpu.async_copy(
        o_v.at[0],
        out_hbm.at[pl.ds(0, OUT_DIM), pl.ds(base + last * CHUNK, CHUNK)],
        osem)
    wait_store(0)


@functools.cache
def _sc_gather():
    return functools.partial(
        pl.kernel,
        out_type=jax.ShapeDtypeStruct((OUT_DIM, N_INST), jnp.float32),
        mesh=plsc.VectorSubcoreMesh(
            core_axis_name="c", subcore_axis_name="s",
            num_cores=NUM_CORES, num_subcores=NUM_SUBCORES),
        scratch_types=[
            pltpu.VMEM((2, 3, CHUNK), jnp.int32),
            pltpu.VMEM((2, 3, CHUNK, OUT_DIM), jnp.float32),
            pltpu.VMEM((2, OUT_DIM, CHUNK), jnp.float32),
            pltpu.SemaphoreType.DMA,
            pltpu.SemaphoreType.DMA,
            pltpu.SemaphoreType.DMA,
        ],
        compiler_params=pltpu.CompilerParams(use_tc_tiling_on_sc=False),
    )(_sc_body)


def kernel(disease_feats, gene_feats, chemical_feats, species_feats,
           trans_adj_list, P_disease, P_gene, P_chemical, P_species, W_CDD):
    del gene_feats, species_feats, P_gene, P_species
    g0, g1, g2 = _make_tables(disease_feats, chemical_feats,
                              P_disease, P_chemical, W_CDD)
    idx = trans_adj_list.astype(jnp.int32)
    out_t = _sc_gather()(g0, g1, g2, idx)
    return jnp.transpose(out_t)

# --- scband reference (transcript-rebuilt; emitter-appended) ---
"""Pipeline reference for scband-inner-model-58815282152044 (READ-ONLY COPY).

The authoritative reference and input builder live on the scoring server;
editing this copy changes nothing except your own understanding.
"""

import jax, jax.numpy as jnp
import numpy as np

IN_DIM = 128
OUT_DIM = 32
N_NODES = 10000
N_INST = 320000
ALPHA = 0.2


def setup_inputs(seed: int = 0) -> dict:
    key = jax.random.key(seed)
    ks = jax.random.split(key, 12)
    disease_feats = jax.random.normal(ks[0], (N_NODES, IN_DIM), dtype=jnp.float32)
    gene_feats = jax.random.normal(ks[1], (N_NODES, IN_DIM), dtype=jnp.float32)
    chemical_feats = jax.random.normal(ks[2], (N_NODES, IN_DIM), dtype=jnp.float32)
    species_feats = jax.random.normal(ks[3], (N_NODES, IN_DIM), dtype=jnp.float32)
    trans_adj_list = jax.random.randint(ks[4], (3, N_INST), 0, N_NODES, dtype=jnp.int64)
    # learned parameters of InstanceAggLayer (layer 0, head 0), xavier-like scale
    def xavier(k, shape):
        fan_in, fan_out = shape
        bound = 1.414 * np.sqrt(6.0 / (fan_in + fan_out))
        return jax.random.uniform(k, shape, dtype=jnp.float32, minval=-bound, maxval=bound)
    P_disease = xavier(ks[5], (IN_DIM, OUT_DIM))
    P_gene = xavier(ks[6], (IN_DIM, OUT_DIM))
    P_chemical = xavier(ks[7], (IN_DIM, OUT_DIM))
    P_species = xavier(ks[8], (IN_DIM, OUT_DIM))
    W_CDD = xavier(ks[9], (OUT_DIM * 3, OUT_DIM))
    return {
        "disease_feats": disease_feats,
        "gene_feats": gene_feats,
        "chemical_feats": chemical_feats,
        "species_feats": species_feats,
        "trans_adj_list": trans_adj_list,
        "P_disease": P_disease,
        "P_gene": P_gene,
        "P_chemical": P_chemical,
        "P_species": P_species,
        "W_CDD": W_CDD,
    }


def reference(disease_feats, gene_feats, chemical_feats, species_feats, trans_adj_list,
              P_disease, P_gene, P_chemical, P_species, W_CDD):
    # InstanceAggLayer.forward with pattern_name == 'CDD'
    f_disease = disease_feats @ P_disease
    f_gene = gene_feats @ P_gene
    f_chemical = chemical_feats @ P_chemical
    f_species = species_feats @ P_species
    concat = jnp.concatenate(
        [
            jnp.take(f_disease, trans_adj_list[0], axis=0),
            jnp.take(f_disease, trans_adj_list[1], axis=0),
            jnp.take(f_chemical, trans_adj_list[2], axis=0),
        ],
        axis=1,
    )
    instance = jax.nn.leaky_relu(concat @ W_CDD, negative_slope=ALPHA)
    return instance

if __name__ == "__main__":
    import jax
    _d = setup_inputs()
    print(jax.jit(kernel)(*tuple(_d.values())))

</pallas_src>

<mosaic_0001>
#map = affine_map<(d0, d1) -> (0, 0)>
module attributes {stable_mosaic.version = 14 : i64} {
  func.func @_sc_body(%arg0: i32, %arg1: i32, %arg2: memref<10000x32xf32, #tpu.memory_space<hbm>>, %arg3: memref<10000x32xf32, #tpu.memory_space<hbm>>, %arg4: memref<10000x32xf32, #tpu.memory_space<hbm>>, %arg5: memref<3x320000xi32, #tpu.memory_space<hbm>>, %arg6: memref<32x320000xf32, #tpu.memory_space<hbm>>, %arg7: memref<2x3x80xi32, #tpu.memory_space<vmem>>, %arg8: memref<2x3x80x32xf32, #tpu.memory_space<vmem>>, %arg9: memref<2x32x80xf32, #tpu.memory_space<vmem>>, %arg10: memref<!tpu.dma_semaphore, #tpu.memory_space<semaphore_mem>>, %arg11: memref<!tpu.dma_semaphore, #tpu.memory_space<semaphore_mem>>, %arg12: memref<!tpu.dma_semaphore, #tpu.memory_space<semaphore_mem>>) attributes {dimension_semantics = [#tpu.dimension_semantics<core_parallel>, #tpu.dimension_semantics<subcore_parallel>], iteration_bounds = array<i64: 2, 16>, scalar_prefetch = 0 : i64, scratch_operands = 6 : i64, tpu.core_type = #tpu.core_type<sc_vector_subcore>, window_params = [{transform_indices = #map}, {transform_indices = #map}, {transform_indices = #map}, {transform_indices = #map}, {transform_indices = #map}]} {
    %mul3A = arith.constant 2 : i32
    %mul3A_0 = arith.muli %arg1, %mul3A : i32
    %add3A = arith.addi %mul3A_0, %arg0 : i32
    %mul3A_1 = arith.constant 10000 : i32
    %mul3A_2 = arith.muli %add3A, %mul3A_1 : i32
    %iota3A = tpu.iota {dimensions = array<i32: 0>} : vector<16xi32>
    %add3A_3 = arith.constant 0 : i32
    %add3A_4 = arith.addi %mul3A_2, %add3A_3 : i32
    %dma_start3A = arith.constant 0 : i32
    %dma_start3A_5 = arith.constant 0 : i32
    %dma_start3A_6 = arith.constant 0 : i32
    %dma_start3A_7 = arith.constant 0 : i32
    %dma_start3A_8 = tpu.memref_slice %arg7[%dma_start3A_5, %dma_start3A_6, %dma_start3A_7] : memref<2x3x80xi32, #tpu.memory_space<vmem>> -> memref<1x1x80xi32, #tpu.memory_space<vmem>>
    %dma_start3A_9 = tpu.memref_squeeze %dma_start3A_8 : memref<1x1x80xi32, #tpu.memory_space<vmem>> -> memref<80xi32, #tpu.memory_space<vmem>>
    %dma_start3A_10 = tpu.memref_slice %arg5[%dma_start3A, %add3A_4] : memref<3x320000xi32, #tpu.memory_space<hbm>> -> memref<1x80xi32, #tpu.memory_space<hbm>>
    %dma_start3A_11 = tpu.memref_squeeze %dma_start3A_10 : memref<1x80xi32, #tpu.memory_space<hbm>> -> memref<80xi32, #tpu.memory_space<hbm>>
    %dma_start3A_12 = arith.constant 0 : i32
    %dma_start3A_13 = tpu.memref_slice %arg7[%dma_start3A_5, %dma_start3A_6, %dma_start3A_12] : memref<2x3x80xi32, #tpu.memory_space<vmem>> -> memref<1x1x80xi32, #tpu.memory_space<vmem>>
    %dma_start3A_14 = tpu.memref_squeeze %dma_start3A_13 : memref<1x1x80xi32, #tpu.memory_space<vmem>> -> memref<80xi32, #tpu.memory_space<vmem>>
    %dma_start3A_15 = tpu.memref_slice %arg5[%dma_start3A, %add3A_4] : memref<3x320000xi32, #tpu.memory_space<hbm>> -> memref<1x80xi32, #tpu.memory_space<hbm>>
    %dma_start3A_16 = tpu.memref_squeeze %dma_start3A_15 : memref<1x80xi32, #tpu.memory_space<hbm>> -> memref<80xi32, #tpu.memory_space<hbm>>
    tpu.enqueue_dma source(%dma_start3A_16 : memref<80xi32, #tpu.memory_space<hbm>>) target(%dma_start3A_14 : memref<80xi32, #tpu.memory_space<vmem>>) target_semaphore(%arg10 : memref<!tpu.dma_semaphore, #tpu.memory_space<semaphore_mem>>)
    %dma_start3A_17 = arith.constant 1 : i32
    %dma_start3A_18 = arith.constant 0 : i32
    %dma_start3A_19 = arith.constant 1 : i32
    %dma_start3A_20 = arith.constant 0 : i32
    %dma_start3A_21 = tpu.memref_slice %arg7[%dma_start3A_18, %dma_start3A_19, %dma_start3A_20] : memref<2x3x80xi32, #tpu.memory_space<vmem>> -> memref<1x1x80xi32, #tpu.memory_space<vmem>>
    %dma_start3A_22 = tpu.memref_squeeze %dma_start3A_21 : memref<1x1x80xi32, #tpu.memory_space<vmem>> -> memref<80xi32, #tpu.memory_space<vmem>>
    %dma_start3A_23 = tpu.memref_slice %arg5[%dma_start3A_17, %add3A_4] : memref<3x320000xi32, #tpu.memory_space<hbm>> -> memref<1x80xi32, #tpu.memory_space<hbm>>
    %dma_start3A_24 = tpu.memref_squeeze %dma_start3A_23 : memref<1x80xi32, #tpu.memory_space<hbm>> -> memref<80xi32, #tpu.memory_space<hbm>>
    %dma_start3A_25 = arith.constant 0 : i32
    %dma_start3A_26 = tpu.memref_slice %arg7[%dma_start3A_18, %dma_start3A_19, %dma_start3A_25] : memref<2x3x80xi32, #tpu.memory_space<vmem>> -> memref<1x1x80xi32, #tpu.memory_space<vmem>>
    %dma_start3A_27 = tpu.memref_squeeze %dma_start3A_26 : memref<1x1x80xi32, #tpu.memory_space<vmem>> -> memref<80xi32, #tpu.memory_space<vmem>>
    %dma_start3A_28 = tpu.memref_slice %arg5[%dma_start3A_17, %add3A_4] : memref<3x320000xi32, #tpu.memory_space<hbm>> -> memref<1x80xi32, #tpu.memory_space<hbm>>
    %dma_start3A_29 = tpu.memref_squeeze %dma_start3A_28 : memref<1x80xi32, #tpu.memory_space<hbm>> -> memref<80xi32, #tpu.memory_space<hbm>>
    tpu.enqueue_dma source(%dma_start3A_29 : memref<80xi32, #tpu.memory_space<hbm>>) target(%dma_start3A_27 : memref<80xi32, #tpu.memory_space<vmem>>) target_semaphore(%arg10 : memref<!tpu.dma_semaphore, #tpu.memory_space<semaphore_mem>>)
    %dma_start3A_30 = arith.constant 2 : i32
    %dma_start3A_31 = arith.constant 0 : i32
    %dma_start3A_32 = arith.constant 2 : i32
    %dma_start3A_33 = arith.constant 0 : i32
    %dma_start3A_34 = tpu.memref_slice %arg7[%dma_start3A_31, %dma_start3A_32, %dma_start3A_33] : memref<2x3x80xi32, #tpu.memory_space<vmem>> -> memref<1x1x80xi32, #tpu.memory_space<vmem>>
    %dma_start3A_35 = tpu.memref_squeeze %dma_start3A_34 : memref<1x1x80xi32, #tpu.memory_space<vmem>> -> memref<80xi32, #tpu.memory_space<vmem>>
    %dma_start3A_36 = tpu.memref_slice %arg5[%dma_start3A_30, %add3A_4] : memref<3x320000xi32, #tpu.memory_space<hbm>> -> memref<1x80xi32, #tpu.memory_space<hbm>>
    %dma_start3A_37 = tpu.memref_squeeze %dma_start3A_36 : memref<1x80xi32, #tpu.memory_space<hbm>> -> memref<80xi32, #tpu.memory_space<hbm>>
    %dma_start3A_38 = arith.constant 0 : i32
    %dma_start3A_39 = tpu.memref_slice %arg7[%dma_start3A_31, %dma_start3A_32, %dma_start3A_38] : memref<2x3x80xi32, #tpu.memory_space<vmem>> -> memref<1x1x80xi32, #tpu.memory_space<vmem>>
    %dma_start3A_40 = tpu.memref_squeeze %dma_start3A_39 : memref<1x1x80xi32, #tpu.memory_space<vmem>> -> memref<80xi32, #tpu.memory_space<vmem>>
    %dma_start3A_41 = tpu.memref_slice %arg5[%dma_start3A_30, %add3A_4] : memref<3x320000xi32, #tpu.memory_space<hbm>> -> memref<1x80xi32, #tpu.memory_space<hbm>>
    %dma_start3A_42 = tpu.memref_squeeze %dma_start3A_41 : memref<1x80xi32, #tpu.memory_space<hbm>> -> memref<80xi32, #tpu.memory_space<hbm>>
    tpu.enqueue_dma source(%dma_start3A_42 : memref<80xi32, #tpu.memory_space<hbm>>) target(%dma_start3A_40 : memref<80xi32, #tpu.memory_space<vmem>>) target_semaphore(%arg10 : memref<!tpu.dma_semaphore, #tpu.memory_space<semaphore_mem>>)
    %dma_wait3A = arith.constant 0 : i32
    %dma_wait3A_43 = arith.constant 0 : i32
    %dma_wait3A_44 = arith.constant 0 : i32
    %dma_wait3A_45 = arith.constant 0 : i32
    %dma_wait3A_46 = tpu.memref_slice %arg7[%dma_wait3A_43, %dma_wait3A_44, %dma_wait3A_45] : memref<2x3x80xi32, #tpu.memory_space<vmem>> -> memref<1x1x80xi32, #tpu.memory_space<vmem>>
    %dma_wait3A_47 = tpu.memref_squeeze %dma_wait3A_46 : memref<1x1x80xi32, #tpu.memory_space<vmem>> -> memref<80xi32, #tpu.memory_space<vmem>>
    %dma_wait3A_48 = tpu.memref_slice %arg5[%dma_wait3A, %mul3A_2] : memref<3x320000xi32, #tpu.memory_space<hbm>> -> memref<1x80xi32, #tpu.memory_space<hbm>>
    %dma_wait3A_49 = tpu.memref_squeeze %dma_wait3A_48 : memref<1x80xi32, #tpu.memory_space<hbm>> -> memref<80xi32, #tpu.memory_space<hbm>>
    %dma_wait3A_50 = arith.constant 0 : i32
    %dma_wait3A_51 = tpu.memref_slice %arg7[%dma_wait3A_43, %dma_wait3A_44, %dma_wait3A_50] : memref<2x3x80xi32, #tpu.memory_space<vmem>> -> memref<1x1x80xi32, #tpu.memory_space<vmem>>
    %dma_wait3A_52 = tpu.memref_squeeze %dma_wait3A_51 : memref<1x1x80xi32, #tpu.memory_space<vmem>> -> memref<80xi32, #tpu.memory_space<vmem>>
    %dma_wait3A_53 = tpu.memref_slice %arg5[%dma_wait3A, %mul3A_2] : memref<3x320000xi32, #tpu.memory_space<hbm>> -> memref<1x80xi32, #tpu.memory_space<hbm>>
    %dma_wait3A_54 = tpu.memref_squeeze %dma_wait3A_53 : memref<1x80xi32, #tpu.memory_space<hbm>> -> memref<80xi32, #tpu.memory_space<hbm>>
    tpu.wait_dma2 semaphore(%arg10 : memref<!tpu.dma_semaphore, #tpu.memory_space<semaphore_mem>>) src(%dma_wait3A_54 : memref<80xi32, #tpu.memory_space<hbm>>) dst(%dma_wait3A_52 : memref<80xi32, #tpu.memory_space<vmem>>)
    %dma_wait3A_55 = arith.constant 1 : i32
    %dma_wait3A_56 = arith.constant 0 : i32
    %dma_wait3A_57 = arith.constant 1 : i32
    %dma_wait3A_58 = arith.constant 0 : i32
    %dma_wait3A_59 = tpu.memref_slice %arg7[%dma_wait3A_56, %dma_wait3A_57, %dma_wait3A_58] : memref<2x3x80xi32, #tpu.memory_space<vmem>> -> memref<1x1x80xi32, #tpu.memory_space<vmem>>
    %dma_wait3A_60 = tpu.memref_squeeze %dma_wait3A_59 : memref<1x1x80xi32, #tpu.memory_space<vmem>> -> memref<80xi32, #tpu.memory_space<vmem>>
    %dma_wait3A_61 = tpu.memref_slice %arg5[%dma_wait3A_55, %mul3A_2] : memref<3x320000xi32, #tpu.memory_space<hbm>> -> memref<1x80xi32, #tpu.memory_space<hbm>>
    %dma_wait3A_62 = tpu.memref_squeeze %dma_wait3A_61 : memref<1x80xi32, #tpu.memory_space<hbm>> -> memref<80xi32, #tpu.memory_space<hbm>>
    %dma_wait3A_63 = arith.constant 0 : i32
    %dma_wait3A_64 = tpu.memref_slice %arg7[%dma_wait3A_56, %dma_wait3A_57, %dma_wait3A_63] : memref<2x3x80xi32, #tpu.memory_space<vmem>> -> memref<1x1x80xi32, #tpu.memory_space<vmem>>
    %dma_wait3A_65 = tpu.memref_squeeze %dma_wait3A_64 : memref<1x1x80xi32, #tpu.memory_space<vmem>> -> memref<80xi32, #tpu.memory_space<vmem>>
    %dma_wait3A_66 = tpu.memref_slice %arg5[%dma_wait3A_55, %mul3A_2] : memref<3x320000xi32, #tpu.memory_space<hbm>> -> memref<1x80xi32, #tpu.memory_space<hbm>>
    %dma_wait3A_67 = tpu.memref_squeeze %dma_wait3A_66 : memref<1x80xi32, #tpu.memory_space<hbm>> -> memref<80xi32, #tpu.memory_space<hbm>>
    tpu.wait_dma2 semaphore(%arg10 : memref<!tpu.dma_semaphore, #tpu.memory_space<semaphore_mem>>) src(%dma_wait3A_67 : memref<80xi32, #tpu.memory_space<hbm>>) dst(%dma_wait3A_65 : memref<80xi32, #tpu.memory_space<vmem>>)
    %dma_wait3A_68 = arith.constant 2 : i32
    %dma_wait3A_69 = arith.constant 0 : i32
    %dma_wait3A_70 = arith.constant 2 : i32
    %dma_wait3A_71 = arith.constant 0 : i32
    %dma_wait3A_72 = tpu.memref_slice %arg7[%dma_wait3A_69, %dma_wait3A_70, %dma_wait3A_71] : memref<2x3x80xi32, #tpu.memory_space<vmem>> -> memref<1x1x80xi32, #tpu.memory_space<vmem>>
    %dma_wait3A_73 = tpu.memref_squeeze %dma_wait3A_72 : memref<1x1x80xi32, #tpu.memory_space<vmem>> -> memref<80xi32, #tpu.memory_space<vmem>>
    %dma_wait3A_74 = tpu.memref_slice %arg5[%dma_wait3A_68, %mul3A_2] : memref<3x320000xi32, #tpu.memory_space<hbm>> -> memref<1x80xi32, #tpu.memory_space<hbm>>
    %dma_wait3A_75 = tpu.memref_squeeze %dma_wait3A_74 : memref<1x80xi32, #tpu.memory_space<hbm>> -> memref<80xi32, #tpu.memory_space<hbm>>
    %dma_wait3A_76 = arith.constant 0 : i32
    %dma_wait3A_77 = tpu.memref_slice %arg7[%dma_wait3A_69, %dma_wait3A_70, %dma_wait3A_76] : memref<2x3x80xi32, #tpu.memory_space<vmem>> -> memref<1x1x80xi32, #tpu.memory_space<vmem>>
    %dma_wait3A_78 = tpu.memref_squeeze %dma_wait3A_77 : memref<1x1x80xi32, #tpu.memory_space<vmem>> -> memref<80xi32, #tpu.memory_space<vmem>>
    %dma_wait3A_79 = tpu.memref_slice %arg5[%dma_wait3A_68, %mul3A_2] : memref<3x320000xi32, #tpu.memory_space<hbm>> -> memref<1x80xi32, #tpu.memory_space<hbm>>
    %dma_wait3A_80 = tpu.memref_squeeze %dma_wait3A_79 : memref<1x80xi32, #tpu.memory_space<hbm>> -> memref<80xi32, #tpu.memory_space<hbm>>
    tpu.wait_dma2 semaphore(%arg10 : memref<!tpu.dma_semaphore, #tpu.memory_space<semaphore_mem>>) src(%dma_wait3A_80 : memref<80xi32, #tpu.memory_space<hbm>>) dst(%dma_wait3A_78 : memref<80xi32, #tpu.memory_space<vmem>>)
    %dma_start3A_81 = arith.constant 0 : i32
    %dma_start3A_82 = arith.constant 0 : i32
    %dma_start3A_83 = arith.constant 0 : i32
    %dma_start3A_84 = arith.constant 0 : i32
    %dma_start3A_85 = arith.constant 0 : i32
    %dma_start3A_86 = arith.constant 0 : i32
    %dma_start3A_87 = tpu.memref_slice %arg8[%dma_start3A_83, %dma_start3A_84, %dma_start3A_85, %dma_start3A_86] : memref<2x3x80x32xf32, #tpu.memory_space<vmem>> -> memref<1x1x80x32xf32, #tpu.memory_space<vmem>>
    %dma_start3A_88 = tpu.memref_squeeze %dma_start3A_87 : memref<1x1x80x32xf32, #tpu.memory_space<vmem>> -> memref<80x32xf32, #tpu.memory_space<vmem>>
    %dma_start3A_89 = arith.constant 0 : i32
    %dma_start3A_90 = tpu.memref_slice %arg7[%dma_start3A_81, %dma_start3A_82, %dma_start3A_89] : memref<2x3x80xi32, #tpu.memory_space<vmem>> -> memref<1x1x80xi32, #tpu.memory_space<vmem>>
    %dma_start3A_91 = tpu.memref_squeeze %dma_start3A_90 : memref<1x1x80xi32, #tpu.memory_space<vmem>> -> memref<80xi32, #tpu.memory_space<vmem>>
    %dma_start3A_92 = arith.constant 0 : i32
    %dma_start3A_93 = arith.constant 0 : i32
    %dma_start3A_94 = tpu.memref_slice %arg2[%dma_start3A_92, %dma_start3A_93] : memref<10000x32xf32, #tpu.memory_space<hbm>> -> memref<10000x32xf32, #tpu.memory_space<hbm>>
    tpu.enqueue_indirect_dma source(%dma_start3A_94 : memref<10000x32xf32, #tpu.memory_space<hbm>>) target(%dma_start3A_88 : memref<80x32xf32, #tpu.memory_space<vmem>>) offsets(%dma_start3A_91 : memref<80xi32, #tpu.memory_space<vmem>>) semaphore(%arg11 : memref<!tpu.dma_semaphore, #tpu.memory_space<semaphore_mem>>)
    %dma_start3A_95 = arith.constant 0 : i32
    %dma_start3A_96 = arith.constant 1 : i32
    %dma_start3A_97 = arith.constant 0 : i32
    %dma_start3A_98 = arith.constant 1 : i32
    %dma_start3A_99 = arith.constant 0 : i32
    %dma_start3A_100 = arith.constant 0 : i32
    %dma_start3A_101 = tpu.memref_slice %arg8[%dma_start3A_97, %dma_start3A_98, %dma_start3A_99, %dma_start3A_100] : memref<2x3x80x32xf32, #tpu.memory_space<vmem>> -> memref<1x1x80x32xf32, #tpu.memory_space<vmem>>
    %dma_start3A_102 = tpu.memref_squeeze %dma_start3A_101 : memref<1x1x80x32xf32, #tpu.memory_space<vmem>> -> memref<80x32xf32, #tpu.memory_space<vmem>>
    %dma_start3A_103 = arith.constant 0 : i32
    %dma_start3A_104 = tpu.memref_slice %arg7[%dma_start3A_95, %dma_start3A_96, %dma_start3A_103] : memref<2x3x80xi32, #tpu.memory_space<vmem>> -> memref<1x1x80xi32, #tpu.memory_space<vmem>>
    %dma_start3A_105 = tpu.memref_squeeze %dma_start3A_104 : memref<1x1x80xi32, #tpu.memory_space<vmem>> -> memref<80xi32, #tpu.memory_space<vmem>>
    %dma_start3A_106 = arith.constant 0 : i32
    %dma_start3A_107 = arith.constant 0 : i32
    %dma_start3A_108 = tpu.memref_slice %arg3[%dma_start3A_106, %dma_start3A_107] : memref<10000x32xf32, #tpu.memory_space<hbm>> -> memref<10000x32xf32, #tpu.memory_space<hbm>>
    tpu.enqueue_indirect_dma source(%dma_start3A_108 : memref<10000x32xf32, #tpu.memory_space<hbm>>) target(%dma_start3A_102 : memref<80x32xf32, #tpu.memory_space<vmem>>) offsets(%dma_start3A_105 : memref<80xi32, #tpu.memory_space<vmem>>) semaphore(%arg11 : memref<!tpu.dma_semaphore, #tpu.memory_space<semaphore_mem>>)
    %dma_start3A_109 = arith.constant 0 : i32
    %dma_start3A_110 = arith.constant 2 : i32
    %dma_start3A_111 = arith.constant 0 : i32
    %dma_start3A_112 = arith.constant 2 : i32
    %dma_start3A_113 = arith.constant 0 : i32
    %dma_start3A_114 = arith.constant 0 : i32
    %dma_start3A_115 = tpu.memref_slice %arg8[%dma_start3A_111, %dma_start3A_112, %dma_start3A_113, %dma_start3A_114] : memref<2x3x80x32xf32, #tpu.memory_space<vmem>> -> memref<1x1x80x32xf32, #tpu.memory_space<vmem>>
    %dma_start3A_116 = tpu.memref_squeeze %dma_start3A_115 : memref<1x1x80x32xf32, #tpu.memory_space<vmem>> -> memref<80x32xf32, #tpu.memory_space<vmem>>
    %dma_start3A_117 = arith.constant 0 : i32
    %dma_start3A_118 = tpu.memref_slice %arg7[%dma_start3A_109, %dma_start3A_110, %dma_start3A_117] : memref<2x3x80xi32, #tpu.memory_space<vmem>> -> memref<1x1x80xi32, #tpu.memory_space<vmem>>
    %dma_start3A_119 = tpu.memref_squeeze %dma_start3A_118 : memref<1x1x80xi32, #tpu.memory_space<vmem>> -> memref<80xi32, #tpu.memory_space<vmem>>
    %dma_start3A_120 = arith.constant 0 : i32
    %dma_start3A_121 = arith.constant 0 : i32
    %dma_start3A_122 = tpu.memref_slice %arg4[%dma_start3A_120, %dma_start3A_121] : memref<10000x32xf32, #tpu.memory_space<hbm>> -> memref<10000x32xf32, #tpu.memory_space<hbm>>
    tpu.enqueue_indirect_dma source(%dma_start3A_122 : memref<10000x32xf32, #tpu.memory_space<hbm>>) target(%dma_start3A_116 : memref<80x32xf32, #tpu.memory_space<vmem>>) offsets(%dma_start3A_119 : memref<80xi32, #tpu.memory_space<vmem>>) semaphore(%arg11 : memref<!tpu.dma_semaphore, #tpu.memory_space<semaphore_mem>>)
    %add3A_123 = arith.constant 80 : i32
    %add3A_124 = arith.addi %mul3A_2, %add3A_123 : i32
    %dma_start3A_125 = arith.constant 0 : i32
    %dma_start3A_126 = arith.constant 1 : i32
    %dma_start3A_127 = arith.constant 0 : i32
    %dma_start3A_128 = arith.constant 0 : i32
    %dma_start3A_129 = tpu.memref_slice %arg7[%dma_start3A_126, %dma_start3A_127, %dma_start3A_128] : memref<2x3x80xi32, #tpu.memory_space<vmem>> -> memref<1x1x80xi32, #tpu.memory_space<vmem>>
    %dma_start3A_130 = tpu.memref_squeeze %dma_start3A_129 : memref<1x1x80xi32, #tpu.memory_space<vmem>> -> memref<80xi32, #tpu.memory_space<vmem>>
    %dma_start3A_131 = tpu.memref_slice %arg5[%dma_start3A_125, %add3A_124] : memref<3x320000xi32, #tpu.memory_space<hbm>> -> memref<1x80xi32, #tpu.memory_space<hbm>>
    %dma_start3A_132 = tpu.memref_squeeze %dma_start3A_131 : memref<1x80xi32, #tpu.memory_space<hbm>> -> memref<80xi32, #tpu.memory_space<hbm>>
    %dma_start3A_133 = arith.constant 0 : i32
    %dma_start3A_134 = tpu.memref_slice %arg7[%dma_start3A_126, %dma_start3A_127, %dma_start3A_133] : memref<2x3x80xi32, #tpu.memory_space<vmem>> -> memref<1x1x80xi32, #tpu.memory_space<vmem>>
    %dma_start3A_135 = tpu.memref_squeeze %dma_start3A_134 : memref<1x1x80xi32, #tpu.memory_space<vmem>> -> memref<80xi32, #tpu.memory_space<vmem>>
    %dma_start3A_136 = tpu.memref_slice %arg5[%dma_start3A_125, %add3A_124] : memref<3x320000xi32, #tpu.memory_space<hbm>> -> memref<1x80xi32, #tpu.memory_space<hbm>>
    %dma_start3A_137 = tpu.memref_squeeze %dma_start3A_136 : memref<1x80xi32, #tpu.memory_space<hbm>> -> memref<80xi32, #tpu.memory_space<hbm>>
    tpu.enqueue_dma source(%dma_start3A_137 : memref<80xi32, #tpu.memory_space<hbm>>) target(%dma_start3A_135 : memref<80xi32, #tpu.memory_space<vmem>>) target_semaphore(%arg10 : memref<!tpu.dma_semaphore, #tpu.memory_space<semaphore_mem>>)
    %dma_start3A_138 = arith.constant 1 : i32
    %dma_start3A_139 = arith.constant 1 : i32
    %dma_start3A_140 = arith.constant 1 : i32
    %dma_start3A_141 = arith.constant 0 : i32
    %dma_start3A_142 = tpu.memref_slice %arg7[%dma_start3A_139, %dma_start3A_140, %dma_start3A_141] : memref<2x3x80xi32, #tpu.memory_space<vmem>> -> memref<1x1x80xi32, #tpu.memory_space<vmem>>
    %dma_start3A_143 = tpu.memref_squeeze %dma_start3A_142 : memref<1x1x80xi32, #tpu.memory_space<vmem>> -> memref<80xi32, #tpu.memory_space<vmem>>
    %dma_start3A_144 = tpu.memref_slice %arg5[%dma_start3A_138, %add3A_124] : memref<3x320000xi32, #tpu.memory_space<hbm>> -> memref<1x80xi32, #tpu.memory_space<hbm>>
    %dma_start3A_145 = tpu.memref_squeeze %dma_start3A_144 : memref<1x80xi32, #tpu.memory_space<hbm>> -> memref<80xi32, #tpu.memory_space<hbm>>
    %dma_start3A_146 = arith.constant 0 : i32
    %dma_start3A_147 = tpu.memref_slice %arg7[%dma_start3A_139, %dma_start3A_140, %dma_start3A_146] : memref<2x3x80xi32, #tpu.memory_space<vmem>> -> memref<1x1x80xi32, #tpu.memory_space<vmem>>
    %dma_start3A_148 = tpu.memref_squeeze %dma_start3A_147 : memref<1x1x80xi32, #tpu.memory_space<vmem>> -> memref<80xi32, #tpu.memory_space<vmem>>
    %dma_start3A_149 = tpu.memref_slice %arg5[%dma_start3A_138, %add3A_124] : memref<3x320000xi32, #tpu.memory_space<hbm>> -> memref<1x80xi32, #tpu.memory_space<hbm>>
    %dma_start3A_150 = tpu.memref_squeeze %dma_start3A_149 : memref<1x80xi32, #tpu.memory_space<hbm>> -> memref<80xi32, #tpu.memory_space<hbm>>
    tpu.enqueue_dma source(%dma_start3A_150 : memref<80xi32, #tpu.memory_space<hbm>>) target(%dma_start3A_148 : memref<80xi32, #tpu.memory_space<vmem>>) target_semaphore(%arg10 : memref<!tpu.dma_semaphore, #tpu.memory_space<semaphore_mem>>)
    %dma_start3A_151 = arith.constant 2 : i32
    %dma_start3A_152 = arith.constant 1 : i32
    %dma_start3A_153 = arith.constant 2 : i32
    %dma_start3A_154 = arith.constant 0 : i32
    %dma_start3A_155 = tpu.memref_slice %arg7[%dma_start3A_152, %dma_start3A_153, %dma_start3A_154] : memref<2x3x80xi32, #tpu.memory_space<vmem>> -> memref<1x1x80xi32, #tpu.memory_space<vmem>>
    %dma_start3A_156 = tpu.memref_squeeze %dma_start3A_155 : memref<1x1x80xi32, #tpu.memory_space<vmem>> -> memref<80xi32, #tpu.memory_space<vmem>>
    %dma_start3A_157 = tpu.memref_slice %arg5[%dma_start3A_151, %add3A_124] : memref<3x320000xi32, #tpu.memory_space<hbm>> -> memref<1x80xi32, #tpu.memory_space<hbm>>
    %dma_start3A_158 = tpu.memref_squeeze %dma_start3A_157 : memref<1x80xi32, #tpu.memory_space<hbm>> -> memref<80xi32, #tpu.memory_space<hbm>>
    %dma_start3A_159 = arith.constant 0 : i32
    %dma_start3A_160 = tpu.memref_slice %arg7[%dma_start3A_152, %dma_start3A_153, %dma_start3A_159] : memref<2x3x80xi32, #tpu.memory_space<vmem>> -> memref<1x1x80xi32, #tpu.memory_space<vmem>>
    %dma_start3A_161 = tpu.memref_squeeze %dma_start3A_160 : memref<1x1x80xi32, #tpu.memory_space<vmem>> -> memref<80xi32, #tpu.memory_space<vmem>>
    %dma_start3A_162 = tpu.memref_slice %arg5[%dma_start3A_151, %add3A_124] : memref<3x320000xi32, #tpu.memory_space<hbm>> -> memref<1x80xi32, #tpu.memory_space<hbm>>
    %dma_start3A_163 = tpu.memref_squeeze %dma_start3A_162 : memref<1x80xi32, #tpu.memory_space<hbm>> -> memref<80xi32, #tpu.memory_space<hbm>>
    tpu.enqueue_dma source(%dma_start3A_163 : memref<80xi32, #tpu.memory_space<hbm>>) target(%dma_start3A_161 : memref<80xi32, #tpu.memory_space<vmem>>) target_semaphore(%arg10 : memref<!tpu.dma_semaphore, #tpu.memory_space<semaphore_mem>>)
    %scan3A = arith.constant 0 : i32
    %scan3A_164 = arith.constant 0 : i32
    %scan3A_165 = arith.constant 124 : i32
    %scan3A_166 = arith.addi %scan3A_164, %scan3A_165 : i32
    %scan3A_167 = arith.constant 1 : i32
    scf.for %scan3A_254 = %scan3A_164 to %scan3A_166 step %scan3A_167  : i32 {
      %rem3A = arith.constant 2 : i32
      %rem3A_255 = arith.remsi %scan3A_254, %rem3A : i32
      %sub3A = arith.constant 1 : i32
      %sub3A_256 = arith.subi %sub3A, %rem3A_255 : i32
      %dma_wait3A_257 = arith.constant 0 : i32
      %dma_wait3A_258 = arith.constant 0 : i32
      %dma_wait3A_259 = arith.constant 0 : i32
      %dma_wait3A_260 = tpu.memref_slice %arg7[%sub3A_256, %dma_wait3A_258, %dma_wait3A_259] : memref<2x3x80xi32, #tpu.memory_space<vmem>> -> memref<1x1x80xi32, #tpu.memory_space<vmem>>
      %dma_wait3A_261 = tpu.memref_squeeze %dma_wait3A_260 : memref<1x1x80xi32, #tpu.memory_space<vmem>> -> memref<80xi32, #tpu.memory_space<vmem>>
      %dma_wait3A_262 = tpu.memref_slice %arg5[%dma_wait3A_257, %mul3A_2] : memref<3x320000xi32, #tpu.memory_space<hbm>> -> memref<1x80xi32, #tpu.memory_space<hbm>>
      %dma_wait3A_263 = tpu.memref_squeeze %dma_wait3A_262 : memref<1x80xi32, #tpu.memory_space<hbm>> -> memref<80xi32, #tpu.memory_space<hbm>>
      %dma_wait3A_264 = arith.constant 0 : i32
      %dma_wait3A_265 = tpu.memref_slice %arg7[%sub3A_256, %dma_wait3A_258, %dma_wait3A_264] : memref<2x3x80xi32, #tpu.memory_space<vmem>> -> memref<1x1x80xi32, #tpu.memory_space<vmem>>
      %dma_wait3A_266 = tpu.memref_squeeze %dma_wait3A_265 : memref<1x1x80xi32, #tpu.memory_space<vmem>> -> memref<80xi32, #tpu.memory_space<vmem>>
      %dma_wait3A_267 = tpu.memref_slice %arg5[%dma_wait3A_257, %mul3A_2] : memref<3x320000xi32, #tpu.memory_space<hbm>> -> memref<1x80xi32, #tpu.memory_space<hbm>>
      %dma_wait3A_268 = tpu.memref_squeeze %dma_wait3A_267 : memref<1x80xi32, #tpu.memory_space<hbm>> -> memref<80xi32, #tpu.memory_space<hbm>>
      tpu.wait_dma2 semaphore(%arg10 : memref<!tpu.dma_semaphore, #tpu.memory_space<semaphore_mem>>) src(%dma_wait3A_268 : memref<80xi32, #tpu.memory_space<hbm>>) dst(%dma_wait3A_266 : memref<80xi32, #tpu.memory_space<vmem>>)
      %dma_wait3A_269 = arith.constant 1 : i32
      %dma_wait3A_270 = arith.constant 1 : i32
      %dma_wait3A_271 = arith.constant 0 : i32
      %dma_wait3A_272 = tpu.memref_slice %arg7[%sub3A_256, %dma_wait3A_270, %dma_wait3A_271] : memref<2x3x80xi32, #tpu.memory_space<vmem>> -> memref<1x1x80xi32, #tpu.memory_space<vmem>>
      %dma_wait3A_273 = tpu.memref_squeeze %dma_wait3A_272 : memref<1x1x80xi32, #tpu.memory_space<vmem>> -> memref<80xi32, #tpu.memory_space<vmem>>
      %dma_wait3A_274 = tpu.memref_slice %arg5[%dma_wait3A_269, %mul3A_2] : memref<3x320000xi32, #tpu.memory_space<hbm>> -> memref<1x80xi32, #tpu.memory_space<hbm>>
      %dma_wait3A_275 = tpu.memref_squeeze %dma_wait3A_274 : memref<1x80xi32, #tpu.memory_space<hbm>> -> memref<80xi32, #tpu.memory_space<hbm>>
      %dma_wait3A_276 = arith.constant 0 : i32
      %dma_wait3A_277 = tpu.memref_slice %arg7[%sub3A_256, %dma_wait3A_270, %dma_wait3A_276] : memref<2x3x80xi32, #tpu.memory_space<vmem>> -> memref<1x1x80xi32, #tpu.memory_space<vmem>>
      %dma_wait3A_278 = tpu.memref_squeeze %dma_wait3A_277 : memref<1x1x80xi32, #tpu.memory_space<vmem>> -> memref<80xi32, #tpu.memory_space<vmem>>
      %dma_wait3A_279 = tpu.memref_slice %arg5[%dma_wait3A_269, %mul3A_2] : memref<3x320000xi32, #tpu.memory_space<hbm>> -> memref<1x80xi32, #tpu.memory_space<hbm>>
      %dma_wait3A_280 = tpu.memref_squeeze %dma_wait3A_279 : memref<1x80xi32, #tpu.memory_space<hbm>> -> memref<80xi32, #tpu.memory_space<hbm>>
      tpu.wait_dma2 semaphore(%arg10 : memref<!tpu.dma_semaphore, #tpu.memory_space<semaphore_mem>>) src(%dma_wait3A_280 : memref<80xi32, #tpu.memory_space<hbm>>) dst(%dma_wait3A_278 : memref<80xi32, #tpu.memory_space<vmem>>)
      %dma_wait3A_281 = arith.constant 2 : i32
      %dma_wait3A_282 = arith.constant 2 : i32
      %dma_wait3A_283 = arith.constant 0 : i32
      %dma_wait3A_284 = tpu.memref_slice %arg7[%sub3A_256, %dma_wait3A_282, %dma_wait3A_283] : memref<2x3x80xi32, #tpu.memory_space<vmem>> -> memref<1x1x80xi32, #tpu.memory_space<vmem>>
      %dma_wait3A_285 = tpu.memref_squeeze %dma_wait3A_284 : memref<1x1x80xi32, #tpu.memory_space<vmem>> -> memref<80xi32, #tpu.memory_space<vmem>>
      %dma_wait3A_286 = tpu.memref_slice %arg5[%dma_wait3A_281, %mul3A_2] : memref<3x320000xi32, #tpu.memory_space<hbm>> -> memref<1x80xi32, #tpu.memory_space<hbm>>
      %dma_wait3A_287 = tpu.memref_squeeze %dma_wait3A_286 : memref<1x80xi32, #tpu.memory_space<hbm>> -> memref<80xi32, #tpu.memory_space<hbm>>
      %dma_wait3A_288 = arith.constant 0 : i32
      %dma_wait3A_289 = tpu.memref_slice %arg7[%sub3A_256, %dma_wait3A_282, %dma_wait3A_288] : memref<2x3x80xi32, #tpu.memory_space<vmem>> -> memref<1x1x80xi32, #tpu.memory_space<vmem>>
      %dma_wait3A_290 = tpu.memref_squeeze %dma_wait3A_289 : memref<1x1x80xi32, #tpu.memory_space<vmem>> -> memref<80xi32, #tpu.memory_space<vmem>>
      %dma_wait3A_291 = tpu.memref_slice %arg5[%dma_wait3A_281, %mul3A_2] : memref<3x320000xi32, #tpu.memory_space<hbm>> -> memref<1x80xi32, #tpu.memory_space<hbm>>
      %dma_wait3A_292 = tpu.memref_squeeze %dma_wait3A_291 : memref<1x80xi32, #tpu.memory_space<hbm>> -> memref<80xi32, #tpu.memory_space<hbm>>
      tpu.wait_dma2 semaphore(%arg10 : memref<!tpu.dma_semaphore, #tpu.memory_space<semaphore_mem>>) src(%dma_wait3A_292 : memref<80xi32, #tpu.memory_space<hbm>>) dst(%dma_wait3A_290 : memref<80xi32, #tpu.memory_space<vmem>>)
      %dma_start3A_293 = arith.constant 0 : i32
      %dma_start3A_294 = arith.constant 0 : i32
      %dma_start3A_295 = arith.constant 0 : i32
      %dma_start3A_296 = arith.constant 0 : i32
      %dma_start3A_297 = tpu.memref_slice %arg8[%sub3A_256, %dma_start3A_294, %dma_start3A_295, %dma_start3A_296] : memref<2x3x80x32xf32, #tpu.memory_space<vmem>> -> memref<1x1x80x32xf32, #tpu.memory_space<vmem>>
      %dma_start3A_298 = tpu.memref_squeeze %dma_start3A_297 : memref<1x1x80x32xf32, #tpu.memory_space<vmem>> -> memref<80x32xf32, #tpu.memory_space<vmem>>
      %dma_start3A_299 = arith.constant 0 : i32
      %dma_start3A_300 = tpu.memref_slice %arg7[%sub3A_256, %dma_start3A_293, %dma_start3A_299] : memref<2x3x80xi32, #tpu.memory_space<vmem>> -> memref<1x1x80xi32, #tpu.memory_space<vmem>>
      %dma_start3A_301 = tpu.memref_squeeze %dma_start3A_300 : memref<1x1x80xi32, #tpu.memory_space<vmem>> -> memref<80xi32, #tpu.memory_space<vmem>>
      %dma_start3A_302 = arith.constant 0 : i32
      %dma_start3A_303 = arith.constant 0 : i32
      %dma_start3A_304 = tpu.memref_slice %arg2[%dma_start3A_302, %dma_start3A_303] : memref<10000x32xf32, #tpu.memory_space<hbm>> -> memref<10000x32xf32, #tpu.memory_space<hbm>>
      tpu.enqueue_indirect_dma source(%dma_start3A_304 : memref<10000x32xf32, #tpu.memory_space<hbm>>) target(%dma_start3A_298 : memref<80x32xf32, #tpu.memory_space<vmem>>) offsets(%dma_start3A_301 : memref<80xi32, #tpu.memory_space<vmem>>) semaphore(%arg11 : memref<!tpu.dma_semaphore, #tpu.memory_space<semaphore_mem>>)
      %dma_start3A_305 = arith.constant 1 : i32
      %dma_start3A_306 = arith.constant 1 : i32
      %dma_start3A_307 = arith.constant 0 : i32
      %dma_start3A_308 = arith.constant 0 : i32
      %dma_start3A_309 = tpu.memref_slice %arg8[%sub3A_256, %dma_start3A_306, %dma_start3A_307, %dma_start3A_308] : memref<2x3x80x32xf32, #tpu.memory_space<vmem>> -> memref<1x1x80x32xf32, #tpu.memory_space<vmem>>
      %dma_start3A_310 = tpu.memref_squeeze %dma_start3A_309 : memref<1x1x80x32xf32, #tpu.memory_space<vmem>> -> memref<80x32xf32, #tpu.memory_space<vmem>>
      %dma_start3A_311 = arith.constant 0 : i32
      %dma_start3A_312 = tpu.memref_slice %arg7[%sub3A_256, %dma_start3A_305, %dma_start3A_311] : memref<2x3x80xi32, #tpu.memory_space<vmem>> -> memref<1x1x80xi32, #tpu.memory_space<vmem>>
      %dma_start3A_313 = tpu.memref_squeeze %dma_start3A_312 : memref<1x1x80xi32, #tpu.memory_space<vmem>> -> memref<80xi32, #tpu.memory_space<vmem>>
      %dma_start3A_314 = arith.constant 0 : i32
      %dma_start3A_315 = arith.constant 0 : i32
      %dma_start3A_316 = tpu.memref_slice %arg3[%dma_start3A_314, %dma_start3A_315] : memref<10000x32xf32, #tpu.memory_space<hbm>> -> memref<10000x32xf32, #tpu.memory_space<hbm>>
      tpu.enqueue_indirect_dma source(%dma_start3A_316 : memref<10000x32xf32, #tpu.memory_space<hbm>>) target(%dma_start3A_310 : memref<80x32xf32, #tpu.memory_space<vmem>>) offsets(%dma_start3A_313 : memref<80xi32, #tpu.memory_space<vmem>>) semaphore(%arg11 : memref<!tpu.dma_semaphore, #tpu.memory_space<semaphore_mem>>)
      %dma_start3A_317 = arith.constant 2 : i32
      %dma_start3A_318 = arith.constant 2 : i32
      %dma_start3A_319 = arith.constant 0 : i32
      %dma_start3A_320 = arith.constant 0 : i32
      %dma_start3A_321 = tpu.memref_slice %arg8[%sub3A_256, %dma_start3A_318, %dma_start3A_319, %dma_start3A_320] : memref<2x3x80x32xf32, #tpu.memory_space<vmem>> -> memref<1x1x80x32xf32, #tpu.memory_space<vmem>>
      %dma_start3A_322 = tpu.memref_squeeze %dma_start3A_321 : memref<1x1x80x32xf32, #tpu.memory_space<vmem>> -> memref<80x32xf32, #tpu.memory_space<vmem>>
      %dma_start3A_323 = arith.constant 0 : i32
      %dma_start3A_324 = tpu.memref_slice %arg7[%sub3A_256, %dma_start3A_317, %dma_start3A_323] : memref<2x3x80xi32, #tpu.memory_space<vmem>> -> memref<1x1x80xi32, #tpu.memory_space<vmem>>
      %dma_start3A_325 = tpu.memref_squeeze %dma_start3A_324 : memref<1x1x80xi32, #tpu.memory_space<vmem>> -> memref<80xi32, #tpu.memory_space<vmem>>
      %dma_start3A_326 = arith.constant 0 : i32
      %dma_start3A_327 = arith.constant 0 : i32
      %dma_start3A_328 = tpu.memref_slice %arg4[%dma_start3A_326, %dma_start3A_327] : memref<10000x32xf32, #tpu.memory_space<hbm>> -> memref<10000x32xf32, #tpu.memory_space<hbm>>
      tpu.enqueue_indirect_dma source(%dma_start3A_328 : memref<10000x32xf32, #tpu.memory_space<hbm>>) target(%dma_start3A_322 : memref<80x32xf32, #tpu.memory_space<vmem>>) offsets(%dma_start3A_325 : memref<80xi32, #tpu.memory_space<vmem>>) semaphore(%arg11 : memref<!tpu.dma_semaphore, #tpu.memory_space<semaphore_mem>>)
      %dma_wait3A_329 = arith.constant 0 : i32
      %dma_wait3A_330 = arith.constant 0 : i32
      %dma_wait3A_331 = arith.constant 0 : i32
      %dma_wait3A_332 = arith.constant 0 : i32
      %dma_wait3A_333 = tpu.memref_slice %arg8[%rem3A_255, %dma_wait3A_330, %dma_wait3A_331, %dma_wait3A_332] : memref<2x3x80x32xf32, #tpu.memory_space<vmem>> -> memref<1x1x80x32xf32, #tpu.memory_space<vmem>>
      %dma_wait3A_334 = tpu.memref_squeeze %dma_wait3A_333 : memref<1x1x80x32xf32, #tpu.memory_space<vmem>> -> memref<80x32xf32, #tpu.memory_space<vmem>>
      %dma_wait3A_335 = arith.constant 0 : i32
      %dma_wait3A_336 = tpu.memref_slice %arg7[%rem3A_255, %dma_wait3A_329, %dma_wait3A_335] : memref<2x3x80xi32, #tpu.memory_space<vmem>> -> memref<1x1x80xi32, #tpu.memory_space<vmem>>
      %dma_wait3A_337 = tpu.memref_squeeze %dma_wait3A_336 : memref<1x1x80xi32, #tpu.memory_space<vmem>> -> memref<80xi32, #tpu.memory_space<vmem>>
      %dma_wait3A_338 = arith.constant 0 : i32
      %dma_wait3A_339 = arith.constant 0 : i32
      %dma_wait3A_340 = tpu.memref_slice %arg2[%dma_wait3A_338, %dma_wait3A_339] : memref<10000x32xf32, #tpu.memory_space<hbm>> -> memref<10000x32xf32, #tpu.memory_space<hbm>>
      tpu.wait_indirect_dma semaphore(%arg11 : memref<!tpu.dma_semaphore, #tpu.memory_space<semaphore_mem>>) src(%dma_wait3A_340 : memref<10000x32xf32, #tpu.memory_space<hbm>>) dst(%dma_wait3A_334 : memref<80x32xf32, #tpu.memory_space<vmem>>)
      %dma_wait3A_341 = arith.constant 1 : i32
      %dma_wait3A_342 = arith.constant 1 : i32
      %dma_wait3A_343 = arith.constant 0 : i32
      %dma_wait3A_344 = arith.constant 0 : i32
      %dma_wait3A_345 = tpu.memref_slice %arg8[%rem3A_255, %dma_wait3A_342, %dma_wait3A_343, %dma_wait3A_344] : memref<2x3x80x32xf32, #tpu.memory_space<vmem>> -> memref<1x1x80x32xf32, #tpu.memory_space<vmem>>
      %dma_wait3A_346 = tpu.memref_squeeze %dma_wait3A_345 : memref<1x1x80x32xf32, #tpu.memory_space<vmem>> -> memref<80x32xf32, #tpu.memory_space<vmem>>
      %dma_wait3A_347 = arith.constant 0 : i32
      %dma_wait3A_348 = tpu.memref_slice %arg7[%rem3A_255, %dma_wait3A_341, %dma_wait3A_347] : memref<2x3x80xi32, #tpu.memory_space<vmem>> -> memref<1x1x80xi32, #tpu.memory_space<vmem>>
      %dma_wait3A_349 = tpu.memref_squeeze %dma_wait3A_348 : memref<1x1x80xi32, #tpu.memory_space<vmem>> -> memref<80xi32, #tpu.memory_space<vmem>>
      %dma_wait3A_350 = arith.constant 0 : i32
      %dma_wait3A_351 = arith.constant 0 : i32
      %dma_wait3A_352 = tpu.memref_slice %arg3[%dma_wait3A_350, %dma_wait3A_351] : memref<10000x32xf32, #tpu.memory_space<hbm>> -> memref<10000x32xf32, #tpu.memory_space<hbm>>
      tpu.wait_indirect_dma semaphore(%arg11 : memref<!tpu.dma_semaphore, #tpu.memory_space<semaphore_mem>>) src(%dma_wait3A_352 : memref<10000x32xf32, #tpu.memory_space<hbm>>) dst(%dma_wait3A_346 : memref<80x32xf32, #tpu.memory_space<vmem>>)
      %dma_wait3A_353 = arith.constant 2 : i32
      %dma_wait3A_354 = arith.constant 2 : i32
      %dma_wait3A_355 = arith.constant 0 : i32
      %dma_wait3A_356 = arith.constant 0 : i32
      %dma_wait3A_357 = tpu.memref_slice %arg8[%rem3A_255, %dma_wait3A_354, %dma_wait3A_355, %dma_wait3A_356] : memref<2x3x80x32xf32, #tpu.memory_space<vmem>> -> memref<1x1x80x32xf32, #tpu.memory_space<vmem>>
      %dma_wait3A_358 = tpu.memref_squeeze %dma_wait3A_357 : memref<1x1x80x32xf32, #tpu.memory_space<vmem>> -> memref<80x32xf32, #tpu.memory_space<vmem>>
      %dma_wait3A_359 = arith.constant 0 : i32
      %dma_wait3A_360 = tpu.memref_slice %arg7[%rem3A_255, %dma_wait3A_353, %dma_wait3A_359] : memref<2x3x80xi32, #tpu.memory_space<vmem>> -> memref<1x1x80xi32, #tpu.memory_space<vmem>>
      %dma_wait3A_361 = tpu.memref_squeeze %dma_wait3A_360 : memref<1x1x80xi32, #tpu.memory_space<vmem>> -> memref<80xi32, #tpu.memory_space<vmem>>
      %dma_wait3A_362 = arith.constant 0 : i32
      %dma_wait3A_363 = arith.constant 0 : i32
      %dma_wait3A_364 = tpu.memref_slice %arg4[%dma_wait3A_362, %dma_wait3A_363] : memref<10000x32xf32, #tpu.memory_space<hbm>> -> memref<10000x32xf32, #tpu.memory_space<hbm>>
      tpu.wait_indirect_dma semaphore(%arg11 : memref<!tpu.dma_semaphore, #tpu.memory_space<semaphore_mem>>) src(%dma_wait3A_364 : memref<10000x32xf32, #tpu.memory_space<hbm>>) dst(%dma_wait3A_358 : memref<80x32xf32, #tpu.memory_space<vmem>>)
      %lt3A = arith.constant 123 : i32
      %lt3A_365 = arith.cmpi slt, %scan3A_254, %lt3A : i32
      %convert_element_type3A = arith.extui %lt3A_365 : i1 to i32
      %cond3A = arith.constant 0 : i32
      %cond3A_366 = arith.cmpi ne, %convert_element_type3A, %cond3A : i32
      scf.if %cond3A_366 {
        %add3A_389 = arith.constant 2 : i32
        %add3A_390 = arith.addi %scan3A_254, %add3A_389 : i32
        %mul3A_391 = arith.constant 80 : i32
        %mul3A_392 = arith.muli %add3A_390, %mul3A_391 : i32
        %add3A_393 = arith.addi %mul3A_2, %mul3A_392 : i32
        %dma_start3A_394 = arith.constant 0 : i32
        %dma_start3A_395 = arith.constant 0 : i32
        %dma_start3A_396 = arith.constant 0 : i32
        %dma_start3A_397 = tpu.memref_slice %arg7[%rem3A_255, %dma_start3A_395, %dma_start3A_396] : memref<2x3x80xi32, #tpu.memory_space<vmem>> -> memref<1x1x80xi32, #tpu.memory_space<vmem>>
        %dma_start3A_398 = tpu.memref_squeeze %dma_start3A_397 : memref<1x1x80xi32, #tpu.memory_space<vmem>> -> memref<80xi32, #tpu.memory_space<vmem>>
        %dma_start3A_399 = tpu.memref_slice %arg5[%dma_start3A_394, %add3A_393] : memref<3x320000xi32, #tpu.memory_space<hbm>> -> memref<1x80xi32, #tpu.memory_space<hbm>>
        %dma_start3A_400 = tpu.memref_squeeze %dma_start3A_399 : memref<1x80xi32, #tpu.memory_space<hbm>> -> memref<80xi32, #tpu.memory_space<hbm>>
        %dma_start3A_401 = arith.constant 0 : i32
        %dma_start3A_402 = tpu.memref_slice %arg7[%rem3A_255, %dma_start3A_395, %dma_start3A_401] : memref<2x3x80xi32, #tpu.memory_space<vmem>> -> memref<1x1x80xi32, #tpu.memory_space<vmem>>
        %dma_start3A_403 = tpu.memref_squeeze %dma_start3A_402 : memref<1x1x80xi32, #tpu.memory_space<vmem>> -> memref<80xi32, #tpu.memory_space<vmem>>
        %dma_start3A_404 = tpu.memref_slice %arg5[%dma_start3A_394, %add3A_393] : memref<3x320000xi32, #tpu.memory_space<hbm>> -> memref<1x80xi32, #tpu.memory_space<hbm>>
        %dma_start3A_405 = tpu.memref_squeeze %dma_start3A_404 : memref<1x80xi32, #tpu.memory_space<hbm>> -> memref<80xi32, #tpu.memory_space<hbm>>
        tpu.enqueue_dma source(%dma_start3A_405 : memref<80xi32, #tpu.memory_space<hbm>>) target(%dma_start3A_403 : memref<80xi32, #tpu.memory_space<vmem>>) target_semaphore(%arg10 : memref<!tpu.dma_semaphore, #tpu.memory_space<semaphore_mem>>)
        %dma_start3A_406 = arith.constant 1 : i32
        %dma_start3A_407 = arith.constant 1 : i32
        %dma_start3A_408 = arith.constant 0 : i32
        %dma_start3A_409 = tpu.memref_slice %arg7[%rem3A_255, %dma_start3A_407, %dma_start3A_408] : memref<2x3x80xi32, #tpu.memory_space<vmem>> -> memref<1x1x80xi32, #tpu.memory_space<vmem>>
        %dma_start3A_410 = tpu.memref_squeeze %dma_start3A_409 : memref<1x1x80xi32, #tpu.memory_space<vmem>> -> memref<80xi32, #tpu.memory_space<vmem>>
        %dma_start3A_411 = tpu.memref_slice %arg5[%dma_start3A_406, %add3A_393] : memref<3x320000xi32, #tpu.memory_space<hbm>> -> memref<1x80xi32, #tpu.memory_space<hbm>>
        %dma_start3A_412 = tpu.memref_squeeze %dma_start3A_411 : memref<1x80xi32, #tpu.memory_space<hbm>> -> memref<80xi32, #tpu.memory_space<hbm>>
        %dma_start3A_413 = arith.constant 0 : i32
        %dma_start3A_414 = tpu.memref_slice %arg7[%rem3A_255, %dma_start3A_407, %dma_start3A_413] : memref<2x3x80xi32, #tpu.memory_space<vmem>> -> memref<1x1x80xi32, #tpu.memory_space<vmem>>
        %dma_start3A_415 = tpu.memref_squeeze %dma_start3A_414 : memref<1x1x80xi32, #tpu.memory_space<vmem>> -> memref<80xi32, #tpu.memory_space<vmem>>
        %dma_start3A_416 = tpu.memref_slice %arg5[%dma_start3A_406, %add3A_393] : memref<3x320000xi32, #tpu.memory_space<hbm>> -> memref<1x80xi32, #tpu.memory_space<hbm>>
        %dma_start3A_417 = tpu.memref_squeeze %dma_start3A_416 : memref<1x80xi32, #tpu.memory_space<hbm>> -> memref<80xi32, #tpu.memory_space<hbm>>
        tpu.enqueue_dma source(%dma_start3A_417 : memref<80xi32, #tpu.memory_space<hbm>>) target(%dma_start3A_415 : memref<80xi32, #tpu.memory_space<vmem>>) target_semaphore(%arg10 : memref<!tpu.dma_semaphore, #tpu.memory_space<semaphore_mem>>)
        %dma_start3A_418 = arith.constant 2 : i32
        %dma_start3A_419 = arith.constant 2 : i32
        %dma_start3A_420 = arith.constant 0 : i32
        %dma_start3A_421 = tpu.memref_slice %arg7[%rem3A_255, %dma_start3A_419, %dma_start3A_420] : memref<2x3x80xi32, #tpu.memory_space<vmem>> -> memref<1x1x80xi32, #tpu.memory_space<vmem>>
        %dma_start3A_422 = tpu.memref_squeeze %dma_start3A_421 : memref<1x1x80xi32, #tpu.memory_space<vmem>> -> memref<80xi32, #tpu.memory_space<vmem>>
        %dma_start3A_423 = tpu.memref_slice %arg5[%dma_start3A_418, %add3A_393] : memref<3x320000xi32, #tpu.memory_space<hbm>> -> memref<1x80xi32, #tpu.memory_space<hbm>>
        %dma_start3A_424 = tpu.memref_squeeze %dma_start3A_423 : memref<1x80xi32, #tpu.memory_space<hbm>> -> memref<80xi32, #tpu.memory_space<hbm>>
        %dma_start3A_425 = arith.constant 0 : i32
        %dma_start3A_426 = tpu.memref_slice %arg7[%rem3A_255, %dma_start3A_419, %dma_start3A_425] : memref<2x3x80xi32, #tpu.memory_space<vmem>> -> memref<1x1x80xi32, #tpu.memory_space<vmem>>
        %dma_start3A_427 = tpu.memref_squeeze %dma_start3A_426 : memref<1x1x80xi32, #tpu.memory_space<vmem>> -> memref<80xi32, #tpu.memory_space<vmem>>
        %dma_start3A_428 = tpu.memref_slice %arg5[%dma_start3A_418, %add3A_393] : memref<3x320000xi32, #tpu.memory_space<hbm>> -> memref<1x80xi32, #tpu.memory_space<hbm>>
        %dma_start3A_429 = tpu.memref_squeeze %dma_start3A_428 : memref<1x80xi32, #tpu.memory_space<hbm>> -> memref<80xi32, #tpu.memory_space<hbm>>
        tpu.enqueue_dma source(%dma_start3A_429 : memref<80xi32, #tpu.memory_space<hbm>>) target(%dma_start3A_427 : memref<80xi32, #tpu.memory_space<vmem>>) target_semaphore(%arg10 : memref<!tpu.dma_semaphore, #tpu.memory_space<semaphore_mem>>)
      } else {
      }
      %parallel_loop3A_367 = arith.constant 0 : i32
      %parallel_loop3A_368 = arith.constant 10 : i32
      %parallel_loop3A_369 = arith.constant 1 : i32
      scf.for %parallel_loop3A_389 = %parallel_loop3A_367 to %parallel_loop3A_368 step %parallel_loop3A_369  : i32 {
        %parallel_loop3A_390 = arith.constant 2 : i32
        %parallel_loop3A_391 = arith.divsi %parallel_loop3A_389, %parallel_loop3A_390 : i32
        %parallel_loop3A_392 = arith.constant 0 : i32
        %parallel_loop3A_393 = arith.cmpi sgt, %parallel_loop3A_389, %parallel_loop3A_392 : i32
        %parallel_loop3A_394 = arith.extui %parallel_loop3A_393 : i1 to i32
        %parallel_loop3A_395 = arith.constant 0 : i32
        %parallel_loop3A_396 = arith.cmpi slt, %parallel_loop3A_389, %parallel_loop3A_395 : i32
        %parallel_loop3A_397 = arith.extui %parallel_loop3A_396 : i1 to i32
        %parallel_loop3A_398 = arith.subi %parallel_loop3A_394, %parallel_loop3A_397 : i32
        %parallel_loop3A_399 = arith.constant 0 : i32
        %parallel_loop3A_400 = arith.cmpi sgt, %parallel_loop3A_390, %parallel_loop3A_399 : i32
        %parallel_loop3A_401 = arith.extui %parallel_loop3A_400 : i1 to i32
        %parallel_loop3A_402 = arith.constant 0 : i32
        %parallel_loop3A_403 = arith.cmpi slt, %parallel_loop3A_390, %parallel_loop3A_402 : i32
        %parallel_loop3A_404 = arith.extui %parallel_loop3A_403 : i1 to i32
        %parallel_loop3A_405 = arith.subi %parallel_loop3A_401, %parallel_loop3A_404 : i32
        %parallel_loop3A_406 = arith.cmpi ne, %parallel_loop3A_398, %parallel_loop3A_405 : i32
        %parallel_loop3A_407 = arith.remsi %parallel_loop3A_389, %parallel_loop3A_390 : i32
        %parallel_loop3A_408 = arith.constant 0 : i32
        %parallel_loop3A_409 = arith.cmpi ne, %parallel_loop3A_407, %parallel_loop3A_408 : i32
        %parallel_loop3A_410 = arith.andi %parallel_loop3A_406, %parallel_loop3A_409 : i1
        %parallel_loop3A_411 = arith.constant 1 : i32
        %parallel_loop3A_412 = arith.subi %parallel_loop3A_391, %parallel_loop3A_411 : i32
        %parallel_loop3A_413 = arith.select %parallel_loop3A_410, %parallel_loop3A_412, %parallel_loop3A_391 : i32
        %parallel_loop3A_414 = arith.constant 2 : i32
        %parallel_loop3A_415 = arith.remsi %parallel_loop3A_389, %parallel_loop3A_414 : i32
        %parallel_loop3A_416 = arith.constant 16 : i32
        %parallel_loop3A_417 = arith.muli %parallel_loop3A_413, %parallel_loop3A_416 : i32
        %parallel_loop3A_418 = arith.constant 16 : i32
        %parallel_loop3A_419 = arith.muli %parallel_loop3A_415, %parallel_loop3A_418 : i32
        %parallel_loop3A_420 = arith.constant 0 : i32
        %parallel_loop3A_421 = arith.addi %parallel_loop3A_417, %parallel_loop3A_420 : i32
        %parallel_loop3A_422 = arith.constant 0 : i32
        %parallel_loop3A_423 = arith.index_cast %rem3A_255 : i32 to index
        %parallel_loop3A_424 = arith.index_cast %parallel_loop3A_422 : i32 to index
        %parallel_loop3A_425 = arith.index_cast %parallel_loop3A_421 : i32 to index
        %parallel_loop3A_426 = arith.index_cast %parallel_loop3A_419 : i32 to index
        %parallel_loop3A_427 = tpu.vector_load %arg8[%parallel_loop3A_423, %parallel_loop3A_424, %parallel_loop3A_425, %parallel_loop3A_426] {strides = array<i32>} : memref<2x3x80x32xf32, #tpu.memory_space<vmem>>, vector<1x1x1x16xf32>,
        %parallel_loop3A_428 = vector.shape_cast %parallel_loop3A_427 : vector<1x1x1x16xf32> to vector<16xf32>
        %parallel_loop3A_429 = arith.constant 1 : i32
        %parallel_loop3A_430 = arith.index_cast %rem3A_255 : i32 to index
        %parallel_loop3A_431 = arith.index_cast %parallel_loop3A_429 : i32 to index
        %parallel_loop3A_432 = arith.index_cast %parallel_loop3A_421 : i32 to index
        %parallel_loop3A_433 = arith.index_cast %parallel_loop3A_419 : i32 to index
        %parallel_loop3A_434 = tpu.vector_load %arg8[%parallel_loop3A_430, %parallel_loop3A_431, %parallel_loop3A_432, %parallel_loop3A_433] {strides = array<i32>} : memref<2x3x80x32xf32, #tpu.memory_space<vmem>>, vector<1x1x1x16xf32>,
        %parallel_loop3A_435 = vector.shape_cast %parallel_loop3A_434 : vector<1x1x1x16xf32> to vector<16xf32>
        %parallel_loop3A_436 = arith.addf %parallel_loop3A_428, %parallel_loop3A_435 : vector<16xf32>
        %parallel_loop3A_437 = arith.constant 2 : i32
        %parallel_loop3A_438 = arith.index_cast %rem3A_255 : i32 to index
        %parallel_loop3A_439 = arith.index_cast %parallel_loop3A_437 : i32 to index
        %parallel_loop3A_440 = arith.index_cast %parallel_loop3A_421 : i32 to index
        %parallel_loop3A_441 = arith.index_cast %parallel_loop3A_419 : i32 to index
        %parallel_loop3A_442 = tpu.vector_load %arg8[%parallel_loop3A_438, %parallel_loop3A_439, %parallel_loop3A_440, %parallel_loop3A_441] {strides = array<i32>} : memref<2x3x80x32xf32, #tpu.memory_space<vmem>>, vector<1x1x1x16xf32>,
        %parallel_loop3A_443 = vector.shape_cast %parallel_loop3A_442 : vector<1x1x1x16xf32> to vector<16xf32>
        %parallel_loop3A_444 = arith.addf %parallel_loop3A_436, %parallel_loop3A_443 : vector<16xf32>
        %parallel_loop3A_445 = arith.constant 2.000000e-01 : f32
        %parallel_loop3A_446 = vector.broadcast %parallel_loop3A_445 : f32 to vector<16xf32>
        %parallel_loop3A_447 = arith.mulf %parallel_loop3A_446, %parallel_loop3A_444 : vector<16xf32>
        %parallel_loop3A_448 = arith.maximumf %parallel_loop3A_444, %parallel_loop3A_447 : vector<16xf32>
        %parallel_loop3A_449 = arith.constant 1 : i32
        %parallel_loop3A_450 = arith.addi %parallel_loop3A_417, %parallel_loop3A_449 : i32
        %parallel_loop3A_451 = arith.constant 0 : i32
        %parallel_loop3A_452 = arith.index_cast %rem3A_255 : i32 to index
        %parallel_loop3A_453 = arith.index_cast %parallel_loop3A_451 : i32 to index
        %parallel_loop3A_454 = arith.index_cast %parallel_loop3A_450 : i32 to index
        %parallel_loop3A_455 = arith.index_cast %parallel_loop3A_419 : i32 to index
        %parallel_loop3A_456 = tpu.vector_load %arg8[%parallel_loop3A_452, %parallel_loop3A_453, %parallel_loop3A_454, %parallel_loop3A_455] {strides = array<i32>} : memref<2x3x80x32xf32, #tpu.memory_space<vmem>>, vector<1x1x1x16xf32>,
        %parallel_loop3A_457 = vector.shape_cast %parallel_loop3A_456 : vector<1x1x1x16xf32> to vector<16xf32>
        %parallel_loop3A_458 = arith.constant 1 : i32
        %parallel_loop3A_459 = arith.index_cast %rem3A_255 : i32 to index
        %parallel_loop3A_460 = arith.index_cast %parallel_loop3A_458 : i32 to index
        %parallel_loop3A_461 = arith.index_cast %parallel_loop3A_450 : i32 to index
        %parallel_loop3A_462 = arith.index_cast %parallel_loop3A_419 : i32 to index
        %parallel_loop3A_463 = tpu.vector_load %arg8[%parallel_loop3A_459, %parallel_loop3A_460, %parallel_loop3A_461, %parallel_loop3A_462] {strides = array<i32>} : memref<2x3x80x32xf32, #tpu.memory_space<vmem>>, vector<1x1x1x16xf32>,
        %parallel_loop3A_464 = vector.shape_cast %parallel_loop3A_463 : vector<1x1x1x16xf32> to vector<16xf32>
        %parallel_loop3A_465 = arith.addf %parallel_loop3A_457, %parallel_loop3A_464 : vector<16xf32>
        %parallel_loop3A_466 = arith.constant 2 : i32
        %parallel_loop3A_467 = arith.index_cast %rem3A_255 : i32 to index
        %parallel_loop3A_468 = arith.index_cast %parallel_loop3A_466 : i32 to index
        %parallel_loop3A_469 = arith.index_cast %parallel_loop3A_450 : i32 to index
        %parallel_loop3A_470 = arith.index_cast %parallel_loop3A_419 : i32 to index
        %parallel_loop3A_471 = tpu.vector_load %arg8[%parallel_loop3A_467, %parallel_loop3A_468, %parallel_loop3A_469, %parallel_loop3A_470] {strides = array<i32>} : memref<2x3x80x32xf32, #tpu.memory_space<vmem>>, vector<1x1x1x16xf32>,
        %parallel_loop3A_472 = vector.shape_cast %parallel_loop3A_471 : vector<1x1x1x16xf32> to vector<16xf32>
        %parallel_loop3A_473 = arith.addf %parallel_loop3A_465, %parallel_loop3A_472 : vector<16xf32>
        %parallel_loop3A_474 = arith.constant 2.000000e-01 : f32
        %parallel_loop3A_475 = vector.broadcast %parallel_loop3A_474 : f32 to vector<16xf32>
        %parallel_loop3A_476 = arith.mulf %parallel_loop3A_475, %parallel_loop3A_473 : vector<16xf32>
        %parallel_loop3A_477 = arith.maximumf %parallel_loop3A_473, %parallel_loop3A_476 : vector<16xf32>
        %parallel_loop3A_478 = arith.constant 2 : i32
        %parallel_loop3A_479 = arith.addi %parallel_loop3A_417, %parallel_loop3A_478 : i32
        %parallel_loop3A_480 = arith.constant 0 : i32
        %parallel_loop3A_481 = arith.index_cast %rem3A_255 : i32 to index
        %parallel_loop3A_482 = arith.index_cast %parallel_loop3A_480 : i32 to index
        %parallel_loop3A_483 = arith.index_cast %parallel_loop3A_479 : i32 to index
        %parallel_loop3A_484 = arith.index_cast %parallel_loop3A_419 : i32 to index
        %parallel_loop3A_485 = tpu.vector_load %arg8[%parallel_loop3A_481, %parallel_loop3A_482, %parallel_loop3A_483, %parallel_loop3A_484] {strides = array<i32>} : memref<2x3x80x32xf32, #tpu.memory_space<vmem>>, vector<1x1x1x16xf32>,
        %parallel_loop3A_486 = vector.shape_cast %parallel_loop3A_485 : vector<1x1x1x16xf32> to vector<16xf32>
        %parallel_loop3A_487 = arith.constant 1 : i32
        %parallel_loop3A_488 = arith.index_cast %rem3A_255 : i32 to index
        %parallel_loop3A_489 = arith.index_cast %parallel_loop3A_487 : i32 to index
        %parallel_loop3A_490 = arith.index_cast %parallel_loop3A_479 : i32 to index
        %parallel_loop3A_491 = arith.index_cast %parallel_loop3A_419 : i32 to index
        %parallel_loop3A_492 = tpu.vector_load %arg8[%parallel_loop3A_488, %parallel_loop3A_489, %parallel_loop3A_490, %parallel_loop3A_491] {strides = array<i32>} : memref<2x3x80x32xf32, #tpu.memory_space<vmem>>, vector<1x1x1x16xf32>,
        %parallel_loop3A_493 = vector.shape_cast %parallel_loop3A_492 : vector<1x1x1x16xf32> to vector<16xf32>
        %parallel_loop3A_494 = arith.addf %parallel_loop3A_486, %parallel_loop3A_493 : vector<16xf32>
        %parallel_loop3A_495 = arith.constant 2 : i32
        %parallel_loop3A_496 = arith.index_cast %rem3A_255 : i32 to index
        %parallel_loop3A_497 = arith.index_cast %parallel_loop3A_495 : i32 to index
        %parallel_loop3A_498 = arith.index_cast %parallel_loop3A_479 : i32 to index
        %parallel_loop3A_499 = arith.index_cast %parallel_loop3A_419 : i32 to index
        %parallel_loop3A_500 = tpu.vector_load %arg8[%parallel_loop3A_496, %parallel_loop3A_497, %parallel_loop3A_498, %parallel_loop3A_499] {strides = array<i32>} : memref<2x3x80x32xf32, #tpu.memory_space<vmem>>, vector<1x1x1x16xf32>,
        %parallel_loop3A_501 = vector.shape_cast %parallel_loop3A_500 : vector<1x1x1x16xf32> to vector<16xf32>
        %parallel_loop3A_502 = arith.addf %parallel_loop3A_494, %parallel_loop3A_501 : vector<16xf32>
        %parallel_loop3A_503 = arith.constant 2.000000e-01 : f32
        %parallel_loop3A_504 = vector.broadcast %parallel_loop3A_503 : f32 to vector<16xf32>
        %parallel_loop3A_505 = arith.mulf %parallel_loop3A_504, %parallel_loop3A_502 : vector<16xf32>
        %parallel_loop3A_506 = arith.maximumf %parallel_loop3A_502, %parallel_loop3A_505 : vector<16xf32>
        %parallel_loop3A_507 = arith.constant 3 : i32
        %parallel_loop3A_508 = arith.addi %parallel_loop3A_417, %parallel_loop3A_507 : i32
        %parallel_loop3A_509 = arith.constant 0 : i32
        %parallel_loop3A_510 = arith.index_cast %rem3A_255 : i32 to index
        %parallel_loop3A_511 = arith.index_cast %parallel_loop3A_509 : i32 to index
        %parallel_loop3A_512 = arith.index_cast %parallel_loop3A_508 : i32 to index
        %parallel_loop3A_513 = arith.index_cast %parallel_loop3A_419 : i32 to index
        %parallel_loop3A_514 = tpu.vector_load %arg8[%parallel_loop3A_510, %parallel_loop3A_511, %parallel_loop3A_512, %parallel_loop3A_513] {strides = array<i32>} : memref<2x3x80x32xf32, #tpu.memory_space<vmem>>, vector<1x1x1x16xf32>,
        %parallel_loop3A_515 = vector.shape_cast %parallel_loop3A_514 : vector<1x1x1x16xf32> to vector<16xf32>
        %parallel_loop3A_516 = arith.constant 1 : i32
        %parallel_loop3A_517 = arith.index_cast %rem3A_255 : i32 to index
        %parallel_loop3A_518 = arith.index_cast %parallel_loop3A_516 : i32 to index
        %parallel_loop3A_519 = arith.index_cast %parallel_loop3A_508 : i32 to index
        %parallel_loop3A_520 = arith.index_cast %parallel_loop3A_419 : i32 to index
        %parallel_loop3A_521 = tpu.vector_load %arg8[%parallel_loop3A_517, %parallel_loop3A_518, %parallel_loop3A_519, %parallel_loop3A_520] {strides = array<i32>} : memref<2x3x80x32xf32, #tpu.memory_space<vmem>>, vector<1x1x1x16xf32>,
        %parallel_loop3A_522 = vector.shape_cast %parallel_loop3A_521 : vector<1x1x1x16xf32> to vector<16xf32>
        %parallel_loop3A_523 = arith.addf %parallel_loop3A_515, %parallel_loop3A_522 : vector<16xf32>
        %parallel_loop3A_524 = arith.constant 2 : i32
        %parallel_loop3A_525 = arith.index_cast %rem3A_255 : i32 to index
        %parallel_loop3A_526 = arith.index_cast %parallel_loop3A_524 : i32 to index
        %parallel_loop3A_527 = arith.index_cast %parallel_loop3A_508 : i32 to index
        %parallel_loop3A_528 = arith.index_cast %parallel_loop3A_419 : i32 to index
        %parallel_loop3A_529 = tpu.vector_load %arg8[%parallel_loop3A_525, %parallel_loop3A_526, %parallel_loop3A_527, %parallel_loop3A_528] {strides = array<i32>} : memref<2x3x80x32xf32, #tpu.memory_space<vmem>>, vector<1x1x1x16xf32>,
        %parallel_loop3A_530 = vector.shape_cast %parallel_loop3A_529 : vector<1x1x1x16xf32> to vector<16xf32>
        %parallel_loop3A_531 = arith.addf %parallel_loop3A_523, %parallel_loop3A_530 : vector<16xf32>
        %parallel_loop3A_532 = arith.constant 2.000000e-01 : f32
        %parallel_loop3A_533 = vector.broadcast %parallel_loop3A_532 : f32 to vector<16xf32>
        %parallel_loop3A_534 = arith.mulf %parallel_loop3A_533, %parallel_loop3A_531 : vector<16xf32>
        %parallel_loop3A_535 = arith.maximumf %parallel_loop3A_531, %parallel_loop3A_534 : vector<16xf32>
        %parallel_loop3A_536 = arith.constant 4 : i32
        %parallel_loop3A_537 = arith.addi %parallel_loop3A_417, %parallel_loop3A_536 : i32
        %parallel_loop3A_538 = arith.constant 0 : i32
        %parallel_loop3A_539 = arith.index_cast %rem3A_255 : i32 to index
        %parallel_loop3A_540 = arith.index_cast %parallel_loop3A_538 : i32 to index
        %parallel_loop3A_541 = arith.index_cast %parallel_loop3A_537 : i32 to index
        %parallel_loop3A_542 = arith.index_cast %parallel_loop3A_419 : i32 to index
        %parallel_loop3A_543 = tpu.vector_load %arg8[%parallel_loop3A_539, %parallel_loop3A_540, %parallel_loop3A_541, %parallel_loop3A_542] {strides = array<i32>} : memref<2x3x80x32xf32, #tpu.memory_space<vmem>>, vector<1x1x1x16xf32>,
        %parallel_loop3A_544 = vector.shape_cast %parallel_loop3A_543 : vector<1x1x1x16xf32> to vector<16xf32>
        %parallel_loop3A_545 = arith.constant 1 : i32
        %parallel_loop3A_546 = arith.index_cast %rem3A_255 : i32 to index
        %parallel_loop3A_547 = arith.index_cast %parallel_loop3A_545 : i32 to index
        %parallel_loop3A_548 = arith.index_cast %parallel_loop3A_537 : i32 to index
        %parallel_loop3A_549 = arith.index_cast %parallel_loop3A_419 : i32 to index
        %parallel_loop3A_550 = tpu.vector_load %arg8[%parallel_loop3A_546, %parallel_loop3A_547, %parallel_loop3A_548, %parallel_loop3A_549] {strides = array<i32>} : memref<2x3x80x32xf32, #tpu.memory_space<vmem>>, vector<1x1x1x16xf32>,
        %parallel_loop3A_551 = vector.shape_cast %parallel_loop3A_550 : vector<1x1x1x16xf32> to vector<16xf32>
        %parallel_loop3A_552 = arith.addf %parallel_loop3A_544, %parallel_loop3A_551 : vector<16xf32>
        %parallel_loop3A_553 = arith.constant 2 : i32
        %parallel_loop3A_554 = arith.index_cast %rem3A_255 : i32 to index
        %parallel_loop3A_555 = arith.index_cast %parallel_loop3A_553 : i32 to index
        %parallel_loop3A_556 = arith.index_cast %parallel_loop3A_537 : i32 to index
        %parallel_loop3A_557 = arith.index_cast %parallel_loop3A_419 : i32 to index
        %parallel_loop3A_558 = tpu.vector_load %arg8[%parallel_loop3A_554, %parallel_loop3A_555, %parallel_loop3A_556, %parallel_loop3A_557] {strides = array<i32>} : memref<2x3x80x32xf32, #tpu.memory_space<vmem>>, vector<1x1x1x16xf32>,
        %parallel_loop3A_559 = vector.shape_cast %parallel_loop3A_558 : vector<1x1x1x16xf32> to vector<16xf32>
        %parallel_loop3A_560 = arith.addf %parallel_loop3A_552, %parallel_loop3A_559 : vector<16xf32>
        %parallel_loop3A_561 = arith.constant 2.000000e-01 : f32
        %parallel_loop3A_562 = vector.broadcast %parallel_loop3A_561 : f32 to vector<16xf32>
        %parallel_loop3A_563 = arith.mulf %parallel_loop3A_562, %parallel_loop3A_560 : vector<16xf32>
        %parallel_loop3A_564 = arith.maximumf %parallel_loop3A_560, %parallel_loop3A_563 : vector<16xf32>
        %parallel_loop3A_565 = arith.constant 5 : i32
        %parallel_loop3A_566 = arith.addi %parallel_loop3A_417, %parallel_loop3A_565 : i32
        %parallel_loop3A_567 = arith.constant 0 : i32
        %parallel_loop3A_568 = arith.index_cast %rem3A_255 : i32 to index
        %parallel_loop3A_569 = arith.index_cast %parallel_loop3A_567 : i32 to index
        %parallel_loop3A_570 = arith.index_cast %parallel_loop3A_566 : i32 to index
        %parallel_loop3A_571 = arith.index_cast %parallel_loop3A_419 : i32 to index
        %parallel_loop3A_572 = tpu.vector_load %arg8[%parallel_loop3A_568, %parallel_loop3A_569, %parallel_loop3A_570, %parallel_loop3A_571] {strides = array<i32>} : memref<2x3x80x32xf32, #tpu.memory_space<vmem>>, vector<1x1x1x16xf32>,
        %parallel_loop3A_573 = vector.shape_cast %parallel_loop3A_572 : vector<1x1x1x16xf32> to vector<16xf32>
        %parallel_loop3A_574 = arith.constant 1 : i32
        %parallel_loop3A_575 = arith.index_cast %rem3A_255 : i32 to index
        %parallel_loop3A_576 = arith.index_cast %parallel_loop3A_574 : i32 to index
        %parallel_loop3A_577 = arith.index_cast %parallel_loop3A_566 : i32 to index
        %parallel_loop3A_578 = arith.index_cast %parallel_loop3A_419 : i32 to index
        %parallel_loop3A_579 = tpu.vector_load %arg8[%parallel_loop3A_575, %parallel_loop3A_576, %parallel_loop3A_577, %parallel_loop3A_578] {strides = array<i32>} : memref<2x3x80x32xf32, #tpu.memory_space<vmem>>, vector<1x1x1x16xf32>,
        %parallel_loop3A_580 = vector.shape_cast %parallel_loop3A_579 : vector<1x1x1x16xf32> to vector<16xf32>
        %parallel_loop3A_581 = arith.addf %parallel_loop3A_573, %parallel_loop3A_580 : vector<16xf32>
        %parallel_loop3A_582 = arith.constant 2 : i32
        %parallel_loop3A_583 = arith.index_cast %rem3A_255 : i32 to index
        %parallel_loop3A_584 = arith.index_cast %parallel_loop3A_582 : i32 to index
        %parallel_loop3A_585 = arith.index_cast %parallel_loop3A_566 : i32 to index
        %parallel_loop3A_586 = arith.index_cast %parallel_loop3A_419 : i32 to index
        %parallel_loop3A_587 = tpu.vector_load %arg8[%parallel_loop3A_583, %parallel_loop3A_584, %parallel_loop3A_585, %parallel_loop3A_586] {strides = array<i32>} : memref<2x3x80x32xf32, #tpu.memory_space<vmem>>, vector<1x1x1x16xf32>,
        %parallel_loop3A_588 = vector.shape_cast %parallel_loop3A_587 : vector<1x1x1x16xf32> to vector<16xf32>
        %parallel_loop3A_589 = arith.addf %parallel_loop3A_581, %parallel_loop3A_588 : vector<16xf32>
        %parallel_loop3A_590 = arith.constant 2.000000e-01 : f32
        %parallel_loop3A_591 = vector.broadcast %parallel_loop3A_590 : f32 to vector<16xf32>
        %parallel_loop3A_592 = arith.mulf %parallel_loop3A_591, %parallel_loop3A_589 : vector<16xf32>
        %parallel_loop3A_593 = arith.maximumf %parallel_loop3A_589, %parallel_loop3A_592 : vector<16xf32>
        %parallel_loop3A_594 = arith.constant 6 : i32
        %parallel_loop3A_595 = arith.addi %parallel_loop3A_417, %parallel_loop3A_594 : i32
        %parallel_loop3A_596 = arith.constant 0 : i32
        %parallel_loop3A_597 = arith.index_cast %rem3A_255 : i32 to index
        %parallel_loop3A_598 = arith.index_cast %parallel_loop3A_596 : i32 to index
        %parallel_loop3A_599 = arith.index_cast %parallel_loop3A_595 : i32 to index
        %parallel_loop3A_600 = arith.index_cast %parallel_loop3A_419 : i32 to index
        %parallel_loop3A_601 = tpu.vector_load %arg8[%parallel_loop3A_597, %parallel_loop3A_598, %parallel_loop3A_599, %parallel_loop3A_600] {strides = array<i32>} : memref<2x3x80x32xf32, #tpu.memory_space<vmem>>, vector<1x1x1x16xf32>,
        %parallel_loop3A_602 = vector.shape_cast %parallel_loop3A_601 : vector<1x1x1x16xf32> to vector<16xf32>
        %parallel_loop3A_603 = arith.constant 1 : i32
        %parallel_loop3A_604 = arith.index_cast %rem3A_255 : i32 to index
        %parallel_loop3A_605 = arith.index_cast %parallel_loop3A_603 : i32 to index
        %parallel_loop3A_606 = arith.index_cast %parallel_loop3A_595 : i32 to index
        %parallel_loop3A_607 = arith.index_cast %parallel_loop3A_419 : i32 to index
        %parallel_loop3A_608 = tpu.vector_load %arg8[%parallel_loop3A_604, %parallel_loop3A_605, %parallel_loop3A_606, %parallel_loop3A_607] {strides = array<i32>} : memref<2x3x80x32xf32, #tpu.memory_space<vmem>>, vector<1x1x1x16xf32>,
        %parallel_loop3A_609 = vector.shape_cast %parallel_loop3A_608 : vector<1x1x1x16xf32> to vector<16xf32>
        %parallel_loop3A_610 = arith.addf %parallel_loop3A_602, %parallel_loop3A_609 : vector<16xf32>
        %parallel_loop3A_611 = arith.constant 2 : i32
        %parallel_loop3A_612 = arith.index_cast %rem3A_255 : i32 to index
        %parallel_loop3A_613 = arith.index_cast %parallel_loop3A_611 : i32 to index
        %parallel_loop3A_614 = arith.index_cast %parallel_loop3A_595 : i32 to index
        %parallel_loop3A_615 = arith.index_cast %parallel_loop3A_419 : i32 to index
        %parallel_loop3A_616 = tpu.vector_load %arg8[%parallel_loop3A_612, %parallel_loop3A_613, %parallel_loop3A_614, %parallel_loop3A_615] {strides = array<i32>} : memref<2x3x80x32xf32, #tpu.memory_space<vmem>>, vector<1x1x1x16xf32>,
        %parallel_loop3A_617 = vector.shape_cast %parallel_loop3A_616 : vector<1x1x1x16xf32> to vector<16xf32>
        %parallel_loop3A_618 = arith.addf %parallel_loop3A_610, %parallel_loop3A_617 : vector<16xf32>
        %parallel_loop3A_619 = arith.constant 2.000000e-01 : f32
        %parallel_loop3A_620 = vector.broadcast %parallel_loop3A_619 : f32 to vector<16xf32>
        %parallel_loop3A_621 = arith.mulf %parallel_loop3A_620, %parallel_loop3A_618 : vector<16xf32>
        %parallel_loop3A_622 = arith.maximumf %parallel_loop3A_618, %parallel_loop3A_621 : vector<16xf32>
        %parallel_loop3A_623 = arith.constant 7 : i32
        %parallel_loop3A_624 = arith.addi %parallel_loop3A_417, %parallel_loop3A_623 : i32
        %parallel_loop3A_625 = arith.constant 0 : i32
        %parallel_loop3A_626 = arith.index_cast %rem3A_255 : i32 to index
        %parallel_loop3A_627 = arith.index_cast %parallel_loop3A_625 : i32 to index
        %parallel_loop3A_628 = arith.index_cast %parallel_loop3A_624 : i32 to index
        %parallel_loop3A_629 = arith.index_cast %parallel_loop3A_419 : i32 to index
        %parallel_loop3A_630 = tpu.vector_load %arg8[%parallel_loop3A_626, %parallel_loop3A_627, %parallel_loop3A_628, %parallel_loop3A_629] {strides = array<i32>} : memref<2x3x80x32xf32, #tpu.memory_space<vmem>>, vector<1x1x1x16xf32>,
        %parallel_loop3A_631 = vector.shape_cast %parallel_loop3A_630 : vector<1x1x1x16xf32> to vector<16xf32>
        %parallel_loop3A_632 = arith.constant 1 : i32
        %parallel_loop3A_633 = arith.index_cast %rem3A_255 : i32 to index
        %parallel_loop3A_634 = arith.index_cast %parallel_loop3A_632 : i32 to index
        %parallel_loop3A_635 = arith.index_cast %parallel_loop3A_624 : i32 to index
        %parallel_loop3A_636 = arith.index_cast %parallel_loop3A_419 : i32 to index
        %parallel_loop3A_637 = tpu.vector_load %arg8[%parallel_loop3A_633, %parallel_loop3A_634, %parallel_loop3A_635, %parallel_loop3A_636] {strides = array<i32>} : memref<2x3x80x32xf32, #tpu.memory_space<vmem>>, vector<1x1x1x16xf32>,
        %parallel_loop3A_638 = vector.shape_cast %parallel_loop3A_637 : vector<1x1x1x16xf32> to vector<16xf32>
        %parallel_loop3A_639 = arith.addf %parallel_loop3A_631, %parallel_loop3A_638 : vector<16xf32>
        %parallel_loop3A_640 = arith.constant 2 : i32
        %parallel_loop3A_641 = arith.index_cast %rem3A_255 : i32 to index
        %parallel_loop3A_642 = arith.index_cast %parallel_loop3A_640 : i32 to index
        %parallel_loop3A_643 = arith.index_cast %parallel_loop3A_624 : i32 to index
        %parallel_loop3A_644 = arith.index_cast %parallel_loop3A_419 : i32 to index
        %parallel_loop3A_645 = tpu.vector_load %arg8[%parallel_loop3A_641, %parallel_loop3A_642, %parallel_loop3A_643, %parallel_loop3A_644] {strides = array<i32>} : memref<2x3x80x32xf32, #tpu.memory_space<vmem>>, vector<1x1x1x16xf32>,
        %parallel_loop3A_646 = vector.shape_cast %parallel_loop3A_645 : vector<1x1x1x16xf32> to vector<16xf32>
        %parallel_loop3A_647 = arith.addf %parallel_loop3A_639, %parallel_loop3A_646 : vector<16xf32>
        %parallel_loop3A_648 = arith.constant 2.000000e-01 : f32
        %parallel_loop3A_649 = vector.broadcast %parallel_loop3A_648 : f32 to vector<16xf32>
        %parallel_loop3A_650 = arith.mulf %parallel_loop3A_649, %parallel_loop3A_647 : vector<16xf32>
        %parallel_loop3A_651 = arith.maximumf %parallel_loop3A_647, %parallel_loop3A_650 : vector<16xf32>
        %parallel_loop3A_652 = arith.constant 8 : i32
        %parallel_loop3A_653 = arith.addi %parallel_loop3A_417, %parallel_loop3A_652 : i32
        %parallel_loop3A_654 = arith.constant 0 : i32
        %parallel_loop3A_655 = arith.index_cast %rem3A_255 : i32 to index
        %parallel_loop3A_656 = arith.index_cast %parallel_loop3A_654 : i32 to index
        %parallel_loop3A_657 = arith.index_cast %parallel_loop3A_653 : i32 to index
        %parallel_loop3A_658 = arith.index_cast %parallel_loop3A_419 : i32 to index
        %parallel_loop3A_659 = tpu.vector_load %arg8[%parallel_loop3A_655, %parallel_loop3A_656, %parallel_loop3A_657, %parallel_loop3A_658] {strides = array<i32>} : memref<2x3x80x32xf32, #tpu.memory_space<vmem>>, vector<1x1x1x16xf32>,
        %parallel_loop3A_660 = vector.shape_cast %parallel_loop3A_659 : vector<1x1x1x16xf32> to vector<16xf32>
        %parallel_loop3A_661 = arith.constant 1 : i32
        %parallel_loop3A_662 = arith.index_cast %rem3A_255 : i32 to index
        %parallel_loop3A_663 = arith.index_cast %parallel_loop3A_661 : i32 to index
        %parallel_loop3A_664 = arith.index_cast %parallel_loop3A_653 : i32 to index
        %parallel_loop3A_665 = arith.index_cast %parallel_loop3A_419 : i32 to index
        %parallel_loop3A_666 = tpu.vector_load %arg8[%parallel_loop3A_662, %parallel_loop3A_663, %parallel_loop3A_664, %parallel_loop3A_665] {strides = array<i32>} : memref<2x3x80x32xf32, #tpu.memory_space<vmem>>, vector<1x1x1x16xf32>,
        %parallel_loop3A_667 = vector.shape_cast %parallel_loop3A_666 : vector<1x1x1x16xf32> to vector<16xf32>
        %parallel_loop3A_668 = arith.addf %parallel_loop3A_660, %parallel_loop3A_667 : vector<16xf32>
        %parallel_loop3A_669 = arith.constant 2 : i32
        %parallel_loop3A_670 = arith.index_cast %rem3A_255 : i32 to index
        %parallel_loop3A_671 = arith.index_cast %parallel_loop3A_669 : i32 to index
        %parallel_loop3A_672 = arith.index_cast %parallel_loop3A_653 : i32 to index
        %parallel_loop3A_673 = arith.index_cast %parallel_loop3A_419 : i32 to index
        %parallel_loop3A_674 = tpu.vector_load %arg8[%parallel_loop3A_670, %parallel_loop3A_671, %parallel_loop3A_672, %parallel_loop3A_673] {strides = array<i32>} : memref<2x3x80x32xf32, #tpu.memory_space<vmem>>, vector<1x1x1x16xf32>,
        %parallel_loop3A_675 = vector.shape_cast %parallel_loop3A_674 : vector<1x1x1x16xf32> to vector<16xf32>
        %parallel_loop3A_676 = arith.addf %parallel_loop3A_668, %parallel_loop3A_675 : vector<16xf32>
        %parallel_loop3A_677 = arith.constant 2.000000e-01 : f32
        %parallel_loop3A_678 = vector.broadcast %parallel_loop3A_677 : f32 to vector<16xf32>
        %parallel_loop3A_679 = arith.mulf %parallel_loop3A_678, %parallel_loop3A_676 : vector<16xf32>
        %parallel_loop3A_680 = arith.maximumf %parallel_loop3A_676, %parallel_loop3A_679 : vector<16xf32>
        %parallel_loop3A_681 = arith.constant 9 : i32
        %parallel_loop3A_682 = arith.addi %parallel_loop3A_417, %parallel_loop3A_681 : i32
        %parallel_loop3A_683 = arith.constant 0 : i32
        %parallel_loop3A_684 = arith.index_cast %rem3A_255 : i32 to index
        %parallel_loop3A_685 = arith.index_cast %parallel_loop3A_683 : i32 to index
        %parallel_loop3A_686 = arith.index_cast %parallel_loop3A_682 : i32 to index
        %parallel_loop3A_687 = arith.index_cast %parallel_loop3A_419 : i32 to index
        %parallel_loop3A_688 = tpu.vector_load %arg8[%parallel_loop3A_684, %parallel_loop3A_685, %parallel_loop3A_686, %parallel_loop3A_687] {strides = array<i32>} : memref<2x3x80x32xf32, #tpu.memory_space<vmem>>, vector<1x1x1x16xf32>,
        %parallel_loop3A_689 = vector.shape_cast %parallel_loop3A_688 : vector<1x1x1x16xf32> to vector<16xf32>
        %parallel_loop3A_690 = arith.constant 1 : i32
        %parallel_loop3A_691 = arith.index_cast %rem3A_255 : i32 to index
        %parallel_loop3A_692 = arith.index_cast %parallel_loop3A_690 : i32 to index
        %parallel_loop3A_693 = arith.index_cast %parallel_loop3A_682 : i32 to index
        %parallel_loop3A_694 = arith.index_cast %parallel_loop3A_419 : i32 to index
        %parallel_loop3A_695 = tpu.vector_load %arg8[%parallel_loop3A_691, %parallel_loop3A_692, %parallel_loop3A_693, %parallel_loop3A_694] {strides = array<i32>} : memref<2x3x80x32xf32, #tpu.memory_space<vmem>>, vector<1x1x1x16xf32>,
        %parallel_loop3A_696 = vector.shape_cast %parallel_loop3A_695 : vector<1x1x1x16xf32> to vector<16xf32>
        %parallel_loop3A_697 = arith.addf %parallel_loop3A_689, %parallel_loop3A_696 : vector<16xf32>
        %parallel_loop3A_698 = arith.constant 2 : i32
        %parallel_loop3A_699 = arith.index_cast %rem3A_255 : i32 to index
        %parallel_loop3A_700 = arith.index_cast %parallel_loop3A_698 : i32 to index
        %parallel_loop3A_701 = arith.index_cast %parallel_loop3A_682 : i32 to index
        %parallel_loop3A_702 = arith.index_cast %parallel_loop3A_419 : i32 to index
        %parallel_loop3A_703 = tpu.vector_load %arg8[%parallel_loop3A_699, %parallel_loop3A_700, %parallel_loop3A_701, %parallel_loop3A_702] {strides = array<i32>} : memref<2x3x80x32xf32, #tpu.memory_space<vmem>>, vector<1x1x1x16xf32>,
        %parallel_loop3A_704 = vector.shape_cast %parallel_loop3A_703 : vector<1x1x1x16xf32> to vector<16xf32>
        %parallel_loop3A_705 = arith.addf %parallel_loop3A_697, %parallel_loop3A_704 : vector<16xf32>
        %parallel_loop3A_706 = arith.constant 2.000000e-01 : f32
        %parallel_loop3A_707 = vector.broadcast %parallel_loop3A_706 : f32 to vector<16xf32>
        %parallel_loop3A_708 = arith.mulf %parallel_loop3A_707, %parallel_loop3A_705 : vector<16xf32>
        %parallel_loop3A_709 = arith.maximumf %parallel_loop3A_705, %parallel_loop3A_708 : vector<16xf32>
        %parallel_loop3A_710 = arith.constant 10 : i32
        %parallel_loop3A_711 = arith.addi %parallel_loop3A_417, %parallel_loop3A_710 : i32
        %parallel_loop3A_712 = arith.constant 0 : i32
        %parallel_loop3A_713 = arith.index_cast %rem3A_255 : i32 to index
        %parallel_loop3A_714 = arith.index_cast %parallel_loop3A_712 : i32 to index
        %parallel_loop3A_715 = arith.index_cast %parallel_loop3A_711 : i32 to index
        %parallel_loop3A_716 = arith.index_cast %parallel_loop3A_419 : i32 to index
        %parallel_loop3A_717 = tpu.vector_load %arg8[%parallel_loop3A_713, %parallel_loop3A_714, %parallel_loop3A_715, %parallel_loop3A_716] {strides = array<i32>} : memref<2x3x80x32xf32, #tpu.memory_space<vmem>>, vector<1x1x1x16xf32>,
        %parallel_loop3A_718 = vector.shape_cast %parallel_loop3A_717 : vector<1x1x1x16xf32> to vector<16xf32>
        %parallel_loop3A_719 = arith.constant 1 : i32
        %parallel_loop3A_720 = arith.index_cast %rem3A_255 : i32 to index
        %parallel_loop3A_721 = arith.index_cast %parallel_loop3A_719 : i32 to index
        %parallel_loop3A_722 = arith.index_cast %parallel_loop3A_711 : i32 to index
        %parallel_loop3A_723 = arith.index_cast %parallel_loop3A_419 : i32 to index
        %parallel_loop3A_724 = tpu.vector_load %arg8[%parallel_loop3A_720, %parallel_loop3A_721, %parallel_loop3A_722, %parallel_loop3A_723] {strides = array<i32>} : memref<2x3x80x32xf32, #tpu.memory_space<vmem>>, vector<1x1x1x16xf32>,
        %parallel_loop3A_725 = vector.shape_cast %parallel_loop3A_724 : vector<1x1x1x16xf32> to vector<16xf32>
        %parallel_loop3A_726 = arith.addf %parallel_loop3A_718, %parallel_loop3A_725 : vector<16xf32>
        %parallel_loop3A_727 = arith.constant 2 : i32
        %parallel_loop3A_728 = arith.index_cast %rem3A_255 : i32 to index
        %parallel_loop3A_729 = arith.index_cast %parallel_loop3A_727 : i32 to index
        %parallel_loop3A_730 = arith.index_cast %parallel_loop3A_711 : i32 to index
        %parallel_loop3A_731 = arith.index_cast %parallel_loop3A_419 : i32 to index
        %parallel_loop3A_732 = tpu.vector_load %arg8[%parallel_loop3A_728, %parallel_loop3A_729, %parallel_loop3A_730, %parallel_loop3A_731] {strides = array<i32>} : memref<2x3x80x32xf32, #tpu.memory_space<vmem>>, vector<1x1x1x16xf32>,
        %parallel_loop3A_733 = vector.shape_cast %parallel_loop3A_732 : vector<1x1x1x16xf32> to vector<16xf32>
        %parallel_loop3A_734 = arith.addf %parallel_loop3A_726, %parallel_loop3A_733 : vector<16xf32>
        %parallel_loop3A_735 = arith.constant 2.000000e-01 : f32
        %parallel_loop3A_736 = vector.broadcast %parallel_loop3A_735 : f32 to vector<16xf32>
        %parallel_loop3A_737 = arith.mulf %parallel_loop3A_736, %parallel_loop3A_734 : vector<16xf32>
        %parallel_loop3A_738 = arith.maximumf %parallel_loop3A_734, %parallel_loop3A_737 : vector<16xf32>
        %parallel_loop3A_739 = arith.constant 11 : i32
        %parallel_loop3A_740 = arith.addi %parallel_loop3A_417, %parallel_loop3A_739 : i32
        %parallel_loop3A_741 = arith.constant 0 : i32
        %parallel_loop3A_742 = arith.index_cast %rem3A_255 : i32 to index
        %parallel_loop3A_743 = arith.index_cast %parallel_loop3A_741 : i32 to index
        %parallel_loop3A_744 = arith.index_cast %parallel_loop3A_740 : i32 to index
        %parallel_loop3A_745 = arith.index_cast %parallel_loop3A_419 : i32 to index
        %parallel_loop3A_746 = tpu.vector_load %arg8[%parallel_loop3A_742, %parallel_loop3A_743, %parallel_loop3A_744, %parallel_loop3A_745] {strides = array<i32>} : memref<2x3x80x32xf32, #tpu.memory_space<vmem>>, vector<1x1x1x16xf32>,
        %parallel_loop3A_747 = vector.shape_cast %parallel_loop3A_746 : vector<1x1x1x16xf32> to vector<16xf32>
        %parallel_loop3A_748 = arith.constant 1 : i32
        %parallel_loop3A_749 = arith.index_cast %rem3A_255 : i32 to index
        %parallel_loop3A_750 = arith.index_cast %parallel_loop3A_748 : i32 to index
        %parallel_loop3A_751 = arith.index_cast %parallel_loop3A_740 : i32 to index
        %parallel_loop3A_752 = arith.index_cast %parallel_loop3A_419 : i32 to index
        %parallel_loop3A_753 = tpu.vector_load %arg8[%parallel_loop3A_749, %parallel_loop3A_750, %parallel_loop3A_751, %parallel_loop3A_752] {strides = array<i32>} : memref<2x3x80x32xf32, #tpu.memory_space<vmem>>, vector<1x1x1x16xf32>,
        %parallel_loop3A_754 = vector.shape_cast %parallel_loop3A_753 : vector<1x1x1x16xf32> to vector<16xf32>
        %parallel_loop3A_755 = arith.addf %parallel_loop3A_747, %parallel_loop3A_754 : vector<16xf32>
        %parallel_loop3A_756 = arith.constant 2 : i32
        %parallel_loop3A_757 = arith.index_cast %rem3A_255 : i32 to index
        %parallel_loop3A_758 = arith.index_cast %parallel_loop3A_756 : i32 to index
        %parallel_loop3A_759 = arith.index_cast %parallel_loop3A_740 : i32 to index
        %parallel_loop3A_760 = arith.index_cast %parallel_loop3A_419 : i32 to index
        %parallel_loop3A_761 = tpu.vector_load %arg8[%parallel_loop3A_757, %parallel_loop3A_758, %parallel_loop3A_759, %parallel_loop3A_760] {strides = array<i32>} : memref<2x3x80x32xf32, #tpu.memory_space<vmem>>, vector<1x1x1x16xf32>,
        %parallel_loop3A_762 = vector.shape_cast %parallel_loop3A_761 : vector<1x1x1x16xf32> to vector<16xf32>
        %parallel_loop3A_763 = arith.addf %parallel_loop3A_755, %parallel_loop3A_762 : vector<16xf32>
        %parallel_loop3A_764 = arith.constant 2.000000e-01 : f32
        %parallel_loop3A_765 = vector.broadcast %parallel_loop3A_764 : f32 to vector<16xf32>
        %parallel_loop3A_766 = arith.mulf %parallel_loop3A_765, %parallel_loop3A_763 : vector<16xf32>
        %parallel_loop3A_767 = arith.maximumf %parallel_loop3A_763, %parallel_loop3A_766 : vector<16xf32>
        %parallel_loop3A_768 = arith.constant 12 : i32
        %parallel_loop3A_769 = arith.addi %parallel_loop3A_417, %parallel_loop3A_768 : i32
        %parallel_loop3A_770 = arith.constant 0 : i32
        %parallel_loop3A_771 = arith.index_cast %rem3A_255 : i32 to index
        %parallel_loop3A_772 = arith.index_cast %parallel_loop3A_770 : i32 to index
        %parallel_loop3A_773 = arith.index_cast %parallel_loop3A_769 : i32 to index
        %parallel_loop3A_774 = arith.index_cast %parallel_loop3A_419 : i32 to index
        %parallel_loop3A_775 = tpu.vector_load %arg8[%parallel_loop3A_771, %parallel_loop3A_772, %parallel_loop3A_773, %parallel_loop3A_774] {strides = array<i32>} : memref<2x3x80x32xf32, #tpu.memory_space<vmem>>, vector<1x1x1x16xf32>,
        %parallel_loop3A_776 = vector.shape_cast %parallel_loop3A_775 : vector<1x1x1x16xf32> to vector<16xf32>
        %parallel_loop3A_777 = arith.constant 1 : i32
        %parallel_loop3A_778 = arith.index_cast %rem3A_255 : i32 to index
        %parallel_loop3A_779 = arith.index_cast %parallel_loop3A_777 : i32 to index
        %parallel_loop3A_780 = arith.index_cast %parallel_loop3A_769 : i32 to index
        %parallel_loop3A_781 = arith.index_cast %parallel_loop3A_419 : i32 to index
        %parallel_loop3A_782 = tpu.vector_load %arg8[%parallel_loop3A_778, %parallel_loop3A_779, %parallel_loop3A_780, %parallel_loop3A_781] {strides = array<i32>} : memref<2x3x80x32xf32, #tpu.memory_space<vmem>>, vector<1x1x1x16xf32>,
        %parallel_loop3A_783 = vector.shape_cast %parallel_loop3A_782 : vector<1x1x1x16xf32> to vector<16xf32>
        %parallel_loop3A_784 = arith.addf %parallel_loop3A_776, %parallel_loop3A_783 : vector<16xf32>
        %parallel_loop3A_785 = arith.constant 2 : i32
        %parallel_loop3A_786 = arith.index_cast %rem3A_255 : i32 to index
        %parallel_loop3A_787 = arith.index_cast %parallel_loop3A_785 : i32 to index
        %parallel_loop3A_788 = arith.index_cast %parallel_loop3A_769 : i32 to index
        %parallel_loop3A_789 = arith.index_cast %parallel_loop3A_419 : i32 to index
        %parallel_loop3A_790 = tpu.vector_load %arg8[%parallel_loop3A_786, %parallel_loop3A_787, %parallel_loop3A_788, %parallel_loop3A_789] {strides = array<i32>} : memref<2x3x80x32xf32, #tpu.memory_space<vmem>>, vector<1x1x1x16xf32>,
        %parallel_loop3A_791 = vector.shape_cast %parallel_loop3A_790 : vector<1x1x1x16xf32> to vector<16xf32>
        %parallel_loop3A_792 = arith.addf %parallel_loop3A_784, %parallel_loop3A_791 : vector<16xf32>
        %parallel_loop3A_793 = arith.constant 2.000000e-01 : f32
        %parallel_loop3A_794 = vector.broadcast %parallel_loop3A_793 : f32 to vector<16xf32>
        %parallel_loop3A_795 = arith.mulf %parallel_loop3A_794, %parallel_loop3A_792 : vector<16xf32>
        %parallel_loop3A_796 = arith.maximumf %parallel_loop3A_792, %parallel_loop3A_795 : vector<16xf32>
        %parallel_loop3A_797 = arith.constant 13 : i32
        %parallel_loop3A_798 = arith.addi %parallel_loop3A_417, %parallel_loop3A_797 : i32
        %parallel_loop3A_799 = arith.constant 0 : i32
        %parallel_loop3A_800 = arith.index_cast %rem3A_255 : i32 to index
        %parallel_loop3A_801 = arith.index_cast %parallel_loop3A_799 : i32 to index
        %parallel_loop3A_802 = arith.index_cast %parallel_loop3A_798 : i32 to index
        %parallel_loop3A_803 = arith.index_cast %parallel_loop3A_419 : i32 to index
        %parallel_loop3A_804 = tpu.vector_load %arg8[%parallel_loop3A_800, %parallel_loop3A_801, %parallel_loop3A_802, %parallel_loop3A_803] {strides = array<i32>} : memref<2x3x80x32xf32, #tpu.memory_space<vmem>>, vector<1x1x1x16xf32>,
        %parallel_loop3A_805 = vector.shape_cast %parallel_loop3A_804 : vector<1x1x1x16xf32> to vector<16xf32>
        %parallel_loop3A_806 = arith.constant 1 : i32
        %parallel_loop3A_807 = arith.index_cast %rem3A_255 : i32 to index
        %parallel_loop3A_808 = arith.index_cast %parallel_loop3A_806 : i32 to index
        %parallel_loop3A_809 = arith.index_cast %parallel_loop3A_798 : i32 to index
        %parallel_loop3A_810 = arith.index_cast %parallel_loop3A_419 : i32 to index
        %parallel_loop3A_811 = tpu.vector_load %arg8[%parallel_loop3A_807, %parallel_loop3A_808, %parallel_loop3A_809, %parallel_loop3A_810] {strides = array<i32>} : memref<2x3x80x32xf32, #tpu.memory_space<vmem>>, vector<1x1x1x16xf32>,
        %parallel_loop3A_812 = vector.shape_cast %parallel_loop3A_811 : vector<1x1x1x16xf32> to vector<16xf32>
        %parallel_loop3A_813 = arith.addf %parallel_loop3A_805, %parallel_loop3A_812 : vector<16xf32>
        %parallel_loop3A_814 = arith.constant 2 : i32
        %parallel_loop3A_815 = arith.index_cast %rem3A_255 : i32 to index
        %parallel_loop3A_816 = arith.index_cast %parallel_loop3A_814 : i32 to index
        %parallel_loop3A_817 = arith.index_cast %parallel_loop3A_798 : i32 to index
        %parallel_loop3A_818 = arith.index_cast %parallel_loop3A_419 : i32 to index
        %parallel_loop3A_819 = tpu.vector_load %arg8[%parallel_loop3A_815, %parallel_loop3A_816, %parallel_loop3A_817, %parallel_loop3A_818] {strides = array<i32>} : memref<2x3x80x32xf32, #tpu.memory_space<vmem>>, vector<1x1x1x16xf32>,
        %parallel_loop3A_820 = vector.shape_cast %parallel_loop3A_819 : vector<1x1x1x16xf32> to vector<16xf32>
        %parallel_loop3A_821 = arith.addf %parallel_loop3A_813, %parallel_loop3A_820 : vector<16xf32>
        %parallel_loop3A_822 = arith.constant 2.000000e-01 : f32
        %parallel_loop3A_823 = vector.broadcast %parallel_loop3A_822 : f32 to vector<16xf32>
        %parallel_loop3A_824 = arith.mulf %parallel_loop3A_823, %parallel_loop3A_821 : vector<16xf32>
        %parallel_loop3A_825 = arith.maximumf %parallel_loop3A_821, %parallel_loop3A_824 : vector<16xf32>
        %parallel_loop3A_826 = arith.constant 14 : i32
        %parallel_loop3A_827 = arith.addi %parallel_loop3A_417, %parallel_loop3A_826 : i32
        %parallel_loop3A_828 = arith.constant 0 : i32
        %parallel_loop3A_829 = arith.index_cast %rem3A_255 : i32 to index
        %parallel_loop3A_830 = arith.index_cast %parallel_loop3A_828 : i32 to index
        %parallel_loop3A_831 = arith.index_cast %parallel_loop3A_827 : i32 to index
        %parallel_loop3A_832 = arith.index_cast %parallel_loop3A_419 : i32 to index
        %parallel_loop3A_833 = tpu.vector_load %arg8[%parallel_loop3A_829, %parallel_loop3A_830, %parallel_loop3A_831, %parallel_loop3A_832] {strides = array<i32>} : memref<2x3x80x32xf32, #tpu.memory_space<vmem>>, vector<1x1x1x16xf32>,
        %parallel_loop3A_834 = vector.shape_cast %parallel_loop3A_833 : vector<1x1x1x16xf32> to vector<16xf32>
        %parallel_loop3A_835 = arith.constant 1 : i32
        %parallel_loop3A_836 = arith.index_cast %rem3A_255 : i32 to index
        %parallel_loop3A_837 = arith.index_cast %parallel_loop3A_835 : i32 to index
        %parallel_loop3A_838 = arith.index_cast %parallel_loop3A_827 : i32 to index
        %parallel_loop3A_839 = arith.index_cast %parallel_loop3A_419 : i32 to index
        %parallel_loop3A_840 = tpu.vector_load %arg8[%parallel_loop3A_836, %parallel_loop3A_837, %parallel_loop3A_838, %parallel_loop3A_839] {strides = array<i32>} : memref<2x3x80x32xf32, #tpu.memory_space<vmem>>, vector<1x1x1x16xf32>,
        %parallel_loop3A_841 = vector.shape_cast %parallel_loop3A_840 : vector<1x1x1x16xf32> to vector<16xf32>
        %parallel_loop3A_842 = arith.addf %parallel_loop3A_834, %parallel_loop3A_841 : vector<16xf32>
        %parallel_loop3A_843 = arith.constant 2 : i32
        %parallel_loop3A_844 = arith.index_cast %rem3A_255 : i32 to index
        %parallel_loop3A_845 = arith.index_cast %parallel_loop3A_843 : i32 to index
        %parallel_loop3A_846 = arith.index_cast %parallel_loop3A_827 : i32 to index
        %parallel_loop3A_847 = arith.index_cast %parallel_loop3A_419 : i32 to index
        %parallel_loop3A_848 = tpu.vector_load %arg8[%parallel_loop3A_844, %parallel_loop3A_845, %parallel_loop3A_846, %parallel_loop3A_847] {strides = array<i32>} : memref<2x3x80x32xf32, #tpu.memory_space<vmem>>, vector<1x1x1x16xf32>,
        %parallel_loop3A_849 = vector.shape_cast %parallel_loop3A_848 : vector<1x1x1x16xf32> to vector<16xf32>
        %parallel_loop3A_850 = arith.addf %parallel_loop3A_842, %parallel_loop3A_849 : vector<16xf32>
        %parallel_loop3A_851 = arith.constant 2.000000e-01 : f32
        %parallel_loop3A_852 = vector.broadcast %parallel_loop3A_851 : f32 to vector<16xf32>
        %parallel_loop3A_853 = arith.mulf %parallel_loop3A_852, %parallel_loop3A_850 : vector<16xf32>
        %parallel_loop3A_854 = arith.maximumf %parallel_loop3A_850, %parallel_loop3A_853 : vector<16xf32>
        %parallel_loop3A_855 = arith.constant 15 : i32
        %parallel_loop3A_856 = arith.addi %parallel_loop3A_417, %parallel_loop3A_855 : i32
        %parallel_loop3A_857 = arith.constant 0 : i32
        %parallel_loop3A_858 = arith.index_cast %rem3A_255 : i32 to index
        %parallel_loop3A_859 = arith.index_cast %parallel_loop3A_857 : i32 to index
        %parallel_loop3A_860 = arith.index_cast %parallel_loop3A_856 : i32 to index
        %parallel_loop3A_861 = arith.index_cast %parallel_loop3A_419 : i32 to index
        %parallel_loop3A_862 = tpu.vector_load %arg8[%parallel_loop3A_858, %parallel_loop3A_859, %parallel_loop3A_860, %parallel_loop3A_861] {strides = array<i32>} : memref<2x3x80x32xf32, #tpu.memory_space<vmem>>, vector<1x1x1x16xf32>,
        %parallel_loop3A_863 = vector.shape_cast %parallel_loop3A_862 : vector<1x1x1x16xf32> to vector<16xf32>
        %parallel_loop3A_864 = arith.constant 1 : i32
        %parallel_loop3A_865 = arith.index_cast %rem3A_255 : i32 to index
        %parallel_loop3A_866 = arith.index_cast %parallel_loop3A_864 : i32 to index
        %parallel_loop3A_867 = arith.index_cast %parallel_loop3A_856 : i32 to index
        %parallel_loop3A_868 = arith.index_cast %parallel_loop3A_419 : i32 to index
        %parallel_loop3A_869 = tpu.vector_load %arg8[%parallel_loop3A_865, %parallel_loop3A_866, %parallel_loop3A_867, %parallel_loop3A_868] {strides = array<i32>} : memref<2x3x80x32xf32, #tpu.memory_space<vmem>>, vector<1x1x1x16xf32>,
        %parallel_loop3A_870 = vector.shape_cast %parallel_loop3A_869 : vector<1x1x1x16xf32> to vector<16xf32>
        %parallel_loop3A_871 = arith.addf %parallel_loop3A_863, %parallel_loop3A_870 : vector<16xf32>
        %parallel_loop3A_872 = arith.constant 2 : i32
        %parallel_loop3A_873 = arith.index_cast %rem3A_255 : i32 to index
        %parallel_loop3A_874 = arith.index_cast %parallel_loop3A_872 : i32 to index
        %parallel_loop3A_875 = arith.index_cast %parallel_loop3A_856 : i32 to index
        %parallel_loop3A_876 = arith.index_cast %parallel_loop3A_419 : i32 to index
        %parallel_loop3A_877 = tpu.vector_load %arg8[%parallel_loop3A_873, %parallel_loop3A_874, %parallel_loop3A_875, %parallel_loop3A_876] {strides = array<i32>} : memref<2x3x80x32xf32, #tpu.memory_space<vmem>>, vector<1x1x1x16xf32>,
        %parallel_loop3A_878 = vector.shape_cast %parallel_loop3A_877 : vector<1x1x1x16xf32> to vector<16xf32>
        %parallel_loop3A_879 = arith.addf %parallel_loop3A_871, %parallel_loop3A_878 : vector<16xf32>
        %parallel_loop3A_880 = arith.constant 2.000000e-01 : f32
        %parallel_loop3A_881 = vector.broadcast %parallel_loop3A_880 : f32 to vector<16xf32>
        %parallel_loop3A_882 = arith.mulf %parallel_loop3A_881, %parallel_loop3A_879 : vector<16xf32>
        %parallel_loop3A_883 = arith.maximumf %parallel_loop3A_879, %parallel_loop3A_882 : vector<16xf32>
        %parallel_loop3A_884 = arith.constant 1 : i32
        %parallel_loop3A_885 = vector.broadcast %parallel_loop3A_884 : i32 to vector<16xi32>
        %parallel_loop3A_886 = arith.xori %iota3A, %parallel_loop3A_885 : vector<16xi32>
        %parallel_loop3A_887 = arith.constant 1 : i32
        %parallel_loop3A_888 = vector.broadcast %parallel_loop3A_887 : i32 to vector<16xi32>
        %parallel_loop3A_889 = arith.andi %iota3A, %parallel_loop3A_888 : vector<16xi32>
        %parallel_loop3A_890 = arith.constant 0 : i32
        %parallel_loop3A_891 = vector.broadcast %parallel_loop3A_890 : i32 to vector<16xi32>
        %parallel_loop3A_892 = arith.cmpi eq, %parallel_loop3A_889, %parallel_loop3A_891 : vector<16xi32>
        %parallel_loop3A_893 = arith.constant 0 : i32
        %parallel_loop3A_894 = vector.broadcast %parallel_loop3A_893 : i32 to vector<16xi32>
        %parallel_loop3A_895 = arith.cmpi slt, %parallel_loop3A_886, %parallel_loop3A_894 : vector<16xi32>
        %parallel_loop3A_896 = arith.constant 16 : i32
        %parallel_loop3A_897 = vector.broadcast %parallel_loop3A_896 : i32 to vector<16xi32>
        %parallel_loop3A_898 = arith.addi %parallel_loop3A_886, %parallel_loop3A_897 : vector<16xi32>
        %parallel_loop3A_899 = arith.select %parallel_loop3A_895, %parallel_loop3A_898, %parallel_loop3A_886 : vector<16xi1>, vector<16xi32>
        %parallel_loop3A_900 = vector.shape_cast %parallel_loop3A_899 : vector<16xi32> to vector<16x1xi32>
        %parallel_loop3A_901 = vector.shape_cast %parallel_loop3A_900 : vector<16x1xi32> to vector<16xi32>
        %parallel_loop3A_902 = tpu.dynamic_gather %parallel_loop3A_477[%parallel_loop3A_901] in [0] : vector<16xf32>, vector<16xi32> -> vector<16xf32>
        %parallel_loop3A_903 = arith.select %parallel_loop3A_892, %parallel_loop3A_448, %parallel_loop3A_902 : vector<16xi1>, vector<16xf32>
        %parallel_loop3A_904 = arith.constant 1 : i32
        %parallel_loop3A_905 = vector.broadcast %parallel_loop3A_904 : i32 to vector<16xi32>
        %parallel_loop3A_906 = arith.andi %iota3A, %parallel_loop3A_905 : vector<16xi32>
        %parallel_loop3A_907 = arith.constant 1 : i32
        %parallel_loop3A_908 = vector.broadcast %parallel_loop3A_907 : i32 to vector<16xi32>
        %parallel_loop3A_909 = arith.cmpi eq, %parallel_loop3A_906, %parallel_loop3A_908 : vector<16xi32>
        %parallel_loop3A_910 = arith.constant 0 : i32
        %parallel_loop3A_911 = vector.broadcast %parallel_loop3A_910 : i32 to vector<16xi32>
        %parallel_loop3A_912 = arith.cmpi slt, %parallel_loop3A_886, %parallel_loop3A_911 : vector<16xi32>
        %parallel_loop3A_913 = arith.constant 16 : i32
        %parallel_loop3A_914 = vector.broadcast %parallel_loop3A_913 : i32 to vector<16xi32>
        %parallel_loop3A_915 = arith.addi %parallel_loop3A_886, %parallel_loop3A_914 : vector<16xi32>
        %parallel_loop3A_916 = arith.select %parallel_loop3A_912, %parallel_loop3A_915, %parallel_loop3A_886 : vector<16xi1>, vector<16xi32>
        %parallel_loop3A_917 = vector.shape_cast %parallel_loop3A_916 : vector<16xi32> to vector<16x1xi32>
        %parallel_loop3A_918 = vector.shape_cast %parallel_loop3A_917 : vector<16x1xi32> to vector<16xi32>
        %parallel_loop3A_919 = tpu.dynamic_gather %parallel_loop3A_448[%parallel_loop3A_918] in [0] : vector<16xf32>, vector<16xi32> -> vector<16xf32>
        %parallel_loop3A_920 = arith.select %parallel_loop3A_909, %parallel_loop3A_477, %parallel_loop3A_919 : vector<16xi1>, vector<16xf32>
        %parallel_loop3A_921 = arith.constant 1 : i32
        %parallel_loop3A_922 = vector.broadcast %parallel_loop3A_921 : i32 to vector<16xi32>
        %parallel_loop3A_923 = arith.andi %iota3A, %parallel_loop3A_922 : vector<16xi32>
        %parallel_loop3A_924 = arith.constant 0 : i32
        %parallel_loop3A_925 = vector.broadcast %parallel_loop3A_924 : i32 to vector<16xi32>
        %parallel_loop3A_926 = arith.cmpi eq, %parallel_loop3A_923, %parallel_loop3A_925 : vector<16xi32>
        %parallel_loop3A_927 = arith.constant 0 : i32
        %parallel_loop3A_928 = vector.broadcast %parallel_loop3A_927 : i32 to vector<16xi32>
        %parallel_loop3A_929 = arith.cmpi slt, %parallel_loop3A_886, %parallel_loop3A_928 : vector<16xi32>
        %parallel_loop3A_930 = arith.constant 16 : i32
        %parallel_loop3A_931 = vector.broadcast %parallel_loop3A_930 : i32 to vector<16xi32>
        %parallel_loop3A_932 = arith.addi %parallel_loop3A_886, %parallel_loop3A_931 : vector<16xi32>
        %parallel_loop3A_933 = arith.select %parallel_loop3A_929, %parallel_loop3A_932, %parallel_loop3A_886 : vector<16xi1>, vector<16xi32>
        %parallel_loop3A_934 = vector.shape_cast %parallel_loop3A_933 : vector<16xi32> to vector<16x1xi32>
        %parallel_loop3A_935 = vector.shape_cast %parallel_loop3A_934 : vector<16x1xi32> to vector<16xi32>
        %parallel_loop3A_936 = tpu.dynamic_gather %parallel_loop3A_535[%parallel_loop3A_935] in [0] : vector<16xf32>, vector<16xi32> -> vector<16xf32>
        %parallel_loop3A_937 = arith.select %parallel_loop3A_926, %parallel_loop3A_506, %parallel_loop3A_936 : vector<16xi1>, vector<16xf32>
        %parallel_loop3A_938 = arith.constant 1 : i32
        %parallel_loop3A_939 = vector.broadcast %parallel_loop3A_938 : i32 to vector<16xi32>
        %parallel_loop3A_940 = arith.andi %iota3A, %parallel_loop3A_939 : vector<16xi32>
        %parallel_loop3A_941 = arith.constant 1 : i32
        %parallel_loop3A_942 = vector.broadcast %parallel_loop3A_941 : i32 to vector<16xi32>
        %parallel_loop3A_943 = arith.cmpi eq, %parallel_loop3A_940, %parallel_loop3A_942 : vector<16xi32>
        %parallel_loop3A_944 = arith.constant 0 : i32
        %parallel_loop3A_945 = vector.broadcast %parallel_loop3A_944 : i32 to vector<16xi32>
        %parallel_loop3A_946 = arith.cmpi slt, %parallel_loop3A_886, %parallel_loop3A_945 : vector<16xi32>
        %parallel_loop3A_947 = arith.constant 16 : i32
        %parallel_loop3A_948 = vector.broadcast %parallel_loop3A_947 : i32 to vector<16xi32>
        %parallel_loop3A_949 = arith.addi %parallel_loop3A_886, %parallel_loop3A_948 : vector<16xi32>
        %parallel_loop3A_950 = arith.select %parallel_loop3A_946, %parallel_loop3A_949, %parallel_loop3A_886 : vector<16xi1>, vector<16xi32>
        %parallel_loop3A_951 = vector.shape_cast %parallel_loop3A_950 : vector<16xi32> to vector<16x1xi32>
        %parallel_loop3A_952 = vector.shape_cast %parallel_loop3A_951 : vector<16x1xi32> to vector<16xi32>
        %parallel_loop3A_953 = tpu.dynamic_gather %parallel_loop3A_506[%parallel_loop3A_952] in [0] : vector<16xf32>, vector<16xi32> -> vector<16xf32>
        %parallel_loop3A_954 = arith.select %parallel_loop3A_943, %parallel_loop3A_535, %parallel_loop3A_953 : vector<16xi1>, vector<16xf32>
        %parallel_loop3A_955 = arith.constant 1 : i32
        %parallel_loop3A_956 = vector.broadcast %parallel_loop3A_955 : i32 to vector<16xi32>
        %parallel_loop3A_957 = arith.andi %iota3A, %parallel_loop3A_956 : vector<16xi32>
        %parallel_loop3A_958 = arith.constant 0 : i32
        %parallel_loop3A_959 = vector.broadcast %parallel_loop3A_958 : i32 to vector<16xi32>
        %parallel_loop3A_960 = arith.cmpi eq, %parallel_loop3A_957, %parallel_loop3A_959 : vector<16xi32>
        %parallel_loop3A_961 = arith.constant 0 : i32
        %parallel_loop3A_962 = vector.broadcast %parallel_loop3A_961 : i32 to vector<16xi32>
        %parallel_loop3A_963 = arith.cmpi slt, %parallel_loop3A_886, %parallel_loop3A_962 : vector<16xi32>
        %parallel_loop3A_964 = arith.constant 16 : i32
        %parallel_loop3A_965 = vector.broadcast %parallel_loop3A_964 : i32 to vector<16xi32>
        %parallel_loop3A_966 = arith.addi %parallel_loop3A_886, %parallel_loop3A_965 : vector<16xi32>
        %parallel_loop3A_967 = arith.select %parallel_loop3A_963, %parallel_loop3A_966, %parallel_loop3A_886 : vector<16xi1>, vector<16xi32>
        %parallel_loop3A_968 = vector.shape_cast %parallel_loop3A_967 : vector<16xi32> to vector<16x1xi32>
        %parallel_loop3A_969 = vector.shape_cast %parallel_loop3A_968 : vector<16x1xi32> to vector<16xi32>
        %parallel_loop3A_970 = tpu.dynamic_gather %parallel_loop3A_593[%parallel_loop3A_969] in [0] : vector<16xf32>, vector<16xi32> -> vector<16xf32>
        %parallel_loop3A_971 = arith.select %parallel_loop3A_960, %parallel_loop3A_564, %parallel_loop3A_970 : vector<16xi1>, vector<16xf32>
        %parallel_loop3A_972 = arith.constant 1 : i32
        %parallel_loop3A_973 = vector.broadcast %parallel_loop3A_972 : i32 to vector<16xi32>
        %parallel_loop3A_974 = arith.andi %iota3A, %parallel_loop3A_973 : vector<16xi32>
        %parallel_loop3A_975 = arith.constant 1 : i32
        %parallel_loop3A_976 = vector.broadcast %parallel_loop3A_975 : i32 to vector<16xi32>
        %parallel_loop3A_977 = arith.cmpi eq, %parallel_loop3A_974, %parallel_loop3A_976 : vector<16xi32>
        %parallel_loop3A_978 = arith.constant 0 : i32
        %parallel_loop3A_979 = vector.broadcast %parallel_loop3A_978 : i32 to vector<16xi32>
        %parallel_loop3A_980 = arith.cmpi slt, %parallel_loop3A_886, %parallel_loop3A_979 : vector<16xi32>
        %parallel_loop3A_981 = arith.constant 16 : i32
        %parallel_loop3A_982 = vector.broadcast %parallel_loop3A_981 : i32 to vector<16xi32>
        %parallel_loop3A_983 = arith.addi %parallel_loop3A_886, %parallel_loop3A_982 : vector<16xi32>
        %parallel_loop3A_984 = arith.select %parallel_loop3A_980, %parallel_loop3A_983, %parallel_loop3A_886 : vector<16xi1>, vector<16xi32>
        %parallel_loop3A_985 = vector.shape_cast %parallel_loop3A_984 : vector<16xi32> to vector<16x1xi32>
        %parallel_loop3A_986 = vector.shape_cast %parallel_loop3A_985 : vector<16x1xi32> to vector<16xi32>
        %parallel_loop3A_987 = tpu.dynamic_gather %parallel_loop3A_564[%parallel_loop3A_986] in [0] : vector<16xf32>, vector<16xi32> -> vector<16xf32>
        %parallel_loop3A_988 = arith.select %parallel_loop3A_977, %parallel_loop3A_593, %parallel_loop3A_987 : vector<16xi1>, vector<16xf32>
        %parallel_loop3A_989 = arith.constant 1 : i32
        %parallel_loop3A_990 = vector.broadcast %parallel_loop3A_989 : i32 to vector<16xi32>
        %parallel_loop3A_991 = arith.andi %iota3A, %parallel_loop3A_990 : vector<16xi32>
        %parallel_loop3A_992 = arith.constant 0 : i32
        %parallel_loop3A_993 = vector.broadcast %parallel_loop3A_992 : i32 to vector<16xi32>
        %parallel_loop3A_994 = arith.cmpi eq, %parallel_loop3A_991, %parallel_loop3A_993 : vector<16xi32>
        %parallel_loop3A_995 = arith.constant 0 : i32
        %parallel_loop3A_996 = vector.broadcast %parallel_loop3A_995 : i32 to vector<16xi32>
        %parallel_loop3A_997 = arith.cmpi slt, %parallel_loop3A_886, %parallel_loop3A_996 : vector<16xi32>
        %parallel_loop3A_998 = arith.constant 16 : i32
        %parallel_loop3A_999 = vector.broadcast %parallel_loop3A_998 : i32 to vector<16xi32>
        %parallel_loop3A_1000 = arith.addi %parallel_loop3A_886, %parallel_loop3A_999 : vector<16xi32>
        %parallel_loop3A_1001 = arith.select %parallel_loop3A_997, %parallel_loop3A_1000, %parallel_loop3A_886 : vector<16xi1>, vector<16xi32>
        %parallel_loop3A_1002 = vector.shape_cast %parallel_loop3A_1001 : vector<16xi32> to vector<16x1xi32>
        %parallel_loop3A_1003 = vector.shape_cast %parallel_loop3A_1002 : vector<16x1xi32> to vector<16xi32>
        %parallel_loop3A_1004 = tpu.dynamic_gather %parallel_loop3A_651[%parallel_loop3A_1003] in [0] : vector<16xf32>, vector<16xi32> -> vector<16xf32>
        %parallel_loop3A_1005 = arith.select %parallel_loop3A_994, %parallel_loop3A_622, %parallel_loop3A_1004 : vector<16xi1>, vector<16xf32>
        %parallel_loop3A_1006 = arith.constant 1 : i32
        %parallel_loop3A_1007 = vector.broadcast %parallel_loop3A_1006 : i32 to vector<16xi32>
        %parallel_loop3A_1008 = arith.andi %iota3A, %parallel_loop3A_1007 : vector<16xi32>
        %parallel_loop3A_1009 = arith.constant 1 : i32
        %parallel_loop3A_1010 = vector.broadcast %parallel_loop3A_1009 : i32 to vector<16xi32>
        %parallel_loop3A_1011 = arith.cmpi eq, %parallel_loop3A_1008, %parallel_loop3A_1010 : vector<16xi32>
        %parallel_loop3A_1012 = arith.constant 0 : i32
        %parallel_loop3A_1013 = vector.broadcast %parallel_loop3A_1012 : i32 to vector<16xi32>
        %parallel_loop3A_1014 = arith.cmpi slt, %parallel_loop3A_886, %parallel_loop3A_1013 : vector<16xi32>
        %parallel_loop3A_1015 = arith.constant 16 : i32
        %parallel_loop3A_1016 = vector.broadcast %parallel_loop3A_1015 : i32 to vector<16xi32>
        %parallel_loop3A_1017 = arith.addi %parallel_loop3A_886, %parallel_loop3A_1016 : vector<16xi32>
        %parallel_loop3A_1018 = arith.select %parallel_loop3A_1014, %parallel_loop3A_1017, %parallel_loop3A_886 : vector<16xi1>, vector<16xi32>
        %parallel_loop3A_1019 = vector.shape_cast %parallel_loop3A_1018 : vector<16xi32> to vector<16x1xi32>
        %parallel_loop3A_1020 = vector.shape_cast %parallel_loop3A_1019 : vector<16x1xi32> to vector<16xi32>
        %parallel_loop3A_1021 = tpu.dynamic_gather %parallel_loop3A_622[%parallel_loop3A_1020] in [0] : vector<16xf32>, vector<16xi32> -> vector<16xf32>
        %parallel_loop3A_1022 = arith.select %parallel_loop3A_1011, %parallel_loop3A_651, %parallel_loop3A_1021 : vector<16xi1>, vector<16xf32>
        %parallel_loop3A_1023 = arith.constant 1 : i32
        %parallel_loop3A_1024 = vector.broadcast %parallel_loop3A_1023 : i32 to vector<16xi32>
        %parallel_loop3A_1025 = arith.andi %iota3A, %parallel_loop3A_1024 : vector<16xi32>
        %parallel_loop3A_1026 = arith.constant 0 : i32
        %parallel_loop3A_1027 = vector.broadcast %parallel_loop3A_1026 : i32 to vector<16xi32>
        %parallel_loop3A_1028 = arith.cmpi eq, %parallel_loop3A_1025, %parallel_loop3A_1027 : vector<16xi32>
        %parallel_loop3A_1029 = arith.constant 0 : i32
        %parallel_loop3A_1030 = vector.broadcast %parallel_loop3A_1029 : i32 to vector<16xi32>
        %parallel_loop3A_1031 = arith.cmpi slt, %parallel_loop3A_886, %parallel_loop3A_1030 : vector<16xi32>
        %parallel_loop3A_1032 = arith.constant 16 : i32
        %parallel_loop3A_1033 = vector.broadcast %parallel_loop3A_1032 : i32 to vector<16xi32>
        %parallel_loop3A_1034 = arith.addi %parallel_loop3A_886, %parallel_loop3A_1033 : vector<16xi32>
        %parallel_loop3A_1035 = arith.select %parallel_loop3A_1031, %parallel_loop3A_1034, %parallel_loop3A_886 : vector<16xi1>, vector<16xi32>
        %parallel_loop3A_1036 = vector.shape_cast %parallel_loop3A_1035 : vector<16xi32> to vector<16x1xi32>
        %parallel_loop3A_1037 = vector.shape_cast %parallel_loop3A_1036 : vector<16x1xi32> to vector<16xi32>
        %parallel_loop3A_1038 = tpu.dynamic_gather %parallel_loop3A_709[%parallel_loop3A_1037] in [0] : vector<16xf32>, vector<16xi32> -> vector<16xf32>
        %parallel_loop3A_1039 = arith.select %parallel_loop3A_1028, %parallel_loop3A_680, %parallel_loop3A_1038 : vector<16xi1>, vector<16xf32>
        %parallel_loop3A_1040 = arith.constant 1 : i32
        %parallel_loop3A_1041 = vector.broadcast %parallel_loop3A_1040 : i32 to vector<16xi32>
        %parallel_loop3A_1042 = arith.andi %iota3A, %parallel_loop3A_1041 : vector<16xi32>
        %parallel_loop3A_1043 = arith.constant 1 : i32
        %parallel_loop3A_1044 = vector.broadcast %parallel_loop3A_1043 : i32 to vector<16xi32>
        %parallel_loop3A_1045 = arith.cmpi eq, %parallel_loop3A_1042, %parallel_loop3A_1044 : vector<16xi32>
        %parallel_loop3A_1046 = arith.constant 0 : i32
        %parallel_loop3A_1047 = vector.broadcast %parallel_loop3A_1046 : i32 to vector<16xi32>
        %parallel_loop3A_1048 = arith.cmpi slt, %parallel_loop3A_886, %parallel_loop3A_1047 : vector<16xi32>
        %parallel_loop3A_1049 = arith.constant 16 : i32
        %parallel_loop3A_1050 = vector.broadcast %parallel_loop3A_1049 : i32 to vector<16xi32>
        %parallel_loop3A_1051 = arith.addi %parallel_loop3A_886, %parallel_loop3A_1050 : vector<16xi32>
        %parallel_loop3A_1052 = arith.select %parallel_loop3A_1048, %parallel_loop3A_1051, %parallel_loop3A_886 : vector<16xi1>, vector<16xi32>
        %parallel_loop3A_1053 = vector.shape_cast %parallel_loop3A_1052 : vector<16xi32> to vector<16x1xi32>
        %parallel_loop3A_1054 = vector.shape_cast %parallel_loop3A_1053 : vector<16x1xi32> to vector<16xi32>
        %parallel_loop3A_1055 = tpu.dynamic_gather %parallel_loop3A_680[%parallel_loop3A_1054] in [0] : vector<16xf32>, vector<16xi32> -> vector<16xf32>
        %parallel_loop3A_1056 = arith.select %parallel_loop3A_1045, %parallel_loop3A_709, %parallel_loop3A_1055 : vector<16xi1>, vector<16xf32>
        %parallel_loop3A_1057 = arith.constant 1 : i32
        %parallel_loop3A_1058 = vector.broadcast %parallel_loop3A_1057 : i32 to vector<16xi32>
        %parallel_loop3A_1059 = arith.andi %iota3A, %parallel_loop3A_1058 : vector<16xi32>
        %parallel_loop3A_1060 = arith.constant 0 : i32
        %parallel_loop3A_1061 = vector.broadcast %parallel_loop3A_1060 : i32 to vector<16xi32>
        %parallel_loop3A_1062 = arith.cmpi eq, %parallel_loop3A_1059, %parallel_loop3A_1061 : vector<16xi32>
        %parallel_loop3A_1063 = arith.constant 0 : i32
        %parallel_loop3A_1064 = vector.broadcast %parallel_loop3A_1063 : i32 to vector<16xi32>
        %parallel_loop3A_1065 = arith.cmpi slt, %parallel_loop3A_886, %parallel_loop3A_1064 : vector<16xi32>
        %parallel_loop3A_1066 = arith.constant 16 : i32
        %parallel_loop3A_1067 = vector.broadcast %parallel_loop3A_1066 : i32 to vector<16xi32>
        %parallel_loop3A_1068 = arith.addi %parallel_loop3A_886, %parallel_loop3A_1067 : vector<16xi32>
        %parallel_loop3A_1069 = arith.select %parallel_loop3A_1065, %parallel_loop3A_1068, %parallel_loop3A_886 : vector<16xi1>, vector<16xi32>
        %parallel_loop3A_1070 = vector.shape_cast %parallel_loop3A_1069 : vector<16xi32> to vector<16x1xi32>
        %parallel_loop3A_1071 = vector.shape_cast %parallel_loop3A_1070 : vector<16x1xi32> to vector<16xi32>
        %parallel_loop3A_1072 = tpu.dynamic_gather %parallel_loop3A_767[%parallel_loop3A_1071] in [0] : vector<16xf32>, vector<16xi32> -> vector<16xf32>
        %parallel_loop3A_1073 = arith.select %parallel_loop3A_1062, %parallel_loop3A_738, %parallel_loop3A_1072 : vector<16xi1>, vector<16xf32>
        %parallel_loop3A_1074 = arith.constant 1 : i32
        %parallel_loop3A_1075 = vector.broadcast %parallel_loop3A_1074 : i32 to vector<16xi32>
        %parallel_loop3A_1076 = arith.andi %iota3A, %parallel_loop3A_1075 : vector<16xi32>
        %parallel_loop3A_1077 = arith.constant 1 : i32
        %parallel_loop3A_1078 = vector.broadcast %parallel_loop3A_1077 : i32 to vector<16xi32>
        %parallel_loop3A_1079 = arith.cmpi eq, %parallel_loop3A_1076, %parallel_loop3A_1078 : vector<16xi32>
        %parallel_loop3A_1080 = arith.constant 0 : i32
        %parallel_loop3A_1081 = vector.broadcast %parallel_loop3A_1080 : i32 to vector<16xi32>
        %parallel_loop3A_1082 = arith.cmpi slt, %parallel_loop3A_886, %parallel_loop3A_1081 : vector<16xi32>
        %parallel_loop3A_1083 = arith.constant 16 : i32
        %parallel_loop3A_1084 = vector.broadcast %parallel_loop3A_1083 : i32 to vector<16xi32>
        %parallel_loop3A_1085 = arith.addi %parallel_loop3A_886, %parallel_loop3A_1084 : vector<16xi32>
        %parallel_loop3A_1086 = arith.select %parallel_loop3A_1082, %parallel_loop3A_1085, %parallel_loop3A_886 : vector<16xi1>, vector<16xi32>
        %parallel_loop3A_1087 = vector.shape_cast %parallel_loop3A_1086 : vector<16xi32> to vector<16x1xi32>
        %parallel_loop3A_1088 = vector.shape_cast %parallel_loop3A_1087 : vector<16x1xi32> to vector<16xi32>
        %parallel_loop3A_1089 = tpu.dynamic_gather %parallel_loop3A_738[%parallel_loop3A_1088] in [0] : vector<16xf32>, vector<16xi32> -> vector<16xf32>
        %parallel_loop3A_1090 = arith.select %parallel_loop3A_1079, %parallel_loop3A_767, %parallel_loop3A_1089 : vector<16xi1>, vector<16xf32>
        %parallel_loop3A_1091 = arith.constant 1 : i32
        %parallel_loop3A_1092 = vector.broadcast %parallel_loop3A_1091 : i32 to vector<16xi32>
        %parallel_loop3A_1093 = arith.andi %iota3A, %parallel_loop3A_1092 : vector<16xi32>
        %parallel_loop3A_1094 = arith.constant 0 : i32
        %parallel_loop3A_1095 = vector.broadcast %parallel_loop3A_1094 : i32 to vector<16xi32>
        %parallel_loop3A_1096 = arith.cmpi eq, %parallel_loop3A_1093, %parallel_loop3A_1095 : vector<16xi32>
        %parallel_loop3A_1097 = arith.constant 0 : i32
        %parallel_loop3A_1098 = vector.broadcast %parallel_loop3A_1097 : i32 to vector<16xi32>
        %parallel_loop3A_1099 = arith.cmpi slt, %parallel_loop3A_886, %parallel_loop3A_1098 : vector<16xi32>
        %parallel_loop3A_1100 = arith.constant 16 : i32
        %parallel_loop3A_1101 = vector.broadcast %parallel_loop3A_1100 : i32 to vector<16xi32>
        %parallel_loop3A_1102 = arith.addi %parallel_loop3A_886, %parallel_loop3A_1101 : vector<16xi32>
        %parallel_loop3A_1103 = arith.select %parallel_loop3A_1099, %parallel_loop3A_1102, %parallel_loop3A_886 : vector<16xi1>, vector<16xi32>
        %parallel_loop3A_1104 = vector.shape_cast %parallel_loop3A_1103 : vector<16xi32> to vector<16x1xi32>
        %parallel_loop3A_1105 = vector.shape_cast %parallel_loop3A_1104 : vector<16x1xi32> to vector<16xi32>
        %parallel_loop3A_1106 = tpu.dynamic_gather %parallel_loop3A_825[%parallel_loop3A_1105] in [0] : vector<16xf32>, vector<16xi32> -> vector<16xf32>
        %parallel_loop3A_1107 = arith.select %parallel_loop3A_1096, %parallel_loop3A_796, %parallel_loop3A_1106 : vector<16xi1>, vector<16xf32>
        %parallel_loop3A_1108 = arith.constant 1 : i32
        %parallel_loop3A_1109 = vector.broadcast %parallel_loop3A_1108 : i32 to vector<16xi32>
        %parallel_loop3A_1110 = arith.andi %iota3A, %parallel_loop3A_1109 : vector<16xi32>
        %parallel_loop3A_1111 = arith.constant 1 : i32
        %parallel_loop3A_1112 = vector.broadcast %parallel_loop3A_1111 : i32 to vector<16xi32>
        %parallel_loop3A_1113 = arith.cmpi eq, %parallel_loop3A_1110, %parallel_loop3A_1112 : vector<16xi32>
        %parallel_loop3A_1114 = arith.constant 0 : i32
        %parallel_loop3A_1115 = vector.broadcast %parallel_loop3A_1114 : i32 to vector<16xi32>
        %parallel_loop3A_1116 = arith.cmpi slt, %parallel_loop3A_886, %parallel_loop3A_1115 : vector<16xi32>
        %parallel_loop3A_1117 = arith.constant 16 : i32
        %parallel_loop3A_1118 = vector.broadcast %parallel_loop3A_1117 : i32 to vector<16xi32>
        %parallel_loop3A_1119 = arith.addi %parallel_loop3A_886, %parallel_loop3A_1118 : vector<16xi32>
        %parallel_loop3A_1120 = arith.select %parallel_loop3A_1116, %parallel_loop3A_1119, %parallel_loop3A_886 : vector<16xi1>, vector<16xi32>
        %parallel_loop3A_1121 = vector.shape_cast %parallel_loop3A_1120 : vector<16xi32> to vector<16x1xi32>
        %parallel_loop3A_1122 = vector.shape_cast %parallel_loop3A_1121 : vector<16x1xi32> to vector<16xi32>
        %parallel_loop3A_1123 = tpu.dynamic_gather %parallel_loop3A_796[%parallel_loop3A_1122] in [0] : vector<16xf32>, vector<16xi32> -> vector<16xf32>
        %parallel_loop3A_1124 = arith.select %parallel_loop3A_1113, %parallel_loop3A_825, %parallel_loop3A_1123 : vector<16xi1>, vector<16xf32>
        %parallel_loop3A_1125 = arith.constant 1 : i32
        %parallel_loop3A_1126 = vector.broadcast %parallel_loop3A_1125 : i32 to vector<16xi32>
        %parallel_loop3A_1127 = arith.andi %iota3A, %parallel_loop3A_1126 : vector<16xi32>
        %parallel_loop3A_1128 = arith.constant 0 : i32
        %parallel_loop3A_1129 = vector.broadcast %parallel_loop3A_1128 : i32 to vector<16xi32>
        %parallel_loop3A_1130 = arith.cmpi eq, %parallel_loop3A_1127, %parallel_loop3A_1129 : vector<16xi32>
        %parallel_loop3A_1131 = arith.constant 0 : i32
        %parallel_loop3A_1132 = vector.broadcast %parallel_loop3A_1131 : i32 to vector<16xi32>
        %parallel_loop3A_1133 = arith.cmpi slt, %parallel_loop3A_886, %parallel_loop3A_1132 : vector<16xi32>
        %parallel_loop3A_1134 = arith.constant 16 : i32
        %parallel_loop3A_1135 = vector.broadcast %parallel_loop3A_1134 : i32 to vector<16xi32>
        %parallel_loop3A_1136 = arith.addi %parallel_loop3A_886, %parallel_loop3A_1135 : vector<16xi32>
        %parallel_loop3A_1137 = arith.select %parallel_loop3A_1133, %parallel_loop3A_1136, %parallel_loop3A_886 : vector<16xi1>, vector<16xi32>
        %parallel_loop3A_1138 = vector.shape_cast %parallel_loop3A_1137 : vector<16xi32> to vector<16x1xi32>
        %parallel_loop3A_1139 = vector.shape_cast %parallel_loop3A_1138 : vector<16x1xi32> to vector<16xi32>
        %parallel_loop3A_1140 = tpu.dynamic_gather %parallel_loop3A_883[%parallel_loop3A_1139] in [0] : vector<16xf32>, vector<16xi32> -> vector<16xf32>
        %parallel_loop3A_1141 = arith.select %parallel_loop3A_1130, %parallel_loop3A_854, %parallel_loop3A_1140 : vector<16xi1>, vector<16xf32>
        %parallel_loop3A_1142 = arith.constant 1 : i32
        %parallel_loop3A_1143 = vector.broadcast %parallel_loop3A_1142 : i32 to vector<16xi32>
        %parallel_loop3A_1144 = arith.andi %iota3A, %parallel_loop3A_1143 : vector<16xi32>
        %parallel_loop3A_1145 = arith.constant 1 : i32
        %parallel_loop3A_1146 = vector.broadcast %parallel_loop3A_1145 : i32 to vector<16xi32>
        %parallel_loop3A_1147 = arith.cmpi eq, %parallel_loop3A_1144, %parallel_loop3A_1146 : vector<16xi32>
        %parallel_loop3A_1148 = arith.constant 0 : i32
        %parallel_loop3A_1149 = vector.broadcast %parallel_loop3A_1148 : i32 to vector<16xi32>
        %parallel_loop3A_1150 = arith.cmpi slt, %parallel_loop3A_886, %parallel_loop3A_1149 : vector<16xi32>
        %parallel_loop3A_1151 = arith.constant 16 : i32
        %parallel_loop3A_1152 = vector.broadcast %parallel_loop3A_1151 : i32 to vector<16xi32>
        %parallel_loop3A_1153 = arith.addi %parallel_loop3A_886, %parallel_loop3A_1152 : vector<16xi32>
        %parallel_loop3A_1154 = arith.select %parallel_loop3A_1150, %parallel_loop3A_1153, %parallel_loop3A_886 : vector<16xi1>, vector<16xi32>
        %parallel_loop3A_1155 = vector.shape_cast %parallel_loop3A_1154 : vector<16xi32> to vector<16x1xi32>
        %parallel_loop3A_1156 = vector.shape_cast %parallel_loop3A_1155 : vector<16x1xi32> to vector<16xi32>
        %parallel_loop3A_1157 = tpu.dynamic_gather %parallel_loop3A_854[%parallel_loop3A_1156] in [0] : vector<16xf32>, vector<16xi32> -> vector<16xf32>
        %parallel_loop3A_1158 = arith.select %parallel_loop3A_1147, %parallel_loop3A_883, %parallel_loop3A_1157 : vector<16xi1>, vector<16xf32>
        %parallel_loop3A_1159 = arith.constant 2 : i32
        %parallel_loop3A_1160 = vector.broadcast %parallel_loop3A_1159 : i32 to vector<16xi32>
        %parallel_loop3A_1161 = arith.xori %iota3A, %parallel_loop3A_1160 : vector<16xi32>
        %parallel_loop3A_1162 = arith.constant 2 : i32
        %parallel_loop3A_1163 = vector.broadcast %parallel_loop3A_1162 : i32 to vector<16xi32>
        %parallel_loop3A_1164 = arith.andi %iota3A, %parallel_loop3A_1163 : vector<16xi32>
        %parallel_loop3A_1165 = arith.constant 0 : i32
        %parallel_loop3A_1166 = vector.broadcast %parallel_loop3A_1165 : i32 to vector<16xi32>
        %parallel_loop3A_1167 = arith.cmpi eq, %parallel_loop3A_1164, %parallel_loop3A_1166 : vector<16xi32>
        %parallel_loop3A_1168 = arith.constant 0 : i32
        %parallel_loop3A_1169 = vector.broadcast %parallel_loop3A_1168 : i32 to vector<16xi32>
        %parallel_loop3A_1170 = arith.cmpi slt, %parallel_loop3A_1161, %parallel_loop3A_1169 : vector<16xi32>
        %parallel_loop3A_1171 = arith.constant 16 : i32
        %parallel_loop3A_1172 = vector.broadcast %parallel_loop3A_1171 : i32 to vector<16xi32>
        %parallel_loop3A_1173 = arith.addi %parallel_loop3A_1161, %parallel_loop3A_1172 : vector<16xi32>
        %parallel_loop3A_1174 = arith.select %parallel_loop3A_1170, %parallel_loop3A_1173, %parallel_loop3A_1161 : vector<16xi1>, vector<16xi32>
        %parallel_loop3A_1175 = vector.shape_cast %parallel_loop3A_1174 : vector<16xi32> to vector<16x1xi32>
        %parallel_loop3A_1176 = vector.shape_cast %parallel_loop3A_1175 : vector<16x1xi32> to vector<16xi32>
        %parallel_loop3A_1177 = tpu.dynamic_gather %parallel_loop3A_937[%parallel_loop3A_1176] in [0] : vector<16xf32>, vector<16xi32> -> vector<16xf32>
        %parallel_loop3A_1178 = arith.select %parallel_loop3A_1167, %parallel_loop3A_903, %parallel_loop3A_1177 : vector<16xi1>, vector<16xf32>
        %parallel_loop3A_1179 = arith.constant 2 : i32
        %parallel_loop3A_1180 = vector.broadcast %parallel_loop3A_1179 : i32 to vector<16xi32>
        %parallel_loop3A_1181 = arith.andi %iota3A, %parallel_loop3A_1180 : vector<16xi32>
        %parallel_loop3A_1182 = arith.constant 0 : i32
        %parallel_loop3A_1183 = vector.broadcast %parallel_loop3A_1182 : i32 to vector<16xi32>
        %parallel_loop3A_1184 = arith.cmpi eq, %parallel_loop3A_1181, %parallel_loop3A_1183 : vector<16xi32>
        %parallel_loop3A_1185 = arith.constant 0 : i32
        %parallel_loop3A_1186 = vector.broadcast %parallel_loop3A_1185 : i32 to vector<16xi32>
        %parallel_loop3A_1187 = arith.cmpi slt, %parallel_loop3A_1161, %parallel_loop3A_1186 : vector<16xi32>
        %parallel_loop3A_1188 = arith.constant 16 : i32
        %parallel_loop3A_1189 = vector.broadcast %parallel_loop3A_1188 : i32 to vector<16xi32>
        %parallel_loop3A_1190 = arith.addi %parallel_loop3A_1161, %parallel_loop3A_1189 : vector<16xi32>
        %parallel_loop3A_1191 = arith.select %parallel_loop3A_1187, %parallel_loop3A_1190, %parallel_loop3A_1161 : vector<16xi1>, vector<16xi32>
        %parallel_loop3A_1192 = vector.shape_cast %parallel_loop3A_1191 : vector<16xi32> to vector<16x1xi32>
        %parallel_loop3A_1193 = vector.shape_cast %parallel_loop3A_1192 : vector<16x1xi32> to vector<16xi32>
        %parallel_loop3A_1194 = tpu.dynamic_gather %parallel_loop3A_954[%parallel_loop3A_1193] in [0] : vector<16xf32>, vector<16xi32> -> vector<16xf32>
        %parallel_loop3A_1195 = arith.select %parallel_loop3A_1184, %parallel_loop3A_920, %parallel_loop3A_1194 : vector<16xi1>, vector<16xf32>
        %parallel_loop3A_1196 = arith.constant 2 : i32
        %parallel_loop3A_1197 = vector.broadcast %parallel_loop3A_1196 : i32 to vector<16xi32>
        %parallel_loop3A_1198 = arith.andi %iota3A, %parallel_loop3A_1197 : vector<16xi32>
        %parallel_loop3A_1199 = arith.constant 2 : i32
        %parallel_loop3A_1200 = vector.broadcast %parallel_loop3A_1199 : i32 to vector<16xi32>
        %parallel_loop3A_1201 = arith.cmpi eq, %parallel_loop3A_1198, %parallel_loop3A_1200 : vector<16xi32>
        %parallel_loop3A_1202 = arith.constant 0 : i32
        %parallel_loop3A_1203 = vector.broadcast %parallel_loop3A_1202 : i32 to vector<16xi32>
        %parallel_loop3A_1204 = arith.cmpi slt, %parallel_loop3A_1161, %parallel_loop3A_1203 : vector<16xi32>
        %parallel_loop3A_1205 = arith.constant 16 : i32
        %parallel_loop3A_1206 = vector.broadcast %parallel_loop3A_1205 : i32 to vector<16xi32>
        %parallel_loop3A_1207 = arith.addi %parallel_loop3A_1161, %parallel_loop3A_1206 : vector<16xi32>
        %parallel_loop3A_1208 = arith.select %parallel_loop3A_1204, %parallel_loop3A_1207, %parallel_loop3A_1161 : vector<16xi1>, vector<16xi32>
        %parallel_loop3A_1209 = vector.shape_cast %parallel_loop3A_1208 : vector<16xi32> to vector<16x1xi32>
        %parallel_loop3A_1210 = vector.shape_cast %parallel_loop3A_1209 : vector<16x1xi32> to vector<16xi32>
        %parallel_loop3A_1211 = tpu.dynamic_gather %parallel_loop3A_903[%parallel_loop3A_1210] in [0] : vector<16xf32>, vector<16xi32> -> vector<16xf32>
        %parallel_loop3A_1212 = arith.select %parallel_loop3A_1201, %parallel_loop3A_937, %parallel_loop3A_1211 : vector<16xi1>, vector<16xf32>
        %parallel_loop3A_1213 = arith.constant 2 : i32
        %parallel_loop3A_1214 = vector.broadcast %parallel_loop3A_1213 : i32 to vector<16xi32>
        %parallel_loop3A_1215 = arith.andi %iota3A, %parallel_loop3A_1214 : vector<16xi32>
        %parallel_loop3A_1216 = arith.constant 2 : i32
        %parallel_loop3A_1217 = vector.broadcast %parallel_loop3A_1216 : i32 to vector<16xi32>
        %parallel_loop3A_1218 = arith.cmpi eq, %parallel_loop3A_1215, %parallel_loop3A_1217 : vector<16xi32>
        %parallel_loop3A_1219 = arith.constant 0 : i32
        %parallel_loop3A_1220 = vector.broadcast %parallel_loop3A_1219 : i32 to vector<16xi32>
        %parallel_loop3A_1221 = arith.cmpi slt, %parallel_loop3A_1161, %parallel_loop3A_1220 : vector<16xi32>
        %parallel_loop3A_1222 = arith.constant 16 : i32
        %parallel_loop3A_1223 = vector.broadcast %parallel_loop3A_1222 : i32 to vector<16xi32>
        %parallel_loop3A_1224 = arith.addi %parallel_loop3A_1161, %parallel_loop3A_1223 : vector<16xi32>
        %parallel_loop3A_1225 = arith.select %parallel_loop3A_1221, %parallel_loop3A_1224, %parallel_loop3A_1161 : vector<16xi1>, vector<16xi32>
        %parallel_loop3A_1226 = vector.shape_cast %parallel_loop3A_1225 : vector<16xi32> to vector<16x1xi32>
        %parallel_loop3A_1227 = vector.shape_cast %parallel_loop3A_1226 : vector<16x1xi32> to vector<16xi32>
        %parallel_loop3A_1228 = tpu.dynamic_gather %parallel_loop3A_920[%parallel_loop3A_1227] in [0] : vector<16xf32>, vector<16xi32> -> vector<16xf32>
        %parallel_loop3A_1229 = arith.select %parallel_loop3A_1218, %parallel_loop3A_954, %parallel_loop3A_1228 : vector<16xi1>, vector<16xf32>
        %parallel_loop3A_1230 = arith.constant 2 : i32
        %parallel_loop3A_1231 = vector.broadcast %parallel_loop3A_1230 : i32 to vector<16xi32>
        %parallel_loop3A_1232 = arith.andi %iota3A, %parallel_loop3A_1231 : vector<16xi32>
        %parallel_loop3A_1233 = arith.constant 0 : i32
        %parallel_loop3A_1234 = vector.broadcast %parallel_loop3A_1233 : i32 to vector<16xi32>
        %parallel_loop3A_1235 = arith.cmpi eq, %parallel_loop3A_1232, %parallel_loop3A_1234 : vector<16xi32>
        %parallel_loop3A_1236 = arith.constant 0 : i32
        %parallel_loop3A_1237 = vector.broadcast %parallel_loop3A_1236 : i32 to vector<16xi32>
        %parallel_loop3A_1238 = arith.cmpi slt, %parallel_loop3A_1161, %parallel_loop3A_1237 : vector<16xi32>
        %parallel_loop3A_1239 = arith.constant 16 : i32
        %parallel_loop3A_1240 = vector.broadcast %parallel_loop3A_1239 : i32 to vector<16xi32>
        %parallel_loop3A_1241 = arith.addi %parallel_loop3A_1161, %parallel_loop3A_1240 : vector<16xi32>
        %parallel_loop3A_1242 = arith.select %parallel_loop3A_1238, %parallel_loop3A_1241, %parallel_loop3A_1161 : vector<16xi1>, vector<16xi32>
        %parallel_loop3A_1243 = vector.shape_cast %parallel_loop3A_1242 : vector<16xi32> to vector<16x1xi32>
        %parallel_loop3A_1244 = vector.shape_cast %parallel_loop3A_1243 : vector<16x1xi32> to vector<16xi32>
        %parallel_loop3A_1245 = tpu.dynamic_gather %parallel_loop3A_1005[%parallel_loop3A_1244] in [0] : vector<16xf32>, vector<16xi32> -> vector<16xf32>
        %parallel_loop3A_1246 = arith.select %parallel_loop3A_1235, %parallel_loop3A_971, %parallel_loop3A_1245 : vector<16xi1>, vector<16xf32>
        %parallel_loop3A_1247 = arith.constant 2 : i32
        %parallel_loop3A_1248 = vector.broadcast %parallel_loop3A_1247 : i32 to vector<16xi32>
        %parallel_loop3A_1249 = arith.andi %iota3A, %parallel_loop3A_1248 : vector<16xi32>
        %parallel_loop3A_1250 = arith.constant 0 : i32
        %parallel_loop3A_1251 = vector.broadcast %parallel_loop3A_1250 : i32 to vector<16xi32>
        %parallel_loop3A_1252 = arith.cmpi eq, %parallel_loop3A_1249, %parallel_loop3A_1251 : vector<16xi32>
        %parallel_loop3A_1253 = arith.constant 0 : i32
        %parallel_loop3A_1254 = vector.broadcast %parallel_loop3A_1253 : i32 to vector<16xi32>
        %parallel_loop3A_1255 = arith.cmpi slt, %parallel_loop3A_1161, %parallel_loop3A_1254 : vector<16xi32>
        %parallel_loop3A_1256 = arith.constant 16 : i32
        %parallel_loop3A_1257 = vector.broadcast %parallel_loop3A_1256 : i32 to vector<16xi32>
        %parallel_loop3A_1258 = arith.addi %parallel_loop3A_1161, %parallel_loop3A_1257 : vector<16xi32>
        %parallel_loop3A_1259 = arith.select %parallel_loop3A_1255, %parallel_loop3A_1258, %parallel_loop3A_1161 : vector<16xi1>, vector<16xi32>
        %parallel_loop3A_1260 = vector.shape_cast %parallel_loop3A_1259 : vector<16xi32> to vector<16x1xi32>
        %parallel_loop3A_1261 = vector.shape_cast %parallel_loop3A_1260 : vector<16x1xi32> to vector<16xi32>
        %parallel_loop3A_1262 = tpu.dynamic_gather %parallel_loop3A_1022[%parallel_loop3A_1261] in [0] : vector<16xf32>, vector<16xi32> -> vector<16xf32>
        %parallel_loop3A_1263 = arith.select %parallel_loop3A_1252, %parallel_loop3A_988, %parallel_loop3A_1262 : vector<16xi1>, vector<16xf32>
        %parallel_loop3A_1264 = arith.constant 2 : i32
        %parallel_loop3A_1265 = vector.broadcast %parallel_loop3A_1264 : i32 to vector<16xi32>
        %parallel_loop3A_1266 = arith.andi %iota3A, %parallel_loop3A_1265 : vector<16xi32>
        %parallel_loop3A_1267 = arith.constant 2 : i32
        %parallel_loop3A_1268 = vector.broadcast %parallel_loop3A_1267 : i32 to vector<16xi32>
        %parallel_loop3A_1269 = arith.cmpi eq, %parallel_loop3A_1266, %parallel_loop3A_1268 : vector<16xi32>
        %parallel_loop3A_1270 = arith.constant 0 : i32
        %parallel_loop3A_1271 = vector.broadcast %parallel_loop3A_1270 : i32 to vector<16xi32>
        %parallel_loop3A_1272 = arith.cmpi slt, %parallel_loop3A_1161, %parallel_loop3A_1271 : vector<16xi32>
        %parallel_loop3A_1273 = arith.constant 16 : i32
        %parallel_loop3A_1274 = vector.broadcast %parallel_loop3A_1273 : i32 to vector<16xi32>
        %parallel_loop3A_1275 = arith.addi %parallel_loop3A_1161, %parallel_loop3A_1274 : vector<16xi32>
        %parallel_loop3A_1276 = arith.select %parallel_loop3A_1272, %parallel_loop3A_1275, %parallel_loop3A_1161 : vector<16xi1>, vector<16xi32>
        %parallel_loop3A_1277 = vector.shape_cast %parallel_loop3A_1276 : vector<16xi32> to vector<16x1xi32>
        %parallel_loop3A_1278 = vector.shape_cast %parallel_loop3A_1277 : vector<16x1xi32> to vector<16xi32>
        %parallel_loop3A_1279 = tpu.dynamic_gather %parallel_loop3A_971[%parallel_loop3A_1278] in [0] : vector<16xf32>, vector<16xi32> -> vector<16xf32>
        %parallel_loop3A_1280 = arith.select %parallel_loop3A_1269, %parallel_loop3A_1005, %parallel_loop3A_1279 : vector<16xi1>, vector<16xf32>
        %parallel_loop3A_1281 = arith.constant 2 : i32
        %parallel_loop3A_1282 = vector.broadcast %parallel_loop3A_1281 : i32 to vector<16xi32>
        %parallel_loop3A_1283 = arith.andi %iota3A, %parallel_loop3A_1282 : vector<16xi32>
        %parallel_loop3A_1284 = arith.constant 2 : i32
        %parallel_loop3A_1285 = vector.broadcast %parallel_loop3A_1284 : i32 to vector<16xi32>
        %parallel_loop3A_1286 = arith.cmpi eq, %parallel_loop3A_1283, %parallel_loop3A_1285 : vector<16xi32>
        %parallel_loop3A_1287 = arith.constant 0 : i32
        %parallel_loop3A_1288 = vector.broadcast %parallel_loop3A_1287 : i32 to vector<16xi32>
        %parallel_loop3A_1289 = arith.cmpi slt, %parallel_loop3A_1161, %parallel_loop3A_1288 : vector<16xi32>
        %parallel_loop3A_1290 = arith.constant 16 : i32
        %parallel_loop3A_1291 = vector.broadcast %parallel_loop3A_1290 : i32 to vector<16xi32>
        %parallel_loop3A_1292 = arith.addi %parallel_loop3A_1161, %parallel_loop3A_1291 : vector<16xi32>
        %parallel_loop3A_1293 = arith.select %parallel_loop3A_1289, %parallel_loop3A_1292, %parallel_loop3A_1161 : vector<16xi1>, vector<16xi32>
        %parallel_loop3A_1294 = vector.shape_cast %parallel_loop3A_1293 : vector<16xi32> to vector<16x1xi32>
        %parallel_loop3A_1295 = vector.shape_cast %parallel_loop3A_1294 : vector<16x1xi32> to vector<16xi32>
        %parallel_loop3A_1296 = tpu.dynamic_gather %parallel_loop3A_988[%parallel_loop3A_1295] in [0] : vector<16xf32>, vector<16xi32> -> vector<16xf32>
        %parallel_loop3A_1297 = arith.select %parallel_loop3A_1286, %parallel_loop3A_1022, %parallel_loop3A_1296 : vector<16xi1>, vector<16xf32>
        %parallel_loop3A_1298 = arith.constant 2 : i32
        %parallel_loop3A_1299 = vector.broadcast %parallel_loop3A_1298 : i32 to vector<16xi32>
        %parallel_loop3A_1300 = arith.andi %iota3A, %parallel_loop3A_1299 : vector<16xi32>
        %parallel_loop3A_1301 = arith.constant 0 : i32
        %parallel_loop3A_1302 = vector.broadcast %parallel_loop3A_1301 : i32 to vector<16xi32>
        %parallel_loop3A_1303 = arith.cmpi eq, %parallel_loop3A_1300, %parallel_loop3A_1302 : vector<16xi32>
        %parallel_loop3A_1304 = arith.constant 0 : i32
        %parallel_loop3A_1305 = vector.broadcast %parallel_loop3A_1304 : i32 to vector<16xi32>
        %parallel_loop3A_1306 = arith.cmpi slt, %parallel_loop3A_1161, %parallel_loop3A_1305 : vector<16xi32>
        %parallel_loop3A_1307 = arith.constant 16 : i32
        %parallel_loop3A_1308 = vector.broadcast %parallel_loop3A_1307 : i32 to vector<16xi32>
        %parallel_loop3A_1309 = arith.addi %parallel_loop3A_1161, %parallel_loop3A_1308 : vector<16xi32>
        %parallel_loop3A_1310 = arith.select %parallel_loop3A_1306, %parallel_loop3A_1309, %parallel_loop3A_1161 : vector<16xi1>, vector<16xi32>
        %parallel_loop3A_1311 = vector.shape_cast %parallel_loop3A_1310 : vector<16xi32> to vector<16x1xi32>
        %parallel_loop3A_1312 = vector.shape_cast %parallel_loop3A_1311 : vector<16x1xi32> to vector<16xi32>
        %parallel_loop3A_1313 = tpu.dynamic_gather %parallel_loop3A_1073[%parallel_loop3A_1312] in [0] : vector<16xf32>, vector<16xi32> -> vector<16xf32>
        %parallel_loop3A_1314 = arith.select %parallel_loop3A_1303, %parallel_loop3A_1039, %parallel_loop3A_1313 : vector<16xi1>, vector<16xf32>
        %parallel_loop3A_1315 = arith.constant 2 : i32
        %parallel_loop3A_1316 = vector.broadcast %parallel_loop3A_1315 : i32 to vector<16xi32>
        %parallel_loop3A_1317 = arith.andi %iota3A, %parallel_loop3A_1316 : vector<16xi32>
        %parallel_loop3A_1318 = arith.constant 0 : i32
        %parallel_loop3A_1319 = vector.broadcast %parallel_loop3A_1318 : i32 to vector<16xi32>
        %parallel_loop3A_1320 = arith.cmpi eq, %parallel_loop3A_1317, %parallel_loop3A_1319 : vector<16xi32>
        %parallel_loop3A_1321 = arith.constant 0 : i32
        %parallel_loop3A_1322 = vector.broadcast %parallel_loop3A_1321 : i32 to vector<16xi32>
        %parallel_loop3A_1323 = arith.cmpi slt, %parallel_loop3A_1161, %parallel_loop3A_1322 : vector<16xi32>
        %parallel_loop3A_1324 = arith.constant 16 : i32
        %parallel_loop3A_1325 = vector.broadcast %parallel_loop3A_1324 : i32 to vector<16xi32>
        %parallel_loop3A_1326 = arith.addi %parallel_loop3A_1161, %parallel_loop3A_1325 : vector<16xi32>
        %parallel_loop3A_1327 = arith.select %parallel_loop3A_1323, %parallel_loop3A_1326, %parallel_loop3A_1161 : vector<16xi1>, vector<16xi32>
        %parallel_loop3A_1328 = vector.shape_cast %parallel_loop3A_1327 : vector<16xi32> to vector<16x1xi32>
        %parallel_loop3A_1329 = vector.shape_cast %parallel_loop3A_1328 : vector<16x1xi32> to vector<16xi32>
        %parallel_loop3A_1330 = tpu.dynamic_gather %parallel_loop3A_1090[%parallel_loop3A_1329] in [0] : vector<16xf32>, vector<16xi32> -> vector<16xf32>
        %parallel_loop3A_1331 = arith.select %parallel_loop3A_1320, %parallel_loop3A_1056, %parallel_loop3A_1330 : vector<16xi1>, vector<16xf32>
        %parallel_loop3A_1332 = arith.constant 2 : i32
        %parallel_loop3A_1333 = vector.broadcast %parallel_loop3A_1332 : i32 to vector<16xi32>
        %parallel_loop3A_1334 = arith.andi %iota3A, %parallel_loop3A_1333 : vector<16xi32>
        %parallel_loop3A_1335 = arith.constant 2 : i32
        %parallel_loop3A_1336 = vector.broadcast %parallel_loop3A_1335 : i32 to vector<16xi32>
        %parallel_loop3A_1337 = arith.cmpi eq, %parallel_loop3A_1334, %parallel_loop3A_1336 : vector<16xi32>
        %parallel_loop3A_1338 = arith.constant 0 : i32
        %parallel_loop3A_1339 = vector.broadcast %parallel_loop3A_1338 : i32 to vector<16xi32>
        %parallel_loop3A_1340 = arith.cmpi slt, %parallel_loop3A_1161, %parallel_loop3A_1339 : vector<16xi32>
        %parallel_loop3A_1341 = arith.constant 16 : i32
        %parallel_loop3A_1342 = vector.broadcast %parallel_loop3A_1341 : i32 to vector<16xi32>
        %parallel_loop3A_1343 = arith.addi %parallel_loop3A_1161, %parallel_loop3A_1342 : vector<16xi32>
        %parallel_loop3A_1344 = arith.select %parallel_loop3A_1340, %parallel_loop3A_1343, %parallel_loop3A_1161 : vector<16xi1>, vector<16xi32>
        %parallel_loop3A_1345 = vector.shape_cast %parallel_loop3A_1344 : vector<16xi32> to vector<16x1xi32>
        %parallel_loop3A_1346 = vector.shape_cast %parallel_loop3A_1345 : vector<16x1xi32> to vector<16xi32>
        %parallel_loop3A_1347 = tpu.dynamic_gather %parallel_loop3A_1039[%parallel_loop3A_1346] in [0] : vector<16xf32>, vector<16xi32> -> vector<16xf32>
        %parallel_loop3A_1348 = arith.select %parallel_loop3A_1337, %parallel_loop3A_1073, %parallel_loop3A_1347 : vector<16xi1>, vector<16xf32>
        %parallel_loop3A_1349 = arith.constant 2 : i32
        %parallel_loop3A_1350 = vector.broadcast %parallel_loop3A_1349 : i32 to vector<16xi32>
        %parallel_loop3A_1351 = arith.andi %iota3A, %parallel_loop3A_1350 : vector<16xi32>
        %parallel_loop3A_1352 = arith.constant 2 : i32
        %parallel_loop3A_1353 = vector.broadcast %parallel_loop3A_1352 : i32 to vector<16xi32>
        %parallel_loop3A_1354 = arith.cmpi eq, %parallel_loop3A_1351, %parallel_loop3A_1353 : vector<16xi32>
        %parallel_loop3A_1355 = arith.constant 0 : i32
        %parallel_loop3A_1356 = vector.broadcast %parallel_loop3A_1355 : i32 to vector<16xi32>
        %parallel_loop3A_1357 = arith.cmpi slt, %parallel_loop3A_1161, %parallel_loop3A_1356 : vector<16xi32>
        %parallel_loop3A_1358 = arith.constant 16 : i32
        %parallel_loop3A_1359 = vector.broadcast %parallel_loop3A_1358 : i32 to vector<16xi32>
        %parallel_loop3A_1360 = arith.addi %parallel_loop3A_1161, %parallel_loop3A_1359 : vector<16xi32>
        %parallel_loop3A_1361 = arith.select %parallel_loop3A_1357, %parallel_loop3A_1360, %parallel_loop3A_1161 : vector<16xi1>, vector<16xi32>
        %parallel_loop3A_1362 = vector.shape_cast %parallel_loop3A_1361 : vector<16xi32> to vector<16x1xi32>
        %parallel_loop3A_1363 = vector.shape_cast %parallel_loop3A_1362 : vector<16x1xi32> to vector<16xi32>
        %parallel_loop3A_1364 = tpu.dynamic_gather %parallel_loop3A_1056[%parallel_loop3A_1363] in [0] : vector<16xf32>, vector<16xi32> -> vector<16xf32>
        %parallel_loop3A_1365 = arith.select %parallel_loop3A_1354, %parallel_loop3A_1090, %parallel_loop3A_1364 : vector<16xi1>, vector<16xf32>
        %parallel_loop3A_1366 = arith.constant 2 : i32
        %parallel_loop3A_1367 = vector.broadcast %parallel_loop3A_1366 : i32 to vector<16xi32>
        %parallel_loop3A_1368 = arith.andi %iota3A, %parallel_loop3A_1367 : vector<16xi32>
        %parallel_loop3A_1369 = arith.constant 0 : i32
        %parallel_loop3A_1370 = vector.broadcast %parallel_loop3A_1369 : i32 to vector<16xi32>
        %parallel_loop3A_1371 = arith.cmpi eq, %parallel_loop3A_1368, %parallel_loop3A_1370 : vector<16xi32>
        %parallel_loop3A_1372 = arith.constant 0 : i32
        %parallel_loop3A_1373 = vector.broadcast %parallel_loop3A_1372 : i32 to vector<16xi32>
        %parallel_loop3A_1374 = arith.cmpi slt, %parallel_loop3A_1161, %parallel_loop3A_1373 : vector<16xi32>
        %parallel_loop3A_1375 = arith.constant 16 : i32
        %parallel_loop3A_1376 = vector.broadcast %parallel_loop3A_1375 : i32 to vector<16xi32>
        %parallel_loop3A_1377 = arith.addi %parallel_loop3A_1161, %parallel_loop3A_1376 : vector<16xi32>
        %parallel_loop3A_1378 = arith.select %parallel_loop3A_1374, %parallel_loop3A_1377, %parallel_loop3A_1161 : vector<16xi1>, vector<16xi32>
        %parallel_loop3A_1379 = vector.shape_cast %parallel_loop3A_1378 : vector<16xi32> to vector<16x1xi32>
        %parallel_loop3A_1380 = vector.shape_cast %parallel_loop3A_1379 : vector<16x1xi32> to vector<16xi32>
        %parallel_loop3A_1381 = tpu.dynamic_gather %parallel_loop3A_1141[%parallel_loop3A_1380] in [0] : vector<16xf32>, vector<16xi32> -> vector<16xf32>
        %parallel_loop3A_1382 = arith.select %parallel_loop3A_1371, %parallel_loop3A_1107, %parallel_loop3A_1381 : vector<16xi1>, vector<16xf32>
        %parallel_loop3A_1383 = arith.constant 2 : i32
        %parallel_loop3A_1384 = vector.broadcast %parallel_loop3A_1383 : i32 to vector<16xi32>
        %parallel_loop3A_1385 = arith.andi %iota3A, %parallel_loop3A_1384 : vector<16xi32>
        %parallel_loop3A_1386 = arith.constant 0 : i32
        %parallel_loop3A_1387 = vector.broadcast %parallel_loop3A_1386 : i32 to vector<16xi32>
        %parallel_loop3A_1388 = arith.cmpi eq, %parallel_loop3A_1385, %parallel_loop3A_1387 : vector<16xi32>
        %parallel_loop3A_1389 = arith.constant 0 : i32
        %parallel_loop3A_1390 = vector.broadcast %parallel_loop3A_1389 : i32 to vector<16xi32>
        %parallel_loop3A_1391 = arith.cmpi slt, %parallel_loop3A_1161, %parallel_loop3A_1390 : vector<16xi32>
        %parallel_loop3A_1392 = arith.constant 16 : i32
        %parallel_loop3A_1393 = vector.broadcast %parallel_loop3A_1392 : i32 to vector<16xi32>
        %parallel_loop3A_1394 = arith.addi %parallel_loop3A_1161, %parallel_loop3A_1393 : vector<16xi32>
        %parallel_loop3A_1395 = arith.select %parallel_loop3A_1391, %parallel_loop3A_1394, %parallel_loop3A_1161 : vector<16xi1>, vector<16xi32>
        %parallel_loop3A_1396 = vector.shape_cast %parallel_loop3A_1395 : vector<16xi32> to vector<16x1xi32>
        %parallel_loop3A_1397 = vector.shape_cast %parallel_loop3A_1396 : vector<16x1xi32> to vector<16xi32>
        %parallel_loop3A_1398 = tpu.dynamic_gather %parallel_loop3A_1158[%parallel_loop3A_1397] in [0] : vector<16xf32>, vector<16xi32> -> vector<16xf32>
        %parallel_loop3A_1399 = arith.select %parallel_loop3A_1388, %parallel_loop3A_1124, %parallel_loop3A_1398 : vector<16xi1>, vector<16xf32>
        %parallel_loop3A_1400 = arith.constant 2 : i32
        %parallel_loop3A_1401 = vector.broadcast %parallel_loop3A_1400 : i32 to vector<16xi32>
        %parallel_loop3A_1402 = arith.andi %iota3A, %parallel_loop3A_1401 : vector<16xi32>
        %parallel_loop3A_1403 = arith.constant 2 : i32
        %parallel_loop3A_1404 = vector.broadcast %parallel_loop3A_1403 : i32 to vector<16xi32>
        %parallel_loop3A_1405 = arith.cmpi eq, %parallel_loop3A_1402, %parallel_loop3A_1404 : vector<16xi32>
        %parallel_loop3A_1406 = arith.constant 0 : i32
        %parallel_loop3A_1407 = vector.broadcast %parallel_loop3A_1406 : i32 to vector<16xi32>
        %parallel_loop3A_1408 = arith.cmpi slt, %parallel_loop3A_1161, %parallel_loop3A_1407 : vector<16xi32>
        %parallel_loop3A_1409 = arith.constant 16 : i32
        %parallel_loop3A_1410 = vector.broadcast %parallel_loop3A_1409 : i32 to vector<16xi32>
        %parallel_loop3A_1411 = arith.addi %parallel_loop3A_1161, %parallel_loop3A_1410 : vector<16xi32>
        %parallel_loop3A_1412 = arith.select %parallel_loop3A_1408, %parallel_loop3A_1411, %parallel_loop3A_1161 : vector<16xi1>, vector<16xi32>
        %parallel_loop3A_1413 = vector.shape_cast %parallel_loop3A_1412 : vector<16xi32> to vector<16x1xi32>
        %parallel_loop3A_1414 = vector.shape_cast %parallel_loop3A_1413 : vector<16x1xi32> to vector<16xi32>
        %parallel_loop3A_1415 = tpu.dynamic_gather %parallel_loop3A_1107[%parallel_loop3A_1414] in [0] : vector<16xf32>, vector<16xi32> -> vector<16xf32>
        %parallel_loop3A_1416 = arith.select %parallel_loop3A_1405, %parallel_loop3A_1141, %parallel_loop3A_1415 : vector<16xi1>, vector<16xf32>
        %parallel_loop3A_1417 = arith.constant 2 : i32
        %parallel_loop3A_1418 = vector.broadcast %parallel_loop3A_1417 : i32 to vector<16xi32>
        %parallel_loop3A_1419 = arith.andi %iota3A, %parallel_loop3A_1418 : vector<16xi32>
        %parallel_loop3A_1420 = arith.constant 2 : i32
        %parallel_loop3A_1421 = vector.broadcast %parallel_loop3A_1420 : i32 to vector<16xi32>
        %parallel_loop3A_1422 = arith.cmpi eq, %parallel_loop3A_1419, %parallel_loop3A_1421 : vector<16xi32>
        %parallel_loop3A_1423 = arith.constant 0 : i32
        %parallel_loop3A_1424 = vector.broadcast %parallel_loop3A_1423 : i32 to vector<16xi32>
        %parallel_loop3A_1425 = arith.cmpi slt, %parallel_loop3A_1161, %parallel_loop3A_1424 : vector<16xi32>
        %parallel_loop3A_1426 = arith.constant 16 : i32
        %parallel_loop3A_1427 = vector.broadcast %parallel_loop3A_1426 : i32 to vector<16xi32>
        %parallel_loop3A_1428 = arith.addi %parallel_loop3A_1161, %parallel_loop3A_1427 : vector<16xi32>
        %parallel_loop3A_1429 = arith.select %parallel_loop3A_1425, %parallel_loop3A_1428, %parallel_loop3A_1161 : vector<16xi1>, vector<16xi32>
        %parallel_loop3A_1430 = vector.shape_cast %parallel_loop3A_1429 : vector<16xi32> to vector<16x1xi32>
        %parallel_loop3A_1431 = vector.shape_cast %parallel_loop3A_1430 : vector<16x1xi32> to vector<16xi32>
        %parallel_loop3A_1432 = tpu.dynamic_gather %parallel_loop3A_1124[%parallel_loop3A_1431] in [0] : vector<16xf32>, vector<16xi32> -> vector<16xf32>
        %parallel_loop3A_1433 = arith.select %parallel_loop3A_1422, %parallel_loop3A_1158, %parallel_loop3A_1432 : vector<16xi1>, vector<16xf32>
        %parallel_loop3A_1434 = arith.constant 4 : i32
        %parallel_loop3A_1435 = vector.broadcast %parallel_loop3A_1434 : i32 to vector<16xi32>
        %parallel_loop3A_1436 = arith.xori %iota3A, %parallel_loop3A_1435 : vector<16xi32>
        %parallel_loop3A_1437 = arith.constant 4 : i32
        %parallel_loop3A_1438 = vector.broadcast %parallel_loop3A_1437 : i32 to vector<16xi32>
        %parallel_loop3A_1439 = arith.andi %iota3A, %parallel_loop3A_1438 : vector<16xi32>
        %parallel_loop3A_1440 = arith.constant 0 : i32
        %parallel_loop3A_1441 = vector.broadcast %parallel_loop3A_1440 : i32 to vector<16xi32>
        %parallel_loop3A_1442 = arith.cmpi eq, %parallel_loop3A_1439, %parallel_loop3A_1441 : vector<16xi32>
        %parallel_loop3A_1443 = arith.constant 0 : i32
        %parallel_loop3A_1444 = vector.broadcast %parallel_loop3A_1443 : i32 to vector<16xi32>
        %parallel_loop3A_1445 = arith.cmpi slt, %parallel_loop3A_1436, %parallel_loop3A_1444 : vector<16xi32>
        %parallel_loop3A_1446 = arith.constant 16 : i32
        %parallel_loop3A_1447 = vector.broadcast %parallel_loop3A_1446 : i32 to vector<16xi32>
        %parallel_loop3A_1448 = arith.addi %parallel_loop3A_1436, %parallel_loop3A_1447 : vector<16xi32>
        %parallel_loop3A_1449 = arith.select %parallel_loop3A_1445, %parallel_loop3A_1448, %parallel_loop3A_1436 : vector<16xi1>, vector<16xi32>
        %parallel_loop3A_1450 = vector.shape_cast %parallel_loop3A_1449 : vector<16xi32> to vector<16x1xi32>
        %parallel_loop3A_1451 = vector.shape_cast %parallel_loop3A_1450 : vector<16x1xi32> to vector<16xi32>
        %parallel_loop3A_1452 = tpu.dynamic_gather %parallel_loop3A_1246[%parallel_loop3A_1451] in [0] : vector<16xf32>, vector<16xi32> -> vector<16xf32>
        %parallel_loop3A_1453 = arith.select %parallel_loop3A_1442, %parallel_loop3A_1178, %parallel_loop3A_1452 : vector<16xi1>, vector<16xf32>
        %parallel_loop3A_1454 = arith.constant 4 : i32
        %parallel_loop3A_1455 = vector.broadcast %parallel_loop3A_1454 : i32 to vector<16xi32>
        %parallel_loop3A_1456 = arith.andi %iota3A, %parallel_loop3A_1455 : vector<16xi32>
        %parallel_loop3A_1457 = arith.constant 0 : i32
        %parallel_loop3A_1458 = vector.broadcast %parallel_loop3A_1457 : i32 to vector<16xi32>
        %parallel_loop3A_1459 = arith.cmpi eq, %parallel_loop3A_1456, %parallel_loop3A_1458 : vector<16xi32>
        %parallel_loop3A_1460 = arith.constant 0 : i32
        %parallel_loop3A_1461 = vector.broadcast %parallel_loop3A_1460 : i32 to vector<16xi32>
        %parallel_loop3A_1462 = arith.cmpi slt, %parallel_loop3A_1436, %parallel_loop3A_1461 : vector<16xi32>
        %parallel_loop3A_1463 = arith.constant 16 : i32
        %parallel_loop3A_1464 = vector.broadcast %parallel_loop3A_1463 : i32 to vector<16xi32>
        %parallel_loop3A_1465 = arith.addi %parallel_loop3A_1436, %parallel_loop3A_1464 : vector<16xi32>
        %parallel_loop3A_1466 = arith.select %parallel_loop3A_1462, %parallel_loop3A_1465, %parallel_loop3A_1436 : vector<16xi1>, vector<16xi32>
        %parallel_loop3A_1467 = vector.shape_cast %parallel_loop3A_1466 : vector<16xi32> to vector<16x1xi32>
        %parallel_loop3A_1468 = vector.shape_cast %parallel_loop3A_1467 : vector<16x1xi32> to vector<16xi32>
        %parallel_loop3A_1469 = tpu.dynamic_gather %parallel_loop3A_1263[%parallel_loop3A_1468] in [0] : vector<16xf32>, vector<16xi32> -> vector<16xf32>
        %parallel_loop3A_1470 = arith.select %parallel_loop3A_1459, %parallel_loop3A_1195, %parallel_loop3A_1469 : vector<16xi1>, vector<16xf32>
        %parallel_loop3A_1471 = arith.constant 4 : i32
        %parallel_loop3A_1472 = vector.broadcast %parallel_loop3A_1471 : i32 to vector<16xi32>
        %parallel_loop3A_1473 = arith.andi %iota3A, %parallel_loop3A_1472 : vector<16xi32>
        %parallel_loop3A_1474 = arith.constant 0 : i32
        %parallel_loop3A_1475 = vector.broadcast %parallel_loop3A_1474 : i32 to vector<16xi32>
        %parallel_loop3A_1476 = arith.cmpi eq, %parallel_loop3A_1473, %parallel_loop3A_1475 : vector<16xi32>
        %parallel_loop3A_1477 = arith.constant 0 : i32
        %parallel_loop3A_1478 = vector.broadcast %parallel_loop3A_1477 : i32 to vector<16xi32>
        %parallel_loop3A_1479 = arith.cmpi slt, %parallel_loop3A_1436, %parallel_loop3A_1478 : vector<16xi32>
        %parallel_loop3A_1480 = arith.constant 16 : i32
        %parallel_loop3A_1481 = vector.broadcast %parallel_loop3A_1480 : i32 to vector<16xi32>
        %parallel_loop3A_1482 = arith.addi %parallel_loop3A_1436, %parallel_loop3A_1481 : vector<16xi32>
        %parallel_loop3A_1483 = arith.select %parallel_loop3A_1479, %parallel_loop3A_1482, %parallel_loop3A_1436 : vector<16xi1>, vector<16xi32>
        %parallel_loop3A_1484 = vector.shape_cast %parallel_loop3A_1483 : vector<16xi32> to vector<16x1xi32>
        %parallel_loop3A_1485 = vector.shape_cast %parallel_loop3A_1484 : vector<16x1xi32> to vector<16xi32>
        %parallel_loop3A_1486 = tpu.dynamic_gather %parallel_loop3A_1280[%parallel_loop3A_1485] in [0] : vector<16xf32>, vector<16xi32> -> vector<16xf32>
        %parallel_loop3A_1487 = arith.select %parallel_loop3A_1476, %parallel_loop3A_1212, %parallel_loop3A_1486 : vector<16xi1>, vector<16xf32>
        %parallel_loop3A_1488 = arith.constant 4 : i32
        %parallel_loop3A_1489 = vector.broadcast %parallel_loop3A_1488 : i32 to vector<16xi32>
        %parallel_loop3A_1490 = arith.andi %iota3A, %parallel_loop3A_1489 : vector<16xi32>
        %parallel_loop3A_1491 = arith.constant 0 : i32
        %parallel_loop3A_1492 = vector.broadcast %parallel_loop3A_1491 : i32 to vector<16xi32>
        %parallel_loop3A_1493 = arith.cmpi eq, %parallel_loop3A_1490, %parallel_loop3A_1492 : vector<16xi32>
        %parallel_loop3A_1494 = arith.constant 0 : i32
        %parallel_loop3A_1495 = vector.broadcast %parallel_loop3A_1494 : i32 to vector<16xi32>
        %parallel_loop3A_1496 = arith.cmpi slt, %parallel_loop3A_1436, %parallel_loop3A_1495 : vector<16xi32>
        %parallel_loop3A_1497 = arith.constant 16 : i32
        %parallel_loop3A_1498 = vector.broadcast %parallel_loop3A_1497 : i32 to vector<16xi32>
        %parallel_loop3A_1499 = arith.addi %parallel_loop3A_1436, %parallel_loop3A_1498 : vector<16xi32>
        %parallel_loop3A_1500 = arith.select %parallel_loop3A_1496, %parallel_loop3A_1499, %parallel_loop3A_1436 : vector<16xi1>, vector<16xi32>
        %parallel_loop3A_1501 = vector.shape_cast %parallel_loop3A_1500 : vector<16xi32> to vector<16x1xi32>
        %parallel_loop3A_1502 = vector.shape_cast %parallel_loop3A_1501 : vector<16x1xi32> to vector<16xi32>
        %parallel_loop3A_1503 = tpu.dynamic_gather %parallel_loop3A_1297[%parallel_loop3A_1502] in [0] : vector<16xf32>, vector<16xi32> -> vector<16xf32>
        %parallel_loop3A_1504 = arith.select %parallel_loop3A_1493, %parallel_loop3A_1229, %parallel_loop3A_1503 : vector<16xi1>, vector<16xf32>
        %parallel_loop3A_1505 = arith.constant 4 : i32
        %parallel_loop3A_1506 = vector.broadcast %parallel_loop3A_1505 : i32 to vector<16xi32>
        %parallel_loop3A_1507 = arith.andi %iota3A, %parallel_loop3A_1506 : vector<16xi32>
        %parallel_loop3A_1508 = arith.constant 4 : i32
        %parallel_loop3A_1509 = vector.broadcast %parallel_loop3A_1508 : i32 to vector<16xi32>
        %parallel_loop3A_1510 = arith.cmpi eq, %parallel_loop3A_1507, %parallel_loop3A_1509 : vector<16xi32>
        %parallel_loop3A_1511 = arith.constant 0 : i32
        %parallel_loop3A_1512 = vector.broadcast %parallel_loop3A_1511 : i32 to vector<16xi32>
        %parallel_loop3A_1513 = arith.cmpi slt, %parallel_loop3A_1436, %parallel_loop3A_1512 : vector<16xi32>
        %parallel_loop3A_1514 = arith.constant 16 : i32
        %parallel_loop3A_1515 = vector.broadcast %parallel_loop3A_1514 : i32 to vector<16xi32>
        %parallel_loop3A_1516 = arith.addi %parallel_loop3A_1436, %parallel_loop3A_1515 : vector<16xi32>
        %parallel_loop3A_1517 = arith.select %parallel_loop3A_1513, %parallel_loop3A_1516, %parallel_loop3A_1436 : vector<16xi1>, vector<16xi32>
        %parallel_loop3A_1518 = vector.shape_cast %parallel_loop3A_1517 : vector<16xi32> to vector<16x1xi32>
        %parallel_loop3A_1519 = vector.shape_cast %parallel_loop3A_1518 : vector<16x1xi32> to vector<16xi32>
        %parallel_loop3A_1520 = tpu.dynamic_gather %parallel_loop3A_1178[%parallel_loop3A_1519] in [0] : vector<16xf32>, vector<16xi32> -> vector<16xf32>
        %parallel_loop3A_1521 = arith.select %parallel_loop3A_1510, %parallel_loop3A_1246, %parallel_loop3A_1520 : vector<16xi1>, vector<16xf32>
        %parallel_loop3A_1522 = arith.constant 4 : i32
        %parallel_loop3A_1523 = vector.broadcast %parallel_loop3A_1522 : i32 to vector<16xi32>
        %parallel_loop3A_1524 = arith.andi %iota3A, %parallel_loop3A_1523 : vector<16xi32>
        %parallel_loop3A_1525 = arith.constant 4 : i32
        %parallel_loop3A_1526 = vector.broadcast %parallel_loop3A_1525 : i32 to vector<16xi32>
        %parallel_loop3A_1527 = arith.cmpi eq, %parallel_loop3A_1524, %parallel_loop3A_1526 : vector<16xi32>
        %parallel_loop3A_1528 = arith.constant 0 : i32
        %parallel_loop3A_1529 = vector.broadcast %parallel_loop3A_1528 : i32 to vector<16xi32>
        %parallel_loop3A_1530 = arith.cmpi slt, %parallel_loop3A_1436, %parallel_loop3A_1529 : vector<16xi32>
        %parallel_loop3A_1531 = arith.constant 16 : i32
        %parallel_loop3A_1532 = vector.broadcast %parallel_loop3A_1531 : i32 to vector<16xi32>
        %parallel_loop3A_1533 = arith.addi %parallel_loop3A_1436, %parallel_loop3A_1532 : vector<16xi32>
        %parallel_loop3A_1534 = arith.select %parallel_loop3A_1530, %parallel_loop3A_1533, %parallel_loop3A_1436 : vector<16xi1>, vector<16xi32>
        %parallel_loop3A_1535 = vector.shape_cast %parallel_loop3A_1534 : vector<16xi32> to vector<16x1xi32>
        %parallel_loop3A_1536 = vector.shape_cast %parallel_loop3A_1535 : vector<16x1xi32> to vector<16xi32>
        %parallel_loop3A_1537 = tpu.dynamic_gather %parallel_loop3A_1195[%parallel_loop3A_1536] in [0] : vector<16xf32>, vector<16xi32> -> vector<16xf32>
        %parallel_loop3A_1538 = arith.select %parallel_loop3A_1527, %parallel_loop3A_1263, %parallel_loop3A_1537 : vector<16xi1>, vector<16xf32>
        %parallel_loop3A_1539 = arith.constant 4 : i32
        %parallel_loop3A_1540 = vector.broadcast %parallel_loop3A_1539 : i32 to vector<16xi32>
        %parallel_loop3A_1541 = arith.andi %iota3A, %parallel_loop3A_1540 : vector<16xi32>
        %parallel_loop3A_1542 = arith.constant 4 : i32
        %parallel_loop3A_1543 = vector.broadcast %parallel_loop3A_1542 : i32 to vector<16xi32>
        %parallel_loop3A_1544 = arith.cmpi eq, %parallel_loop3A_1541, %parallel_loop3A_1543 : vector<16xi32>
        %parallel_loop3A_1545 = arith.constant 0 : i32
        %parallel_loop3A_1546 = vector.broadcast %parallel_loop3A_1545 : i32 to vector<16xi32>
        %parallel_loop3A_1547 = arith.cmpi slt, %parallel_loop3A_1436, %parallel_loop3A_1546 : vector<16xi32>
        %parallel_loop3A_1548 = arith.constant 16 : i32
        %parallel_loop3A_1549 = vector.broadcast %parallel_loop3A_1548 : i32 to vector<16xi32>
        %parallel_loop3A_1550 = arith.addi %parallel_loop3A_1436, %parallel_loop3A_1549 : vector<16xi32>
        %parallel_loop3A_1551 = arith.select %parallel_loop3A_1547, %parallel_loop3A_1550, %parallel_loop3A_1436 : vector<16xi1>, vector<16xi32>
        %parallel_loop3A_1552 = vector.shape_cast %parallel_loop3A_1551 : vector<16xi32> to vector<16x1xi32>
        %parallel_loop3A_1553 = vector.shape_cast %parallel_loop3A_1552 : vector<16x1xi32> to vector<16xi32>
        %parallel_loop3A_1554 = tpu.dynamic_gather %parallel_loop3A_1212[%parallel_loop3A_1553] in [0] : vector<16xf32>, vector<16xi32> -> vector<16xf32>
        %parallel_loop3A_1555 = arith.select %parallel_loop3A_1544, %parallel_loop3A_1280, %parallel_loop3A_1554 : vector<16xi1>, vector<16xf32>
        %parallel_loop3A_1556 = arith.constant 4 : i32
        %parallel_loop3A_1557 = vector.broadcast %parallel_loop3A_1556 : i32 to vector<16xi32>
        %parallel_loop3A_1558 = arith.andi %iota3A, %parallel_loop3A_1557 : vector<16xi32>
        %parallel_loop3A_1559 = arith.constant 4 : i32
        %parallel_loop3A_1560 = vector.broadcast %parallel_loop3A_1559 : i32 to vector<16xi32>
        %parallel_loop3A_1561 = arith.cmpi eq, %parallel_loop3A_1558, %parallel_loop3A_1560 : vector<16xi32>
        %parallel_loop3A_1562 = arith.constant 0 : i32
        %parallel_loop3A_1563 = vector.broadcast %parallel_loop3A_1562 : i32 to vector<16xi32>
        %parallel_loop3A_1564 = arith.cmpi slt, %parallel_loop3A_1436, %parallel_loop3A_1563 : vector<16xi32>
        %parallel_loop3A_1565 = arith.constant 16 : i32
        %parallel_loop3A_1566 = vector.broadcast %parallel_loop3A_1565 : i32 to vector<16xi32>
        %parallel_loop3A_1567 = arith.addi %parallel_loop3A_1436, %parallel_loop3A_1566 : vector<16xi32>
        %parallel_loop3A_1568 = arith.select %parallel_loop3A_1564, %parallel_loop3A_1567, %parallel_loop3A_1436 : vector<16xi1>, vector<16xi32>
        %parallel_loop3A_1569 = vector.shape_cast %parallel_loop3A_1568 : vector<16xi32> to vector<16x1xi32>
        %parallel_loop3A_1570 = vector.shape_cast %parallel_loop3A_1569 : vector<16x1xi32> to vector<16xi32>
        %parallel_loop3A_1571 = tpu.dynamic_gather %parallel_loop3A_1229[%parallel_loop3A_1570] in [0] : vector<16xf32>, vector<16xi32> -> vector<16xf32>
        %parallel_loop3A_1572 = arith.select %parallel_loop3A_1561, %parallel_loop3A_1297, %parallel_loop3A_1571 : vector<16xi1>, vector<16xf32>
        %parallel_loop3A_1573 = arith.constant 4 : i32
        %parallel_loop3A_1574 = vector.broadcast %parallel_loop3A_1573 : i32 to vector<16xi32>
        %parallel_loop3A_1575 = arith.andi %iota3A, %parallel_loop3A_1574 : vector<16xi32>
        %parallel_loop3A_1576 = arith.constant 0 : i32
        %parallel_loop3A_1577 = vector.broadcast %parallel_loop3A_1576 : i32 to vector<16xi32>
        %parallel_loop3A_1578 = arith.cmpi eq, %parallel_loop3A_1575, %parallel_loop3A_1577 : vector<16xi32>
        %parallel_loop3A_1579 = arith.constant 0 : i32
        %parallel_loop3A_1580 = vector.broadcast %parallel_loop3A_1579 : i32 to vector<16xi32>
        %parallel_loop3A_1581 = arith.cmpi slt, %parallel_loop3A_1436, %parallel_loop3A_1580 : vector<16xi32>
        %parallel_loop3A_1582 = arith.constant 16 : i32
        %parallel_loop3A_1583 = vector.broadcast %parallel_loop3A_1582 : i32 to vector<16xi32>
        %parallel_loop3A_1584 = arith.addi %parallel_loop3A_1436, %parallel_loop3A_1583 : vector<16xi32>
        %parallel_loop3A_1585 = arith.select %parallel_loop3A_1581, %parallel_loop3A_1584, %parallel_loop3A_1436 : vector<16xi1>, vector<16xi32>
        %parallel_loop3A_1586 = vector.shape_cast %parallel_loop3A_1585 : vector<16xi32> to vector<16x1xi32>
        %parallel_loop3A_1587 = vector.shape_cast %parallel_loop3A_1586 : vector<16x1xi32> to vector<16xi32>
        %parallel_loop3A_1588 = tpu.dynamic_gather %parallel_loop3A_1382[%parallel_loop3A_1587] in [0] : vector<16xf32>, vector<16xi32> -> vector<16xf32>
        %parallel_loop3A_1589 = arith.select %parallel_loop3A_1578, %parallel_loop3A_1314, %parallel_loop3A_1588 : vector<16xi1>, vector<16xf32>
        %parallel_loop3A_1590 = arith.constant 4 : i32
        %parallel_loop3A_1591 = vector.broadcast %parallel_loop3A_1590 : i32 to vector<16xi32>
        %parallel_loop3A_1592 = arith.andi %iota3A, %parallel_loop3A_1591 : vector<16xi32>
        %parallel_loop3A_1593 = arith.constant 0 : i32
        %parallel_loop3A_1594 = vector.broadcast %parallel_loop3A_1593 : i32 to vector<16xi32>
        %parallel_loop3A_1595 = arith.cmpi eq, %parallel_loop3A_1592, %parallel_loop3A_1594 : vector<16xi32>
        %parallel_loop3A_1596 = arith.constant 0 : i32
        %parallel_loop3A_1597 = vector.broadcast %parallel_loop3A_1596 : i32 to vector<16xi32>
        %parallel_loop3A_1598 = arith.cmpi slt, %parallel_loop3A_1436, %parallel_loop3A_1597 : vector<16xi32>
        %parallel_loop3A_1599 = arith.constant 16 : i32
        %parallel_loop3A_1600 = vector.broadcast %parallel_loop3A_1599 : i32 to vector<16xi32>
        %parallel_loop3A_1601 = arith.addi %parallel_loop3A_1436, %parallel_loop3A_1600 : vector<16xi32>
        %parallel_loop3A_1602 = arith.select %parallel_loop3A_1598, %parallel_loop3A_1601, %parallel_loop3A_1436 : vector<16xi1>, vector<16xi32>
        %parallel_loop3A_1603 = vector.shape_cast %parallel_loop3A_1602 : vector<16xi32> to vector<16x1xi32>
        %parallel_loop3A_1604 = vector.shape_cast %parallel_loop3A_1603 : vector<16x1xi32> to vector<16xi32>
        %parallel_loop3A_1605 = tpu.dynamic_gather %parallel_loop3A_1399[%parallel_loop3A_1604] in [0] : vector<16xf32>, vector<16xi32> -> vector<16xf32>
        %parallel_loop3A_1606 = arith.select %parallel_loop3A_1595, %parallel_loop3A_1331, %parallel_loop3A_1605 : vector<16xi1>, vector<16xf32>
        %parallel_loop3A_1607 = arith.constant 4 : i32
        %parallel_loop3A_1608 = vector.broadcast %parallel_loop3A_1607 : i32 to vector<16xi32>
        %parallel_loop3A_1609 = arith.andi %iota3A, %parallel_loop3A_1608 : vector<16xi32>
        %parallel_loop3A_1610 = arith.constant 0 : i32
        %parallel_loop3A_1611 = vector.broadcast %parallel_loop3A_1610 : i32 to vector<16xi32>
        %parallel_loop3A_1612 = arith.cmpi eq, %parallel_loop3A_1609, %parallel_loop3A_1611 : vector<16xi32>
        %parallel_loop3A_1613 = arith.constant 0 : i32
        %parallel_loop3A_1614 = vector.broadcast %parallel_loop3A_1613 : i32 to vector<16xi32>
        %parallel_loop3A_1615 = arith.cmpi slt, %parallel_loop3A_1436, %parallel_loop3A_1614 : vector<16xi32>
        %parallel_loop3A_1616 = arith.constant 16 : i32
        %parallel_loop3A_1617 = vector.broadcast %parallel_loop3A_1616 : i32 to vector<16xi32>
        %parallel_loop3A_1618 = arith.addi %parallel_loop3A_1436, %parallel_loop3A_1617 : vector<16xi32>
        %parallel_loop3A_1619 = arith.select %parallel_loop3A_1615, %parallel_loop3A_1618, %parallel_loop3A_1436 : vector<16xi1>, vector<16xi32>
        %parallel_loop3A_1620 = vector.shape_cast %parallel_loop3A_1619 : vector<16xi32> to vector<16x1xi32>
        %parallel_loop3A_1621 = vector.shape_cast %parallel_loop3A_1620 : vector<16x1xi32> to vector<16xi32>
        %parallel_loop3A_1622 = tpu.dynamic_gather %parallel_loop3A_1416[%parallel_loop3A_1621] in [0] : vector<16xf32>, vector<16xi32> -> vector<16xf32>
        %parallel_loop3A_1623 = arith.select %parallel_loop3A_1612, %parallel_loop3A_1348, %parallel_loop3A_1622 : vector<16xi1>, vector<16xf32>
        %parallel_loop3A_1624 = arith.constant 4 : i32
        %parallel_loop3A_1625 = vector.broadcast %parallel_loop3A_1624 : i32 to vector<16xi32>
        %parallel_loop3A_1626 = arith.andi %iota3A, %parallel_loop3A_1625 : vector<16xi32>
        %parallel_loop3A_1627 = arith.constant 0 : i32
        %parallel_loop3A_1628 = vector.broadcast %parallel_loop3A_1627 : i32 to vector<16xi32>
        %parallel_loop3A_1629 = arith.cmpi eq, %parallel_loop3A_1626, %parallel_loop3A_1628 : vector<16xi32>
        %parallel_loop3A_1630 = arith.constant 0 : i32
        %parallel_loop3A_1631 = vector.broadcast %parallel_loop3A_1630 : i32 to vector<16xi32>
        %parallel_loop3A_1632 = arith.cmpi slt, %parallel_loop3A_1436, %parallel_loop3A_1631 : vector<16xi32>
        %parallel_loop3A_1633 = arith.constant 16 : i32
        %parallel_loop3A_1634 = vector.broadcast %parallel_loop3A_1633 : i32 to vector<16xi32>
        %parallel_loop3A_1635 = arith.addi %parallel_loop3A_1436, %parallel_loop3A_1634 : vector<16xi32>
        %parallel_loop3A_1636 = arith.select %parallel_loop3A_1632, %parallel_loop3A_1635, %parallel_loop3A_1436 : vector<16xi1>, vector<16xi32>
        %parallel_loop3A_1637 = vector.shape_cast %parallel_loop3A_1636 : vector<16xi32> to vector<16x1xi32>
        %parallel_loop3A_1638 = vector.shape_cast %parallel_loop3A_1637 : vector<16x1xi32> to vector<16xi32>
        %parallel_loop3A_1639 = tpu.dynamic_gather %parallel_loop3A_1433[%parallel_loop3A_1638] in [0] : vector<16xf32>, vector<16xi32> -> vector<16xf32>
        %parallel_loop3A_1640 = arith.select %parallel_loop3A_1629, %parallel_loop3A_1365, %parallel_loop3A_1639 : vector<16xi1>, vector<16xf32>
        %parallel_loop3A_1641 = arith.constant 4 : i32
        %parallel_loop3A_1642 = vector.broadcast %parallel_loop3A_1641 : i32 to vector<16xi32>
        %parallel_loop3A_1643 = arith.andi %iota3A, %parallel_loop3A_1642 : vector<16xi32>
        %parallel_loop3A_1644 = arith.constant 4 : i32
        %parallel_loop3A_1645 = vector.broadcast %parallel_loop3A_1644 : i32 to vector<16xi32>
        %parallel_loop3A_1646 = arith.cmpi eq, %parallel_loop3A_1643, %parallel_loop3A_1645 : vector<16xi32>
        %parallel_loop3A_1647 = arith.constant 0 : i32
        %parallel_loop3A_1648 = vector.broadcast %parallel_loop3A_1647 : i32 to vector<16xi32>
        %parallel_loop3A_1649 = arith.cmpi slt, %parallel_loop3A_1436, %parallel_loop3A_1648 : vector<16xi32>
        %parallel_loop3A_1650 = arith.constant 16 : i32
        %parallel_loop3A_1651 = vector.broadcast %parallel_loop3A_1650 : i32 to vector<16xi32>
        %parallel_loop3A_1652 = arith.addi %parallel_loop3A_1436, %parallel_loop3A_1651 : vector<16xi32>
        %parallel_loop3A_1653 = arith.select %parallel_loop3A_1649, %parallel_loop3A_1652, %parallel_loop3A_1436 : vector<16xi1>, vector<16xi32>
        %parallel_loop3A_1654 = vector.shape_cast %parallel_loop3A_1653 : vector<16xi32> to vector<16x1xi32>
        %parallel_loop3A_1655 = vector.shape_cast %parallel_loop3A_1654 : vector<16x1xi32> to vector<16xi32>
        %parallel_loop3A_1656 = tpu.dynamic_gather %parallel_loop3A_1314[%parallel_loop3A_1655] in [0] : vector<16xf32>, vector<16xi32> -> vector<16xf32>
        %parallel_loop3A_1657 = arith.select %parallel_loop3A_1646, %parallel_loop3A_1382, %parallel_loop3A_1656 : vector<16xi1>, vector<16xf32>
        %parallel_loop3A_1658 = arith.constant 4 : i32
        %parallel_loop3A_1659 = vector.broadcast %parallel_loop3A_1658 : i32 to vector<16xi32>
        %parallel_loop3A_1660 = arith.andi %iota3A, %parallel_loop3A_1659 : vector<16xi32>
        %parallel_loop3A_1661 = arith.constant 4 : i32
        %parallel_loop3A_1662 = vector.broadcast %parallel_loop3A_1661 : i32 to vector<16xi32>
        %parallel_loop3A_1663 = arith.cmpi eq, %parallel_loop3A_1660, %parallel_loop3A_1662 : vector<16xi32>
        %parallel_loop3A_1664 = arith.constant 0 : i32
        %parallel_loop3A_1665 = vector.broadcast %parallel_loop3A_1664 : i32 to vector<16xi32>
        %parallel_loop3A_1666 = arith.cmpi slt, %parallel_loop3A_1436, %parallel_loop3A_1665 : vector<16xi32>
        %parallel_loop3A_1667 = arith.constant 16 : i32
        %parallel_loop3A_1668 = vector.broadcast %parallel_loop3A_1667 : i32 to vector<16xi32>
        %parallel_loop3A_1669 = arith.addi %parallel_loop3A_1436, %parallel_loop3A_1668 : vector<16xi32>
        %parallel_loop3A_1670 = arith.select %parallel_loop3A_1666, %parallel_loop3A_1669, %parallel_loop3A_1436 : vector<16xi1>, vector<16xi32>
        %parallel_loop3A_1671 = vector.shape_cast %parallel_loop3A_1670 : vector<16xi32> to vector<16x1xi32>
        %parallel_loop3A_1672 = vector.shape_cast %parallel_loop3A_1671 : vector<16x1xi32> to vector<16xi32>
        %parallel_loop3A_1673 = tpu.dynamic_gather %parallel_loop3A_1331[%parallel_loop3A_1672] in [0] : vector<16xf32>, vector<16xi32> -> vector<16xf32>
        %parallel_loop3A_1674 = arith.select %parallel_loop3A_1663, %parallel_loop3A_1399, %parallel_loop3A_1673 : vector<16xi1>, vector<16xf32>
        %parallel_loop3A_1675 = arith.constant 4 : i32
        %parallel_loop3A_1676 = vector.broadcast %parallel_loop3A_1675 : i32 to vector<16xi32>
        %parallel_loop3A_1677 = arith.andi %iota3A, %parallel_loop3A_1676 : vector<16xi32>
        %parallel_loop3A_1678 = arith.constant 4 : i32
        %parallel_loop3A_1679 = vector.broadcast %parallel_loop3A_1678 : i32 to vector<16xi32>
        %parallel_loop3A_1680 = arith.cmpi eq, %parallel_loop3A_1677, %parallel_loop3A_1679 : vector<16xi32>
        %parallel_loop3A_1681 = arith.constant 0 : i32
        %parallel_loop3A_1682 = vector.broadcast %parallel_loop3A_1681 : i32 to vector<16xi32>
        %parallel_loop3A_1683 = arith.cmpi slt, %parallel_loop3A_1436, %parallel_loop3A_1682 : vector<16xi32>
        %parallel_loop3A_1684 = arith.constant 16 : i32
        %parallel_loop3A_1685 = vector.broadcast %parallel_loop3A_1684 : i32 to vector<16xi32>
        %parallel_loop3A_1686 = arith.addi %parallel_loop3A_1436, %parallel_loop3A_1685 : vector<16xi32>
        %parallel_loop3A_1687 = arith.select %parallel_loop3A_1683, %parallel_loop3A_1686, %parallel_loop3A_1436 : vector<16xi1>, vector<16xi32>
        %parallel_loop3A_1688 = vector.shape_cast %parallel_loop3A_1687 : vector<16xi32> to vector<16x1xi32>
        %parallel_loop3A_1689 = vector.shape_cast %parallel_loop3A_1688 : vector<16x1xi32> to vector<16xi32>
        %parallel_loop3A_1690 = tpu.dynamic_gather %parallel_loop3A_1348[%parallel_loop3A_1689] in [0] : vector<16xf32>, vector<16xi32> -> vector<16xf32>
        %parallel_loop3A_1691 = arith.select %parallel_loop3A_1680, %parallel_loop3A_1416, %parallel_loop3A_1690 : vector<16xi1>, vector<16xf32>
        %parallel_loop3A_1692 = arith.constant 4 : i32
        %parallel_loop3A_1693 = vector.broadcast %parallel_loop3A_1692 : i32 to vector<16xi32>
        %parallel_loop3A_1694 = arith.andi %iota3A, %parallel_loop3A_1693 : vector<16xi32>
        %parallel_loop3A_1695 = arith.constant 4 : i32
        %parallel_loop3A_1696 = vector.broadcast %parallel_loop3A_1695 : i32 to vector<16xi32>
        %parallel_loop3A_1697 = arith.cmpi eq, %parallel_loop3A_1694, %parallel_loop3A_1696 : vector<16xi32>
        %parallel_loop3A_1698 = arith.constant 0 : i32
        %parallel_loop3A_1699 = vector.broadcast %parallel_loop3A_1698 : i32 to vector<16xi32>
        %parallel_loop3A_1700 = arith.cmpi slt, %parallel_loop3A_1436, %parallel_loop3A_1699 : vector<16xi32>
        %parallel_loop3A_1701 = arith.constant 16 : i32
        %parallel_loop3A_1702 = vector.broadcast %parallel_loop3A_1701 : i32 to vector<16xi32>
        %parallel_loop3A_1703 = arith.addi %parallel_loop3A_1436, %parallel_loop3A_1702 : vector<16xi32>
        %parallel_loop3A_1704 = arith.select %parallel_loop3A_1700, %parallel_loop3A_1703, %parallel_loop3A_1436 : vector<16xi1>, vector<16xi32>
        %parallel_loop3A_1705 = vector.shape_cast %parallel_loop3A_1704 : vector<16xi32> to vector<16x1xi32>
        %parallel_loop3A_1706 = vector.shape_cast %parallel_loop3A_1705 : vector<16x1xi32> to vector<16xi32>
        %parallel_loop3A_1707 = tpu.dynamic_gather %parallel_loop3A_1365[%parallel_loop3A_1706] in [0] : vector<16xf32>, vector<16xi32> -> vector<16xf32>
        %parallel_loop3A_1708 = arith.select %parallel_loop3A_1697, %parallel_loop3A_1433, %parallel_loop3A_1707 : vector<16xi1>, vector<16xf32>
        %parallel_loop3A_1709 = arith.constant 8 : i32
        %parallel_loop3A_1710 = vector.broadcast %parallel_loop3A_1709 : i32 to vector<16xi32>
        %parallel_loop3A_1711 = arith.xori %iota3A, %parallel_loop3A_1710 : vector<16xi32>
        %parallel_loop3A_1712 = arith.constant 8 : i32
        %parallel_loop3A_1713 = vector.broadcast %parallel_loop3A_1712 : i32 to vector<16xi32>
        %parallel_loop3A_1714 = arith.andi %iota3A, %parallel_loop3A_1713 : vector<16xi32>
        %parallel_loop3A_1715 = arith.constant 0 : i32
        %parallel_loop3A_1716 = vector.broadcast %parallel_loop3A_1715 : i32 to vector<16xi32>
        %parallel_loop3A_1717 = arith.cmpi eq, %parallel_loop3A_1714, %parallel_loop3A_1716 : vector<16xi32>
        %parallel_loop3A_1718 = arith.constant 0 : i32
        %parallel_loop3A_1719 = vector.broadcast %parallel_loop3A_1718 : i32 to vector<16xi32>
        %parallel_loop3A_1720 = arith.cmpi slt, %parallel_loop3A_1711, %parallel_loop3A_1719 : vector<16xi32>
        %parallel_loop3A_1721 = arith.constant 16 : i32
        %parallel_loop3A_1722 = vector.broadcast %parallel_loop3A_1721 : i32 to vector<16xi32>
        %parallel_loop3A_1723 = arith.addi %parallel_loop3A_1711, %parallel_loop3A_1722 : vector<16xi32>
        %parallel_loop3A_1724 = arith.select %parallel_loop3A_1720, %parallel_loop3A_1723, %parallel_loop3A_1711 : vector<16xi1>, vector<16xi32>
        %parallel_loop3A_1725 = vector.shape_cast %parallel_loop3A_1724 : vector<16xi32> to vector<16x1xi32>
        %parallel_loop3A_1726 = vector.shape_cast %parallel_loop3A_1725 : vector<16x1xi32> to vector<16xi32>
        %parallel_loop3A_1727 = tpu.dynamic_gather %parallel_loop3A_1589[%parallel_loop3A_1726] in [0] : vector<16xf32>, vector<16xi32> -> vector<16xf32>
        %parallel_loop3A_1728 = arith.select %parallel_loop3A_1717, %parallel_loop3A_1453, %parallel_loop3A_1727 : vector<16xi1>, vector<16xf32>
        %parallel_loop3A_1729 = arith.constant 8 : i32
        %parallel_loop3A_1730 = vector.broadcast %parallel_loop3A_1729 : i32 to vector<16xi32>
        %parallel_loop3A_1731 = arith.andi %iota3A, %parallel_loop3A_1730 : vector<16xi32>
        %parallel_loop3A_1732 = arith.constant 0 : i32
        %parallel_loop3A_1733 = vector.broadcast %parallel_loop3A_1732 : i32 to vector<16xi32>
        %parallel_loop3A_1734 = arith.cmpi eq, %parallel_loop3A_1731, %parallel_loop3A_1733 : vector<16xi32>
        %parallel_loop3A_1735 = arith.constant 0 : i32
        %parallel_loop3A_1736 = vector.broadcast %parallel_loop3A_1735 : i32 to vector<16xi32>
        %parallel_loop3A_1737 = arith.cmpi slt, %parallel_loop3A_1711, %parallel_loop3A_1736 : vector<16xi32>
        %parallel_loop3A_1738 = arith.constant 16 : i32
        %parallel_loop3A_1739 = vector.broadcast %parallel_loop3A_1738 : i32 to vector<16xi32>
        %parallel_loop3A_1740 = arith.addi %parallel_loop3A_1711, %parallel_loop3A_1739 : vector<16xi32>
        %parallel_loop3A_1741 = arith.select %parallel_loop3A_1737, %parallel_loop3A_1740, %parallel_loop3A_1711 : vector<16xi1>, vector<16xi32>
        %parallel_loop3A_1742 = vector.shape_cast %parallel_loop3A_1741 : vector<16xi32> to vector<16x1xi32>
        %parallel_loop3A_1743 = vector.shape_cast %parallel_loop3A_1742 : vector<16x1xi32> to vector<16xi32>
        %parallel_loop3A_1744 = tpu.dynamic_gather %parallel_loop3A_1606[%parallel_loop3A_1743] in [0] : vector<16xf32>, vector<16xi32> -> vector<16xf32>
        %parallel_loop3A_1745 = arith.select %parallel_loop3A_1734, %parallel_loop3A_1470, %parallel_loop3A_1744 : vector<16xi1>, vector<16xf32>
        %parallel_loop3A_1746 = arith.constant 8 : i32
        %parallel_loop3A_1747 = vector.broadcast %parallel_loop3A_1746 : i32 to vector<16xi32>
        %parallel_loop3A_1748 = arith.andi %iota3A, %parallel_loop3A_1747 : vector<16xi32>
        %parallel_loop3A_1749 = arith.constant 0 : i32
        %parallel_loop3A_1750 = vector.broadcast %parallel_loop3A_1749 : i32 to vector<16xi32>
        %parallel_loop3A_1751 = arith.cmpi eq, %parallel_loop3A_1748, %parallel_loop3A_1750 : vector<16xi32>
        %parallel_loop3A_1752 = arith.constant 0 : i32
        %parallel_loop3A_1753 = vector.broadcast %parallel_loop3A_1752 : i32 to vector<16xi32>
        %parallel_loop3A_1754 = arith.cmpi slt, %parallel_loop3A_1711, %parallel_loop3A_1753 : vector<16xi32>
        %parallel_loop3A_1755 = arith.constant 16 : i32
        %parallel_loop3A_1756 = vector.broadcast %parallel_loop3A_1755 : i32 to vector<16xi32>
        %parallel_loop3A_1757 = arith.addi %parallel_loop3A_1711, %parallel_loop3A_1756 : vector<16xi32>
        %parallel_loop3A_1758 = arith.select %parallel_loop3A_1754, %parallel_loop3A_1757, %parallel_loop3A_1711 : vector<16xi1>, vector<16xi32>
        %parallel_loop3A_1759 = vector.shape_cast %parallel_loop3A_1758 : vector<16xi32> to vector<16x1xi32>
        %parallel_loop3A_1760 = vector.shape_cast %parallel_loop3A_1759 : vector<16x1xi32> to vector<16xi32>
        %parallel_loop3A_1761 = tpu.dynamic_gather %parallel_loop3A_1623[%parallel_loop3A_1760] in [0] : vector<16xf32>, vector<16xi32> -> vector<16xf32>
        %parallel_loop3A_1762 = arith.select %parallel_loop3A_1751, %parallel_loop3A_1487, %parallel_loop3A_1761 : vector<16xi1>, vector<16xf32>
        %parallel_loop3A_1763 = arith.constant 8 : i32
        %parallel_loop3A_1764 = vector.broadcast %parallel_loop3A_1763 : i32 to vector<16xi32>
        %parallel_loop3A_1765 = arith.andi %iota3A, %parallel_loop3A_1764 : vector<16xi32>
        %parallel_loop3A_1766 = arith.constant 0 : i32
        %parallel_loop3A_1767 = vector.broadcast %parallel_loop3A_1766 : i32 to vector<16xi32>
        %parallel_loop3A_1768 = arith.cmpi eq, %parallel_loop3A_1765, %parallel_loop3A_1767 : vector<16xi32>
        %parallel_loop3A_1769 = arith.constant 0 : i32
        %parallel_loop3A_1770 = vector.broadcast %parallel_loop3A_1769 : i32 to vector<16xi32>
        %parallel_loop3A_1771 = arith.cmpi slt, %parallel_loop3A_1711, %parallel_loop3A_1770 : vector<16xi32>
        %parallel_loop3A_1772 = arith.constant 16 : i32
        %parallel_loop3A_1773 = vector.broadcast %parallel_loop3A_1772 : i32 to vector<16xi32>
        %parallel_loop3A_1774 = arith.addi %parallel_loop3A_1711, %parallel_loop3A_1773 : vector<16xi32>
        %parallel_loop3A_1775 = arith.select %parallel_loop3A_1771, %parallel_loop3A_1774, %parallel_loop3A_1711 : vector<16xi1>, vector<16xi32>
        %parallel_loop3A_1776 = vector.shape_cast %parallel_loop3A_1775 : vector<16xi32> to vector<16x1xi32>
        %parallel_loop3A_1777 = vector.shape_cast %parallel_loop3A_1776 : vector<16x1xi32> to vector<16xi32>
        %parallel_loop3A_1778 = tpu.dynamic_gather %parallel_loop3A_1640[%parallel_loop3A_1777] in [0] : vector<16xf32>, vector<16xi32> -> vector<16xf32>
        %parallel_loop3A_1779 = arith.select %parallel_loop3A_1768, %parallel_loop3A_1504, %parallel_loop3A_1778 : vector<16xi1>, vector<16xf32>
        %parallel_loop3A_1780 = arith.constant 8 : i32
        %parallel_loop3A_1781 = vector.broadcast %parallel_loop3A_1780 : i32 to vector<16xi32>
        %parallel_loop3A_1782 = arith.andi %iota3A, %parallel_loop3A_1781 : vector<16xi32>
        %parallel_loop3A_1783 = arith.constant 0 : i32
        %parallel_loop3A_1784 = vector.broadcast %parallel_loop3A_1783 : i32 to vector<16xi32>
        %parallel_loop3A_1785 = arith.cmpi eq, %parallel_loop3A_1782, %parallel_loop3A_1784 : vector<16xi32>
        %parallel_loop3A_1786 = arith.constant 0 : i32
        %parallel_loop3A_1787 = vector.broadcast %parallel_loop3A_1786 : i32 to vector<16xi32>
        %parallel_loop3A_1788 = arith.cmpi slt, %parallel_loop3A_1711, %parallel_loop3A_1787 : vector<16xi32>
        %parallel_loop3A_1789 = arith.constant 16 : i32
        %parallel_loop3A_1790 = vector.broadcast %parallel_loop3A_1789 : i32 to vector<16xi32>
        %parallel_loop3A_1791 = arith.addi %parallel_loop3A_1711, %parallel_loop3A_1790 : vector<16xi32>
        %parallel_loop3A_1792 = arith.select %parallel_loop3A_1788, %parallel_loop3A_1791, %parallel_loop3A_1711 : vector<16xi1>, vector<16xi32>
        %parallel_loop3A_1793 = vector.shape_cast %parallel_loop3A_1792 : vector<16xi32> to vector<16x1xi32>
        %parallel_loop3A_1794 = vector.shape_cast %parallel_loop3A_1793 : vector<16x1xi32> to vector<16xi32>
        %parallel_loop3A_1795 = tpu.dynamic_gather %parallel_loop3A_1657[%parallel_loop3A_1794] in [0] : vector<16xf32>, vector<16xi32> -> vector<16xf32>
        %parallel_loop3A_1796 = arith.select %parallel_loop3A_1785, %parallel_loop3A_1521, %parallel_loop3A_1795 : vector<16xi1>, vector<16xf32>
        %parallel_loop3A_1797 = arith.constant 8 : i32
        %parallel_loop3A_1798 = vector.broadcast %parallel_loop3A_1797 : i32 to vector<16xi32>
        %parallel_loop3A_1799 = arith.andi %iota3A, %parallel_loop3A_1798 : vector<16xi32>
        %parallel_loop3A_1800 = arith.constant 0 : i32
        %parallel_loop3A_1801 = vector.broadcast %parallel_loop3A_1800 : i32 to vector<16xi32>
        %parallel_loop3A_1802 = arith.cmpi eq, %parallel_loop3A_1799, %parallel_loop3A_1801 : vector<16xi32>
        %parallel_loop3A_1803 = arith.constant 0 : i32
        %parallel_loop3A_1804 = vector.broadcast %parallel_loop3A_1803 : i32 to vector<16xi32>
        %parallel_loop3A_1805 = arith.cmpi slt, %parallel_loop3A_1711, %parallel_loop3A_1804 : vector<16xi32>
        %parallel_loop3A_1806 = arith.constant 16 : i32
        %parallel_loop3A_1807 = vector.broadcast %parallel_loop3A_1806 : i32 to vector<16xi32>
        %parallel_loop3A_1808 = arith.addi %parallel_loop3A_1711, %parallel_loop3A_1807 : vector<16xi32>
        %parallel_loop3A_1809 = arith.select %parallel_loop3A_1805, %parallel_loop3A_1808, %parallel_loop3A_1711 : vector<16xi1>, vector<16xi32>
        %parallel_loop3A_1810 = vector.shape_cast %parallel_loop3A_1809 : vector<16xi32> to vector<16x1xi32>
        %parallel_loop3A_1811 = vector.shape_cast %parallel_loop3A_1810 : vector<16x1xi32> to vector<16xi32>
        %parallel_loop3A_1812 = tpu.dynamic_gather %parallel_loop3A_1674[%parallel_loop3A_1811] in [0] : vector<16xf32>, vector<16xi32> -> vector<16xf32>
        %parallel_loop3A_1813 = arith.select %parallel_loop3A_1802, %parallel_loop3A_1538, %parallel_loop3A_1812 : vector<16xi1>, vector<16xf32>
        %parallel_loop3A_1814 = arith.constant 8 : i32
        %parallel_loop3A_1815 = vector.broadcast %parallel_loop3A_1814 : i32 to vector<16xi32>
        %parallel_loop3A_1816 = arith.andi %iota3A, %parallel_loop3A_1815 : vector<16xi32>
        %parallel_loop3A_1817 = arith.constant 0 : i32
        %parallel_loop3A_1818 = vector.broadcast %parallel_loop3A_1817 : i32 to vector<16xi32>
        %parallel_loop3A_1819 = arith.cmpi eq, %parallel_loop3A_1816, %parallel_loop3A_1818 : vector<16xi32>
        %parallel_loop3A_1820 = arith.constant 0 : i32
        %parallel_loop3A_1821 = vector.broadcast %parallel_loop3A_1820 : i32 to vector<16xi32>
        %parallel_loop3A_1822 = arith.cmpi slt, %parallel_loop3A_1711, %parallel_loop3A_1821 : vector<16xi32>
        %parallel_loop3A_1823 = arith.constant 16 : i32
        %parallel_loop3A_1824 = vector.broadcast %parallel_loop3A_1823 : i32 to vector<16xi32>
        %parallel_loop3A_1825 = arith.addi %parallel_loop3A_1711, %parallel_loop3A_1824 : vector<16xi32>
        %parallel_loop3A_1826 = arith.select %parallel_loop3A_1822, %parallel_loop3A_1825, %parallel_loop3A_1711 : vector<16xi1>, vector<16xi32>
        %parallel_loop3A_1827 = vector.shape_cast %parallel_loop3A_1826 : vector<16xi32> to vector<16x1xi32>
        %parallel_loop3A_1828 = vector.shape_cast %parallel_loop3A_1827 : vector<16x1xi32> to vector<16xi32>
        %parallel_loop3A_1829 = tpu.dynamic_gather %parallel_loop3A_1691[%parallel_loop3A_1828] in [0] : vector<16xf32>, vector<16xi32> -> vector<16xf32>
        %parallel_loop3A_1830 = arith.select %parallel_loop3A_1819, %parallel_loop3A_1555, %parallel_loop3A_1829 : vector<16xi1>, vector<16xf32>
        %parallel_loop3A_1831 = arith.constant 8 : i32
        %parallel_loop3A_1832 = vector.broadcast %parallel_loop3A_1831 : i32 to vector<16xi32>
        %parallel_loop3A_1833 = arith.andi %iota3A, %parallel_loop3A_1832 : vector<16xi32>
        %parallel_loop3A_1834 = arith.constant 0 : i32
        %parallel_loop3A_1835 = vector.broadcast %parallel_loop3A_1834 : i32 to vector<16xi32>
        %parallel_loop3A_1836 = arith.cmpi eq, %parallel_loop3A_1833, %parallel_loop3A_1835 : vector<16xi32>
        %parallel_loop3A_1837 = arith.constant 0 : i32
        %parallel_loop3A_1838 = vector.broadcast %parallel_loop3A_1837 : i32 to vector<16xi32>
        %parallel_loop3A_1839 = arith.cmpi slt, %parallel_loop3A_1711, %parallel_loop3A_1838 : vector<16xi32>
        %parallel_loop3A_1840 = arith.constant 16 : i32
        %parallel_loop3A_1841 = vector.broadcast %parallel_loop3A_1840 : i32 to vector<16xi32>
        %parallel_loop3A_1842 = arith.addi %parallel_loop3A_1711, %parallel_loop3A_1841 : vector<16xi32>
        %parallel_loop3A_1843 = arith.select %parallel_loop3A_1839, %parallel_loop3A_1842, %parallel_loop3A_1711 : vector<16xi1>, vector<16xi32>
        %parallel_loop3A_1844 = vector.shape_cast %parallel_loop3A_1843 : vector<16xi32> to vector<16x1xi32>
        %parallel_loop3A_1845 = vector.shape_cast %parallel_loop3A_1844 : vector<16x1xi32> to vector<16xi32>
        %parallel_loop3A_1846 = tpu.dynamic_gather %parallel_loop3A_1708[%parallel_loop3A_1845] in [0] : vector<16xf32>, vector<16xi32> -> vector<16xf32>
        %parallel_loop3A_1847 = arith.select %parallel_loop3A_1836, %parallel_loop3A_1572, %parallel_loop3A_1846 : vector<16xi1>, vector<16xf32>
        %parallel_loop3A_1848 = arith.constant 8 : i32
        %parallel_loop3A_1849 = vector.broadcast %parallel_loop3A_1848 : i32 to vector<16xi32>
        %parallel_loop3A_1850 = arith.andi %iota3A, %parallel_loop3A_1849 : vector<16xi32>
        %parallel_loop3A_1851 = arith.constant 8 : i32
        %parallel_loop3A_1852 = vector.broadcast %parallel_loop3A_1851 : i32 to vector<16xi32>
        %parallel_loop3A_1853 = arith.cmpi eq, %parallel_loop3A_1850, %parallel_loop3A_1852 : vector<16xi32>
        %parallel_loop3A_1854 = arith.constant 0 : i32
        %parallel_loop3A_1855 = vector.broadcast %parallel_loop3A_1854 : i32 to vector<16xi32>
        %parallel_loop3A_1856 = arith.cmpi slt, %parallel_loop3A_1711, %parallel_loop3A_1855 : vector<16xi32>
        %parallel_loop3A_1857 = arith.constant 16 : i32
        %parallel_loop3A_1858 = vector.broadcast %parallel_loop3A_1857 : i32 to vector<16xi32>
        %parallel_loop3A_1859 = arith.addi %parallel_loop3A_1711, %parallel_loop3A_1858 : vector<16xi32>
        %parallel_loop3A_1860 = arith.select %parallel_loop3A_1856, %parallel_loop3A_1859, %parallel_loop3A_1711 : vector<16xi1>, vector<16xi32>
        %parallel_loop3A_1861 = vector.shape_cast %parallel_loop3A_1860 : vector<16xi32> to vector<16x1xi32>
        %parallel_loop3A_1862 = vector.shape_cast %parallel_loop3A_1861 : vector<16x1xi32> to vector<16xi32>
        %parallel_loop3A_1863 = tpu.dynamic_gather %parallel_loop3A_1453[%parallel_loop3A_1862] in [0] : vector<16xf32>, vector<16xi32> -> vector<16xf32>
        %parallel_loop3A_1864 = arith.select %parallel_loop3A_1853, %parallel_loop3A_1589, %parallel_loop3A_1863 : vector<16xi1>, vector<16xf32>
        %parallel_loop3A_1865 = arith.constant 8 : i32
        %parallel_loop3A_1866 = vector.broadcast %parallel_loop3A_1865 : i32 to vector<16xi32>
        %parallel_loop3A_1867 = arith.andi %iota3A, %parallel_loop3A_1866 : vector<16xi32>
        %parallel_loop3A_1868 = arith.constant 8 : i32
        %parallel_loop3A_1869 = vector.broadcast %parallel_loop3A_1868 : i32 to vector<16xi32>
        %parallel_loop3A_1870 = arith.cmpi eq, %parallel_loop3A_1867, %parallel_loop3A_1869 : vector<16xi32>
        %parallel_loop3A_1871 = arith.constant 0 : i32
        %parallel_loop3A_1872 = vector.broadcast %parallel_loop3A_1871 : i32 to vector<16xi32>
        %parallel_loop3A_1873 = arith.cmpi slt, %parallel_loop3A_1711, %parallel_loop3A_1872 : vector<16xi32>
        %parallel_loop3A_1874 = arith.constant 16 : i32
        %parallel_loop3A_1875 = vector.broadcast %parallel_loop3A_1874 : i32 to vector<16xi32>
        %parallel_loop3A_1876 = arith.addi %parallel_loop3A_1711, %parallel_loop3A_1875 : vector<16xi32>
        %parallel_loop3A_1877 = arith.select %parallel_loop3A_1873, %parallel_loop3A_1876, %parallel_loop3A_1711 : vector<16xi1>, vector<16xi32>
        %parallel_loop3A_1878 = vector.shape_cast %parallel_loop3A_1877 : vector<16xi32> to vector<16x1xi32>
        %parallel_loop3A_1879 = vector.shape_cast %parallel_loop3A_1878 : vector<16x1xi32> to vector<16xi32>
        %parallel_loop3A_1880 = tpu.dynamic_gather %parallel_loop3A_1470[%parallel_loop3A_1879] in [0] : vector<16xf32>, vector<16xi32> -> vector<16xf32>
        %parallel_loop3A_1881 = arith.select %parallel_loop3A_1870, %parallel_loop3A_1606, %parallel_loop3A_1880 : vector<16xi1>, vector<16xf32>
        %parallel_loop3A_1882 = arith.constant 8 : i32
        %parallel_loop3A_1883 = vector.broadcast %parallel_loop3A_1882 : i32 to vector<16xi32>
        %parallel_loop3A_1884 = arith.andi %iota3A, %parallel_loop3A_1883 : vector<16xi32>
        %parallel_loop3A_1885 = arith.constant 8 : i32
        %parallel_loop3A_1886 = vector.broadcast %parallel_loop3A_1885 : i32 to vector<16xi32>
        %parallel_loop3A_1887 = arith.cmpi eq, %parallel_loop3A_1884, %parallel_loop3A_1886 : vector<16xi32>
        %parallel_loop3A_1888 = arith.constant 0 : i32
        %parallel_loop3A_1889 = vector.broadcast %parallel_loop3A_1888 : i32 to vector<16xi32>
        %parallel_loop3A_1890 = arith.cmpi slt, %parallel_loop3A_1711, %parallel_loop3A_1889 : vector<16xi32>
        %parallel_loop3A_1891 = arith.constant 16 : i32
        %parallel_loop3A_1892 = vector.broadcast %parallel_loop3A_1891 : i32 to vector<16xi32>
        %parallel_loop3A_1893 = arith.addi %parallel_loop3A_1711, %parallel_loop3A_1892 : vector<16xi32>
        %parallel_loop3A_1894 = arith.select %parallel_loop3A_1890, %parallel_loop3A_1893, %parallel_loop3A_1711 : vector<16xi1>, vector<16xi32>
        %parallel_loop3A_1895 = vector.shape_cast %parallel_loop3A_1894 : vector<16xi32> to vector<16x1xi32>
        %parallel_loop3A_1896 = vector.shape_cast %parallel_loop3A_1895 : vector<16x1xi32> to vector<16xi32>
        %parallel_loop3A_1897 = tpu.dynamic_gather %parallel_loop3A_1487[%parallel_loop3A_1896] in [0] : vector<16xf32>, vector<16xi32> -> vector<16xf32>
        %parallel_loop3A_1898 = arith.select %parallel_loop3A_1887, %parallel_loop3A_1623, %parallel_loop3A_1897 : vector<16xi1>, vector<16xf32>
        %parallel_loop3A_1899 = arith.constant 8 : i32
        %parallel_loop3A_1900 = vector.broadcast %parallel_loop3A_1899 : i32 to vector<16xi32>
        %parallel_loop3A_1901 = arith.andi %iota3A, %parallel_loop3A_1900 : vector<16xi32>
        %parallel_loop3A_1902 = arith.constant 8 : i32
        %parallel_loop3A_1903 = vector.broadcast %parallel_loop3A_1902 : i32 to vector<16xi32>
        %parallel_loop3A_1904 = arith.cmpi eq, %parallel_loop3A_1901, %parallel_loop3A_1903 : vector<16xi32>
        %parallel_loop3A_1905 = arith.constant 0 : i32
        %parallel_loop3A_1906 = vector.broadcast %parallel_loop3A_1905 : i32 to vector<16xi32>
        %parallel_loop3A_1907 = arith.cmpi slt, %parallel_loop3A_1711, %parallel_loop3A_1906 : vector<16xi32>
        %parallel_loop3A_1908 = arith.constant 16 : i32
        %parallel_loop3A_1909 = vector.broadcast %parallel_loop3A_1908 : i32 to vector<16xi32>
        %parallel_loop3A_1910 = arith.addi %parallel_loop3A_1711, %parallel_loop3A_1909 : vector<16xi32>
        %parallel_loop3A_1911 = arith.select %parallel_loop3A_1907, %parallel_loop3A_1910, %parallel_loop3A_1711 : vector<16xi1>, vector<16xi32>
        %parallel_loop3A_1912 = vector.shape_cast %parallel_loop3A_1911 : vector<16xi32> to vector<16x1xi32>
        %parallel_loop3A_1913 = vector.shape_cast %parallel_loop3A_1912 : vector<16x1xi32> to vector<16xi32>
        %parallel_loop3A_1914 = tpu.dynamic_gather %parallel_loop3A_1504[%parallel_loop3A_1913] in [0] : vector<16xf32>, vector<16xi32> -> vector<16xf32>
        %parallel_loop3A_1915 = arith.select %parallel_loop3A_1904, %parallel_loop3A_1640, %parallel_loop3A_1914 : vector<16xi1>, vector<16xf32>
        %parallel_loop3A_1916 = arith.constant 8 : i32
        %parallel_loop3A_1917 = vector.broadcast %parallel_loop3A_1916 : i32 to vector<16xi32>
        %parallel_loop3A_1918 = arith.andi %iota3A, %parallel_loop3A_1917 : vector<16xi32>
        %parallel_loop3A_1919 = arith.constant 8 : i32
        %parallel_loop3A_1920 = vector.broadcast %parallel_loop3A_1919 : i32 to vector<16xi32>
        %parallel_loop3A_1921 = arith.cmpi eq, %parallel_loop3A_1918, %parallel_loop3A_1920 : vector<16xi32>
        %parallel_loop3A_1922 = arith.constant 0 : i32
        %parallel_loop3A_1923 = vector.broadcast %parallel_loop3A_1922 : i32 to vector<16xi32>
        %parallel_loop3A_1924 = arith.cmpi slt, %parallel_loop3A_1711, %parallel_loop3A_1923 : vector<16xi32>
        %parallel_loop3A_1925 = arith.constant 16 : i32
        %parallel_loop3A_1926 = vector.broadcast %parallel_loop3A_1925 : i32 to vector<16xi32>
        %parallel_loop3A_1927 = arith.addi %parallel_loop3A_1711, %parallel_loop3A_1926 : vector<16xi32>
        %parallel_loop3A_1928 = arith.select %parallel_loop3A_1924, %parallel_loop3A_1927, %parallel_loop3A_1711 : vector<16xi1>, vector<16xi32>
        %parallel_loop3A_1929 = vector.shape_cast %parallel_loop3A_1928 : vector<16xi32> to vector<16x1xi32>
        %parallel_loop3A_1930 = vector.shape_cast %parallel_loop3A_1929 : vector<16x1xi32> to vector<16xi32>
        %parallel_loop3A_1931 = tpu.dynamic_gather %parallel_loop3A_1521[%parallel_loop3A_1930] in [0] : vector<16xf32>, vector<16xi32> -> vector<16xf32>
        %parallel_loop3A_1932 = arith.select %parallel_loop3A_1921, %parallel_loop3A_1657, %parallel_loop3A_1931 : vector<16xi1>, vector<16xf32>
        %parallel_loop3A_1933 = arith.constant 8 : i32
        %parallel_loop3A_1934 = vector.broadcast %parallel_loop3A_1933 : i32 to vector<16xi32>
        %parallel_loop3A_1935 = arith.andi %iota3A, %parallel_loop3A_1934 : vector<16xi32>
        %parallel_loop3A_1936 = arith.constant 8 : i32
        %parallel_loop3A_1937 = vector.broadcast %parallel_loop3A_1936 : i32 to vector<16xi32>
        %parallel_loop3A_1938 = arith.cmpi eq, %parallel_loop3A_1935, %parallel_loop3A_1937 : vector<16xi32>
        %parallel_loop3A_1939 = arith.constant 0 : i32
        %parallel_loop3A_1940 = vector.broadcast %parallel_loop3A_1939 : i32 to vector<16xi32>
        %parallel_loop3A_1941 = arith.cmpi slt, %parallel_loop3A_1711, %parallel_loop3A_1940 : vector<16xi32>
        %parallel_loop3A_1942 = arith.constant 16 : i32
        %parallel_loop3A_1943 = vector.broadcast %parallel_loop3A_1942 : i32 to vector<16xi32>
        %parallel_loop3A_1944 = arith.addi %parallel_loop3A_1711, %parallel_loop3A_1943 : vector<16xi32>
        %parallel_loop3A_1945 = arith.select %parallel_loop3A_1941, %parallel_loop3A_1944, %parallel_loop3A_1711 : vector<16xi1>, vector<16xi32>
        %parallel_loop3A_1946 = vector.shape_cast %parallel_loop3A_1945 : vector<16xi32> to vector<16x1xi32>
        %parallel_loop3A_1947 = vector.shape_cast %parallel_loop3A_1946 : vector<16x1xi32> to vector<16xi32>
        %parallel_loop3A_1948 = tpu.dynamic_gather %parallel_loop3A_1538[%parallel_loop3A_1947] in [0] : vector<16xf32>, vector<16xi32> -> vector<16xf32>
        %parallel_loop3A_1949 = arith.select %parallel_loop3A_1938, %parallel_loop3A_1674, %parallel_loop3A_1948 : vector<16xi1>, vector<16xf32>
        %parallel_loop3A_1950 = arith.constant 8 : i32
        %parallel_loop3A_1951 = vector.broadcast %parallel_loop3A_1950 : i32 to vector<16xi32>
        %parallel_loop3A_1952 = arith.andi %iota3A, %parallel_loop3A_1951 : vector<16xi32>
        %parallel_loop3A_1953 = arith.constant 8 : i32
        %parallel_loop3A_1954 = vector.broadcast %parallel_loop3A_1953 : i32 to vector<16xi32>
        %parallel_loop3A_1955 = arith.cmpi eq, %parallel_loop3A_1952, %parallel_loop3A_1954 : vector<16xi32>
        %parallel_loop3A_1956 = arith.constant 0 : i32
        %parallel_loop3A_1957 = vector.broadcast %parallel_loop3A_1956 : i32 to vector<16xi32>
        %parallel_loop3A_1958 = arith.cmpi slt, %parallel_loop3A_1711, %parallel_loop3A_1957 : vector<16xi32>
        %parallel_loop3A_1959 = arith.constant 16 : i32
        %parallel_loop3A_1960 = vector.broadcast %parallel_loop3A_1959 : i32 to vector<16xi32>
        %parallel_loop3A_1961 = arith.addi %parallel_loop3A_1711, %parallel_loop3A_1960 : vector<16xi32>
        %parallel_loop3A_1962 = arith.select %parallel_loop3A_1958, %parallel_loop3A_1961, %parallel_loop3A_1711 : vector<16xi1>, vector<16xi32>
        %parallel_loop3A_1963 = vector.shape_cast %parallel_loop3A_1962 : vector<16xi32> to vector<16x1xi32>
        %parallel_loop3A_1964 = vector.shape_cast %parallel_loop3A_1963 : vector<16x1xi32> to vector<16xi32>
        %parallel_loop3A_1965 = tpu.dynamic_gather %parallel_loop3A_1555[%parallel_loop3A_1964] in [0] : vector<16xf32>, vector<16xi32> -> vector<16xf32>
        %parallel_loop3A_1966 = arith.select %parallel_loop3A_1955, %parallel_loop3A_1691, %parallel_loop3A_1965 : vector<16xi1>, vector<16xf32>
        %parallel_loop3A_1967 = arith.constant 8 : i32
        %parallel_loop3A_1968 = vector.broadcast %parallel_loop3A_1967 : i32 to vector<16xi32>
        %parallel_loop3A_1969 = arith.andi %iota3A, %parallel_loop3A_1968 : vector<16xi32>
        %parallel_loop3A_1970 = arith.constant 8 : i32
        %parallel_loop3A_1971 = vector.broadcast %parallel_loop3A_1970 : i32 to vector<16xi32>
        %parallel_loop3A_1972 = arith.cmpi eq, %parallel_loop3A_1969, %parallel_loop3A_1971 : vector<16xi32>
        %parallel_loop3A_1973 = arith.constant 0 : i32
        %parallel_loop3A_1974 = vector.broadcast %parallel_loop3A_1973 : i32 to vector<16xi32>
        %parallel_loop3A_1975 = arith.cmpi slt, %parallel_loop3A_1711, %parallel_loop3A_1974 : vector<16xi32>
        %parallel_loop3A_1976 = arith.constant 16 : i32
        %parallel_loop3A_1977 = vector.broadcast %parallel_loop3A_1976 : i32 to vector<16xi32>
        %parallel_loop3A_1978 = arith.addi %parallel_loop3A_1711, %parallel_loop3A_1977 : vector<16xi32>
        %parallel_loop3A_1979 = arith.select %parallel_loop3A_1975, %parallel_loop3A_1978, %parallel_loop3A_1711 : vector<16xi1>, vector<16xi32>
        %parallel_loop3A_1980 = vector.shape_cast %parallel_loop3A_1979 : vector<16xi32> to vector<16x1xi32>
        %parallel_loop3A_1981 = vector.shape_cast %parallel_loop3A_1980 : vector<16x1xi32> to vector<16xi32>
        %parallel_loop3A_1982 = tpu.dynamic_gather %parallel_loop3A_1572[%parallel_loop3A_1981] in [0] : vector<16xf32>, vector<16xi32> -> vector<16xf32>
        %parallel_loop3A_1983 = arith.select %parallel_loop3A_1972, %parallel_loop3A_1708, %parallel_loop3A_1982 : vector<16xi1>, vector<16xf32>
        %parallel_loop3A_1984 = arith.constant 16 : i32
        %parallel_loop3A_1985 = arith.muli %parallel_loop3A_415, %parallel_loop3A_1984 : i32
        %parallel_loop3A_1986 = arith.constant 0 : i32
        %parallel_loop3A_1987 = arith.addi %parallel_loop3A_1985, %parallel_loop3A_1986 : i32
        %parallel_loop3A_1988 = arith.index_cast %rem3A_255 : i32 to index
        %parallel_loop3A_1989 = arith.index_cast %parallel_loop3A_1987 : i32 to index
        %parallel_loop3A_1990 = arith.index_cast %parallel_loop3A_417 : i32 to index
        %parallel_loop3A_1991 = tpu.vector_load %arg9[%parallel_loop3A_1988, %parallel_loop3A_1989, %parallel_loop3A_1990] {strides = array<i32>} : memref<2x32x80xf32, #tpu.memory_space<vmem>>, vector<1x1x16xf32>,
        %parallel_loop3A_1992 = vector.shape_cast %parallel_loop3A_1991 : vector<1x1x16xf32> to vector<16xf32>
        %parallel_loop3A_1993 = vector.shape_cast %parallel_loop3A_1728 : vector<16xf32> to vector<1x1x16xf32>
        tpu.vector_store %arg9[%parallel_loop3A_1988, %parallel_loop3A_1989, %parallel_loop3A_1990], %parallel_loop3A_1993 {strides = array<i32>} : memref<2x32x80xf32, #tpu.memory_space<vmem>>, vector<1x1x16xf32>,
        %parallel_loop3A_1994 = arith.constant 16 : i32
        %parallel_loop3A_1995 = arith.muli %parallel_loop3A_415, %parallel_loop3A_1994 : i32
        %parallel_loop3A_1996 = arith.constant 1 : i32
        %parallel_loop3A_1997 = arith.addi %parallel_loop3A_1995, %parallel_loop3A_1996 : i32
        %parallel_loop3A_1998 = arith.index_cast %rem3A_255 : i32 to index
        %parallel_loop3A_1999 = arith.index_cast %parallel_loop3A_1997 : i32 to index
        %parallel_loop3A_2000 = arith.index_cast %parallel_loop3A_417 : i32 to index
        %parallel_loop3A_2001 = tpu.vector_load %arg9[%parallel_loop3A_1998, %parallel_loop3A_1999, %parallel_loop3A_2000] {strides = array<i32>} : memref<2x32x80xf32, #tpu.memory_space<vmem>>, vector<1x1x16xf32>,
        %parallel_loop3A_2002 = vector.shape_cast %parallel_loop3A_2001 : vector<1x1x16xf32> to vector<16xf32>
        %parallel_loop3A_2003 = vector.shape_cast %parallel_loop3A_1745 : vector<16xf32> to vector<1x1x16xf32>
        tpu.vector_store %arg9[%parallel_loop3A_1998, %parallel_loop3A_1999, %parallel_loop3A_2000], %parallel_loop3A_2003 {strides = array<i32>} : memref<2x32x80xf32, #tpu.memory_space<vmem>>, vector<1x1x16xf32>,
        %parallel_loop3A_2004 = arith.constant 16 : i32
        %parallel_loop3A_2005 = arith.muli %parallel_loop3A_415, %parallel_loop3A_2004 : i32
        %parallel_loop3A_2006 = arith.constant 2 : i32
        %parallel_loop3A_2007 = arith.addi %parallel_loop3A_2005, %parallel_loop3A_2006 : i32
        %parallel_loop3A_2008 = arith.index_cast %rem3A_255 : i32 to index
        %parallel_loop3A_2009 = arith.index_cast %parallel_loop3A_2007 : i32 to index
        %parallel_loop3A_2010 = arith.index_cast %parallel_loop3A_417 : i32 to index
        %parallel_loop3A_2011 = tpu.vector_load %arg9[%parallel_loop3A_2008, %parallel_loop3A_2009, %parallel_loop3A_2010] {strides = array<i32>} : memref<2x32x80xf32, #tpu.memory_space<vmem>>, vector<1x1x16xf32>,
        %parallel_loop3A_2012 = vector.shape_cast %parallel_loop3A_2011 : vector<1x1x16xf32> to vector<16xf32>
        %parallel_loop3A_2013 = vector.shape_cast %parallel_loop3A_1762 : vector<16xf32> to vector<1x1x16xf32>
        tpu.vector_store %arg9[%parallel_loop3A_2008, %parallel_loop3A_2009, %parallel_loop3A_2010], %parallel_loop3A_2013 {strides = array<i32>} : memref<2x32x80xf32, #tpu.memory_space<vmem>>, vector<1x1x16xf32>,
        %parallel_loop3A_2014 = arith.constant 16 : i32
        %parallel_loop3A_2015 = arith.muli %parallel_loop3A_415, %parallel_loop3A_2014 : i32
        %parallel_loop3A_2016 = arith.constant 3 : i32
        %parallel_loop3A_2017 = arith.addi %parallel_loop3A_2015, %parallel_loop3A_2016 : i32
        %parallel_loop3A_2018 = arith.index_cast %rem3A_255 : i32 to index
        %parallel_loop3A_2019 = arith.index_cast %parallel_loop3A_2017 : i32 to index
        %parallel_loop3A_2020 = arith.index_cast %parallel_loop3A_417 : i32 to index
        %parallel_loop3A_2021 = tpu.vector_load %arg9[%parallel_loop3A_2018, %parallel_loop3A_2019, %parallel_loop3A_2020] {strides = array<i32>} : memref<2x32x80xf32, #tpu.memory_space<vmem>>, vector<1x1x16xf32>,
        %parallel_loop3A_2022 = vector.shape_cast %parallel_loop3A_2021 : vector<1x1x16xf32> to vector<16xf32>
        %parallel_loop3A_2023 = vector.shape_cast %parallel_loop3A_1779 : vector<16xf32> to vector<1x1x16xf32>
        tpu.vector_store %arg9[%parallel_loop3A_2018, %parallel_loop3A_2019, %parallel_loop3A_2020], %parallel_loop3A_2023 {strides = array<i32>} : memref<2x32x80xf32, #tpu.memory_space<vmem>>, vector<1x1x16xf32>,
        %parallel_loop3A_2024 = arith.constant 16 : i32
        %parallel_loop3A_2025 = arith.muli %parallel_loop3A_415, %parallel_loop3A_2024 : i32
        %parallel_loop3A_2026 = arith.constant 4 : i32
        %parallel_loop3A_2027 = arith.addi %parallel_loop3A_2025, %parallel_loop3A_2026 : i32
        %parallel_loop3A_2028 = arith.index_cast %rem3A_255 : i32 to index
        %parallel_loop3A_2029 = arith.index_cast %parallel_loop3A_2027 : i32 to index
        %parallel_loop3A_2030 = arith.index_cast %parallel_loop3A_417 : i32 to index
        %parallel_loop3A_2031 = tpu.vector_load %arg9[%parallel_loop3A_2028, %parallel_loop3A_2029, %parallel_loop3A_2030] {strides = array<i32>} : memref<2x32x80xf32, #tpu.memory_space<vmem>>, vector<1x1x16xf32>,
        %parallel_loop3A_2032 = vector.shape_cast %parallel_loop3A_2031 : vector<1x1x16xf32> to vector<16xf32>
        %parallel_loop3A_2033 = vector.shape_cast %parallel_loop3A_1796 : vector<16xf32> to vector<1x1x16xf32>
        tpu.vector_store %arg9[%parallel_loop3A_2028, %parallel_loop3A_2029, %parallel_loop3A_2030], %parallel_loop3A_2033 {strides = array<i32>} : memref<2x32x80xf32, #tpu.memory_space<vmem>>, vector<1x1x16xf32>,
        %parallel_loop3A_2034 = arith.constant 16 : i32
        %parallel_loop3A_2035 = arith.muli %parallel_loop3A_415, %parallel_loop3A_2034 : i32
        %parallel_loop3A_2036 = arith.constant 5 : i32
        %parallel_loop3A_2037 = arith.addi %parallel_loop3A_2035, %parallel_loop3A_2036 : i32
        %parallel_loop3A_2038 = arith.index_cast %rem3A_255 : i32 to index
        %parallel_loop3A_2039 = arith.index_cast %parallel_loop3A_2037 : i32 to index
        %parallel_loop3A_2040 = arith.index_cast %parallel_loop3A_417 : i32 to index
        %parallel_loop3A_2041 = tpu.vector_load %arg9[%parallel_loop3A_2038, %parallel_loop3A_2039, %parallel_loop3A_2040] {strides = array<i32>} : memref<2x32x80xf32, #tpu.memory_space<vmem>>, vector<1x1x16xf32>,
        %parallel_loop3A_2042 = vector.shape_cast %parallel_loop3A_2041 : vector<1x1x16xf32> to vector<16xf32>
        %parallel_loop3A_2043 = vector.shape_cast %parallel_loop3A_1813 : vector<16xf32> to vector<1x1x16xf32>
        tpu.vector_store %arg9[%parallel_loop3A_2038, %parallel_loop3A_2039, %parallel_loop3A_2040], %parallel_loop3A_2043 {strides = array<i32>} : memref<2x32x80xf32, #tpu.memory_space<vmem>>, vector<1x1x16xf32>,
        %parallel_loop3A_2044 = arith.constant 16 : i32
        %parallel_loop3A_2045 = arith.muli %parallel_loop3A_415, %parallel_loop3A_2044 : i32
        %parallel_loop3A_2046 = arith.constant 6 : i32
        %parallel_loop3A_2047 = arith.addi %parallel_loop3A_2045, %parallel_loop3A_2046 : i32
        %parallel_loop3A_2048 = arith.index_cast %rem3A_255 : i32 to index
        %parallel_loop3A_2049 = arith.index_cast %parallel_loop3A_2047 : i32 to index
        %parallel_loop3A_2050 = arith.index_cast %parallel_loop3A_417 : i32 to index
        %parallel_loop3A_2051 = tpu.vector_load %arg9[%parallel_loop3A_2048, %parallel_loop3A_2049, %parallel_loop3A_2050] {strides = array<i32>} : memref<2x32x80xf32, #tpu.memory_space<vmem>>, vector<1x1x16xf32>,
        %parallel_loop3A_2052 = vector.shape_cast %parallel_loop3A_2051 : vector<1x1x16xf32> to vector<16xf32>
        %parallel_loop3A_2053 = vector.shape_cast %parallel_loop3A_1830 : vector<16xf32> to vector<1x1x16xf32>
        tpu.vector_store %arg9[%parallel_loop3A_2048, %parallel_loop3A_2049, %parallel_loop3A_2050], %parallel_loop3A_2053 {strides = array<i32>} : memref<2x32x80xf32, #tpu.memory_space<vmem>>, vector<1x1x16xf32>,
        %parallel_loop3A_2054 = arith.constant 16 : i32
        %parallel_loop3A_2055 = arith.muli %parallel_loop3A_415, %parallel_loop3A_2054 : i32
        %parallel_loop3A_2056 = arith.constant 7 : i32
        %parallel_loop3A_2057 = arith.addi %parallel_loop3A_2055, %parallel_loop3A_2056 : i32
        %parallel_loop3A_2058 = arith.index_cast %rem3A_255 : i32 to index
        %parallel_loop3A_2059 = arith.index_cast %parallel_loop3A_2057 : i32 to index
        %parallel_loop3A_2060 = arith.index_cast %parallel_loop3A_417 : i32 to index
        %parallel_loop3A_2061 = tpu.vector_load %arg9[%parallel_loop3A_2058, %parallel_loop3A_2059, %parallel_loop3A_2060] {strides = array<i32>} : memref<2x32x80xf32, #tpu.memory_space<vmem>>, vector<1x1x16xf32>,
        %parallel_loop3A_2062 = vector.shape_cast %parallel_loop3A_2061 : vector<1x1x16xf32> to vector<16xf32>
        %parallel_loop3A_2063 = vector.shape_cast %parallel_loop3A_1847 : vector<16xf32> to vector<1x1x16xf32>
        tpu.vector_store %arg9[%parallel_loop3A_2058, %parallel_loop3A_2059, %parallel_loop3A_2060], %parallel_loop3A_2063 {strides = array<i32>} : memref<2x32x80xf32, #tpu.memory_space<vmem>>, vector<1x1x16xf32>,
        %parallel_loop3A_2064 = arith.constant 16 : i32
        %parallel_loop3A_2065 = arith.muli %parallel_loop3A_415, %parallel_loop3A_2064 : i32
        %parallel_loop3A_2066 = arith.constant 8 : i32
        %parallel_loop3A_2067 = arith.addi %parallel_loop3A_2065, %parallel_loop3A_2066 : i32
        %parallel_loop3A_2068 = arith.index_cast %rem3A_255 : i32 to index
        %parallel_loop3A_2069 = arith.index_cast %parallel_loop3A_2067 : i32 to index
        %parallel_loop3A_2070 = arith.index_cast %parallel_loop3A_417 : i32 to index
        %parallel_loop3A_2071 = tpu.vector_load %arg9[%parallel_loop3A_2068, %parallel_loop3A_2069, %parallel_loop3A_2070] {strides = array<i32>} : memref<2x32x80xf32, #tpu.memory_space<vmem>>, vector<1x1x16xf32>,
        %parallel_loop3A_2072 = vector.shape_cast %parallel_loop3A_2071 : vector<1x1x16xf32> to vector<16xf32>
        %parallel_loop3A_2073 = vector.shape_cast %parallel_loop3A_1864 : vector<16xf32> to vector<1x1x16xf32>
        tpu.vector_store %arg9[%parallel_loop3A_2068, %parallel_loop3A_2069, %parallel_loop3A_2070], %parallel_loop3A_2073 {strides = array<i32>} : memref<2x32x80xf32, #tpu.memory_space<vmem>>, vector<1x1x16xf32>,
        %parallel_loop3A_2074 = arith.constant 16 : i32
        %parallel_loop3A_2075 = arith.muli %parallel_loop3A_415, %parallel_loop3A_2074 : i32
        %parallel_loop3A_2076 = arith.constant 9 : i32
        %parallel_loop3A_2077 = arith.addi %parallel_loop3A_2075, %parallel_loop3A_2076 : i32
        %parallel_loop3A_2078 = arith.index_cast %rem3A_255 : i32 to index
        %parallel_loop3A_2079 = arith.index_cast %parallel_loop3A_2077 : i32 to index
        %parallel_loop3A_2080 = arith.index_cast %parallel_loop3A_417 : i32 to index
        %parallel_loop3A_2081 = tpu.vector_load %arg9[%parallel_loop3A_2078, %parallel_loop3A_2079, %parallel_loop3A_2080] {strides = array<i32>} : memref<2x32x80xf32, #tpu.memory_space<vmem>>, vector<1x1x16xf32>,
        %parallel_loop3A_2082 = vector.shape_cast %parallel_loop3A_2081 : vector<1x1x16xf32> to vector<16xf32>
        %parallel_loop3A_2083 = vector.shape_cast %parallel_loop3A_1881 : vector<16xf32> to vector<1x1x16xf32>
        tpu.vector_store %arg9[%parallel_loop3A_2078, %parallel_loop3A_2079, %parallel_loop3A_2080], %parallel_loop3A_2083 {strides = array<i32>} : memref<2x32x80xf32, #tpu.memory_space<vmem>>, vector<1x1x16xf32>,
        %parallel_loop3A_2084 = arith.constant 16 : i32
        %parallel_loop3A_2085 = arith.muli %parallel_loop3A_415, %parallel_loop3A_2084 : i32
        %parallel_loop3A_2086 = arith.constant 10 : i32
        %parallel_loop3A_2087 = arith.addi %parallel_loop3A_2085, %parallel_loop3A_2086 : i32
        %parallel_loop3A_2088 = arith.index_cast %rem3A_255 : i32 to index
        %parallel_loop3A_2089 = arith.index_cast %parallel_loop3A_2087 : i32 to index
        %parallel_loop3A_2090 = arith.index_cast %parallel_loop3A_417 : i32 to index
        %parallel_loop3A_2091 = tpu.vector_load %arg9[%parallel_loop3A_2088, %parallel_loop3A_2089, %parallel_loop3A_2090] {strides = array<i32>} : memref<2x32x80xf32, #tpu.memory_space<vmem>>, vector<1x1x16xf32>,
        %parallel_loop3A_2092 = vector.shape_cast %parallel_loop3A_2091 : vector<1x1x16xf32> to vector<16xf32>
        %parallel_loop3A_2093 = vector.shape_cast %parallel_loop3A_1898 : vector<16xf32> to vector<1x1x16xf32>
        tpu.vector_store %arg9[%parallel_loop3A_2088, %parallel_loop3A_2089, %parallel_loop3A_2090], %parallel_loop3A_2093 {strides = array<i32>} : memref<2x32x80xf32, #tpu.memory_space<vmem>>, vector<1x1x16xf32>,
        %parallel_loop3A_2094 = arith.constant 16 : i32
        %parallel_loop3A_2095 = arith.muli %parallel_loop3A_415, %parallel_loop3A_2094 : i32
        %parallel_loop3A_2096 = arith.constant 11 : i32
        %parallel_loop3A_2097 = arith.addi %parallel_loop3A_2095, %parallel_loop3A_2096 : i32
        %parallel_loop3A_2098 = arith.index_cast %rem3A_255 : i32 to index
        %parallel_loop3A_2099 = arith.index_cast %parallel_loop3A_2097 : i32 to index
        %parallel_loop3A_2100 = arith.index_cast %parallel_loop3A_417 : i32 to index
        %parallel_loop3A_2101 = tpu.vector_load %arg9[%parallel_loop3A_2098, %parallel_loop3A_2099, %parallel_loop3A_2100] {strides = array<i32>} : memref<2x32x80xf32, #tpu.memory_space<vmem>>, vector<1x1x16xf32>,
        %parallel_loop3A_2102 = vector.shape_cast %parallel_loop3A_2101 : vector<1x1x16xf32> to vector<16xf32>
        %parallel_loop3A_2103 = vector.shape_cast %parallel_loop3A_1915 : vector<16xf32> to vector<1x1x16xf32>
        tpu.vector_store %arg9[%parallel_loop3A_2098, %parallel_loop3A_2099, %parallel_loop3A_2100], %parallel_loop3A_2103 {strides = array<i32>} : memref<2x32x80xf32, #tpu.memory_space<vmem>>, vector<1x1x16xf32>,
        %parallel_loop3A_2104 = arith.constant 16 : i32
        %parallel_loop3A_2105 = arith.muli %parallel_loop3A_415, %parallel_loop3A_2104 : i32
        %parallel_loop3A_2106 = arith.constant 12 : i32
        %parallel_loop3A_2107 = arith.addi %parallel_loop3A_2105, %parallel_loop3A_2106 : i32
        %parallel_loop3A_2108 = arith.index_cast %rem3A_255 : i32 to index
        %parallel_loop3A_2109 = arith.index_cast %parallel_loop3A_2107 : i32 to index
        %parallel_loop3A_2110 = arith.index_cast %parallel_loop3A_417 : i32 to index
        %parallel_loop3A_2111 = tpu.vector_load %arg9[%parallel_loop3A_2108, %parallel_loop3A_2109, %parallel_loop3A_2110] {strides = array<i32>} : memref<2x32x80xf32, #tpu.memory_space<vmem>>, vector<1x1x16xf32>,
        %parallel_loop3A_2112 = vector.shape_cast %parallel_loop3A_2111 : vector<1x1x16xf32> to vector<16xf32>
        %parallel_loop3A_2113 = vector.shape_cast %parallel_loop3A_1932 : vector<16xf32> to vector<1x1x16xf32>
        tpu.vector_store %arg9[%parallel_loop3A_2108, %parallel_loop3A_2109, %parallel_loop3A_2110], %parallel_loop3A_2113 {strides = array<i32>} : memref<2x32x80xf32, #tpu.memory_space<vmem>>, vector<1x1x16xf32>,
        %parallel_loop3A_2114 = arith.constant 16 : i32
        %parallel_loop3A_2115 = arith.muli %parallel_loop3A_415, %parallel_loop3A_2114 : i32
        %parallel_loop3A_2116 = arith.constant 13 : i32
        %parallel_loop3A_2117 = arith.addi %parallel_loop3A_2115, %parallel_loop3A_2116 : i32
        %parallel_loop3A_2118 = arith.index_cast %rem3A_255 : i32 to index
        %parallel_loop3A_2119 = arith.index_cast %parallel_loop3A_2117 : i32 to index
        %parallel_loop3A_2120 = arith.index_cast %parallel_loop3A_417 : i32 to index
        %parallel_loop3A_2121 = tpu.vector_load %arg9[%parallel_loop3A_2118, %parallel_loop3A_2119, %parallel_loop3A_2120] {strides = array<i32>} : memref<2x32x80xf32, #tpu.memory_space<vmem>>, vector<1x1x16xf32>,
        %parallel_loop3A_2122 = vector.shape_cast %parallel_loop3A_2121 : vector<1x1x16xf32> to vector<16xf32>
        %parallel_loop3A_2123 = vector.shape_cast %parallel_loop3A_1949 : vector<16xf32> to vector<1x1x16xf32>
        tpu.vector_store %arg9[%parallel_loop3A_2118, %parallel_loop3A_2119, %parallel_loop3A_2120], %parallel_loop3A_2123 {strides = array<i32>} : memref<2x32x80xf32, #tpu.memory_space<vmem>>, vector<1x1x16xf32>,
        %parallel_loop3A_2124 = arith.constant 16 : i32
        %parallel_loop3A_2125 = arith.muli %parallel_loop3A_415, %parallel_loop3A_2124 : i32
        %parallel_loop3A_2126 = arith.constant 14 : i32
        %parallel_loop3A_2127 = arith.addi %parallel_loop3A_2125, %parallel_loop3A_2126 : i32
        %parallel_loop3A_2128 = arith.index_cast %rem3A_255 : i32 to index
        %parallel_loop3A_2129 = arith.index_cast %parallel_loop3A_2127 : i32 to index
        %parallel_loop3A_2130 = arith.index_cast %parallel_loop3A_417 : i32 to index
        %parallel_loop3A_2131 = tpu.vector_load %arg9[%parallel_loop3A_2128, %parallel_loop3A_2129, %parallel_loop3A_2130] {strides = array<i32>} : memref<2x32x80xf32, #tpu.memory_space<vmem>>, vector<1x1x16xf32>,
        %parallel_loop3A_2132 = vector.shape_cast %parallel_loop3A_2131 : vector<1x1x16xf32> to vector<16xf32>
        %parallel_loop3A_2133 = vector.shape_cast %parallel_loop3A_1966 : vector<16xf32> to vector<1x1x16xf32>
        tpu.vector_store %arg9[%parallel_loop3A_2128, %parallel_loop3A_2129, %parallel_loop3A_2130], %parallel_loop3A_2133 {strides = array<i32>} : memref<2x32x80xf32, #tpu.memory_space<vmem>>, vector<1x1x16xf32>,
        %parallel_loop3A_2134 = arith.constant 16 : i32
        %parallel_loop3A_2135 = arith.muli %parallel_loop3A_415, %parallel_loop3A_2134 : i32
        %parallel_loop3A_2136 = arith.constant 15 : i32
        %parallel_loop3A_2137 = arith.addi %parallel_loop3A_2135, %parallel_loop3A_2136 : i32
        %parallel_loop3A_2138 = arith.index_cast %rem3A_255 : i32 to index
        %parallel_loop3A_2139 = arith.index_cast %parallel_loop3A_2137 : i32 to index
        %parallel_loop3A_2140 = arith.index_cast %parallel_loop3A_417 : i32 to index
        %parallel_loop3A_2141 = tpu.vector_load %arg9[%parallel_loop3A_2138, %parallel_loop3A_2139, %parallel_loop3A_2140] {strides = array<i32>} : memref<2x32x80xf32, #tpu.memory_space<vmem>>, vector<1x1x16xf32>,
        %parallel_loop3A_2142 = vector.shape_cast %parallel_loop3A_2141 : vector<1x1x16xf32> to vector<16xf32>
        %parallel_loop3A_2143 = vector.shape_cast %parallel_loop3A_1983 : vector<16xf32> to vector<1x1x16xf32>
        tpu.vector_store %arg9[%parallel_loop3A_2138, %parallel_loop3A_2139, %parallel_loop3A_2140], %parallel_loop3A_2143 {strides = array<i32>} : memref<2x32x80xf32, #tpu.memory_space<vmem>>, vector<1x1x16xf32>,
      } {sc.loop_unroll_factor = 1 : i64, sc.parallel_access}
      %gt3A = arith.constant 0 : i32
      %gt3A_370 = arith.cmpi sgt, %scan3A_254, %gt3A : i32
      %convert_element_type3A_371 = arith.extui %gt3A_370 : i1 to i32
      %cond3A_372 = arith.constant 0 : i32
      %cond3A_373 = arith.cmpi ne, %convert_element_type3A_371, %cond3A_372 : i32
      scf.if %cond3A_373 {
        %dma_wait3A_389 = arith.constant 0 : i32
        %dma_wait3A_390 = arith.constant 0 : i32
        %dma_wait3A_391 = tpu.memref_slice %arg9[%sub3A_256, %dma_wait3A_389, %dma_wait3A_390] : memref<2x32x80xf32, #tpu.memory_space<vmem>> -> memref<1x32x80xf32, #tpu.memory_space<vmem>>
        %dma_wait3A_392 = tpu.memref_squeeze %dma_wait3A_391 : memref<1x32x80xf32, #tpu.memory_space<vmem>> -> memref<32x80xf32, #tpu.memory_space<vmem>>
        %dma_wait3A_393 = arith.constant 0 : i32
        %dma_wait3A_394 = tpu.memref_slice %arg6[%dma_wait3A_393, %mul3A_2] : memref<32x320000xf32, #tpu.memory_space<hbm>> -> memref<32x80xf32, #tpu.memory_space<hbm>>
        %dma_wait3A_395 = arith.constant 0 : i32
        %dma_wait3A_396 = tpu.memref_slice %arg6[%dma_wait3A_395, %mul3A_2] : memref<32x320000xf32, #tpu.memory_space<hbm>> -> memref<32x80xf32, #tpu.memory_space<hbm>>
        %dma_wait3A_397 = arith.constant 0 : i32
        %dma_wait3A_398 = arith.constant 0 : i32
        %dma_wait3A_399 = tpu.memref_slice %arg9[%sub3A_256, %dma_wait3A_397, %dma_wait3A_398] : memref<2x32x80xf32, #tpu.memory_space<vmem>> -> memref<1x32x80xf32, #tpu.memory_space<vmem>>
        %dma_wait3A_400 = tpu.memref_squeeze %dma_wait3A_399 : memref<1x32x80xf32, #tpu.memory_space<vmem>> -> memref<32x80xf32, #tpu.memory_space<vmem>>
        tpu.wait_dma2 semaphore(%arg12 : memref<!tpu.dma_semaphore, #tpu.memory_space<semaphore_mem>>) src(%dma_wait3A_400 : memref<32x80xf32, #tpu.memory_space<vmem>>) dst(%dma_wait3A_396 : memref<32x80xf32, #tpu.memory_space<hbm>>)
      } else {
      }
      %mul3A_374 = arith.constant 80 : i32
      %mul3A_375 = arith.muli %scan3A_254, %mul3A_374 : i32
      %add3A_376 = arith.addi %mul3A_2, %mul3A_375 : i32
      %dma_start3A_377 = arith.constant 0 : i32
      %dma_start3A_378 = arith.constant 0 : i32
      %dma_start3A_379 = tpu.memref_slice %arg9[%rem3A_255, %dma_start3A_377, %dma_start3A_378] : memref<2x32x80xf32, #tpu.memory_space<vmem>> -> memref<1x32x80xf32, #tpu.memory_space<vmem>>
      %dma_start3A_380 = tpu.memref_squeeze %dma_start3A_379 : memref<1x32x80xf32, #tpu.memory_space<vmem>> -> memref<32x80xf32, #tpu.memory_space<vmem>>
      %dma_start3A_381 = arith.constant 0 : i32
      %dma_start3A_382 = tpu.memref_slice %arg6[%dma_start3A_381, %add3A_376] : memref<32x320000xf32, #tpu.memory_space<hbm>> -> memref<32x80xf32, #tpu.memory_space<hbm>>
      %dma_start3A_383 = arith.constant 0 : i32
      %dma_start3A_384 = tpu.memref_slice %arg6[%dma_start3A_383, %add3A_376] : memref<32x320000xf32, #tpu.memory_space<hbm>> -> memref<32x80xf32, #tpu.memory_space<hbm>>
      %dma_start3A_385 = arith.constant 0 : i32
      %dma_start3A_386 = arith.constant 0 : i32
      %dma_start3A_387 = tpu.memref_slice %arg9[%rem3A_255, %dma_start3A_385, %dma_start3A_386] : memref<2x32x80xf32, #tpu.memory_space<vmem>> -> memref<1x32x80xf32, #tpu.memory_space<vmem>>
      %dma_start3A_388 = tpu.memref_squeeze %dma_start3A_387 : memref<1x32x80xf32, #tpu.memory_space<vmem>> -> memref<32x80xf32, #tpu.memory_space<vmem>>
      tpu.enqueue_dma source(%dma_start3A_388 : memref<32x80xf32, #tpu.memory_space<vmem>>) target(%dma_start3A_384 : memref<32x80xf32, #tpu.memory_space<hbm>>) target_semaphore(%arg12 : memref<!tpu.dma_semaphore, #tpu.memory_space<semaphore_mem>>)
    }
    %scan3A_168 = arith.constant 124 : i32
    %dma_wait3A_169 = arith.constant 0 : i32
    %dma_wait3A_170 = arith.constant 0 : i32
    %dma_wait3A_171 = arith.constant 0 : i32
    %dma_wait3A_172 = arith.constant 0 : i32
    %dma_wait3A_173 = arith.constant 0 : i32
    %dma_wait3A_174 = arith.constant 0 : i32
    %dma_wait3A_175 = tpu.memref_slice %arg8[%dma_wait3A_171, %dma_wait3A_172, %dma_wait3A_173, %dma_wait3A_174] : memref<2x3x80x32xf32, #tpu.memory_space<vmem>> -> memref<1x1x80x32xf32, #tpu.memory_space<vmem>>
    %dma_wait3A_176 = tpu.memref_squeeze %dma_wait3A_175 : memref<1x1x80x32xf32, #tpu.memory_space<vmem>> -> memref<80x32xf32, #tpu.memory_space<vmem>>
    %dma_wait3A_177 = arith.constant 0 : i32
    %dma_wait3A_178 = tpu.memref_slice %arg7[%dma_wait3A_169, %dma_wait3A_170, %dma_wait3A_177] : memref<2x3x80xi32, #tpu.memory_space<vmem>> -> memref<1x1x80xi32, #tpu.memory_space<vmem>>
    %dma_wait3A_179 = tpu.memref_squeeze %dma_wait3A_178 : memref<1x1x80xi32, #tpu.memory_space<vmem>> -> memref<80xi32, #tpu.memory_space<vmem>>
    %dma_wait3A_180 = arith.constant 0 : i32
    %dma_wait3A_181 = arith.constant 0 : i32
    %dma_wait3A_182 = tpu.memref_slice %arg2[%dma_wait3A_180, %dma_wait3A_181] : memref<10000x32xf32, #tpu.memory_space<hbm>> -> memref<10000x32xf32, #tpu.memory_space<hbm>>
    tpu.wait_indirect_dma semaphore(%arg11 : memref<!tpu.dma_semaphore, #tpu.memory_space<semaphore_mem>>) src(%dma_wait3A_182 : memref<10000x32xf32, #tpu.memory_space<hbm>>) dst(%dma_wait3A_176 : memref<80x32xf32, #tpu.memory_space<vmem>>)
    %dma_wait3A_183 = arith.constant 0 : i32
    %dma_wait3A_184 = arith.constant 1 : i32
    %dma_wait3A_185 = arith.constant 0 : i32
    %dma_wait3A_186 = arith.constant 1 : i32
    %dma_wait3A_187 = arith.constant 0 : i32
    %dma_wait3A_188 = arith.constant 0 : i32
    %dma_wait3A_189 = tpu.memref_slice %arg8[%dma_wait3A_185, %dma_wait3A_186, %dma_wait3A_187, %dma_wait3A_188] : memref<2x3x80x32xf32, #tpu.memory_space<vmem>> -> memref<1x1x80x32xf32, #tpu.memory_space<vmem>>
    %dma_wait3A_190 = tpu.memref_squeeze %dma_wait3A_189 : memref<1x1x80x32xf32, #tpu.memory_space<vmem>> -> memref<80x32xf32, #tpu.memory_space<vmem>>
    %dma_wait3A_191 = arith.constant 0 : i32
    %dma_wait3A_192 = tpu.memref_slice %arg7[%dma_wait3A_183, %dma_wait3A_184, %dma_wait3A_191] : memref<2x3x80xi32, #tpu.memory_space<vmem>> -> memref<1x1x80xi32, #tpu.memory_space<vmem>>
    %dma_wait3A_193 = tpu.memref_squeeze %dma_wait3A_192 : memref<1x1x80xi32, #tpu.memory_space<vmem>> -> memref<80xi32, #tpu.memory_space<vmem>>
    %dma_wait3A_194 = arith.constant 0 : i32
    %dma_wait3A_195 = arith.constant 0 : i32
    %dma_wait3A_196 = tpu.memref_slice %arg3[%dma_wait3A_194, %dma_wait3A_195] : memref<10000x32xf32, #tpu.memory_space<hbm>> -> memref<10000x32xf32, #tpu.memory_space<hbm>>
    tpu.wait_indirect_dma semaphore(%arg11 : memref<!tpu.dma_semaphore, #tpu.memory_space<semaphore_mem>>) src(%dma_wait3A_196 : memref<10000x32xf32, #tpu.memory_space<hbm>>) dst(%dma_wait3A_190 : memref<80x32xf32, #tpu.memory_space<vmem>>)
    %dma_wait3A_197 = arith.constant 0 : i32
    %dma_wait3A_198 = arith.constant 2 : i32
    %dma_wait3A_199 = arith.constant 0 : i32
    %dma_wait3A_200 = arith.constant 2 : i32
    %dma_wait3A_201 = arith.constant 0 : i32
    %dma_wait3A_202 = arith.constant 0 : i32
    %dma_wait3A_203 = tpu.memref_slice %arg8[%dma_wait3A_199, %dma_wait3A_200, %dma_wait3A_201, %dma_wait3A_202] : memref<2x3x80x32xf32, #tpu.memory_space<vmem>> -> memref<1x1x80x32xf32, #tpu.memory_space<vmem>>
    %dma_wait3A_204 = tpu.memref_squeeze %dma_wait3A_203 : memref<1x1x80x32xf32, #tpu.memory_space<vmem>> -> memref<80x32xf32, #tpu.memory_space<vmem>>
    %dma_wait3A_205 = arith.constant 0 : i32
    %dma_wait3A_206 = tpu.memref_slice %arg7[%dma_wait3A_197, %dma_wait3A_198, %dma_wait3A_205] : memref<2x3x80xi32, #tpu.memory_space<vmem>> -> memref<1x1x80xi32, #tpu.memory_space<vmem>>
    %dma_wait3A_207 = tpu.memref_squeeze %dma_wait3A_206 : memref<1x1x80xi32, #tpu.memory_space<vmem>> -> memref<80xi32, #tpu.memory_space<vmem>>
    %dma_wait3A_208 = arith.constant 0 : i32
    %dma_wait3A_209 = arith.constant 0 : i32
    %dma_wait3A_210 = tpu.memref_slice %arg4[%dma_wait3A_208, %dma_wait3A_209] : memref<10000x32xf32, #tpu.memory_space<hbm>> -> memref<10000x32xf32, #tpu.memory_space<hbm>>
    tpu.wait_indirect_dma semaphore(%arg11 : memref<!tpu.dma_semaphore, #tpu.memory_space<semaphore_mem>>) src(%dma_wait3A_210 : memref<10000x32xf32, #tpu.memory_space<hbm>>) dst(%dma_wait3A_204 : memref<80x32xf32, #tpu.memory_space<vmem>>)
    %parallel_loop3A = arith.constant 0 : i32
    %parallel_loop3A_211 = arith.constant 10 : i32
    %parallel_loop3A_212 = arith.constant 1 : i32
    scf.for %parallel_loop3A_254 = %parallel_loop3A to %parallel_loop3A_211 step %parallel_loop3A_212  : i32 {
      %parallel_loop3A_255 = arith.constant 2 : i32
      %parallel_loop3A_256 = arith.divsi %parallel_loop3A_254, %parallel_loop3A_255 : i32
      %parallel_loop3A_257 = arith.constant 0 : i32
      %parallel_loop3A_258 = arith.cmpi sgt, %parallel_loop3A_254, %parallel_loop3A_257 : i32
      %parallel_loop3A_259 = arith.extui %parallel_loop3A_258 : i1 to i32
      %parallel_loop3A_260 = arith.constant 0 : i32
      %parallel_loop3A_261 = arith.cmpi slt, %parallel_loop3A_254, %parallel_loop3A_260 : i32
      %parallel_loop3A_262 = arith.extui %parallel_loop3A_261 : i1 to i32
      %parallel_loop3A_263 = arith.subi %parallel_loop3A_259, %parallel_loop3A_262 : i32
      %parallel_loop3A_264 = arith.constant 0 : i32
      %parallel_loop3A_265 = arith.cmpi sgt, %parallel_loop3A_255, %parallel_loop3A_264 : i32
      %parallel_loop3A_266 = arith.extui %parallel_loop3A_265 : i1 to i32
      %parallel_loop3A_267 = arith.constant 0 : i32
      %parallel_loop3A_268 = arith.cmpi slt, %parallel_loop3A_255, %parallel_loop3A_267 : i32
      %parallel_loop3A_269 = arith.extui %parallel_loop3A_268 : i1 to i32
      %parallel_loop3A_270 = arith.subi %parallel_loop3A_266, %parallel_loop3A_269 : i32
      %parallel_loop3A_271 = arith.cmpi ne, %parallel_loop3A_263, %parallel_loop3A_270 : i32
      %parallel_loop3A_272 = arith.remsi %parallel_loop3A_254, %parallel_loop3A_255 : i32
      %parallel_loop3A_273 = arith.constant 0 : i32
      %parallel_loop3A_274 = arith.cmpi ne, %parallel_loop3A_272, %parallel_loop3A_273 : i32
      %parallel_loop3A_275 = arith.andi %parallel_loop3A_271, %parallel_loop3A_274 : i1
      %parallel_loop3A_276 = arith.constant 1 : i32
      %parallel_loop3A_277 = arith.subi %parallel_loop3A_256, %parallel_loop3A_276 : i32
      %parallel_loop3A_278 = arith.select %parallel_loop3A_275, %parallel_loop3A_277, %parallel_loop3A_256 : i32
      %parallel_loop3A_279 = arith.constant 2 : i32
      %parallel_loop3A_280 = arith.remsi %parallel_loop3A_254, %parallel_loop3A_279 : i32
      %parallel_loop3A_281 = arith.constant 16 : i32
      %parallel_loop3A_282 = arith.muli %parallel_loop3A_278, %parallel_loop3A_281 : i32
      %parallel_loop3A_283 = arith.constant 16 : i32
      %parallel_loop3A_284 = arith.muli %parallel_loop3A_280, %parallel_loop3A_283 : i32
      %parallel_loop3A_285 = arith.constant 0 : i32
      %parallel_loop3A_286 = arith.addi %parallel_loop3A_282, %parallel_loop3A_285 : i32
      %parallel_loop3A_287 = arith.constant 0 : i32
      %parallel_loop3A_288 = arith.constant 0 : i32
      %parallel_loop3A_289 = arith.index_cast %parallel_loop3A_287 : i32 to index
      %parallel_loop3A_290 = arith.index_cast %parallel_loop3A_288 : i32 to index
      %parallel_loop3A_291 = arith.index_cast %parallel_loop3A_286 : i32 to index
      %parallel_loop3A_292 = arith.index_cast %parallel_loop3A_284 : i32 to index
      %parallel_loop3A_293 = tpu.vector_load %arg8[%parallel_loop3A_289, %parallel_loop3A_290, %parallel_loop3A_291, %parallel_loop3A_292] {strides = array<i32>} : memref<2x3x80x32xf32, #tpu.memory_space<vmem>>, vector<1x1x1x16xf32>,
      %parallel_loop3A_294 = vector.shape_cast %parallel_loop3A_293 : vector<1x1x1x16xf32> to vector<16xf32>
      %parallel_loop3A_295 = arith.constant 0 : i32
      %parallel_loop3A_296 = arith.constant 1 : i32
      %parallel_loop3A_297 = arith.index_cast %parallel_loop3A_295 : i32 to index
      %parallel_loop3A_298 = arith.index_cast %parallel_loop3A_296 : i32 to index
      %parallel_loop3A_299 = arith.index_cast %parallel_loop3A_286 : i32 to index
      %parallel_loop3A_300 = arith.index_cast %parallel_loop3A_284 : i32 to index
      %parallel_loop3A_301 = tpu.vector_load %arg8[%parallel_loop3A_297, %parallel_loop3A_298, %parallel_loop3A_299, %parallel_loop3A_300] {strides = array<i32>} : memref<2x3x80x32xf32, #tpu.memory_space<vmem>>, vector<1x1x1x16xf32>,
      %parallel_loop3A_302 = vector.shape_cast %parallel_loop3A_301 : vector<1x1x1x16xf32> to vector<16xf32>
      %parallel_loop3A_303 = arith.addf %parallel_loop3A_294, %parallel_loop3A_302 : vector<16xf32>
      %parallel_loop3A_304 = arith.constant 0 : i32
      %parallel_loop3A_305 = arith.constant 2 : i32
      %parallel_loop3A_306 = arith.index_cast %parallel_loop3A_304 : i32 to index
      %parallel_loop3A_307 = arith.index_cast %parallel_loop3A_305 : i32 to index
      %parallel_loop3A_308 = arith.index_cast %parallel_loop3A_286 : i32 to index
      %parallel_loop3A_309 = arith.index_cast %parallel_loop3A_284 : i32 to index
      %parallel_loop3A_310 = tpu.vector_load %arg8[%parallel_loop3A_306, %parallel_loop3A_307, %parallel_loop3A_308, %parallel_loop3A_309] {strides = array<i32>} : memref<2x3x80x32xf32, #tpu.memory_space<vmem>>, vector<1x1x1x16xf32>,
      %parallel_loop3A_311 = vector.shape_cast %parallel_loop3A_310 : vector<1x1x1x16xf32> to vector<16xf32>
      %parallel_loop3A_312 = arith.addf %parallel_loop3A_303, %parallel_loop3A_311 : vector<16xf32>
      %parallel_loop3A_313 = arith.constant 2.000000e-01 : f32
      %parallel_loop3A_314 = vector.broadcast %parallel_loop3A_313 : f32 to vector<16xf32>
      %parallel_loop3A_315 = arith.mulf %parallel_loop3A_314, %parallel_loop3A_312 : vector<16xf32>
      %parallel_loop3A_316 = arith.maximumf %parallel_loop3A_312, %parallel_loop3A_315 : vector<16xf32>
      %parallel_loop3A_317 = arith.constant 1 : i32
      %parallel_loop3A_318 = arith.addi %parallel_loop3A_282, %parallel_loop3A_317 : i32
      %parallel_loop3A_319 = arith.constant 0 : i32
      %parallel_loop3A_320 = arith.constant 0 : i32
      %parallel_loop3A_321 = arith.index_cast %parallel_loop3A_319 : i32 to index
      %parallel_loop3A_322 = arith.index_cast %parallel_loop3A_320 : i32 to index
      %parallel_loop3A_323 = arith.index_cast %parallel_loop3A_318 : i32 to index
      %parallel_loop3A_324 = arith.index_cast %parallel_loop3A_284 : i32 to index
      %parallel_loop3A_325 = tpu.vector_load %arg8[%parallel_loop3A_321, %parallel_loop3A_322, %parallel_loop3A_323, %parallel_loop3A_324] {strides = array<i32>} : memref<2x3x80x32xf32, #tpu.memory_space<vmem>>, vector<1x1x1x16xf32>,
      %parallel_loop3A_326 = vector.shape_cast %parallel_loop3A_325 : vector<1x1x1x16xf32> to vector<16xf32>
      %parallel_loop3A_327 = arith.constant 0 : i32
      %parallel_loop3A_328 = arith.constant 1 : i32
      %parallel_loop3A_329 = arith.index_cast %parallel_loop3A_327 : i32 to index
      %parallel_loop3A_330 = arith.index_cast %parallel_loop3A_328 : i32 to index
      %parallel_loop3A_331 = arith.index_cast %parallel_loop3A_318 : i32 to index
      %parallel_loop3A_332 = arith.index_cast %parallel_loop3A_284 : i32 to index
      %parallel_loop3A_333 = tpu.vector_load %arg8[%parallel_loop3A_329, %parallel_loop3A_330, %parallel_loop3A_331, %parallel_loop3A_332] {strides = array<i32>} : memref<2x3x80x32xf32, #tpu.memory_space<vmem>>, vector<1x1x1x16xf32>,
      %parallel_loop3A_334 = vector.shape_cast %parallel_loop3A_333 : vector<1x1x1x16xf32> to vector<16xf32>
      %parallel_loop3A_335 = arith.addf %parallel_loop3A_326, %parallel_loop3A_334 : vector<16xf32>
      %parallel_loop3A_336 = arith.constant 0 : i32
      %parallel_loop3A_337 = arith.constant 2 : i32
      %parallel_loop3A_338 = arith.index_cast %parallel_loop3A_336 : i32 to index
      %parallel_loop3A_339 = arith.index_cast %parallel_loop3A_337 : i32 to index
      %parallel_loop3A_340 = arith.index_cast %parallel_loop3A_318 : i32 to index
      %parallel_loop3A_341 = arith.index_cast %parallel_loop3A_284 : i32 to index
      %parallel_loop3A_342 = tpu.vector_load %arg8[%parallel_loop3A_338, %parallel_loop3A_339, %parallel_loop3A_340, %parallel_loop3A_341] {strides = array<i32>} : memref<2x3x80x32xf32, #tpu.memory_space<vmem>>, vector<1x1x1x16xf32>,
      %parallel_loop3A_343 = vector.shape_cast %parallel_loop3A_342 : vector<1x1x1x16xf32> to vector<16xf32>
      %parallel_loop3A_344 = arith.addf %parallel_loop3A_335, %parallel_loop3A_343 : vector<16xf32>
      %parallel_loop3A_345 = arith.constant 2.000000e-01 : f32
      %parallel_loop3A_346 = vector.broadcast %parallel_loop3A_345 : f32 to vector<16xf32>
      %parallel_loop3A_347 = arith.mulf %parallel_loop3A_346, %parallel_loop3A_344 : vector<16xf32>
      %parallel_loop3A_348 = arith.maximumf %parallel_loop3A_344, %parallel_loop3A_347 : vector<16xf32>
      %parallel_loop3A_349 = arith.constant 2 : i32
      %parallel_loop3A_350 = arith.addi %parallel_loop3A_282, %parallel_loop3A_349 : i32
      %parallel_loop3A_351 = arith.constant 0 : i32
      %parallel_loop3A_352 = arith.constant 0 : i32
      %parallel_loop3A_353 = arith.index_cast %parallel_loop3A_351 : i32 to index
      %parallel_loop3A_354 = arith.index_cast %parallel_loop3A_352 : i32 to index
      %parallel_loop3A_355 = arith.index_cast %parallel_loop3A_350 : i32 to index
      %parallel_loop3A_356 = arith.index_cast %parallel_loop3A_284 : i32 to index
      %parallel_loop3A_357 = tpu.vector_load %arg8[%parallel_loop3A_353, %parallel_loop3A_354, %parallel_loop3A_355, %parallel_loop3A_356] {strides = array<i32>} : memref<2x3x80x32xf32, #tpu.memory_space<vmem>>, vector<1x1x1x16xf32>,
      %parallel_loop3A_358 = vector.shape_cast %parallel_loop3A_357 : vector<1x1x1x16xf32> to vector<16xf32>
      %parallel_loop3A_359 = arith.constant 0 : i32
      %parallel_loop3A_360 = arith.constant 1 : i32
      %parallel_loop3A_361 = arith.index_cast %parallel_loop3A_359 : i32 to index
      %parallel_loop3A_362 = arith.index_cast %parallel_loop3A_360 : i32 to index
      %parallel_loop3A_363 = arith.index_cast %parallel_loop3A_350 : i32 to index
      %parallel_loop3A_364 = arith.index_cast %parallel_loop3A_284 : i32 to index
      %parallel_loop3A_365 = tpu.vector_load %arg8[%parallel_loop3A_361, %parallel_loop3A_362, %parallel_loop3A_363, %parallel_loop3A_364] {strides = array<i32>} : memref<2x3x80x32xf32, #tpu.memory_space<vmem>>, vector<1x1x1x16xf32>,
      %parallel_loop3A_366 = vector.shape_cast %parallel_loop3A_365 : vector<1x1x1x16xf32> to vector<16xf32>
      %parallel_loop3A_367 = arith.addf %parallel_loop3A_358, %parallel_loop3A_366 : vector<16xf32>
      %parallel_loop3A_368 = arith.constant 0 : i32
      %parallel_loop3A_369 = arith.constant 2 : i32
      %parallel_loop3A_370 = arith.index_cast %parallel_loop3A_368 : i32 to index
      %parallel_loop3A_371 = arith.index_cast %parallel_loop3A_369 : i32 to index
      %parallel_loop3A_372 = arith.index_cast %parallel_loop3A_350 : i32 to index
      %parallel_loop3A_373 = arith.index_cast %parallel_loop3A_284 : i32 to index
      %parallel_loop3A_374 = tpu.vector_load %arg8[%parallel_loop3A_370, %parallel_loop3A_371, %parallel_loop3A_372, %parallel_loop3A_373] {strides = array<i32>} : memref<2x3x80x32xf32, #tpu.memory_space<vmem>>, vector<1x1x1x16xf32>,
      %parallel_loop3A_375 = vector.shape_cast %parallel_loop3A_374 : vector<1x1x1x16xf32> to vector<16xf32>
      %parallel_loop3A_376 = arith.addf %parallel_loop3A_367, %parallel_loop3A_375 : vector<16xf32>
      %parallel_loop3A_377 = arith.constant 2.000000e-01 : f32
      %parallel_loop3A_378 = vector.broadcast %parallel_loop3A_377 : f32 to vector<16xf32>
      %parallel_loop3A_379 = arith.mulf %parallel_loop3A_378, %parallel_loop3A_376 : vector<16xf32>
      %parallel_loop3A_380 = arith.maximumf %parallel_loop3A_376, %parallel_loop3A_379 : vector<16xf32>
      %parallel_loop3A_381 = arith.constant 3 : i32
      %parallel_loop3A_382 = arith.addi %parallel_loop3A_282, %parallel_loop3A_381 : i32
      %parallel_loop3A_383 = arith.constant 0 : i32
      %parallel_loop3A_384 = arith.constant 0 : i32
      %parallel_loop3A_385 = arith.index_cast %parallel_loop3A_383 : i32 to index
      %parallel_loop3A_386 = arith.index_cast %parallel_loop3A_384 : i32 to index
      %parallel_loop3A_387 = arith.index_cast %parallel_loop3A_382 : i32 to index
      %parallel_loop3A_388 = arith.index_cast %parallel_loop3A_284 : i32 to index
      %parallel_loop3A_389 = tpu.vector_load %arg8[%parallel_loop3A_385, %parallel_loop3A_386, %parallel_loop3A_387, %parallel_loop3A_388] {strides = array<i32>} : memref<2x3x80x32xf32, #tpu.memory_space<vmem>>, vector<1x1x1x16xf32>,
      %parallel_loop3A_390 = vector.shape_cast %parallel_loop3A_389 : vector<1x1x1x16xf32> to vector<16xf32>
      %parallel_loop3A_391 = arith.constant 0 : i32
      %parallel_loop3A_392 = arith.constant 1 : i32
      %parallel_loop3A_393 = arith.index_cast %parallel_loop3A_391 : i32 to index
      %parallel_loop3A_394 = arith.index_cast %parallel_loop3A_392 : i32 to index
      %parallel_loop3A_395 = arith.index_cast %parallel_loop3A_382 : i32 to index
      %parallel_loop3A_396 = arith.index_cast %parallel_loop3A_284 : i32 to index
      %parallel_loop3A_397 = tpu.vector_load %arg8[%parallel_loop3A_393, %parallel_loop3A_394, %parallel_loop3A_395, %parallel_loop3A_396] {strides = array<i32>} : memref<2x3x80x32xf32, #tpu.memory_space<vmem>>, vector<1x1x1x16xf32>,
      %parallel_loop3A_398 = vector.shape_cast %parallel_loop3A_397 : vector<1x1x1x16xf32> to vector<16xf32>
      %parallel_loop3A_399 = arith.addf %parallel_loop3A_390, %parallel_loop3A_398 : vector<16xf32>
      %parallel_loop3A_400 = arith.constant 0 : i32
      %parallel_loop3A_401 = arith.constant 2 : i32
      %parallel_loop3A_402 = arith.index_cast %parallel_loop3A_400 : i32 to index
      %parallel_loop3A_403 = arith.index_cast %parallel_loop3A_401 : i32 to index
      %parallel_loop3A_404 = arith.index_cast %parallel_loop3A_382 : i32 to index
      %parallel_loop3A_405 = arith.index_cast %parallel_loop3A_284 : i32 to index
      %parallel_loop3A_406 = tpu.vector_load %arg8[%parallel_loop3A_402, %parallel_loop3A_403, %parallel_loop3A_404, %parallel_loop3A_405] {strides = array<i32>} : memref<2x3x80x32xf32, #tpu.memory_space<vmem>>, vector<1x1x1x16xf32>,
      %parallel_loop3A_407 = vector.shape_cast %parallel_loop3A_406 : vector<1x1x1x16xf32> to vector<16xf32>
      %parallel_loop3A_408 = arith.addf %parallel_loop3A_399, %parallel_loop3A_407 : vector<16xf32>
      %parallel_loop3A_409 = arith.constant 2.000000e-01 : f32
      %parallel_loop3A_410 = vector.broadcast %parallel_loop3A_409 : f32 to vector<16xf32>
      %parallel_loop3A_411 = arith.mulf %parallel_loop3A_410, %parallel_loop3A_408 : vector<16xf32>
      %parallel_loop3A_412 = arith.maximumf %parallel_loop3A_408, %parallel_loop3A_411 : vector<16xf32>
      %parallel_loop3A_413 = arith.constant 4 : i32
      %parallel_loop3A_414 = arith.addi %parallel_loop3A_282, %parallel_loop3A_413 : i32
      %parallel_loop3A_415 = arith.constant 0 : i32
      %parallel_loop3A_416 = arith.constant 0 : i32
      %parallel_loop3A_417 = arith.index_cast %parallel_loop3A_415 : i32 to index
      %parallel_loop3A_418 = arith.index_cast %parallel_loop3A_416 : i32 to index
      %parallel_loop3A_419 = arith.index_cast %parallel_loop3A_414 : i32 to index
      %parallel_loop3A_420 = arith.index_cast %parallel_loop3A_284 : i32 to index
      %parallel_loop3A_421 = tpu.vector_load %arg8[%parallel_loop3A_417, %parallel_loop3A_418, %parallel_loop3A_419, %parallel_loop3A_420] {strides = array<i32>} : memref<2x3x80x32xf32, #tpu.memory_space<vmem>>, vector<1x1x1x16xf32>,
      %parallel_loop3A_422 = vector.shape_cast %parallel_loop3A_421 : vector<1x1x1x16xf32> to vector<16xf32>
      %parallel_loop3A_423 = arith.constant 0 : i32
      %parallel_loop3A_424 = arith.constant 1 : i32
      %parallel_loop3A_425 = arith.index_cast %parallel_loop3A_423 : i32 to index
      %parallel_loop3A_426 = arith.index_cast %parallel_loop3A_424 : i32 to index
      %parallel_loop3A_427 = arith.index_cast %parallel_loop3A_414 : i32 to index
      %parallel_loop3A_428 = arith.index_cast %parallel_loop3A_284 : i32 to index
      %parallel_loop3A_429 = tpu.vector_load %arg8[%parallel_loop3A_425, %parallel_loop3A_426, %parallel_loop3A_427, %parallel_loop3A_428] {strides = array<i32>} : memref<2x3x80x32xf32, #tpu.memory_space<vmem>>, vector<1x1x1x16xf32>,
      %parallel_loop3A_430 = vector.shape_cast %parallel_loop3A_429 : vector<1x1x1x16xf32> to vector<16xf32>
      %parallel_loop3A_431 = arith.addf %parallel_loop3A_422, %parallel_loop3A_430 : vector<16xf32>
      %parallel_loop3A_432 = arith.constant 0 : i32
      %parallel_loop3A_433 = arith.constant 2 : i32
      %parallel_loop3A_434 = arith.index_cast %parallel_loop3A_432 : i32 to index
      %parallel_loop3A_435 = arith.index_cast %parallel_loop3A_433 : i32 to index
      %parallel_loop3A_436 = arith.index_cast %parallel_loop3A_414 : i32 to index
      %parallel_loop3A_437 = arith.index_cast %parallel_loop3A_284 : i32 to index
      %parallel_loop3A_438 = tpu.vector_load %arg8[%parallel_loop3A_434, %parallel_loop3A_435, %parallel_loop3A_436, %parallel_loop3A_437] {strides = array<i32>} : memref<2x3x80x32xf32, #tpu.memory_space<vmem>>, vector<1x1x1x16xf32>,
      %parallel_loop3A_439 = vector.shape_cast %parallel_loop3A_438 : vector<1x1x1x16xf32> to vector<16xf32>
      %parallel_loop3A_440 = arith.addf %parallel_loop3A_431, %parallel_loop3A_439 : vector<16xf32>
      %parallel_loop3A_441 = arith.constant 2.000000e-01 : f32
      %parallel_loop3A_442 = vector.broadcast %parallel_loop3A_441 : f32 to vector<16xf32>
      %parallel_loop3A_443 = arith.mulf %parallel_loop3A_442, %parallel_loop3A_440 : vector<16xf32>
      %parallel_loop3A_444 = arith.maximumf %parallel_loop3A_440, %parallel_loop3A_443 : vector<16xf32>
      %parallel_loop3A_445 = arith.constant 5 : i32
      %parallel_loop3A_446 = arith.addi %parallel_loop3A_282, %parallel_loop3A_445 : i32
      %parallel_loop3A_447 = arith.constant 0 : i32
      %parallel_loop3A_448 = arith.constant 0 : i32
      %parallel_loop3A_449 = arith.index_cast %parallel_loop3A_447 : i32 to index
      %parallel_loop3A_450 = arith.index_cast %parallel_loop3A_448 : i32 to index
      %parallel_loop3A_451 = arith.index_cast %parallel_loop3A_446 : i32 to index
      %parallel_loop3A_452 = arith.index_cast %parallel_loop3A_284 : i32 to index
      %parallel_loop3A_453 = tpu.vector_load %arg8[%parallel_loop3A_449, %parallel_loop3A_450, %parallel_loop3A_451, %parallel_loop3A_452] {strides = array<i32>} : memref<2x3x80x32xf32, #tpu.memory_space<vmem>>, vector<1x1x1x16xf32>,
      %parallel_loop3A_454 = vector.shape_cast %parallel_loop3A_453 : vector<1x1x1x16xf32> to vector<16xf32>
      %parallel_loop3A_455 = arith.constant 0 : i32
      %parallel_loop3A_456 = arith.constant 1 : i32
      %parallel_loop3A_457 = arith.index_cast %parallel_loop3A_455 : i32 to index
      %parallel_loop3A_458 = arith.index_cast %parallel_loop3A_456 : i32 to index
      %parallel_loop3A_459 = arith.index_cast %parallel_loop3A_446 : i32 to index
      %parallel_loop3A_460 = arith.index_cast %parallel_loop3A_284 : i32 to index
      %parallel_loop3A_461 = tpu.vector_load %arg8[%parallel_loop3A_457, %parallel_loop3A_458, %parallel_loop3A_459, %parallel_loop3A_460] {strides = array<i32>} : memref<2x3x80x32xf32, #tpu.memory_space<vmem>>, vector<1x1x1x16xf32>,
      %parallel_loop3A_462 = vector.shape_cast %parallel_loop3A_461 : vector<1x1x1x16xf32> to vector<16xf32>
      %parallel_loop3A_463 = arith.addf %parallel_loop3A_454, %parallel_loop3A_462 : vector<16xf32>
      %parallel_loop3A_464 = arith.constant 0 : i32
      %parallel_loop3A_465 = arith.constant 2 : i32
      %parallel_loop3A_466 = arith.index_cast %parallel_loop3A_464 : i32 to index
      %parallel_loop3A_467 = arith.index_cast %parallel_loop3A_465 : i32 to index
      %parallel_loop3A_468 = arith.index_cast %parallel_loop3A_446 : i32 to index
      %parallel_loop3A_469 = arith.index_cast %parallel_loop3A_284 : i32 to index
      %parallel_loop3A_470 = tpu.vector_load %arg8[%parallel_loop3A_466, %parallel_loop3A_467, %parallel_loop3A_468, %parallel_loop3A_469] {strides = array<i32>} : memref<2x3x80x32xf32, #tpu.memory_space<vmem>>, vector<1x1x1x16xf32>,
      %parallel_loop3A_471 = vector.shape_cast %parallel_loop3A_470 : vector<1x1x1x16xf32> to vector<16xf32>
      %parallel_loop3A_472 = arith.addf %parallel_loop3A_463, %parallel_loop3A_471 : vector<16xf32>
      %parallel_loop3A_473 = arith.constant 2.000000e-01 : f32
      %parallel_loop3A_474 = vector.broadcast %parallel_loop3A_473 : f32 to vector<16xf32>
      %parallel_loop3A_475 = arith.mulf %parallel_loop3A_474, %parallel_loop3A_472 : vector<16xf32>
      %parallel_loop3A_476 = arith.maximumf %parallel_loop3A_472, %parallel_loop3A_475 : vector<16xf32>
      %parallel_loop3A_477 = arith.constant 6 : i32
      %parallel_loop3A_478 = arith.addi %parallel_loop3A_282, %parallel_loop3A_477 : i32
      %parallel_loop3A_479 = arith.constant 0 : i32
      %parallel_loop3A_480 = arith.constant 0 : i32
      %parallel_loop3A_481 = arith.index_cast %parallel_loop3A_479 : i32 to index
      %parallel_loop3A_482 = arith.index_cast %parallel_loop3A_480 : i32 to index
      %parallel_loop3A_483 = arith.index_cast %parallel_loop3A_478 : i32 to index
      %parallel_loop3A_484 = arith.index_cast %parallel_loop3A_284 : i32 to index
      %parallel_loop3A_485 = tpu.vector_load %arg8[%parallel_loop3A_481, %parallel_loop3A_482, %parallel_loop3A_483, %parallel_loop3A_484] {strides = array<i32>} : memref<2x3x80x32xf32, #tpu.memory_space<vmem>>, vector<1x1x1x16xf32>,
      %parallel_loop3A_486 = vector.shape_cast %parallel_loop3A_485 : vector<1x1x1x16xf32> to vector<16xf32>
      %parallel_loop3A_487 = arith.constant 0 : i32
      %parallel_loop3A_488 = arith.constant 1 : i32
      %parallel_loop3A_489 = arith.index_cast %parallel_loop3A_487 : i32 to index
      %parallel_loop3A_490 = arith.index_cast %parallel_loop3A_488 : i32 to index
      %parallel_loop3A_491 = arith.index_cast %parallel_loop3A_478 : i32 to index
      %parallel_loop3A_492 = arith.index_cast %parallel_loop3A_284 : i32 to index
      %parallel_loop3A_493 = tpu.vector_load %arg8[%parallel_loop3A_489, %parallel_loop3A_490, %parallel_loop3A_491, %parallel_loop3A_492] {strides = array<i32>} : memref<2x3x80x32xf32, #tpu.memory_space<vmem>>, vector<1x1x1x16xf32>,
      %parallel_loop3A_494 = vector.shape_cast %parallel_loop3A_493 : vector<1x1x1x16xf32> to vector<16xf32>
      %parallel_loop3A_495 = arith.addf %parallel_loop3A_486, %parallel_loop3A_494 : vector<16xf32>
      %parallel_loop3A_496 = arith.constant 0 : i32
      %parallel_loop3A_497 = arith.constant 2 : i32
      %parallel_loop3A_498 = arith.index_cast %parallel_loop3A_496 : i32 to index
      %parallel_loop3A_499 = arith.index_cast %parallel_loop3A_497 : i32 to index
      %parallel_loop3A_500 = arith.index_cast %parallel_loop3A_478 : i32 to index
      %parallel_loop3A_501 = arith.index_cast %parallel_loop3A_284 : i32 to index
      %parallel_loop3A_502 = tpu.vector_load %arg8[%parallel_loop3A_498, %parallel_loop3A_499, %parallel_loop3A_500, %parallel_loop3A_501] {strides = array<i32>} : memref<2x3x80x32xf32, #tpu.memory_space<vmem>>, vector<1x1x1x16xf32>,
      %parallel_loop3A_503 = vector.shape_cast %parallel_loop3A_502 : vector<1x1x1x16xf32> to vector<16xf32>
      %parallel_loop3A_504 = arith.addf %parallel_loop3A_495, %parallel_loop3A_503 : vector<16xf32>
      %parallel_loop3A_505 = arith.constant 2.000000e-01 : f32
      %parallel_loop3A_506 = vector.broadcast %parallel_loop3A_505 : f32 to vector<16xf32>
      %parallel_loop3A_507 = arith.mulf %parallel_loop3A_506, %parallel_loop3A_504 : vector<16xf32>
      %parallel_loop3A_508 = arith.maximumf %parallel_loop3A_504, %parallel_loop3A_507 : vector<16xf32>
      %parallel_loop3A_509 = arith.constant 7 : i32
      %parallel_loop3A_510 = arith.addi %parallel_loop3A_282, %parallel_loop3A_509 : i32
      %parallel_loop3A_511 = arith.constant 0 : i32
      %parallel_loop3A_512 = arith.constant 0 : i32
      %parallel_loop3A_513 = arith.index_cast %parallel_loop3A_511 : i32 to index
      %parallel_loop3A_514 = arith.index_cast %parallel_loop3A_512 : i32 to index
      %parallel_loop3A_515 = arith.index_cast %parallel_loop3A_510 : i32 to index
      %parallel_loop3A_516 = arith.index_cast %parallel_loop3A_284 : i32 to index
      %parallel_loop3A_517 = tpu.vector_load %arg8[%parallel_loop3A_513, %parallel_loop3A_514, %parallel_loop3A_515, %parallel_loop3A_516] {strides = array<i32>} : memref<2x3x80x32xf32, #tpu.memory_space<vmem>>, vector<1x1x1x16xf32>,
      %parallel_loop3A_518 = vector.shape_cast %parallel_loop3A_517 : vector<1x1x1x16xf32> to vector<16xf32>
      %parallel_loop3A_519 = arith.constant 0 : i32
      %parallel_loop3A_520 = arith.constant 1 : i32
      %parallel_loop3A_521 = arith.index_cast %parallel_loop3A_519 : i32 to index
      %parallel_loop3A_522 = arith.index_cast %parallel_loop3A_520 : i32 to index
      %parallel_loop3A_523 = arith.index_cast %parallel_loop3A_510 : i32 to index
      %parallel_loop3A_524 = arith.index_cast %parallel_loop3A_284 : i32 to index
      %parallel_loop3A_525 = tpu.vector_load %arg8[%parallel_loop3A_521, %parallel_loop3A_522, %parallel_loop3A_523, %parallel_loop3A_524] {strides = array<i32>} : memref<2x3x80x32xf32, #tpu.memory_space<vmem>>, vector<1x1x1x16xf32>,
      %parallel_loop3A_526 = vector.shape_cast %parallel_loop3A_525 : vector<1x1x1x16xf32> to vector<16xf32>
      %parallel_loop3A_527 = arith.addf %parallel_loop3A_518, %parallel_loop3A_526 : vector<16xf32>
      %parallel_loop3A_528 = arith.constant 0 : i32
      %parallel_loop3A_529 = arith.constant 2 : i32
      %parallel_loop3A_530 = arith.index_cast %parallel_loop3A_528 : i32 to index
      %parallel_loop3A_531 = arith.index_cast %parallel_loop3A_529 : i32 to index
      %parallel_loop3A_532 = arith.index_cast %parallel_loop3A_510 : i32 to index
      %parallel_loop3A_533 = arith.index_cast %parallel_loop3A_284 : i32 to index
      %parallel_loop3A_534 = tpu.vector_load %arg8[%parallel_loop3A_530, %parallel_loop3A_531, %parallel_loop3A_532, %parallel_loop3A_533] {strides = array<i32>} : memref<2x3x80x32xf32, #tpu.memory_space<vmem>>, vector<1x1x1x16xf32>,
      %parallel_loop3A_535 = vector.shape_cast %parallel_loop3A_534 : vector<1x1x1x16xf32> to vector<16xf32>
      %parallel_loop3A_536 = arith.addf %parallel_loop3A_527, %parallel_loop3A_535 : vector<16xf32>
      %parallel_loop3A_537 = arith.constant 2.000000e-01 : f32
      %parallel_loop3A_538 = vector.broadcast %parallel_loop3A_537 : f32 to vector<16xf32>
      %parallel_loop3A_539 = arith.mulf %parallel_loop3A_538, %parallel_loop3A_536 : vector<16xf32>
      %parallel_loop3A_540 = arith.maximumf %parallel_loop3A_536, %parallel_loop3A_539 : vector<16xf32>
      %parallel_loop3A_541 = arith.constant 8 : i32
      %parallel_loop3A_542 = arith.addi %parallel_loop3A_282, %parallel_loop3A_541 : i32
      %parallel_loop3A_543 = arith.constant 0 : i32
      %parallel_loop3A_544 = arith.constant 0 : i32
      %parallel_loop3A_545 = arith.index_cast %parallel_loop3A_543 : i32 to index
      %parallel_loop3A_546 = arith.index_cast %parallel_loop3A_544 : i32 to index
      %parallel_loop3A_547 = arith.index_cast %parallel_loop3A_542 : i32 to index
      %parallel_loop3A_548 = arith.index_cast %parallel_loop3A_284 : i32 to index
      %parallel_loop3A_549 = tpu.vector_load %arg8[%parallel_loop3A_545, %parallel_loop3A_546, %parallel_loop3A_547, %parallel_loop3A_548] {strides = array<i32>} : memref<2x3x80x32xf32, #tpu.memory_space<vmem>>, vector<1x1x1x16xf32>,
      %parallel_loop3A_550 = vector.shape_cast %parallel_loop3A_549 : vector<1x1x1x16xf32> to vector<16xf32>
      %parallel_loop3A_551 = arith.constant 0 : i32
      %parallel_loop3A_552 = arith.constant 1 : i32
      %parallel_loop3A_553 = arith.index_cast %parallel_loop3A_551 : i32 to index
      %parallel_loop3A_554 = arith.index_cast %parallel_loop3A_552 : i32 to index
      %parallel_loop3A_555 = arith.index_cast %parallel_loop3A_542 : i32 to index
      %parallel_loop3A_556 = arith.index_cast %parallel_loop3A_284 : i32 to index
      %parallel_loop3A_557 = tpu.vector_load %arg8[%parallel_loop3A_553, %parallel_loop3A_554, %parallel_loop3A_555, %parallel_loop3A_556] {strides = array<i32>} : memref<2x3x80x32xf32, #tpu.memory_space<vmem>>, vector<1x1x1x16xf32>,
      %parallel_loop3A_558 = vector.shape_cast %parallel_loop3A_557 : vector<1x1x1x16xf32> to vector<16xf32>
      %parallel_loop3A_559 = arith.addf %parallel_loop3A_550, %parallel_loop3A_558 : vector<16xf32>
      %parallel_loop3A_560 = arith.constant 0 : i32
      %parallel_loop3A_561 = arith.constant 2 : i32
      %parallel_loop3A_562 = arith.index_cast %parallel_loop3A_560 : i32 to index
      %parallel_loop3A_563 = arith.index_cast %parallel_loop3A_561 : i32 to index
      %parallel_loop3A_564 = arith.index_cast %parallel_loop3A_542 : i32 to index
      %parallel_loop3A_565 = arith.index_cast %parallel_loop3A_284 : i32 to index
      %parallel_loop3A_566 = tpu.vector_load %arg8[%parallel_loop3A_562, %parallel_loop3A_563, %parallel_loop3A_564, %parallel_loop3A_565] {strides = array<i32>} : memref<2x3x80x32xf32, #tpu.memory_space<vmem>>, vector<1x1x1x16xf32>,
      %parallel_loop3A_567 = vector.shape_cast %parallel_loop3A_566 : vector<1x1x1x16xf32> to vector<16xf32>
      %parallel_loop3A_568 = arith.addf %parallel_loop3A_559, %parallel_loop3A_567 : vector<16xf32>
      %parallel_loop3A_569 = arith.constant 2.000000e-01 : f32
      %parallel_loop3A_570 = vector.broadcast %parallel_loop3A_569 : f32 to vector<16xf32>
      %parallel_loop3A_571 = arith.mulf %parallel_loop3A_570, %parallel_loop3A_568 : vector<16xf32>
      %parallel_loop3A_572 = arith.maximumf %parallel_loop3A_568, %parallel_loop3A_571 : vector<16xf32>
      %parallel_loop3A_573 = arith.constant 9 : i32
      %parallel_loop3A_574 = arith.addi %parallel_loop3A_282, %parallel_loop3A_573 : i32
      %parallel_loop3A_575 = arith.constant 0 : i32
      %parallel_loop3A_576 = arith.constant 0 : i32
      %parallel_loop3A_577 = arith.index_cast %parallel_loop3A_575 : i32 to index
      %parallel_loop3A_578 = arith.index_cast %parallel_loop3A_576 : i32 to index
      %parallel_loop3A_579 = arith.index_cast %parallel_loop3A_574 : i32 to index
      %parallel_loop3A_580 = arith.index_cast %parallel_loop3A_284 : i32 to index
      %parallel_loop3A_581 = tpu.vector_load %arg8[%parallel_loop3A_577, %parallel_loop3A_578, %parallel_loop3A_579, %parallel_loop3A_580] {strides = array<i32>} : memref<2x3x80x32xf32, #tpu.memory_space<vmem>>, vector<1x1x1x16xf32>,
      %parallel_loop3A_582 = vector.shape_cast %parallel_loop3A_581 : vector<1x1x1x16xf32> to vector<16xf32>
      %parallel_loop3A_583 = arith.constant 0 : i32
      %parallel_loop3A_584 = arith.constant 1 : i32
      %parallel_loop3A_585 = arith.index_cast %parallel_loop3A_583 : i32 to index
      %parallel_loop3A_586 = arith.index_cast %parallel_loop3A_584 : i32 to index
      %parallel_loop3A_587 = arith.index_cast %parallel_loop3A_574 : i32 to index
      %parallel_loop3A_588 = arith.index_cast %parallel_loop3A_284 : i32 to index
      %parallel_loop3A_589 = tpu.vector_load %arg8[%parallel_loop3A_585, %parallel_loop3A_586, %parallel_loop3A_587, %parallel_loop3A_588] {strides = array<i32>} : memref<2x3x80x32xf32, #tpu.memory_space<vmem>>, vector<1x1x1x16xf32>,
      %parallel_loop3A_590 = vector.shape_cast %parallel_loop3A_589 : vector<1x1x1x16xf32> to vector<16xf32>
      %parallel_loop3A_591 = arith.addf %parallel_loop3A_582, %parallel_loop3A_590 : vector<16xf32>
      %parallel_loop3A_592 = arith.constant 0 : i32
      %parallel_loop3A_593 = arith.constant 2 : i32
      %parallel_loop3A_594 = arith.index_cast %parallel_loop3A_592 : i32 to index
      %parallel_loop3A_595 = arith.index_cast %parallel_loop3A_593 : i32 to index
      %parallel_loop3A_596 = arith.index_cast %parallel_loop3A_574 : i32 to index
      %parallel_loop3A_597 = arith.index_cast %parallel_loop3A_284 : i32 to index
      %parallel_loop3A_598 = tpu.vector_load %arg8[%parallel_loop3A_594, %parallel_loop3A_595, %parallel_loop3A_596, %parallel_loop3A_597] {strides = array<i32>} : memref<2x3x80x32xf32, #tpu.memory_space<vmem>>, vector<1x1x1x16xf32>,
      %parallel_loop3A_599 = vector.shape_cast %parallel_loop3A_598 : vector<1x1x1x16xf32> to vector<16xf32>
      %parallel_loop3A_600 = arith.addf %parallel_loop3A_591, %parallel_loop3A_599 : vector<16xf32>
      %parallel_loop3A_601 = arith.constant 2.000000e-01 : f32
      %parallel_loop3A_602 = vector.broadcast %parallel_loop3A_601 : f32 to vector<16xf32>
      %parallel_loop3A_603 = arith.mulf %parallel_loop3A_602, %parallel_loop3A_600 : vector<16xf32>
      %parallel_loop3A_604 = arith.maximumf %parallel_loop3A_600, %parallel_loop3A_603 : vector<16xf32>
      %parallel_loop3A_605 = arith.constant 10 : i32
      %parallel_loop3A_606 = arith.addi %parallel_loop3A_282, %parallel_loop3A_605 : i32
      %parallel_loop3A_607 = arith.constant 0 : i32
      %parallel_loop3A_608 = arith.constant 0 : i32
      %parallel_loop3A_609 = arith.index_cast %parallel_loop3A_607 : i32 to index
      %parallel_loop3A_610 = arith.index_cast %parallel_loop3A_608 : i32 to index
      %parallel_loop3A_611 = arith.index_cast %parallel_loop3A_606 : i32 to index
      %parallel_loop3A_612 = arith.index_cast %parallel_loop3A_284 : i32 to index
      %parallel_loop3A_613 = tpu.vector_load %arg8[%parallel_loop3A_609, %parallel_loop3A_610, %parallel_loop3A_611, %parallel_loop3A_612] {strides = array<i32>} : memref<2x3x80x32xf32, #tpu.memory_space<vmem>>, vector<1x1x1x16xf32>,
      %parallel_loop3A_614 = vector.shape_cast %parallel_loop3A_613 : vector<1x1x1x16xf32> to vector<16xf32>
      %parallel_loop3A_615 = arith.constant 0 : i32
      %parallel_loop3A_616 = arith.constant 1 : i32
      %parallel_loop3A_617 = arith.index_cast %parallel_loop3A_615 : i32 to index
      %parallel_loop3A_618 = arith.index_cast %parallel_loop3A_616 : i32 to index
      %parallel_loop3A_619 = arith.index_cast %parallel_loop3A_606 : i32 to index
      %parallel_loop3A_620 = arith.index_cast %parallel_loop3A_284 : i32 to index
      %parallel_loop3A_621 = tpu.vector_load %arg8[%parallel_loop3A_617, %parallel_loop3A_618, %parallel_loop3A_619, %parallel_loop3A_620] {strides = array<i32>} : memref<2x3x80x32xf32, #tpu.memory_space<vmem>>, vector<1x1x1x16xf32>,
      %parallel_loop3A_622 = vector.shape_cast %parallel_loop3A_621 : vector<1x1x1x16xf32> to vector<16xf32>
      %parallel_loop3A_623 = arith.addf %parallel_loop3A_614, %parallel_loop3A_622 : vector<16xf32>
      %parallel_loop3A_624 = arith.constant 0 : i32
      %parallel_loop3A_625 = arith.constant 2 : i32
      %parallel_loop3A_626 = arith.index_cast %parallel_loop3A_624 : i32 to index
      %parallel_loop3A_627 = arith.index_cast %parallel_loop3A_625 : i32 to index
      %parallel_loop3A_628 = arith.index_cast %parallel_loop3A_606 : i32 to index
      %parallel_loop3A_629 = arith.index_cast %parallel_loop3A_284 : i32 to index
      %parallel_loop3A_630 = tpu.vector_load %arg8[%parallel_loop3A_626, %parallel_loop3A_627, %parallel_loop3A_628, %parallel_loop3A_629] {strides = array<i32>} : memref<2x3x80x32xf32, #tpu.memory_space<vmem>>, vector<1x1x1x16xf32>,
      %parallel_loop3A_631 = vector.shape_cast %parallel_loop3A_630 : vector<1x1x1x16xf32> to vector<16xf32>
      %parallel_loop3A_632 = arith.addf %parallel_loop3A_623, %parallel_loop3A_631 : vector<16xf32>
      %parallel_loop3A_633 = arith.constant 2.000000e-01 : f32
      %parallel_loop3A_634 = vector.broadcast %parallel_loop3A_633 : f32 to vector<16xf32>
      %parallel_loop3A_635 = arith.mulf %parallel_loop3A_634, %parallel_loop3A_632 : vector<16xf32>
      %parallel_loop3A_636 = arith.maximumf %parallel_loop3A_632, %parallel_loop3A_635 : vector<16xf32>
      %parallel_loop3A_637 = arith.constant 11 : i32
      %parallel_loop3A_638 = arith.addi %parallel_loop3A_282, %parallel_loop3A_637 : i32
      %parallel_loop3A_639 = arith.constant 0 : i32
      %parallel_loop3A_640 = arith.constant 0 : i32
      %parallel_loop3A_641 = arith.index_cast %parallel_loop3A_639 : i32 to index
      %parallel_loop3A_642 = arith.index_cast %parallel_loop3A_640 : i32 to index
      %parallel_loop3A_643 = arith.index_cast %parallel_loop3A_638 : i32 to index
      %parallel_loop3A_644 = arith.index_cast %parallel_loop3A_284 : i32 to index
      %parallel_loop3A_645 = tpu.vector_load %arg8[%parallel_loop3A_641, %parallel_loop3A_642, %parallel_loop3A_643, %parallel_loop3A_644] {strides = array<i32>} : memref<2x3x80x32xf32, #tpu.memory_space<vmem>>, vector<1x1x1x16xf32>,
      %parallel_loop3A_646 = vector.shape_cast %parallel_loop3A_645 : vector<1x1x1x16xf32> to vector<16xf32>
      %parallel_loop3A_647 = arith.constant 0 : i32
      %parallel_loop3A_648 = arith.constant 1 : i32
      %parallel_loop3A_649 = arith.index_cast %parallel_loop3A_647 : i32 to index
      %parallel_loop3A_650 = arith.index_cast %parallel_loop3A_648 : i32 to index
      %parallel_loop3A_651 = arith.index_cast %parallel_loop3A_638 : i32 to index
      %parallel_loop3A_652 = arith.index_cast %parallel_loop3A_284 : i32 to index
      %parallel_loop3A_653 = tpu.vector_load %arg8[%parallel_loop3A_649, %parallel_loop3A_650, %parallel_loop3A_651, %parallel_loop3A_652] {strides = array<i32>} : memref<2x3x80x32xf32, #tpu.memory_space<vmem>>, vector<1x1x1x16xf32>,
      %parallel_loop3A_654 = vector.shape_cast %parallel_loop3A_653 : vector<1x1x1x16xf32> to vector<16xf32>
      %parallel_loop3A_655 = arith.addf %parallel_loop3A_646, %parallel_loop3A_654 : vector<16xf32>
      %parallel_loop3A_656 = arith.constant 0 : i32
      %parallel_loop3A_657 = arith.constant 2 : i32
      %parallel_loop3A_658 = arith.index_cast %parallel_loop3A_656 : i32 to index
      %parallel_loop3A_659 = arith.index_cast %parallel_loop3A_657 : i32 to index
      %parallel_loop3A_660 = arith.index_cast %parallel_loop3A_638 : i32 to index
      %parallel_loop3A_661 = arith.index_cast %parallel_loop3A_284 : i32 to index
      %parallel_loop3A_662 = tpu.vector_load %arg8[%parallel_loop3A_658, %parallel_loop3A_659, %parallel_loop3A_660, %parallel_loop3A_661] {strides = array<i32>} : memref<2x3x80x32xf32, #tpu.memory_space<vmem>>, vector<1x1x1x16xf32>,
      %parallel_loop3A_663 = vector.shape_cast %parallel_loop3A_662 : vector<1x1x1x16xf32> to vector<16xf32>
      %parallel_loop3A_664 = arith.addf %parallel_loop3A_655, %parallel_loop3A_663 : vector<16xf32>
      %parallel_loop3A_665 = arith.constant 2.000000e-01 : f32
      %parallel_loop3A_666 = vector.broadcast %parallel_loop3A_665 : f32 to vector<16xf32>
      %parallel_loop3A_667 = arith.mulf %parallel_loop3A_666, %parallel_loop3A_664 : vector<16xf32>
      %parallel_loop3A_668 = arith.maximumf %parallel_loop3A_664, %parallel_loop3A_667 : vector<16xf32>
      %parallel_loop3A_669 = arith.constant 12 : i32
      %parallel_loop3A_670 = arith.addi %parallel_loop3A_282, %parallel_loop3A_669 : i32
      %parallel_loop3A_671 = arith.constant 0 : i32
      %parallel_loop3A_672 = arith.constant 0 : i32
      %parallel_loop3A_673 = arith.index_cast %parallel_loop3A_671 : i32 to index
      %parallel_loop3A_674 = arith.index_cast %parallel_loop3A_672 : i32 to index
      %parallel_loop3A_675 = arith.index_cast %parallel_loop3A_670 : i32 to index
      %parallel_loop3A_676 = arith.index_cast %parallel_loop3A_284 : i32 to index
      %parallel_loop3A_677 = tpu.vector_load %arg8[%parallel_loop3A_673, %parallel_loop3A_674, %parallel_loop3A_675, %parallel_loop3A_676] {strides = array<i32>} : memref<2x3x80x32xf32, #tpu.memory_space<vmem>>, vector<1x1x1x16xf32>,
      %parallel_loop3A_678 = vector.shape_cast %parallel_loop3A_677 : vector<1x1x1x16xf32> to vector<16xf32>
      %parallel_loop3A_679 = arith.constant 0 : i32
      %parallel_loop3A_680 = arith.constant 1 : i32
      %parallel_loop3A_681 = arith.index_cast %parallel_loop3A_679 : i32 to index
      %parallel_loop3A_682 = arith.index_cast %parallel_loop3A_680 : i32 to index
      %parallel_loop3A_683 = arith.index_cast %parallel_loop3A_670 : i32 to index
      %parallel_loop3A_684 = arith.index_cast %parallel_loop3A_284 : i32 to index
      %parallel_loop3A_685 = tpu.vector_load %arg8[%parallel_loop3A_681, %parallel_loop3A_682, %parallel_loop3A_683, %parallel_loop3A_684] {strides = array<i32>} : memref<2x3x80x32xf32, #tpu.memory_space<vmem>>, vector<1x1x1x16xf32>,
      %parallel_loop3A_686 = vector.shape_cast %parallel_loop3A_685 : vector<1x1x1x16xf32> to vector<16xf32>
      %parallel_loop3A_687 = arith.addf %parallel_loop3A_678, %parallel_loop3A_686 : vector<16xf32>
      %parallel_loop3A_688 = arith.constant 0 : i32
      %parallel_loop3A_689 = arith.constant 2 : i32
      %parallel_loop3A_690 = arith.index_cast %parallel_loop3A_688 : i32 to index
      %parallel_loop3A_691 = arith.index_cast %parallel_loop3A_689 : i32 to index
      %parallel_loop3A_692 = arith.index_cast %parallel_loop3A_670 : i32 to index
      %parallel_loop3A_693 = arith.index_cast %parallel_loop3A_284 : i32 to index
      %parallel_loop3A_694 = tpu.vector_load %arg8[%parallel_loop3A_690, %parallel_loop3A_691, %parallel_loop3A_692, %parallel_loop3A_693] {strides = array<i32>} : memref<2x3x80x32xf32, #tpu.memory_space<vmem>>, vector<1x1x1x16xf32>,
      %parallel_loop3A_695 = vector.shape_cast %parallel_loop3A_694 : vector<1x1x1x16xf32> to vector<16xf32>
      %parallel_loop3A_696 = arith.addf %parallel_loop3A_687, %parallel_loop3A_695 : vector<16xf32>
      %parallel_loop3A_697 = arith.constant 2.000000e-01 : f32
      %parallel_loop3A_698 = vector.broadcast %parallel_loop3A_697 : f32 to vector<16xf32>
      %parallel_loop3A_699 = arith.mulf %parallel_loop3A_698, %parallel_loop3A_696 : vector<16xf32>
      %parallel_loop3A_700 = arith.maximumf %parallel_loop3A_696, %parallel_loop3A_699 : vector<16xf32>
      %parallel_loop3A_701 = arith.constant 13 : i32
      %parallel_loop3A_702 = arith.addi %parallel_loop3A_282, %parallel_loop3A_701 : i32
      %parallel_loop3A_703 = arith.constant 0 : i32
      %parallel_loop3A_704 = arith.constant 0 : i32
      %parallel_loop3A_705 = arith.index_cast %parallel_loop3A_703 : i32 to index
      %parallel_loop3A_706 = arith.index_cast %parallel_loop3A_704 : i32 to index
      %parallel_loop3A_707 = arith.index_cast %parallel_loop3A_702 : i32 to index
      %parallel_loop3A_708 = arith.index_cast %parallel_loop3A_284 : i32 to index
      %parallel_loop3A_709 = tpu.vector_load %arg8[%parallel_loop3A_705, %parallel_loop3A_706, %parallel_loop3A_707, %parallel_loop3A_708] {strides = array<i32>} : memref<2x3x80x32xf32, #tpu.memory_space<vmem>>, vector<1x1x1x16xf32>,
      %parallel_loop3A_710 = vector.shape_cast %parallel_loop3A_709 : vector<1x1x1x16xf32> to vector<16xf32>
      %parallel_loop3A_711 = arith.constant 0 : i32
      %parallel_loop3A_712 = arith.constant 1 : i32
      %parallel_loop3A_713 = arith.index_cast %parallel_loop3A_711 : i32 to index
      %parallel_loop3A_714 = arith.index_cast %parallel_loop3A_712 : i32 to index
      %parallel_loop3A_715 = arith.index_cast %parallel_loop3A_702 : i32 to index
      %parallel_loop3A_716 = arith.index_cast %parallel_loop3A_284 : i32 to index
      %parallel_loop3A_717 = tpu.vector_load %arg8[%parallel_loop3A_713, %parallel_loop3A_714, %parallel_loop3A_715, %parallel_loop3A_716] {strides = array<i32>} : memref<2x3x80x32xf32, #tpu.memory_space<vmem>>, vector<1x1x1x16xf32>,
      %parallel_loop3A_718 = vector.shape_cast %parallel_loop3A_717 : vector<1x1x1x16xf32> to vector<16xf32>
      %parallel_loop3A_719 = arith.addf %parallel_loop3A_710, %parallel_loop3A_718 : vector<16xf32>
      %parallel_loop3A_720 = arith.constant 0 : i32
      %parallel_loop3A_721 = arith.constant 2 : i32
      %parallel_loop3A_722 = arith.index_cast %parallel_loop3A_720 : i32 to index
      %parallel_loop3A_723 = arith.index_cast %parallel_loop3A_721 : i32 to index
      %parallel_loop3A_724 = arith.index_cast %parallel_loop3A_702 : i32 to index
      %parallel_loop3A_725 = arith.index_cast %parallel_loop3A_284 : i32 to index
      %parallel_loop3A_726 = tpu.vector_load %arg8[%parallel_loop3A_722, %parallel_loop3A_723, %parallel_loop3A_724, %parallel_loop3A_725] {strides = array<i32>} : memref<2x3x80x32xf32, #tpu.memory_space<vmem>>, vector<1x1x1x16xf32>,
      %parallel_loop3A_727 = vector.shape_cast %parallel_loop3A_726 : vector<1x1x1x16xf32> to vector<16xf32>
      %parallel_loop3A_728 = arith.addf %parallel_loop3A_719, %parallel_loop3A_727 : vector<16xf32>
      %parallel_loop3A_729 = arith.constant 2.000000e-01 : f32
      %parallel_loop3A_730 = vector.broadcast %parallel_loop3A_729 : f32 to vector<16xf32>
      %parallel_loop3A_731 = arith.mulf %parallel_loop3A_730, %parallel_loop3A_728 : vector<16xf32>
      %parallel_loop3A_732 = arith.maximumf %parallel_loop3A_728, %parallel_loop3A_731 : vector<16xf32>
      %parallel_loop3A_733 = arith.constant 14 : i32
      %parallel_loop3A_734 = arith.addi %parallel_loop3A_282, %parallel_loop3A_733 : i32
      %parallel_loop3A_735 = arith.constant 0 : i32
      %parallel_loop3A_736 = arith.constant 0 : i32
      %parallel_loop3A_737 = arith.index_cast %parallel_loop3A_735 : i32 to index
      %parallel_loop3A_738 = arith.index_cast %parallel_loop3A_736 : i32 to index
      %parallel_loop3A_739 = arith.index_cast %parallel_loop3A_734 : i32 to index
      %parallel_loop3A_740 = arith.index_cast %parallel_loop3A_284 : i32 to index
      %parallel_loop3A_741 = tpu.vector_load %arg8[%parallel_loop3A_737, %parallel_loop3A_738, %parallel_loop3A_739, %parallel_loop3A_740] {strides = array<i32>} : memref<2x3x80x32xf32, #tpu.memory_space<vmem>>, vector<1x1x1x16xf32>,
      %parallel_loop3A_742 = vector.shape_cast %parallel_loop3A_741 : vector<1x1x1x16xf32> to vector<16xf32>
      %parallel_loop3A_743 = arith.constant 0 : i32
      %parallel_loop3A_744 = arith.constant 1 : i32
      %parallel_loop3A_745 = arith.index_cast %parallel_loop3A_743 : i32 to index
      %parallel_loop3A_746 = arith.index_cast %parallel_loop3A_744 : i32 to index
      %parallel_loop3A_747 = arith.index_cast %parallel_loop3A_734 : i32 to index
      %parallel_loop3A_748 = arith.index_cast %parallel_loop3A_284 : i32 to index
      %parallel_loop3A_749 = tpu.vector_load %arg8[%parallel_loop3A_745, %parallel_loop3A_746, %parallel_loop3A_747, %parallel_loop3A_748] {strides = array<i32>} : memref<2x3x80x32xf32, #tpu.memory_space<vmem>>, vector<1x1x1x16xf32>,
      %parallel_loop3A_750 = vector.shape_cast %parallel_loop3A_749 : vector<1x1x1x16xf32> to vector<16xf32>
      %parallel_loop3A_751 = arith.addf %parallel_loop3A_742, %parallel_loop3A_750 : vector<16xf32>
      %parallel_loop3A_752 = arith.constant 0 : i32
      %parallel_loop3A_753 = arith.constant 2 : i32
      %parallel_loop3A_754 = arith.index_cast %parallel_loop3A_752 : i32 to index
      %parallel_loop3A_755 = arith.index_cast %parallel_loop3A_753 : i32 to index
      %parallel_loop3A_756 = arith.index_cast %parallel_loop3A_734 : i32 to index
      %parallel_loop3A_757 = arith.index_cast %parallel_loop3A_284 : i32 to index
      %parallel_loop3A_758 = tpu.vector_load %arg8[%parallel_loop3A_754, %parallel_loop3A_755, %parallel_loop3A_756, %parallel_loop3A_757] {strides = array<i32>} : memref<2x3x80x32xf32, #tpu.memory_space<vmem>>, vector<1x1x1x16xf32>,
      %parallel_loop3A_759 = vector.shape_cast %parallel_loop3A_758 : vector<1x1x1x16xf32> to vector<16xf32>
      %parallel_loop3A_760 = arith.addf %parallel_loop3A_751, %parallel_loop3A_759 : vector<16xf32>
      %parallel_loop3A_761 = arith.constant 2.000000e-01 : f32
      %parallel_loop3A_762 = vector.broadcast %parallel_loop3A_761 : f32 to vector<16xf32>
      %parallel_loop3A_763 = arith.mulf %parallel_loop3A_762, %parallel_loop3A_760 : vector<16xf32>
      %parallel_loop3A_764 = arith.maximumf %parallel_loop3A_760, %parallel_loop3A_763 : vector<16xf32>
      %parallel_loop3A_765 = arith.constant 15 : i32
      %parallel_loop3A_766 = arith.addi %parallel_loop3A_282, %parallel_loop3A_765 : i32
      %parallel_loop3A_767 = arith.constant 0 : i32
      %parallel_loop3A_768 = arith.constant 0 : i32
      %parallel_loop3A_769 = arith.index_cast %parallel_loop3A_767 : i32 to index
      %parallel_loop3A_770 = arith.index_cast %parallel_loop3A_768 : i32 to index
      %parallel_loop3A_771 = arith.index_cast %parallel_loop3A_766 : i32 to index
      %parallel_loop3A_772 = arith.index_cast %parallel_loop3A_284 : i32 to index
      %parallel_loop3A_773 = tpu.vector_load %arg8[%parallel_loop3A_769, %parallel_loop3A_770, %parallel_loop3A_771, %parallel_loop3A_772] {strides = array<i32>} : memref<2x3x80x32xf32, #tpu.memory_space<vmem>>, vector<1x1x1x16xf32>,
      %parallel_loop3A_774 = vector.shape_cast %parallel_loop3A_773 : vector<1x1x1x16xf32> to vector<16xf32>
      %parallel_loop3A_775 = arith.constant 0 : i32
      %parallel_loop3A_776 = arith.constant 1 : i32
      %parallel_loop3A_777 = arith.index_cast %parallel_loop3A_775 : i32 to index
      %parallel_loop3A_778 = arith.index_cast %parallel_loop3A_776 : i32 to index
      %parallel_loop3A_779 = arith.index_cast %parallel_loop3A_766 : i32 to index
      %parallel_loop3A_780 = arith.index_cast %parallel_loop3A_284 : i32 to index
      %parallel_loop3A_781 = tpu.vector_load %arg8[%parallel_loop3A_777, %parallel_loop3A_778, %parallel_loop3A_779, %parallel_loop3A_780] {strides = array<i32>} : memref<2x3x80x32xf32, #tpu.memory_space<vmem>>, vector<1x1x1x16xf32>,
      %parallel_loop3A_782 = vector.shape_cast %parallel_loop3A_781 : vector<1x1x1x16xf32> to vector<16xf32>
      %parallel_loop3A_783 = arith.addf %parallel_loop3A_774, %parallel_loop3A_782 : vector<16xf32>
      %parallel_loop3A_784 = arith.constant 0 : i32
      %parallel_loop3A_785 = arith.constant 2 : i32
      %parallel_loop3A_786 = arith.index_cast %parallel_loop3A_784 : i32 to index
      %parallel_loop3A_787 = arith.index_cast %parallel_loop3A_785 : i32 to index
      %parallel_loop3A_788 = arith.index_cast %parallel_loop3A_766 : i32 to index
      %parallel_loop3A_789 = arith.index_cast %parallel_loop3A_284 : i32 to index
      %parallel_loop3A_790 = tpu.vector_load %arg8[%parallel_loop3A_786, %parallel_loop3A_787, %parallel_loop3A_788, %parallel_loop3A_789] {strides = array<i32>} : memref<2x3x80x32xf32, #tpu.memory_space<vmem>>, vector<1x1x1x16xf32>,
      %parallel_loop3A_791 = vector.shape_cast %parallel_loop3A_790 : vector<1x1x1x16xf32> to vector<16xf32>
      %parallel_loop3A_792 = arith.addf %parallel_loop3A_783, %parallel_loop3A_791 : vector<16xf32>
      %parallel_loop3A_793 = arith.constant 2.000000e-01 : f32
      %parallel_loop3A_794 = vector.broadcast %parallel_loop3A_793 : f32 to vector<16xf32>
      %parallel_loop3A_795 = arith.mulf %parallel_loop3A_794, %parallel_loop3A_792 : vector<16xf32>
      %parallel_loop3A_796 = arith.maximumf %parallel_loop3A_792, %parallel_loop3A_795 : vector<16xf32>
      %parallel_loop3A_797 = arith.constant 1 : i32
      %parallel_loop3A_798 = vector.broadcast %parallel_loop3A_797 : i32 to vector<16xi32>
      %parallel_loop3A_799 = arith.xori %iota3A, %parallel_loop3A_798 : vector<16xi32>
      %parallel_loop3A_800 = arith.constant 1 : i32
      %parallel_loop3A_801 = vector.broadcast %parallel_loop3A_800 : i32 to vector<16xi32>
      %parallel_loop3A_802 = arith.andi %iota3A, %parallel_loop3A_801 : vector<16xi32>
      %parallel_loop3A_803 = arith.constant 0 : i32
      %parallel_loop3A_804 = vector.broadcast %parallel_loop3A_803 : i32 to vector<16xi32>
      %parallel_loop3A_805 = arith.cmpi eq, %parallel_loop3A_802, %parallel_loop3A_804 : vector<16xi32>
      %parallel_loop3A_806 = arith.constant 0 : i32
      %parallel_loop3A_807 = vector.broadcast %parallel_loop3A_806 : i32 to vector<16xi32>
      %parallel_loop3A_808 = arith.cmpi slt, %parallel_loop3A_799, %parallel_loop3A_807 : vector<16xi32>
      %parallel_loop3A_809 = arith.constant 16 : i32
      %parallel_loop3A_810 = vector.broadcast %parallel_loop3A_809 : i32 to vector<16xi32>
      %parallel_loop3A_811 = arith.addi %parallel_loop3A_799, %parallel_loop3A_810 : vector<16xi32>
      %parallel_loop3A_812 = arith.select %parallel_loop3A_808, %parallel_loop3A_811, %parallel_loop3A_799 : vector<16xi1>, vector<16xi32>
      %parallel_loop3A_813 = vector.shape_cast %parallel_loop3A_812 : vector<16xi32> to vector<16x1xi32>
      %parallel_loop3A_814 = vector.shape_cast %parallel_loop3A_813 : vector<16x1xi32> to vector<16xi32>
      %parallel_loop3A_815 = tpu.dynamic_gather %parallel_loop3A_348[%parallel_loop3A_814] in [0] : vector<16xf32>, vector<16xi32> -> vector<16xf32>
      %parallel_loop3A_816 = arith.select %parallel_loop3A_805, %parallel_loop3A_316, %parallel_loop3A_815 : vector<16xi1>, vector<16xf32>
      %parallel_loop3A_817 = arith.constant 1 : i32
      %parallel_loop3A_818 = vector.broadcast %parallel_loop3A_817 : i32 to vector<16xi32>
      %parallel_loop3A_819 = arith.andi %iota3A, %parallel_loop3A_818 : vector<16xi32>
      %parallel_loop3A_820 = arith.constant 1 : i32
      %parallel_loop3A_821 = vector.broadcast %parallel_loop3A_820 : i32 to vector<16xi32>
      %parallel_loop3A_822 = arith.cmpi eq, %parallel_loop3A_819, %parallel_loop3A_821 : vector<16xi32>
      %parallel_loop3A_823 = arith.constant 0 : i32
      %parallel_loop3A_824 = vector.broadcast %parallel_loop3A_823 : i32 to vector<16xi32>
      %parallel_loop3A_825 = arith.cmpi slt, %parallel_loop3A_799, %parallel_loop3A_824 : vector<16xi32>
      %parallel_loop3A_826 = arith.constant 16 : i32
      %parallel_loop3A_827 = vector.broadcast %parallel_loop3A_826 : i32 to vector<16xi32>
      %parallel_loop3A_828 = arith.addi %parallel_loop3A_799, %parallel_loop3A_827 : vector<16xi32>
      %parallel_loop3A_829 = arith.select %parallel_loop3A_825, %parallel_loop3A_828, %parallel_loop3A_799 : vector<16xi1>, vector<16xi32>
      %parallel_loop3A_830 = vector.shape_cast %parallel_loop3A_829 : vector<16xi32> to vector<16x1xi32>
      %parallel_loop3A_831 = vector.shape_cast %parallel_loop3A_830 : vector<16x1xi32> to vector<16xi32>
      %parallel_loop3A_832 = tpu.dynamic_gather %parallel_loop3A_316[%parallel_loop3A_831] in [0] : vector<16xf32>, vector<16xi32> -> vector<16xf32>
      %parallel_loop3A_833 = arith.select %parallel_loop3A_822, %parallel_loop3A_348, %parallel_loop3A_832 : vector<16xi1>, vector<16xf32>
      %parallel_loop3A_834 = arith.constant 1 : i32
      %parallel_loop3A_835 = vector.broadcast %parallel_loop3A_834 : i32 to vector<16xi32>
      %parallel_loop3A_836 = arith.andi %iota3A, %parallel_loop3A_835 : vector<16xi32>
      %parallel_loop3A_837 = arith.constant 0 : i32
      %parallel_loop3A_838 = vector.broadcast %parallel_loop3A_837 : i32 to vector<16xi32>
      %parallel_loop3A_839 = arith.cmpi eq, %parallel_loop3A_836, %parallel_loop3A_838 : vector<16xi32>
      %parallel_loop3A_840 = arith.constant 0 : i32
      %parallel_loop3A_841 = vector.broadcast %parallel_loop3A_840 : i32 to vector<16xi32>
      %parallel_loop3A_842 = arith.cmpi slt, %parallel_loop3A_799, %parallel_loop3A_841 : vector<16xi32>
      %parallel_loop3A_843 = arith.constant 16 : i32
      %parallel_loop3A_844 = vector.broadcast %parallel_loop3A_843 : i32 to vector<16xi32>
      %parallel_loop3A_845 = arith.addi %parallel_loop3A_799, %parallel_loop3A_844 : vector<16xi32>
      %parallel_loop3A_846 = arith.select %parallel_loop3A_842, %parallel_loop3A_845, %parallel_loop3A_799 : vector<16xi1>, vector<16xi32>
      %parallel_loop3A_847 = vector.shape_cast %parallel_loop3A_846 : vector<16xi32> to vector<16x1xi32>
      %parallel_loop3A_848 = vector.shape_cast %parallel_loop3A_847 : vector<16x1xi32> to vector<16xi32>
      %parallel_loop3A_849 = tpu.dynamic_gather %parallel_loop3A_412[%parallel_loop3A_848] in [0] : vector<16xf32>, vector<16xi32> -> vector<16xf32>
      %parallel_loop3A_850 = arith.select %parallel_loop3A_839, %parallel_loop3A_380, %parallel_loop3A_849 : vector<16xi1>, vector<16xf32>
      %parallel_loop3A_851 = arith.constant 1 : i32
      %parallel_loop3A_852 = vector.broadcast %parallel_loop3A_851 : i32 to vector<16xi32>
      %parallel_loop3A_853 = arith.andi %iota3A, %parallel_loop3A_852 : vector<16xi32>
      %parallel_loop3A_854 = arith.constant 1 : i32
      %parallel_loop3A_855 = vector.broadcast %parallel_loop3A_854 : i32 to vector<16xi32>
      %parallel_loop3A_856 = arith.cmpi eq, %parallel_loop3A_853, %parallel_loop3A_855 : vector<16xi32>
      %parallel_loop3A_857 = arith.constant 0 : i32
      %parallel_loop3A_858 = vector.broadcast %parallel_loop3A_857 : i32 to vector<16xi32>
      %parallel_loop3A_859 = arith.cmpi slt, %parallel_loop3A_799, %parallel_loop3A_858 : vector<16xi32>
      %parallel_loop3A_860 = arith.constant 16 : i32
      %parallel_loop3A_861 = vector.broadcast %parallel_loop3A_860 : i32 to vector<16xi32>
      %parallel_loop3A_862 = arith.addi %parallel_loop3A_799, %parallel_loop3A_861 : vector<16xi32>
      %parallel_loop3A_863 = arith.select %parallel_loop3A_859, %parallel_loop3A_862, %parallel_loop3A_799 : vector<16xi1>, vector<16xi32>
      %parallel_loop3A_864 = vector.shape_cast %parallel_loop3A_863 : vector<16xi32> to vector<16x1xi32>
      %parallel_loop3A_865 = vector.shape_cast %parallel_loop3A_864 : vector<16x1xi32> to vector<16xi32>
      %parallel_loop3A_866 = tpu.dynamic_gather %parallel_loop3A_380[%parallel_loop3A_865] in [0] : vector<16xf32>, vector<16xi32> -> vector<16xf32>
      %parallel_loop3A_867 = arith.select %parallel_loop3A_856, %parallel_loop3A_412, %parallel_loop3A_866 : vector<16xi1>, vector<16xf32>
      %parallel_loop3A_868 = arith.constant 1 : i32
      %parallel_loop3A_869 = vector.broadcast %parallel_loop3A_868 : i32 to vector<16xi32>
      %parallel_loop3A_870 = arith.andi %iota3A, %parallel_loop3A_869 : vector<16xi32>
      %parallel_loop3A_871 = arith.constant 0 : i32
      %parallel_loop3A_872 = vector.broadcast %parallel_loop3A_871 : i32 to vector<16xi32>
      %parallel_loop3A_873 = arith.cmpi eq, %parallel_loop3A_870, %parallel_loop3A_872 : vector<16xi32>
      %parallel_loop3A_874 = arith.constant 0 : i32
      %parallel_loop3A_875 = vector.broadcast %parallel_loop3A_874 : i32 to vector<16xi32>
      %parallel_loop3A_876 = arith.cmpi slt, %parallel_loop3A_799, %parallel_loop3A_875 : vector<16xi32>
      %parallel_loop3A_877 = arith.constant 16 : i32
      %parallel_loop3A_878 = vector.broadcast %parallel_loop3A_877 : i32 to vector<16xi32>
      %parallel_loop3A_879 = arith.addi %parallel_loop3A_799, %parallel_loop3A_878 : vector<16xi32>
      %parallel_loop3A_880 = arith.select %parallel_loop3A_876, %parallel_loop3A_879, %parallel_loop3A_799 : vector<16xi1>, vector<16xi32>
      %parallel_loop3A_881 = vector.shape_cast %parallel_loop3A_880 : vector<16xi32> to vector<16x1xi32>
      %parallel_loop3A_882 = vector.shape_cast %parallel_loop3A_881 : vector<16x1xi32> to vector<16xi32>
      %parallel_loop3A_883 = tpu.dynamic_gather %parallel_loop3A_476[%parallel_loop3A_882] in [0] : vector<16xf32>, vector<16xi32> -> vector<16xf32>
      %parallel_loop3A_884 = arith.select %parallel_loop3A_873, %parallel_loop3A_444, %parallel_loop3A_883 : vector<16xi1>, vector<16xf32>
      %parallel_loop3A_885 = arith.constant 1 : i32
      %parallel_loop3A_886 = vector.broadcast %parallel_loop3A_885 : i32 to vector<16xi32>
      %parallel_loop3A_887 = arith.andi %iota3A, %parallel_loop3A_886 : vector<16xi32>
      %parallel_loop3A_888 = arith.constant 1 : i32
      %parallel_loop3A_889 = vector.broadcast %parallel_loop3A_888 : i32 to vector<16xi32>
      %parallel_loop3A_890 = arith.cmpi eq, %parallel_loop3A_887, %parallel_loop3A_889 : vector<16xi32>
      %parallel_loop3A_891 = arith.constant 0 : i32
      %parallel_loop3A_892 = vector.broadcast %parallel_loop3A_891 : i32 to vector<16xi32>
      %parallel_loop3A_893 = arith.cmpi slt, %parallel_loop3A_799, %parallel_loop3A_892 : vector<16xi32>
      %parallel_loop3A_894 = arith.constant 16 : i32
      %parallel_loop3A_895 = vector.broadcast %parallel_loop3A_894 : i32 to vector<16xi32>
      %parallel_loop3A_896 = arith.addi %parallel_loop3A_799, %parallel_loop3A_895 : vector<16xi32>
      %parallel_loop3A_897 = arith.select %parallel_loop3A_893, %parallel_loop3A_896, %parallel_loop3A_799 : vector<16xi1>, vector<16xi32>
      %parallel_loop3A_898 = vector.shape_cast %parallel_loop3A_897 : vector<16xi32> to vector<16x1xi32>
      %parallel_loop3A_899 = vector.shape_cast %parallel_loop3A_898 : vector<16x1xi32> to vector<16xi32>
      %parallel_loop3A_900 = tpu.dynamic_gather %parallel_loop3A_444[%parallel_loop3A_899] in [0] : vector<16xf32>, vector<16xi32> -> vector<16xf32>
      %parallel_loop3A_901 = arith.select %parallel_loop3A_890, %parallel_loop3A_476, %parallel_loop3A_900 : vector<16xi1>, vector<16xf32>
      %parallel_loop3A_902 = arith.constant 1 : i32
      %parallel_loop3A_903 = vector.broadcast %parallel_loop3A_902 : i32 to vector<16xi32>
      %parallel_loop3A_904 = arith.andi %iota3A, %parallel_loop3A_903 : vector<16xi32>
      %parallel_loop3A_905 = arith.constant 0 : i32
      %parallel_loop3A_906 = vector.broadcast %parallel_loop3A_905 : i32 to vector<16xi32>
      %parallel_loop3A_907 = arith.cmpi eq, %parallel_loop3A_904, %parallel_loop3A_906 : vector<16xi32>
      %parallel_loop3A_908 = arith.constant 0 : i32
      %parallel_loop3A_909 = vector.broadcast %parallel_loop3A_908 : i32 to vector<16xi32>
      %parallel_loop3A_910 = arith.cmpi slt, %parallel_loop3A_799, %parallel_loop3A_909 : vector<16xi32>
      %parallel_loop3A_911 = arith.constant 16 : i32
      %parallel_loop3A_912 = vector.broadcast %parallel_loop3A_911 : i32 to vector<16xi32>
      %parallel_loop3A_913 = arith.addi %parallel_loop3A_799, %parallel_loop3A_912 : vector<16xi32>
      %parallel_loop3A_914 = arith.select %parallel_loop3A_910, %parallel_loop3A_913, %parallel_loop3A_799 : vector<16xi1>, vector<16xi32>
      %parallel_loop3A_915 = vector.shape_cast %parallel_loop3A_914 : vector<16xi32> to vector<16x1xi32>
      %parallel_loop3A_916 = vector.shape_cast %parallel_loop3A_915 : vector<16x1xi32> to vector<16xi32>
      %parallel_loop3A_917 = tpu.dynamic_gather %parallel_loop3A_540[%parallel_loop3A_916] in [0] : vector<16xf32>, vector<16xi32> -> vector<16xf32>
      %parallel_loop3A_918 = arith.select %parallel_loop3A_907, %parallel_loop3A_508, %parallel_loop3A_917 : vector<16xi1>, vector<16xf32>
      %parallel_loop3A_919 = arith.constant 1 : i32
      %parallel_loop3A_920 = vector.broadcast %parallel_loop3A_919 : i32 to vector<16xi32>
      %parallel_loop3A_921 = arith.andi %iota3A, %parallel_loop3A_920 : vector<16xi32>
      %parallel_loop3A_922 = arith.constant 1 : i32
      %parallel_loop3A_923 = vector.broadcast %parallel_loop3A_922 : i32 to vector<16xi32>
      %parallel_loop3A_924 = arith.cmpi eq, %parallel_loop3A_921, %parallel_loop3A_923 : vector<16xi32>
      %parallel_loop3A_925 = arith.constant 0 : i32
      %parallel_loop3A_926 = vector.broadcast %parallel_loop3A_925 : i32 to vector<16xi32>
      %parallel_loop3A_927 = arith.cmpi slt, %parallel_loop3A_799, %parallel_loop3A_926 : vector<16xi32>
      %parallel_loop3A_928 = arith.constant 16 : i32
      %parallel_loop3A_929 = vector.broadcast %parallel_loop3A_928 : i32 to vector<16xi32>
      %parallel_loop3A_930 = arith.addi %parallel_loop3A_799, %parallel_loop3A_929 : vector<16xi32>
      %parallel_loop3A_931 = arith.select %parallel_loop3A_927, %parallel_loop3A_930, %parallel_loop3A_799 : vector<16xi1>, vector<16xi32>
      %parallel_loop3A_932 = vector.shape_cast %parallel_loop3A_931 : vector<16xi32> to vector<16x1xi32>
      %parallel_loop3A_933 = vector.shape_cast %parallel_loop3A_932 : vector<16x1xi32> to vector<16xi32>
      %parallel_loop3A_934 = tpu.dynamic_gather %parallel_loop3A_508[%parallel_loop3A_933] in [0] : vector<16xf32>, vector<16xi32> -> vector<16xf32>
      %parallel_loop3A_935 = arith.select %parallel_loop3A_924, %parallel_loop3A_540, %parallel_loop3A_934 : vector<16xi1>, vector<16xf32>
      %parallel_loop3A_936 = arith.constant 1 : i32
      %parallel_loop3A_937 = vector.broadcast %parallel_loop3A_936 : i32 to vector<16xi32>
      %parallel_loop3A_938 = arith.andi %iota3A, %parallel_loop3A_937 : vector<16xi32>
      %parallel_loop3A_939 = arith.constant 0 : i32
      %parallel_loop3A_940 = vector.broadcast %parallel_loop3A_939 : i32 to vector<16xi32>
      %parallel_loop3A_941 = arith.cmpi eq, %parallel_loop3A_938, %parallel_loop3A_940 : vector<16xi32>
      %parallel_loop3A_942 = arith.constant 0 : i32
      %parallel_loop3A_943 = vector.broadcast %parallel_loop3A_942 : i32 to vector<16xi32>
      %parallel_loop3A_944 = arith.cmpi slt, %parallel_loop3A_799, %parallel_loop3A_943 : vector<16xi32>
      %parallel_loop3A_945 = arith.constant 16 : i32
      %parallel_loop3A_946 = vector.broadcast %parallel_loop3A_945 : i32 to vector<16xi32>
      %parallel_loop3A_947 = arith.addi %parallel_loop3A_799, %parallel_loop3A_946 : vector<16xi32>
      %parallel_loop3A_948 = arith.select %parallel_loop3A_944, %parallel_loop3A_947, %parallel_loop3A_799 : vector<16xi1>, vector<16xi32>
      %parallel_loop3A_949 = vector.shape_cast %parallel_loop3A_948 : vector<16xi32> to vector<16x1xi32>
      %parallel_loop3A_950 = vector.shape_cast %parallel_loop3A_949 : vector<16x1xi32> to vector<16xi32>
      %parallel_loop3A_951 = tpu.dynamic_gather %parallel_loop3A_604[%parallel_loop3A_950] in [0] : vector<16xf32>, vector<16xi32> -> vector<16xf32>
      %parallel_loop3A_952 = arith.select %parallel_loop3A_941, %parallel_loop3A_572, %parallel_loop3A_951 : vector<16xi1>, vector<16xf32>
      %parallel_loop3A_953 = arith.constant 1 : i32
      %parallel_loop3A_954 = vector.broadcast %parallel_loop3A_953 : i32 to vector<16xi32>
      %parallel_loop3A_955 = arith.andi %iota3A, %parallel_loop3A_954 : vector<16xi32>
      %parallel_loop3A_956 = arith.constant 1 : i32
      %parallel_loop3A_957 = vector.broadcast %parallel_loop3A_956 : i32 to vector<16xi32>
      %parallel_loop3A_958 = arith.cmpi eq, %parallel_loop3A_955, %parallel_loop3A_957 : vector<16xi32>
      %parallel_loop3A_959 = arith.constant 0 : i32
      %parallel_loop3A_960 = vector.broadcast %parallel_loop3A_959 : i32 to vector<16xi32>
      %parallel_loop3A_961 = arith.cmpi slt, %parallel_loop3A_799, %parallel_loop3A_960 : vector<16xi32>
      %parallel_loop3A_962 = arith.constant 16 : i32
      %parallel_loop3A_963 = vector.broadcast %parallel_loop3A_962 : i32 to vector<16xi32>
      %parallel_loop3A_964 = arith.addi %parallel_loop3A_799, %parallel_loop3A_963 : vector<16xi32>
      %parallel_loop3A_965 = arith.select %parallel_loop3A_961, %parallel_loop3A_964, %parallel_loop3A_799 : vector<16xi1>, vector<16xi32>
      %parallel_loop3A_966 = vector.shape_cast %parallel_loop3A_965 : vector<16xi32> to vector<16x1xi32>
      %parallel_loop3A_967 = vector.shape_cast %parallel_loop3A_966 : vector<16x1xi32> to vector<16xi32>
      %parallel_loop3A_968 = tpu.dynamic_gather %parallel_loop3A_572[%parallel_loop3A_967] in [0] : vector<16xf32>, vector<16xi32> -> vector<16xf32>
      %parallel_loop3A_969 = arith.select %parallel_loop3A_958, %parallel_loop3A_604, %parallel_loop3A_968 : vector<16xi1>, vector<16xf32>
      %parallel_loop3A_970 = arith.constant 1 : i32
      %parallel_loop3A_971 = vector.broadcast %parallel_loop3A_970 : i32 to vector<16xi32>
      %parallel_loop3A_972 = arith.andi %iota3A, %parallel_loop3A_971 : vector<16xi32>
      %parallel_loop3A_973 = arith.constant 0 : i32
      %parallel_loop3A_974 = vector.broadcast %parallel_loop3A_973 : i32 to vector<16xi32>
      %parallel_loop3A_975 = arith.cmpi eq, %parallel_loop3A_972, %parallel_loop3A_974 : vector<16xi32>
      %parallel_loop3A_976 = arith.constant 0 : i32
      %parallel_loop3A_977 = vector.broadcast %parallel_loop3A_976 : i32 to vector<16xi32>
      %parallel_loop3A_978 = arith.cmpi slt, %parallel_loop3A_799, %parallel_loop3A_977 : vector<16xi32>
      %parallel_loop3A_979 = arith.constant 16 : i32
      %parallel_loop3A_980 = vector.broadcast %parallel_loop3A_979 : i32 to vector<16xi32>
      %parallel_loop3A_981 = arith.addi %parallel_loop3A_799, %parallel_loop3A_980 : vector<16xi32>
      %parallel_loop3A_982 = arith.select %parallel_loop3A_978, %parallel_loop3A_981, %parallel_loop3A_799 : vector<16xi1>, vector<16xi32>
      %parallel_loop3A_983 = vector.shape_cast %parallel_loop3A_982 : vector<16xi32> to vector<16x1xi32>
      %parallel_loop3A_984 = vector.shape_cast %parallel_loop3A_983 : vector<16x1xi32> to vector<16xi32>
      %parallel_loop3A_985 = tpu.dynamic_gather %parallel_loop3A_668[%parallel_loop3A_984] in [0] : vector<16xf32>, vector<16xi32> -> vector<16xf32>
      %parallel_loop3A_986 = arith.select %parallel_loop3A_975, %parallel_loop3A_636, %parallel_loop3A_985 : vector<16xi1>, vector<16xf32>
      %parallel_loop3A_987 = arith.constant 1 : i32
      %parallel_loop3A_988 = vector.broadcast %parallel_loop3A_987 : i32 to vector<16xi32>
      %parallel_loop3A_989 = arith.andi %iota3A, %parallel_loop3A_988 : vector<16xi32>
      %parallel_loop3A_990 = arith.constant 1 : i32
      %parallel_loop3A_991 = vector.broadcast %parallel_loop3A_990 : i32 to vector<16xi32>
      %parallel_loop3A_992 = arith.cmpi eq, %parallel_loop3A_989, %parallel_loop3A_991 : vector<16xi32>
      %parallel_loop3A_993 = arith.constant 0 : i32
      %parallel_loop3A_994 = vector.broadcast %parallel_loop3A_993 : i32 to vector<16xi32>
      %parallel_loop3A_995 = arith.cmpi slt, %parallel_loop3A_799, %parallel_loop3A_994 : vector<16xi32>
      %parallel_loop3A_996 = arith.constant 16 : i32
      %parallel_loop3A_997 = vector.broadcast %parallel_loop3A_996 : i32 to vector<16xi32>
      %parallel_loop3A_998 = arith.addi %parallel_loop3A_799, %parallel_loop3A_997 : vector<16xi32>
      %parallel_loop3A_999 = arith.select %parallel_loop3A_995, %parallel_loop3A_998, %parallel_loop3A_799 : vector<16xi1>, vector<16xi32>
      %parallel_loop3A_1000 = vector.shape_cast %parallel_loop3A_999 : vector<16xi32> to vector<16x1xi32>
      %parallel_loop3A_1001 = vector.shape_cast %parallel_loop3A_1000 : vector<16x1xi32> to vector<16xi32>
      %parallel_loop3A_1002 = tpu.dynamic_gather %parallel_loop3A_636[%parallel_loop3A_1001] in [0] : vector<16xf32>, vector<16xi32> -> vector<16xf32>
      %parallel_loop3A_1003 = arith.select %parallel_loop3A_992, %parallel_loop3A_668, %parallel_loop3A_1002 : vector<16xi1>, vector<16xf32>
      %parallel_loop3A_1004 = arith.constant 1 : i32
      %parallel_loop3A_1005 = vector.broadcast %parallel_loop3A_1004 : i32 to vector<16xi32>
      %parallel_loop3A_1006 = arith.andi %iota3A, %parallel_loop3A_1005 : vector<16xi32>
      %parallel_loop3A_1007 = arith.constant 0 : i32
      %parallel_loop3A_1008 = vector.broadcast %parallel_loop3A_1007 : i32 to vector<16xi32>
      %parallel_loop3A_1009 = arith.cmpi eq, %parallel_loop3A_1006, %parallel_loop3A_1008 : vector<16xi32>
      %parallel_loop3A_1010 = arith.constant 0 : i32
      %parallel_loop3A_1011 = vector.broadcast %parallel_loop3A_1010 : i32 to vector<16xi32>
      %parallel_loop3A_1012 = arith.cmpi slt, %parallel_loop3A_799, %parallel_loop3A_1011 : vector<16xi32>
      %parallel_loop3A_1013 = arith.constant 16 : i32
      %parallel_loop3A_1014 = vector.broadcast %parallel_loop3A_1013 : i32 to vector<16xi32>
      %parallel_loop3A_1015 = arith.addi %parallel_loop3A_799, %parallel_loop3A_1014 : vector<16xi32>
      %parallel_loop3A_1016 = arith.select %parallel_loop3A_1012, %parallel_loop3A_1015, %parallel_loop3A_799 : vector<16xi1>, vector<16xi32>
      %parallel_loop3A_1017 = vector.shape_cast %parallel_loop3A_1016 : vector<16xi32> to vector<16x1xi32>
      %parallel_loop3A_1018 = vector.shape_cast %parallel_loop3A_1017 : vector<16x1xi32> to vector<16xi32>
      %parallel_loop3A_1019 = tpu.dynamic_gather %parallel_loop3A_732[%parallel_loop3A_1018] in [0] : vector<16xf32>, vector<16xi32> -> vector<16xf32>
      %parallel_loop3A_1020 = arith.select %parallel_loop3A_1009, %parallel_loop3A_700, %parallel_loop3A_1019 : vector<16xi1>, vector<16xf32>
      %parallel_loop3A_1021 = arith.constant 1 : i32
      %parallel_loop3A_1022 = vector.broadcast %parallel_loop3A_1021 : i32 to vector<16xi32>
      %parallel_loop3A_1023 = arith.andi %iota3A, %parallel_loop3A_1022 : vector<16xi32>
      %parallel_loop3A_1024 = arith.constant 1 : i32
      %parallel_loop3A_1025 = vector.broadcast %parallel_loop3A_1024 : i32 to vector<16xi32>
      %parallel_loop3A_1026 = arith.cmpi eq, %parallel_loop3A_1023, %parallel_loop3A_1025 : vector<16xi32>
      %parallel_loop3A_1027 = arith.constant 0 : i32
      %parallel_loop3A_1028 = vector.broadcast %parallel_loop3A_1027 : i32 to vector<16xi32>
      %parallel_loop3A_1029 = arith.cmpi slt, %parallel_loop3A_799, %parallel_loop3A_1028 : vector<16xi32>
      %parallel_loop3A_1030 = arith.constant 16 : i32
      %parallel_loop3A_1031 = vector.broadcast %parallel_loop3A_1030 : i32 to vector<16xi32>
      %parallel_loop3A_1032 = arith.addi %parallel_loop3A_799, %parallel_loop3A_1031 : vector<16xi32>
      %parallel_loop3A_1033 = arith.select %parallel_loop3A_1029, %parallel_loop3A_1032, %parallel_loop3A_799 : vector<16xi1>, vector<16xi32>
      %parallel_loop3A_1034 = vector.shape_cast %parallel_loop3A_1033 : vector<16xi32> to vector<16x1xi32>
      %parallel_loop3A_1035 = vector.shape_cast %parallel_loop3A_1034 : vector<16x1xi32> to vector<16xi32>
      %parallel_loop3A_1036 = tpu.dynamic_gather %parallel_loop3A_700[%parallel_loop3A_1035] in [0] : vector<16xf32>, vector<16xi32> -> vector<16xf32>
      %parallel_loop3A_1037 = arith.select %parallel_loop3A_1026, %parallel_loop3A_732, %parallel_loop3A_1036 : vector<16xi1>, vector<16xf32>
      %parallel_loop3A_1038 = arith.constant 1 : i32
      %parallel_loop3A_1039 = vector.broadcast %parallel_loop3A_1038 : i32 to vector<16xi32>
      %parallel_loop3A_1040 = arith.andi %iota3A, %parallel_loop3A_1039 : vector<16xi32>
      %parallel_loop3A_1041 = arith.constant 0 : i32
      %parallel_loop3A_1042 = vector.broadcast %parallel_loop3A_1041 : i32 to vector<16xi32>
      %parallel_loop3A_1043 = arith.cmpi eq, %parallel_loop3A_1040, %parallel_loop3A_1042 : vector<16xi32>
      %parallel_loop3A_1044 = arith.constant 0 : i32
      %parallel_loop3A_1045 = vector.broadcast %parallel_loop3A_1044 : i32 to vector<16xi32>
      %parallel_loop3A_1046 = arith.cmpi slt, %parallel_loop3A_799, %parallel_loop3A_1045 : vector<16xi32>
      %parallel_loop3A_1047 = arith.constant 16 : i32
      %parallel_loop3A_1048 = vector.broadcast %parallel_loop3A_1047 : i32 to vector<16xi32>
      %parallel_loop3A_1049 = arith.addi %parallel_loop3A_799, %parallel_loop3A_1048 : vector<16xi32>
      %parallel_loop3A_1050 = arith.select %parallel_loop3A_1046, %parallel_loop3A_1049, %parallel_loop3A_799 : vector<16xi1>, vector<16xi32>
      %parallel_loop3A_1051 = vector.shape_cast %parallel_loop3A_1050 : vector<16xi32> to vector<16x1xi32>
      %parallel_loop3A_1052 = vector.shape_cast %parallel_loop3A_1051 : vector<16x1xi32> to vector<16xi32>
      %parallel_loop3A_1053 = tpu.dynamic_gather %parallel_loop3A_796[%parallel_loop3A_1052] in [0] : vector<16xf32>, vector<16xi32> -> vector<16xf32>
      %parallel_loop3A_1054 = arith.select %parallel_loop3A_1043, %parallel_loop3A_764, %parallel_loop3A_1053 : vector<16xi1>, vector<16xf32>
      %parallel_loop3A_1055 = arith.constant 1 : i32
      %parallel_loop3A_1056 = vector.broadcast %parallel_loop3A_1055 : i32 to vector<16xi32>
      %parallel_loop3A_1057 = arith.andi %iota3A, %parallel_loop3A_1056 : vector<16xi32>
      %parallel_loop3A_1058 = arith.constant 1 : i32
      %parallel_loop3A_1059 = vector.broadcast %parallel_loop3A_1058 : i32 to vector<16xi32>
      %parallel_loop3A_1060 = arith.cmpi eq, %parallel_loop3A_1057, %parallel_loop3A_1059 : vector<16xi32>
      %parallel_loop3A_1061 = arith.constant 0 : i32
      %parallel_loop3A_1062 = vector.broadcast %parallel_loop3A_1061 : i32 to vector<16xi32>
      %parallel_loop3A_1063 = arith.cmpi slt, %parallel_loop3A_799, %parallel_loop3A_1062 : vector<16xi32>
      %parallel_loop3A_1064 = arith.constant 16 : i32
      %parallel_loop3A_1065 = vector.broadcast %parallel_loop3A_1064 : i32 to vector<16xi32>
      %parallel_loop3A_1066 = arith.addi %parallel_loop3A_799, %parallel_loop3A_1065 : vector<16xi32>
      %parallel_loop3A_1067 = arith.select %parallel_loop3A_1063, %parallel_loop3A_1066, %parallel_loop3A_799 : vector<16xi1>, vector<16xi32>
      %parallel_loop3A_1068 = vector.shape_cast %parallel_loop3A_1067 : vector<16xi32> to vector<16x1xi32>
      %parallel_loop3A_1069 = vector.shape_cast %parallel_loop3A_1068 : vector<16x1xi32> to vector<16xi32>
      %parallel_loop3A_1070 = tpu.dynamic_gather %parallel_loop3A_764[%parallel_loop3A_1069] in [0] : vector<16xf32>, vector<16xi32> -> vector<16xf32>
      %parallel_loop3A_1071 = arith.select %parallel_loop3A_1060, %parallel_loop3A_796, %parallel_loop3A_1070 : vector<16xi1>, vector<16xf32>
      %parallel_loop3A_1072 = arith.constant 2 : i32
      %parallel_loop3A_1073 = vector.broadcast %parallel_loop3A_1072 : i32 to vector<16xi32>
      %parallel_loop3A_1074 = arith.xori %iota3A, %parallel_loop3A_1073 : vector<16xi32>
      %parallel_loop3A_1075 = arith.constant 2 : i32
      %parallel_loop3A_1076 = vector.broadcast %parallel_loop3A_1075 : i32 to vector<16xi32>
      %parallel_loop3A_1077 = arith.andi %iota3A, %parallel_loop3A_1076 : vector<16xi32>
      %parallel_loop3A_1078 = arith.constant 0 : i32
      %parallel_loop3A_1079 = vector.broadcast %parallel_loop3A_1078 : i32 to vector<16xi32>
      %parallel_loop3A_1080 = arith.cmpi eq, %parallel_loop3A_1077, %parallel_loop3A_1079 : vector<16xi32>
      %parallel_loop3A_1081 = arith.constant 0 : i32
      %parallel_loop3A_1082 = vector.broadcast %parallel_loop3A_1081 : i32 to vector<16xi32>
      %parallel_loop3A_1083 = arith.cmpi slt, %parallel_loop3A_1074, %parallel_loop3A_1082 : vector<16xi32>
      %parallel_loop3A_1084 = arith.constant 16 : i32
      %parallel_loop3A_1085 = vector.broadcast %parallel_loop3A_1084 : i32 to vector<16xi32>
      %parallel_loop3A_1086 = arith.addi %parallel_loop3A_1074, %parallel_loop3A_1085 : vector<16xi32>
      %parallel_loop3A_1087 = arith.select %parallel_loop3A_1083, %parallel_loop3A_1086, %parallel_loop3A_1074 : vector<16xi1>, vector<16xi32>
      %parallel_loop3A_1088 = vector.shape_cast %parallel_loop3A_1087 : vector<16xi32> to vector<16x1xi32>
      %parallel_loop3A_1089 = vector.shape_cast %parallel_loop3A_1088 : vector<16x1xi32> to vector<16xi32>
      %parallel_loop3A_1090 = tpu.dynamic_gather %parallel_loop3A_850[%parallel_loop3A_1089] in [0] : vector<16xf32>, vector<16xi32> -> vector<16xf32>
      %parallel_loop3A_1091 = arith.select %parallel_loop3A_1080, %parallel_loop3A_816, %parallel_loop3A_1090 : vector<16xi1>, vector<16xf32>
      %parallel_loop3A_1092 = arith.constant 2 : i32
      %parallel_loop3A_1093 = vector.broadcast %parallel_loop3A_1092 : i32 to vector<16xi32>
      %parallel_loop3A_1094 = arith.andi %iota3A, %parallel_loop3A_1093 : vector<16xi32>
      %parallel_loop3A_1095 = arith.constant 0 : i32
      %parallel_loop3A_1096 = vector.broadcast %parallel_loop3A_1095 : i32 to vector<16xi32>
      %parallel_loop3A_1097 = arith.cmpi eq, %parallel_loop3A_1094, %parallel_loop3A_1096 : vector<16xi32>
      %parallel_loop3A_1098 = arith.constant 0 : i32
      %parallel_loop3A_1099 = vector.broadcast %parallel_loop3A_1098 : i32 to vector<16xi32>
      %parallel_loop3A_1100 = arith.cmpi slt, %parallel_loop3A_1074, %parallel_loop3A_1099 : vector<16xi32>
      %parallel_loop3A_1101 = arith.constant 16 : i32
      %parallel_loop3A_1102 = vector.broadcast %parallel_loop3A_1101 : i32 to vector<16xi32>
      %parallel_loop3A_1103 = arith.addi %parallel_loop3A_1074, %parallel_loop3A_1102 : vector<16xi32>
      %parallel_loop3A_1104 = arith.select %parallel_loop3A_1100, %parallel_loop3A_1103, %parallel_loop3A_1074 : vector<16xi1>, vector<16xi32>
      %parallel_loop3A_1105 = vector.shape_cast %parallel_loop3A_1104 : vector<16xi32> to vector<16x1xi32>
      %parallel_loop3A_1106 = vector.shape_cast %parallel_loop3A_1105 : vector<16x1xi32> to vector<16xi32>
      %parallel_loop3A_1107 = tpu.dynamic_gather %parallel_loop3A_867[%parallel_loop3A_1106] in [0] : vector<16xf32>, vector<16xi32> -> vector<16xf32>
      %parallel_loop3A_1108 = arith.select %parallel_loop3A_1097, %parallel_loop3A_833, %parallel_loop3A_1107 : vector<16xi1>, vector<16xf32>
      %parallel_loop3A_1109 = arith.constant 2 : i32
      %parallel_loop3A_1110 = vector.broadcast %parallel_loop3A_1109 : i32 to vector<16xi32>
      %parallel_loop3A_1111 = arith.andi %iota3A, %parallel_loop3A_1110 : vector<16xi32>
      %parallel_loop3A_1112 = arith.constant 2 : i32
      %parallel_loop3A_1113 = vector.broadcast %parallel_loop3A_1112 : i32 to vector<16xi32>
      %parallel_loop3A_1114 = arith.cmpi eq, %parallel_loop3A_1111, %parallel_loop3A_1113 : vector<16xi32>
      %parallel_loop3A_1115 = arith.constant 0 : i32
      %parallel_loop3A_1116 = vector.broadcast %parallel_loop3A_1115 : i32 to vector<16xi32>
      %parallel_loop3A_1117 = arith.cmpi slt, %parallel_loop3A_1074, %parallel_loop3A_1116 : vector<16xi32>
      %parallel_loop3A_1118 = arith.constant 16 : i32
      %parallel_loop3A_1119 = vector.broadcast %parallel_loop3A_1118 : i32 to vector<16xi32>
      %parallel_loop3A_1120 = arith.addi %parallel_loop3A_1074, %parallel_loop3A_1119 : vector<16xi32>
      %parallel_loop3A_1121 = arith.select %parallel_loop3A_1117, %parallel_loop3A_1120, %parallel_loop3A_1074 : vector<16xi1>, vector<16xi32>
      %parallel_loop3A_1122 = vector.shape_cast %parallel_loop3A_1121 : vector<16xi32> to vector<16x1xi32>
      %parallel_loop3A_1123 = vector.shape_cast %parallel_loop3A_1122 : vector<16x1xi32> to vector<16xi32>
      %parallel_loop3A_1124 = tpu.dynamic_gather %parallel_loop3A_816[%parallel_loop3A_1123] in [0] : vector<16xf32>, vector<16xi32> -> vector<16xf32>
      %parallel_loop3A_1125 = arith.select %parallel_loop3A_1114, %parallel_loop3A_850, %parallel_loop3A_1124 : vector<16xi1>, vector<16xf32>
      %parallel_loop3A_1126 = arith.constant 2 : i32
      %parallel_loop3A_1127 = vector.broadcast %parallel_loop3A_1126 : i32 to vector<16xi32>
      %parallel_loop3A_1128 = arith.andi %iota3A, %parallel_loop3A_1127 : vector<16xi32>
      %parallel_loop3A_1129 = arith.constant 2 : i32
      %parallel_loop3A_1130 = vector.broadcast %parallel_loop3A_1129 : i32 to vector<16xi32>
      %parallel_loop3A_1131 = arith.cmpi eq, %parallel_loop3A_1128, %parallel_loop3A_1130 : vector<16xi32>
      %parallel_loop3A_1132 = arith.constant 0 : i32
      %parallel_loop3A_1133 = vector.broadcast %parallel_loop3A_1132 : i32 to vector<16xi32>
      %parallel_loop3A_1134 = arith.cmpi slt, %parallel_loop3A_1074, %parallel_loop3A_1133 : vector<16xi32>
      %parallel_loop3A_1135 = arith.constant 16 : i32
      %parallel_loop3A_1136 = vector.broadcast %parallel_loop3A_1135 : i32 to vector<16xi32>
      %parallel_loop3A_1137 = arith.addi %parallel_loop3A_1074, %parallel_loop3A_1136 : vector<16xi32>
      %parallel_loop3A_1138 = arith.select %parallel_loop3A_1134, %parallel_loop3A_1137, %parallel_loop3A_1074 : vector<16xi1>, vector<16xi32>
      %parallel_loop3A_1139 = vector.shape_cast %parallel_loop3A_1138 : vector<16xi32> to vector<16x1xi32>
      %parallel_loop3A_1140 = vector.shape_cast %parallel_loop3A_1139 : vector<16x1xi32> to vector<16xi32>
      %parallel_loop3A_1141 = tpu.dynamic_gather %parallel_loop3A_833[%parallel_loop3A_1140] in [0] : vector<16xf32>, vector<16xi32> -> vector<16xf32>
      %parallel_loop3A_1142 = arith.select %parallel_loop3A_1131, %parallel_loop3A_867, %parallel_loop3A_1141 : vector<16xi1>, vector<16xf32>
      %parallel_loop3A_1143 = arith.constant 2 : i32
      %parallel_loop3A_1144 = vector.broadcast %parallel_loop3A_1143 : i32 to vector<16xi32>
      %parallel_loop3A_1145 = arith.andi %iota3A, %parallel_loop3A_1144 : vector<16xi32>
      %parallel_loop3A_1146 = arith.constant 0 : i32
      %parallel_loop3A_1147 = vector.broadcast %parallel_loop3A_1146 : i32 to vector<16xi32>
      %parallel_loop3A_1148 = arith.cmpi eq, %parallel_loop3A_1145, %parallel_loop3A_1147 : vector<16xi32>
      %parallel_loop3A_1149 = arith.constant 0 : i32
      %parallel_loop3A_1150 = vector.broadcast %parallel_loop3A_1149 : i32 to vector<16xi32>
      %parallel_loop3A_1151 = arith.cmpi slt, %parallel_loop3A_1074, %parallel_loop3A_1150 : vector<16xi32>
      %parallel_loop3A_1152 = arith.constant 16 : i32
      %parallel_loop3A_1153 = vector.broadcast %parallel_loop3A_1152 : i32 to vector<16xi32>
      %parallel_loop3A_1154 = arith.addi %parallel_loop3A_1074, %parallel_loop3A_1153 : vector<16xi32>
      %parallel_loop3A_1155 = arith.select %parallel_loop3A_1151, %parallel_loop3A_1154, %parallel_loop3A_1074 : vector<16xi1>, vector<16xi32>
      %parallel_loop3A_1156 = vector.shape_cast %parallel_loop3A_1155 : vector<16xi32> to vector<16x1xi32>
      %parallel_loop3A_1157 = vector.shape_cast %parallel_loop3A_1156 : vector<16x1xi32> to vector<16xi32>
      %parallel_loop3A_1158 = tpu.dynamic_gather %parallel_loop3A_918[%parallel_loop3A_1157] in [0] : vector<16xf32>, vector<16xi32> -> vector<16xf32>
      %parallel_loop3A_1159 = arith.select %parallel_loop3A_1148, %parallel_loop3A_884, %parallel_loop3A_1158 : vector<16xi1>, vector<16xf32>
      %parallel_loop3A_1160 = arith.constant 2 : i32
      %parallel_loop3A_1161 = vector.broadcast %parallel_loop3A_1160 : i32 to vector<16xi32>
      %parallel_loop3A_1162 = arith.andi %iota3A, %parallel_loop3A_1161 : vector<16xi32>
      %parallel_loop3A_1163 = arith.constant 0 : i32
      %parallel_loop3A_1164 = vector.broadcast %parallel_loop3A_1163 : i32 to vector<16xi32>
      %parallel_loop3A_1165 = arith.cmpi eq, %parallel_loop3A_1162, %parallel_loop3A_1164 : vector<16xi32>
      %parallel_loop3A_1166 = arith.constant 0 : i32
      %parallel_loop3A_1167 = vector.broadcast %parallel_loop3A_1166 : i32 to vector<16xi32>
      %parallel_loop3A_1168 = arith.cmpi slt, %parallel_loop3A_1074, %parallel_loop3A_1167 : vector<16xi32>
      %parallel_loop3A_1169 = arith.constant 16 : i32
      %parallel_loop3A_1170 = vector.broadcast %parallel_loop3A_1169 : i32 to vector<16xi32>
      %parallel_loop3A_1171 = arith.addi %parallel_loop3A_1074, %parallel_loop3A_1170 : vector<16xi32>
      %parallel_loop3A_1172 = arith.select %parallel_loop3A_1168, %parallel_loop3A_1171, %parallel_loop3A_1074 : vector<16xi1>, vector<16xi32>
      %parallel_loop3A_1173 = vector.shape_cast %parallel_loop3A_1172 : vector<16xi32> to vector<16x1xi32>
      %parallel_loop3A_1174 = vector.shape_cast %parallel_loop3A_1173 : vector<16x1xi32> to vector<16xi32>
      %parallel_loop3A_1175 = tpu.dynamic_gather %parallel_loop3A_935[%parallel_loop3A_1174] in [0] : vector<16xf32>, vector<16xi32> -> vector<16xf32>
      %parallel_loop3A_1176 = arith.select %parallel_loop3A_1165, %parallel_loop3A_901, %parallel_loop3A_1175 : vector<16xi1>, vector<16xf32>
      %parallel_loop3A_1177 = arith.constant 2 : i32
      %parallel_loop3A_1178 = vector.broadcast %parallel_loop3A_1177 : i32 to vector<16xi32>
      %parallel_loop3A_1179 = arith.andi %iota3A, %parallel_loop3A_1178 : vector<16xi32>
      %parallel_loop3A_1180 = arith.constant 2 : i32
      %parallel_loop3A_1181 = vector.broadcast %parallel_loop3A_1180 : i32 to vector<16xi32>
      %parallel_loop3A_1182 = arith.cmpi eq, %parallel_loop3A_1179, %parallel_loop3A_1181 : vector<16xi32>
      %parallel_loop3A_1183 = arith.constant 0 : i32
      %parallel_loop3A_1184 = vector.broadcast %parallel_loop3A_1183 : i32 to vector<16xi32>
      %parallel_loop3A_1185 = arith.cmpi slt, %parallel_loop3A_1074, %parallel_loop3A_1184 : vector<16xi32>
      %parallel_loop3A_1186 = arith.constant 16 : i32
      %parallel_loop3A_1187 = vector.broadcast %parallel_loop3A_1186 : i32 to vector<16xi32>
      %parallel_loop3A_1188 = arith.addi %parallel_loop3A_1074, %parallel_loop3A_1187 : vector<16xi32>
      %parallel_loop3A_1189 = arith.select %parallel_loop3A_1185, %parallel_loop3A_1188, %parallel_loop3A_1074 : vector<16xi1>, vector<16xi32>
      %parallel_loop3A_1190 = vector.shape_cast %parallel_loop3A_1189 : vector<16xi32> to vector<16x1xi32>
      %parallel_loop3A_1191 = vector.shape_cast %parallel_loop3A_1190 : vector<16x1xi32> to vector<16xi32>
      %parallel_loop3A_1192 = tpu.dynamic_gather %parallel_loop3A_884[%parallel_loop3A_1191] in [0] : vector<16xf32>, vector<16xi32> -> vector<16xf32>
      %parallel_loop3A_1193 = arith.select %parallel_loop3A_1182, %parallel_loop3A_918, %parallel_loop3A_1192 : vector<16xi1>, vector<16xf32>
      %parallel_loop3A_1194 = arith.constant 2 : i32
      %parallel_loop3A_1195 = vector.broadcast %parallel_loop3A_1194 : i32 to vector<16xi32>
      %parallel_loop3A_1196 = arith.andi %iota3A, %parallel_loop3A_1195 : vector<16xi32>
      %parallel_loop3A_1197 = arith.constant 2 : i32
      %parallel_loop3A_1198 = vector.broadcast %parallel_loop3A_1197 : i32 to vector<16xi32>
      %parallel_loop3A_1199 = arith.cmpi eq, %parallel_loop3A_1196, %parallel_loop3A_1198 : vector<16xi32>
      %parallel_loop3A_1200 = arith.constant 0 : i32
      %parallel_loop3A_1201 = vector.broadcast %parallel_loop3A_1200 : i32 to vector<16xi32>
      %parallel_loop3A_1202 = arith.cmpi slt, %parallel_loop3A_1074, %parallel_loop3A_1201 : vector<16xi32>
      %parallel_loop3A_1203 = arith.constant 16 : i32
      %parallel_loop3A_1204 = vector.broadcast %parallel_loop3A_1203 : i32 to vector<16xi32>
      %parallel_loop3A_1205 = arith.addi %parallel_loop3A_1074, %parallel_loop3A_1204 : vector<16xi32>
      %parallel_loop3A_1206 = arith.select %parallel_loop3A_1202, %parallel_loop3A_1205, %parallel_loop3A_1074 : vector<16xi1>, vector<16xi32>
      %parallel_loop3A_1207 = vector.shape_cast %parallel_loop3A_1206 : vector<16xi32> to vector<16x1xi32>
      %parallel_loop3A_1208 = vector.shape_cast %parallel_loop3A_1207 : vector<16x1xi32> to vector<16xi32>
      %parallel_loop3A_1209 = tpu.dynamic_gather %parallel_loop3A_901[%parallel_loop3A_1208] in [0] : vector<16xf32>, vector<16xi32> -> vector<16xf32>
      %parallel_loop3A_1210 = arith.select %parallel_loop3A_1199, %parallel_loop3A_935, %parallel_loop3A_1209 : vector<16xi1>, vector<16xf32>
      %parallel_loop3A_1211 = arith.constant 2 : i32
      %parallel_loop3A_1212 = vector.broadcast %parallel_loop3A_1211 : i32 to vector<16xi32>
      %parallel_loop3A_1213 = arith.andi %iota3A, %parallel_loop3A_1212 : vector<16xi32>
      %parallel_loop3A_1214 = arith.constant 0 : i32
      %parallel_loop3A_1215 = vector.broadcast %parallel_loop3A_1214 : i32 to vector<16xi32>
      %parallel_loop3A_1216 = arith.cmpi eq, %parallel_loop3A_1213, %parallel_loop3A_1215 : vector<16xi32>
      %parallel_loop3A_1217 = arith.constant 0 : i32
      %parallel_loop3A_1218 = vector.broadcast %parallel_loop3A_1217 : i32 to vector<16xi32>
      %parallel_loop3A_1219 = arith.cmpi slt, %parallel_loop3A_1074, %parallel_loop3A_1218 : vector<16xi32>
      %parallel_loop3A_1220 = arith.constant 16 : i32
      %parallel_loop3A_1221 = vector.broadcast %parallel_loop3A_1220 : i32 to vector<16xi32>
      %parallel_loop3A_1222 = arith.addi %parallel_loop3A_1074, %parallel_loop3A_1221 : vector<16xi32>
      %parallel_loop3A_1223 = arith.select %parallel_loop3A_1219, %parallel_loop3A_1222, %parallel_loop3A_1074 : vector<16xi1>, vector<16xi32>
      %parallel_loop3A_1224 = vector.shape_cast %parallel_loop3A_1223 : vector<16xi32> to vector<16x1xi32>
      %parallel_loop3A_1225 = vector.shape_cast %parallel_loop3A_1224 : vector<16x1xi32> to vector<16xi32>
      %parallel_loop3A_1226 = tpu.dynamic_gather %parallel_loop3A_986[%parallel_loop3A_1225] in [0] : vector<16xf32>, vector<16xi32> -> vector<16xf32>
      %parallel_loop3A_1227 = arith.select %parallel_loop3A_1216, %parallel_loop3A_952, %parallel_loop3A_1226 : vector<16xi1>, vector<16xf32>
      %parallel_loop3A_1228 = arith.constant 2 : i32
      %parallel_loop3A_1229 = vector.broadcast %parallel_loop3A_1228 : i32 to vector<16xi32>
      %parallel_loop3A_1230 = arith.andi %iota3A, %parallel_loop3A_1229 : vector<16xi32>
      %parallel_loop3A_1231 = arith.constant 0 : i32
      %parallel_loop3A_1232 = vector.broadcast %parallel_loop3A_1231 : i32 to vector<16xi32>
      %parallel_loop3A_1233 = arith.cmpi eq, %parallel_loop3A_1230, %parallel_loop3A_1232 : vector<16xi32>
      %parallel_loop3A_1234 = arith.constant 0 : i32
      %parallel_loop3A_1235 = vector.broadcast %parallel_loop3A_1234 : i32 to vector<16xi32>
      %parallel_loop3A_1236 = arith.cmpi slt, %parallel_loop3A_1074, %parallel_loop3A_1235 : vector<16xi32>
      %parallel_loop3A_1237 = arith.constant 16 : i32
      %parallel_loop3A_1238 = vector.broadcast %parallel_loop3A_1237 : i32 to vector<16xi32>
      %parallel_loop3A_1239 = arith.addi %parallel_loop3A_1074, %parallel_loop3A_1238 : vector<16xi32>
      %parallel_loop3A_1240 = arith.select %parallel_loop3A_1236, %parallel_loop3A_1239, %parallel_loop3A_1074 : vector<16xi1>, vector<16xi32>
      %parallel_loop3A_1241 = vector.shape_cast %parallel_loop3A_1240 : vector<16xi32> to vector<16x1xi32>
      %parallel_loop3A_1242 = vector.shape_cast %parallel_loop3A_1241 : vector<16x1xi32> to vector<16xi32>
      %parallel_loop3A_1243 = tpu.dynamic_gather %parallel_loop3A_1003[%parallel_loop3A_1242] in [0] : vector<16xf32>, vector<16xi32> -> vector<16xf32>
      %parallel_loop3A_1244 = arith.select %parallel_loop3A_1233, %parallel_loop3A_969, %parallel_loop3A_1243 : vector<16xi1>, vector<16xf32>
      %parallel_loop3A_1245 = arith.constant 2 : i32
      %parallel_loop3A_1246 = vector.broadcast %parallel_loop3A_1245 : i32 to vector<16xi32>
      %parallel_loop3A_1247 = arith.andi %iota3A, %parallel_loop3A_1246 : vector<16xi32>
      %parallel_loop3A_1248 = arith.constant 2 : i32
      %parallel_loop3A_1249 = vector.broadcast %parallel_loop3A_1248 : i32 to vector<16xi32>
      %parallel_loop3A_1250 = arith.cmpi eq, %parallel_loop3A_1247, %parallel_loop3A_1249 : vector<16xi32>
      %parallel_loop3A_1251 = arith.constant 0 : i32
      %parallel_loop3A_1252 = vector.broadcast %parallel_loop3A_1251 : i32 to vector<16xi32>
      %parallel_loop3A_1253 = arith.cmpi slt, %parallel_loop3A_1074, %parallel_loop3A_1252 : vector<16xi32>
      %parallel_loop3A_1254 = arith.constant 16 : i32
      %parallel_loop3A_1255 = vector.broadcast %parallel_loop3A_1254 : i32 to vector<16xi32>
      %parallel_loop3A_1256 = arith.addi %parallel_loop3A_1074, %parallel_loop3A_1255 : vector<16xi32>
      %parallel_loop3A_1257 = arith.select %parallel_loop3A_1253, %parallel_loop3A_1256, %parallel_loop3A_1074 : vector<16xi1>, vector<16xi32>
      %parallel_loop3A_1258 = vector.shape_cast %parallel_loop3A_1257 : vector<16xi32> to vector<16x1xi32>
      %parallel_loop3A_1259 = vector.shape_cast %parallel_loop3A_1258 : vector<16x1xi32> to vector<16xi32>
      %parallel_loop3A_1260 = tpu.dynamic_gather %parallel_loop3A_952[%parallel_loop3A_1259] in [0] : vector<16xf32>, vector<16xi32> -> vector<16xf32>
      %parallel_loop3A_1261 = arith.select %parallel_loop3A_1250, %parallel_loop3A_986, %parallel_loop3A_1260 : vector<16xi1>, vector<16xf32>
      %parallel_loop3A_1262 = arith.constant 2 : i32
      %parallel_loop3A_1263 = vector.broadcast %parallel_loop3A_1262 : i32 to vector<16xi32>
      %parallel_loop3A_1264 = arith.andi %iota3A, %parallel_loop3A_1263 : vector<16xi32>
      %parallel_loop3A_1265 = arith.constant 2 : i32
      %parallel_loop3A_1266 = vector.broadcast %parallel_loop3A_1265 : i32 to vector<16xi32>
      %parallel_loop3A_1267 = arith.cmpi eq, %parallel_loop3A_1264, %parallel_loop3A_1266 : vector<16xi32>
      %parallel_loop3A_1268 = arith.constant 0 : i32
      %parallel_loop3A_1269 = vector.broadcast %parallel_loop3A_1268 : i32 to vector<16xi32>
      %parallel_loop3A_1270 = arith.cmpi slt, %parallel_loop3A_1074, %parallel_loop3A_1269 : vector<16xi32>
      %parallel_loop3A_1271 = arith.constant 16 : i32
      %parallel_loop3A_1272 = vector.broadcast %parallel_loop3A_1271 : i32 to vector<16xi32>
      %parallel_loop3A_1273 = arith.addi %parallel_loop3A_1074, %parallel_loop3A_1272 : vector<16xi32>
      %parallel_loop3A_1274 = arith.select %parallel_loop3A_1270, %parallel_loop3A_1273, %parallel_loop3A_1074 : vector<16xi1>, vector<16xi32>
      %parallel_loop3A_1275 = vector.shape_cast %parallel_loop3A_1274 : vector<16xi32> to vector<16x1xi32>
      %parallel_loop3A_1276 = vector.shape_cast %parallel_loop3A_1275 : vector<16x1xi32> to vector<16xi32>
      %parallel_loop3A_1277 = tpu.dynamic_gather %parallel_loop3A_969[%parallel_loop3A_1276] in [0] : vector<16xf32>, vector<16xi32> -> vector<16xf32>
      %parallel_loop3A_1278 = arith.select %parallel_loop3A_1267, %parallel_loop3A_1003, %parallel_loop3A_1277 : vector<16xi1>, vector<16xf32>
      %parallel_loop3A_1279 = arith.constant 2 : i32
      %parallel_loop3A_1280 = vector.broadcast %parallel_loop3A_1279 : i32 to vector<16xi32>
      %parallel_loop3A_1281 = arith.andi %iota3A, %parallel_loop3A_1280 : vector<16xi32>
      %parallel_loop3A_1282 = arith.constant 0 : i32
      %parallel_loop3A_1283 = vector.broadcast %parallel_loop3A_1282 : i32 to vector<16xi32>
      %parallel_loop3A_1284 = arith.cmpi eq, %parallel_loop3A_1281, %parallel_loop3A_1283 : vector<16xi32>
      %parallel_loop3A_1285 = arith.constant 0 : i32
      %parallel_loop3A_1286 = vector.broadcast %parallel_loop3A_1285 : i32 to vector<16xi32>
      %parallel_loop3A_1287 = arith.cmpi slt, %parallel_loop3A_1074, %parallel_loop3A_1286 : vector<16xi32>
      %parallel_loop3A_1288 = arith.constant 16 : i32
      %parallel_loop3A_1289 = vector.broadcast %parallel_loop3A_1288 : i32 to vector<16xi32>
      %parallel_loop3A_1290 = arith.addi %parallel_loop3A_1074, %parallel_loop3A_1289 : vector<16xi32>
      %parallel_loop3A_1291 = arith.select %parallel_loop3A_1287, %parallel_loop3A_1290, %parallel_loop3A_1074 : vector<16xi1>, vector<16xi32>
      %parallel_loop3A_1292 = vector.shape_cast %parallel_loop3A_1291 : vector<16xi32> to vector<16x1xi32>
      %parallel_loop3A_1293 = vector.shape_cast %parallel_loop3A_1292 : vector<16x1xi32> to vector<16xi32>
      %parallel_loop3A_1294 = tpu.dynamic_gather %parallel_loop3A_1054[%parallel_loop3A_1293] in [0] : vector<16xf32>, vector<16xi32> -> vector<16xf32>
      %parallel_loop3A_1295 = arith.select %parallel_loop3A_1284, %parallel_loop3A_1020, %parallel_loop3A_1294 : vector<16xi1>, vector<16xf32>
      %parallel_loop3A_1296 = arith.constant 2 : i32
      %parallel_loop3A_1297 = vector.broadcast %parallel_loop3A_1296 : i32 to vector<16xi32>
      %parallel_loop3A_1298 = arith.andi %iota3A, %parallel_loop3A_1297 : vector<16xi32>
      %parallel_loop3A_1299 = arith.constant 0 : i32
      %parallel_loop3A_1300 = vector.broadcast %parallel_loop3A_1299 : i32 to vector<16xi32>
      %parallel_loop3A_1301 = arith.cmpi eq, %parallel_loop3A_1298, %parallel_loop3A_1300 : vector<16xi32>
      %parallel_loop3A_1302 = arith.constant 0 : i32
      %parallel_loop3A_1303 = vector.broadcast %parallel_loop3A_1302 : i32 to vector<16xi32>
      %parallel_loop3A_1304 = arith.cmpi slt, %parallel_loop3A_1074, %parallel_loop3A_1303 : vector<16xi32>
      %parallel_loop3A_1305 = arith.constant 16 : i32
      %parallel_loop3A_1306 = vector.broadcast %parallel_loop3A_1305 : i32 to vector<16xi32>
      %parallel_loop3A_1307 = arith.addi %parallel_loop3A_1074, %parallel_loop3A_1306 : vector<16xi32>
      %parallel_loop3A_1308 = arith.select %parallel_loop3A_1304, %parallel_loop3A_1307, %parallel_loop3A_1074 : vector<16xi1>, vector<16xi32>
      %parallel_loop3A_1309 = vector.shape_cast %parallel_loop3A_1308 : vector<16xi32> to vector<16x1xi32>
      %parallel_loop3A_1310 = vector.shape_cast %parallel_loop3A_1309 : vector<16x1xi32> to vector<16xi32>
      %parallel_loop3A_1311 = tpu.dynamic_gather %parallel_loop3A_1071[%parallel_loop3A_1310] in [0] : vector<16xf32>, vector<16xi32> -> vector<16xf32>
      %parallel_loop3A_1312 = arith.select %parallel_loop3A_1301, %parallel_loop3A_1037, %parallel_loop3A_1311 : vector<16xi1>, vector<16xf32>
      %parallel_loop3A_1313 = arith.constant 2 : i32
      %parallel_loop3A_1314 = vector.broadcast %parallel_loop3A_1313 : i32 to vector<16xi32>
      %parallel_loop3A_1315 = arith.andi %iota3A, %parallel_loop3A_1314 : vector<16xi32>
      %parallel_loop3A_1316 = arith.constant 2 : i32
      %parallel_loop3A_1317 = vector.broadcast %parallel_loop3A_1316 : i32 to vector<16xi32>
      %parallel_loop3A_1318 = arith.cmpi eq, %parallel_loop3A_1315, %parallel_loop3A_1317 : vector<16xi32>
      %parallel_loop3A_1319 = arith.constant 0 : i32
      %parallel_loop3A_1320 = vector.broadcast %parallel_loop3A_1319 : i32 to vector<16xi32>
      %parallel_loop3A_1321 = arith.cmpi slt, %parallel_loop3A_1074, %parallel_loop3A_1320 : vector<16xi32>
      %parallel_loop3A_1322 = arith.constant 16 : i32
      %parallel_loop3A_1323 = vector.broadcast %parallel_loop3A_1322 : i32 to vector<16xi32>
      %parallel_loop3A_1324 = arith.addi %parallel_loop3A_1074, %parallel_loop3A_1323 : vector<16xi32>
      %parallel_loop3A_1325 = arith.select %parallel_loop3A_1321, %parallel_loop3A_1324, %parallel_loop3A_1074 : vector<16xi1>, vector<16xi32>
      %parallel_loop3A_1326 = vector.shape_cast %parallel_loop3A_1325 : vector<16xi32> to vector<16x1xi32>
      %parallel_loop3A_1327 = vector.shape_cast %parallel_loop3A_1326 : vector<16x1xi32> to vector<16xi32>
      %parallel_loop3A_1328 = tpu.dynamic_gather %parallel_loop3A_1020[%parallel_loop3A_1327] in [0] : vector<16xf32>, vector<16xi32> -> vector<16xf32>
      %parallel_loop3A_1329 = arith.select %parallel_loop3A_1318, %parallel_loop3A_1054, %parallel_loop3A_1328 : vector<16xi1>, vector<16xf32>
      %parallel_loop3A_1330 = arith.constant 2 : i32
      %parallel_loop3A_1331 = vector.broadcast %parallel_loop3A_1330 : i32 to vector<16xi32>
      %parallel_loop3A_1332 = arith.andi %iota3A, %parallel_loop3A_1331 : vector<16xi32>
      %parallel_loop3A_1333 = arith.constant 2 : i32
      %parallel_loop3A_1334 = vector.broadcast %parallel_loop3A_1333 : i32 to vector<16xi32>
      %parallel_loop3A_1335 = arith.cmpi eq, %parallel_loop3A_1332, %parallel_loop3A_1334 : vector<16xi32>
      %parallel_loop3A_1336 = arith.constant 0 : i32
      %parallel_loop3A_1337 = vector.broadcast %parallel_loop3A_1336 : i32 to vector<16xi32>
      %parallel_loop3A_1338 = arith.cmpi slt, %parallel_loop3A_1074, %parallel_loop3A_1337 : vector<16xi32>
      %parallel_loop3A_1339 = arith.constant 16 : i32
      %parallel_loop3A_1340 = vector.broadcast %parallel_loop3A_1339 : i32 to vector<16xi32>
      %parallel_loop3A_1341 = arith.addi %parallel_loop3A_1074, %parallel_loop3A_1340 : vector<16xi32>
      %parallel_loop3A_1342 = arith.select %parallel_loop3A_1338, %parallel_loop3A_1341, %parallel_loop3A_1074 : vector<16xi1>, vector<16xi32>
      %parallel_loop3A_1343 = vector.shape_cast %parallel_loop3A_1342 : vector<16xi32> to vector<16x1xi32>
      %parallel_loop3A_1344 = vector.shape_cast %parallel_loop3A_1343 : vector<16x1xi32> to vector<16xi32>
      %parallel_loop3A_1345 = tpu.dynamic_gather %parallel_loop3A_1037[%parallel_loop3A_1344] in [0] : vector<16xf32>, vector<16xi32> -> vector<16xf32>
      %parallel_loop3A_1346 = arith.select %parallel_loop3A_1335, %parallel_loop3A_1071, %parallel_loop3A_1345 : vector<16xi1>, vector<16xf32>
      %parallel_loop3A_1347 = arith.constant 4 : i32
      %parallel_loop3A_1348 = vector.broadcast %parallel_loop3A_1347 : i32 to vector<16xi32>
      %parallel_loop3A_1349 = arith.xori %iota3A, %parallel_loop3A_1348 : vector<16xi32>
      %parallel_loop3A_1350 = arith.constant 4 : i32
      %parallel_loop3A_1351 = vector.broadcast %parallel_loop3A_1350 : i32 to vector<16xi32>
      %parallel_loop3A_1352 = arith.andi %iota3A, %parallel_loop3A_1351 : vector<16xi32>
      %parallel_loop3A_1353 = arith.constant 0 : i32
      %parallel_loop3A_1354 = vector.broadcast %parallel_loop3A_1353 : i32 to vector<16xi32>
      %parallel_loop3A_1355 = arith.cmpi eq, %parallel_loop3A_1352, %parallel_loop3A_1354 : vector<16xi32>
      %parallel_loop3A_1356 = arith.constant 0 : i32
      %parallel_loop3A_1357 = vector.broadcast %parallel_loop3A_1356 : i32 to vector<16xi32>
      %parallel_loop3A_1358 = arith.cmpi slt, %parallel_loop3A_1349, %parallel_loop3A_1357 : vector<16xi32>
      %parallel_loop3A_1359 = arith.constant 16 : i32
      %parallel_loop3A_1360 = vector.broadcast %parallel_loop3A_1359 : i32 to vector<16xi32>
      %parallel_loop3A_1361 = arith.addi %parallel_loop3A_1349, %parallel_loop3A_1360 : vector<16xi32>
      %parallel_loop3A_1362 = arith.select %parallel_loop3A_1358, %parallel_loop3A_1361, %parallel_loop3A_1349 : vector<16xi1>, vector<16xi32>
      %parallel_loop3A_1363 = vector.shape_cast %parallel_loop3A_1362 : vector<16xi32> to vector<16x1xi32>
      %parallel_loop3A_1364 = vector.shape_cast %parallel_loop3A_1363 : vector<16x1xi32> to vector<16xi32>
      %parallel_loop3A_1365 = tpu.dynamic_gather %parallel_loop3A_1159[%parallel_loop3A_1364] in [0] : vector<16xf32>, vector<16xi32> -> vector<16xf32>
      %parallel_loop3A_1366 = arith.select %parallel_loop3A_1355, %parallel_loop3A_1091, %parallel_loop3A_1365 : vector<16xi1>, vector<16xf32>
      %parallel_loop3A_1367 = arith.constant 4 : i32
      %parallel_loop3A_1368 = vector.broadcast %parallel_loop3A_1367 : i32 to vector<16xi32>
      %parallel_loop3A_1369 = arith.andi %iota3A, %parallel_loop3A_1368 : vector<16xi32>
      %parallel_loop3A_1370 = arith.constant 0 : i32
      %parallel_loop3A_1371 = vector.broadcast %parallel_loop3A_1370 : i32 to vector<16xi32>
      %parallel_loop3A_1372 = arith.cmpi eq, %parallel_loop3A_1369, %parallel_loop3A_1371 : vector<16xi32>
      %parallel_loop3A_1373 = arith.constant 0 : i32
      %parallel_loop3A_1374 = vector.broadcast %parallel_loop3A_1373 : i32 to vector<16xi32>
      %parallel_loop3A_1375 = arith.cmpi slt, %parallel_loop3A_1349, %parallel_loop3A_1374 : vector<16xi32>
      %parallel_loop3A_1376 = arith.constant 16 : i32
      %parallel_loop3A_1377 = vector.broadcast %parallel_loop3A_1376 : i32 to vector<16xi32>
      %parallel_loop3A_1378 = arith.addi %parallel_loop3A_1349, %parallel_loop3A_1377 : vector<16xi32>
      %parallel_loop3A_1379 = arith.select %parallel_loop3A_1375, %parallel_loop3A_1378, %parallel_loop3A_1349 : vector<16xi1>, vector<16xi32>
      %parallel_loop3A_1380 = vector.shape_cast %parallel_loop3A_1379 : vector<16xi32> to vector<16x1xi32>
      %parallel_loop3A_1381 = vector.shape_cast %parallel_loop3A_1380 : vector<16x1xi32> to vector<16xi32>
      %parallel_loop3A_1382 = tpu.dynamic_gather %parallel_loop3A_1176[%parallel_loop3A_1381] in [0] : vector<16xf32>, vector<16xi32> -> vector<16xf32>
      %parallel_loop3A_1383 = arith.select %parallel_loop3A_1372, %parallel_loop3A_1108, %parallel_loop3A_1382 : vector<16xi1>, vector<16xf32>
      %parallel_loop3A_1384 = arith.constant 4 : i32
      %parallel_loop3A_1385 = vector.broadcast %parallel_loop3A_1384 : i32 to vector<16xi32>
      %parallel_loop3A_1386 = arith.andi %iota3A, %parallel_loop3A_1385 : vector<16xi32>
      %parallel_loop3A_1387 = arith.constant 0 : i32
      %parallel_loop3A_1388 = vector.broadcast %parallel_loop3A_1387 : i32 to vector<16xi32>
      %parallel_loop3A_1389 = arith.cmpi eq, %parallel_loop3A_1386, %parallel_loop3A_1388 : vector<16xi32>
      %parallel_loop3A_1390 = arith.constant 0 : i32
      %parallel_loop3A_1391 = vector.broadcast %parallel_loop3A_1390 : i32 to vector<16xi32>
      %parallel_loop3A_1392 = arith.cmpi slt, %parallel_loop3A_1349, %parallel_loop3A_1391 : vector<16xi32>
      %parallel_loop3A_1393 = arith.constant 16 : i32
      %parallel_loop3A_1394 = vector.broadcast %parallel_loop3A_1393 : i32 to vector<16xi32>
      %parallel_loop3A_1395 = arith.addi %parallel_loop3A_1349, %parallel_loop3A_1394 : vector<16xi32>
      %parallel_loop3A_1396 = arith.select %parallel_loop3A_1392, %parallel_loop3A_1395, %parallel_loop3A_1349 : vector<16xi1>, vector<16xi32>
      %parallel_loop3A_1397 = vector.shape_cast %parallel_loop3A_1396 : vector<16xi32> to vector<16x1xi32>
      %parallel_loop3A_1398 = vector.shape_cast %parallel_loop3A_1397 : vector<16x1xi32> to vector<16xi32>
      %parallel_loop3A_1399 = tpu.dynamic_gather %parallel_loop3A_1193[%parallel_loop3A_1398] in [0] : vector<16xf32>, vector<16xi32> -> vector<16xf32>
      %parallel_loop3A_1400 = arith.select %parallel_loop3A_1389, %parallel_loop3A_1125, %parallel_loop3A_1399 : vector<16xi1>, vector<16xf32>
      %parallel_loop3A_1401 = arith.constant 4 : i32
      %parallel_loop3A_1402 = vector.broadcast %parallel_loop3A_1401 : i32 to vector<16xi32>
      %parallel_loop3A_1403 = arith.andi %iota3A, %parallel_loop3A_1402 : vector<16xi32>
      %parallel_loop3A_1404 = arith.constant 0 : i32
      %parallel_loop3A_1405 = vector.broadcast %parallel_loop3A_1404 : i32 to vector<16xi32>
      %parallel_loop3A_1406 = arith.cmpi eq, %parallel_loop3A_1403, %parallel_loop3A_1405 : vector<16xi32>
      %parallel_loop3A_1407 = arith.constant 0 : i32
      %parallel_loop3A_1408 = vector.broadcast %parallel_loop3A_1407 : i32 to vector<16xi32>
      %parallel_loop3A_1409 = arith.cmpi slt, %parallel_loop3A_1349, %parallel_loop3A_1408 : vector<16xi32>
      %parallel_loop3A_1410 = arith.constant 16 : i32
      %parallel_loop3A_1411 = vector.broadcast %parallel_loop3A_1410 : i32 to vector<16xi32>
      %parallel_loop3A_1412 = arith.addi %parallel_loop3A_1349, %parallel_loop3A_1411 : vector<16xi32>
      %parallel_loop3A_1413 = arith.select %parallel_loop3A_1409, %parallel_loop3A_1412, %parallel_loop3A_1349 : vector<16xi1>, vector<16xi32>
      %parallel_loop3A_1414 = vector.shape_cast %parallel_loop3A_1413 : vector<16xi32> to vector<16x1xi32>
      %parallel_loop3A_1415 = vector.shape_cast %parallel_loop3A_1414 : vector<16x1xi32> to vector<16xi32>
      %parallel_loop3A_1416 = tpu.dynamic_gather %parallel_loop3A_1210[%parallel_loop3A_1415] in [0] : vector<16xf32>, vector<16xi32> -> vector<16xf32>
      %parallel_loop3A_1417 = arith.select %parallel_loop3A_1406, %parallel_loop3A_1142, %parallel_loop3A_1416 : vector<16xi1>, vector<16xf32>
      %parallel_loop3A_1418 = arith.constant 4 : i32
      %parallel_loop3A_1419 = vector.broadcast %parallel_loop3A_1418 : i32 to vector<16xi32>
      %parallel_loop3A_1420 = arith.andi %iota3A, %parallel_loop3A_1419 : vector<16xi32>
      %parallel_loop3A_1421 = arith.constant 4 : i32
      %parallel_loop3A_1422 = vector.broadcast %parallel_loop3A_1421 : i32 to vector<16xi32>
      %parallel_loop3A_1423 = arith.cmpi eq, %parallel_loop3A_1420, %parallel_loop3A_1422 : vector<16xi32>
      %parallel_loop3A_1424 = arith.constant 0 : i32
      %parallel_loop3A_1425 = vector.broadcast %parallel_loop3A_1424 : i32 to vector<16xi32>
      %parallel_loop3A_1426 = arith.cmpi slt, %parallel_loop3A_1349, %parallel_loop3A_1425 : vector<16xi32>
      %parallel_loop3A_1427 = arith.constant 16 : i32
      %parallel_loop3A_1428 = vector.broadcast %parallel_loop3A_1427 : i32 to vector<16xi32>
      %parallel_loop3A_1429 = arith.addi %parallel_loop3A_1349, %parallel_loop3A_1428 : vector<16xi32>
      %parallel_loop3A_1430 = arith.select %parallel_loop3A_1426, %parallel_loop3A_1429, %parallel_loop3A_1349 : vector<16xi1>, vector<16xi32>
      %parallel_loop3A_1431 = vector.shape_cast %parallel_loop3A_1430 : vector<16xi32> to vector<16x1xi32>
      %parallel_loop3A_1432 = vector.shape_cast %parallel_loop3A_1431 : vector<16x1xi32> to vector<16xi32>
      %parallel_loop3A_1433 = tpu.dynamic_gather %parallel_loop3A_1091[%parallel_loop3A_1432] in [0] : vector<16xf32>, vector<16xi32> -> vector<16xf32>
      %parallel_loop3A_1434 = arith.select %parallel_loop3A_1423, %parallel_loop3A_1159, %parallel_loop3A_1433 : vector<16xi1>, vector<16xf32>
      %parallel_loop3A_1435 = arith.constant 4 : i32
      %parallel_loop3A_1436 = vector.broadcast %parallel_loop3A_1435 : i32 to vector<16xi32>
      %parallel_loop3A_1437 = arith.andi %iota3A, %parallel_loop3A_1436 : vector<16xi32>
      %parallel_loop3A_1438 = arith.constant 4 : i32
      %parallel_loop3A_1439 = vector.broadcast %parallel_loop3A_1438 : i32 to vector<16xi32>
      %parallel_loop3A_1440 = arith.cmpi eq, %parallel_loop3A_1437, %parallel_loop3A_1439 : vector<16xi32>
      %parallel_loop3A_1441 = arith.constant 0 : i32
      %parallel_loop3A_1442 = vector.broadcast %parallel_loop3A_1441 : i32 to vector<16xi32>
      %parallel_loop3A_1443 = arith.cmpi slt, %parallel_loop3A_1349, %parallel_loop3A_1442 : vector<16xi32>
      %parallel_loop3A_1444 = arith.constant 16 : i32
      %parallel_loop3A_1445 = vector.broadcast %parallel_loop3A_1444 : i32 to vector<16xi32>
      %parallel_loop3A_1446 = arith.addi %parallel_loop3A_1349, %parallel_loop3A_1445 : vector<16xi32>
      %parallel_loop3A_1447 = arith.select %parallel_loop3A_1443, %parallel_loop3A_1446, %parallel_loop3A_1349 : vector<16xi1>, vector<16xi32>
      %parallel_loop3A_1448 = vector.shape_cast %parallel_loop3A_1447 : vector<16xi32> to vector<16x1xi32>
      %parallel_loop3A_1449 = vector.shape_cast %parallel_loop3A_1448 : vector<16x1xi32> to vector<16xi32>
      %parallel_loop3A_1450 = tpu.dynamic_gather %parallel_loop3A_1108[%parallel_loop3A_1449] in [0] : vector<16xf32>, vector<16xi32> -> vector<16xf32>
      %parallel_loop3A_1451 = arith.select %parallel_loop3A_1440, %parallel_loop3A_1176, %parallel_loop3A_1450 : vector<16xi1>, vector<16xf32>
      %parallel_loop3A_1452 = arith.constant 4 : i32
      %parallel_loop3A_1453 = vector.broadcast %parallel_loop3A_1452 : i32 to vector<16xi32>
      %parallel_loop3A_1454 = arith.andi %iota3A, %parallel_loop3A_1453 : vector<16xi32>
      %parallel_loop3A_1455 = arith.constant 4 : i32
      %parallel_loop3A_1456 = vector.broadcast %parallel_loop3A_1455 : i32 to vector<16xi32>
      %parallel_loop3A_1457 = arith.cmpi eq, %parallel_loop3A_1454, %parallel_loop3A_1456 : vector<16xi32>
      %parallel_loop3A_1458 = arith.constant 0 : i32
      %parallel_loop3A_1459 = vector.broadcast %parallel_loop3A_1458 : i32 to vector<16xi32>
      %parallel_loop3A_1460 = arith.cmpi slt, %parallel_loop3A_1349, %parallel_loop3A_1459 : vector<16xi32>
      %parallel_loop3A_1461 = arith.constant 16 : i32
      %parallel_loop3A_1462 = vector.broadcast %parallel_loop3A_1461 : i32 to vector<16xi32>
      %parallel_loop3A_1463 = arith.addi %parallel_loop3A_1349, %parallel_loop3A_1462 : vector<16xi32>
      %parallel_loop3A_1464 = arith.select %parallel_loop3A_1460, %parallel_loop3A_1463, %parallel_loop3A_1349 : vector<16xi1>, vector<16xi32>
      %parallel_loop3A_1465 = vector.shape_cast %parallel_loop3A_1464 : vector<16xi32> to vector<16x1xi32>
      %parallel_loop3A_1466 = vector.shape_cast %parallel_loop3A_1465 : vector<16x1xi32> to vector<16xi32>
      %parallel_loop3A_1467 = tpu.dynamic_gather %parallel_loop3A_1125[%parallel_loop3A_1466] in [0] : vector<16xf32>, vector<16xi32> -> vector<16xf32>
      %parallel_loop3A_1468 = arith.select %parallel_loop3A_1457, %parallel_loop3A_1193, %parallel_loop3A_1467 : vector<16xi1>, vector<16xf32>
      %parallel_loop3A_1469 = arith.constant 4 : i32
      %parallel_loop3A_1470 = vector.broadcast %parallel_loop3A_1469 : i32 to vector<16xi32>
      %parallel_loop3A_1471 = arith.andi %iota3A, %parallel_loop3A_1470 : vector<16xi32>
      %parallel_loop3A_1472 = arith.constant 4 : i32
      %parallel_loop3A_1473 = vector.broadcast %parallel_loop3A_1472 : i32 to vector<16xi32>
      %parallel_loop3A_1474 = arith.cmpi eq, %parallel_loop3A_1471, %parallel_loop3A_1473 : vector<16xi32>
      %parallel_loop3A_1475 = arith.constant 0 : i32
      %parallel_loop3A_1476 = vector.broadcast %parallel_loop3A_1475 : i32 to vector<16xi32>
      %parallel_loop3A_1477 = arith.cmpi slt, %parallel_loop3A_1349, %parallel_loop3A_1476 : vector<16xi32>
      %parallel_loop3A_1478 = arith.constant 16 : i32
      %parallel_loop3A_1479 = vector.broadcast %parallel_loop3A_1478 : i32 to vector<16xi32>
      %parallel_loop3A_1480 = arith.addi %parallel_loop3A_1349, %parallel_loop3A_1479 : vector<16xi32>
      %parallel_loop3A_1481 = arith.select %parallel_loop3A_1477, %parallel_loop3A_1480, %parallel_loop3A_1349 : vector<16xi1>, vector<16xi32>
      %parallel_loop3A_1482 = vector.shape_cast %parallel_loop3A_1481 : vector<16xi32> to vector<16x1xi32>
      %parallel_loop3A_1483 = vector.shape_cast %parallel_loop3A_1482 : vector<16x1xi32> to vector<16xi32>
      %parallel_loop3A_1484 = tpu.dynamic_gather %parallel_loop3A_1142[%parallel_loop3A_1483] in [0] : vector<16xf32>, vector<16xi32> -> vector<16xf32>
      %parallel_loop3A_1485 = arith.select %parallel_loop3A_1474, %parallel_loop3A_1210, %parallel_loop3A_1484 : vector<16xi1>, vector<16xf32>
      %parallel_loop3A_1486 = arith.constant 4 : i32
      %parallel_loop3A_1487 = vector.broadcast %parallel_loop3A_1486 : i32 to vector<16xi32>
      %parallel_loop3A_1488 = arith.andi %iota3A, %parallel_loop3A_1487 : vector<16xi32>
      %parallel_loop3A_1489 = arith.constant 0 : i32
      %parallel_loop3A_1490 = vector.broadcast %parallel_loop3A_1489 : i32 to vector<16xi32>
      %parallel_loop3A_1491 = arith.cmpi eq, %parallel_loop3A_1488, %parallel_loop3A_1490 : vector<16xi32>
      %parallel_loop3A_1492 = arith.constant 0 : i32
      %parallel_loop3A_1493 = vector.broadcast %parallel_loop3A_1492 : i32 to vector<16xi32>
      %parallel_loop3A_1494 = arith.cmpi slt, %parallel_loop3A_1349, %parallel_loop3A_1493 : vector<16xi32>
      %parallel_loop3A_1495 = arith.constant 16 : i32
      %parallel_loop3A_1496 = vector.broadcast %parallel_loop3A_1495 : i32 to vector<16xi32>
      %parallel_loop3A_1497 = arith.addi %parallel_loop3A_1349, %parallel_loop3A_1496 : vector<16xi32>
      %parallel_loop3A_1498 = arith.select %parallel_loop3A_1494, %parallel_loop3A_1497, %parallel_loop3A_1349 : vector<16xi1>, vector<16xi32>
      %parallel_loop3A_1499 = vector.shape_cast %parallel_loop3A_1498 : vector<16xi32> to vector<16x1xi32>
      %parallel_loop3A_1500 = vector.shape_cast %parallel_loop3A_1499 : vector<16x1xi32> to vector<16xi32>
      %parallel_loop3A_1501 = tpu.dynamic_gather %parallel_loop3A_1295[%parallel_loop3A_1500] in [0] : vector<16xf32>, vector<16xi32> -> vector<16xf32>
      %parallel_loop3A_1502 = arith.select %parallel_loop3A_1491, %parallel_loop3A_1227, %parallel_loop3A_1501 : vector<16xi1>, vector<16xf32>
      %parallel_loop3A_1503 = arith.constant 4 : i32
      %parallel_loop3A_1504 = vector.broadcast %parallel_loop3A_1503 : i32 to vector<16xi32>
      %parallel_loop3A_1505 = arith.andi %iota3A, %parallel_loop3A_1504 : vector<16xi32>
      %parallel_loop3A_1506 = arith.constant 0 : i32
      %parallel_loop3A_1507 = vector.broadcast %parallel_loop3A_1506 : i32 to vector<16xi32>
      %parallel_loop3A_1508 = arith.cmpi eq, %parallel_loop3A_1505, %parallel_loop3A_1507 : vector<16xi32>
      %parallel_loop3A_1509 = arith.constant 0 : i32
      %parallel_loop3A_1510 = vector.broadcast %parallel_loop3A_1509 : i32 to vector<16xi32>
      %parallel_loop3A_1511 = arith.cmpi slt, %parallel_loop3A_1349, %parallel_loop3A_1510 : vector<16xi32>
      %parallel_loop3A_1512 = arith.constant 16 : i32
      %parallel_loop3A_1513 = vector.broadcast %parallel_loop3A_1512 : i32 to vector<16xi32>
      %parallel_loop3A_1514 = arith.addi %parallel_loop3A_1349, %parallel_loop3A_1513 : vector<16xi32>
      %parallel_loop3A_1515 = arith.select %parallel_loop3A_1511, %parallel_loop3A_1514, %parallel_loop3A_1349 : vector<16xi1>, vector<16xi32>
      %parallel_loop3A_1516 = vector.shape_cast %parallel_loop3A_1515 : vector<16xi32> to vector<16x1xi32>
      %parallel_loop3A_1517 = vector.shape_cast %parallel_loop3A_1516 : vector<16x1xi32> to vector<16xi32>
      %parallel_loop3A_1518 = tpu.dynamic_gather %parallel_loop3A_1312[%parallel_loop3A_1517] in [0] : vector<16xf32>, vector<16xi32> -> vector<16xf32>
      %parallel_loop3A_1519 = arith.select %parallel_loop3A_1508, %parallel_loop3A_1244, %parallel_loop3A_1518 : vector<16xi1>, vector<16xf32>
      %parallel_loop3A_1520 = arith.constant 4 : i32
      %parallel_loop3A_1521 = vector.broadcast %parallel_loop3A_1520 : i32 to vector<16xi32>
      %parallel_loop3A_1522 = arith.andi %iota3A, %parallel_loop3A_1521 : vector<16xi32>
      %parallel_loop3A_1523 = arith.constant 0 : i32
      %parallel_loop3A_1524 = vector.broadcast %parallel_loop3A_1523 : i32 to vector<16xi32>
      %parallel_loop3A_1525 = arith.cmpi eq, %parallel_loop3A_1522, %parallel_loop3A_1524 : vector<16xi32>
      %parallel_loop3A_1526 = arith.constant 0 : i32
      %parallel_loop3A_1527 = vector.broadcast %parallel_loop3A_1526 : i32 to vector<16xi32>
      %parallel_loop3A_1528 = arith.cmpi slt, %parallel_loop3A_1349, %parallel_loop3A_1527 : vector<16xi32>
      %parallel_loop3A_1529 = arith.constant 16 : i32
      %parallel_loop3A_1530 = vector.broadcast %parallel_loop3A_1529 : i32 to vector<16xi32>
      %parallel_loop3A_1531 = arith.addi %parallel_loop3A_1349, %parallel_loop3A_1530 : vector<16xi32>
      %parallel_loop3A_1532 = arith.select %parallel_loop3A_1528, %parallel_loop3A_1531, %parallel_loop3A_1349 : vector<16xi1>, vector<16xi32>
      %parallel_loop3A_1533 = vector.shape_cast %parallel_loop3A_1532 : vector<16xi32> to vector<16x1xi32>
      %parallel_loop3A_1534 = vector.shape_cast %parallel_loop3A_1533 : vector<16x1xi32> to vector<16xi32>
      %parallel_loop3A_1535 = tpu.dynamic_gather %parallel_loop3A_1329[%parallel_loop3A_1534] in [0] : vector<16xf32>, vector<16xi32> -> vector<16xf32>
      %parallel_loop3A_1536 = arith.select %parallel_loop3A_1525, %parallel_loop3A_1261, %parallel_loop3A_1535 : vector<16xi1>, vector<16xf32>
      %parallel_loop3A_1537 = arith.constant 4 : i32
      %parallel_loop3A_1538 = vector.broadcast %parallel_loop3A_1537 : i32 to vector<16xi32>
      %parallel_loop3A_1539 = arith.andi %iota3A, %parallel_loop3A_1538 : vector<16xi32>
      %parallel_loop3A_1540 = arith.constant 0 : i32
      %parallel_loop3A_1541 = vector.broadcast %parallel_loop3A_1540 : i32 to vector<16xi32>
      %parallel_loop3A_1542 = arith.cmpi eq, %parallel_loop3A_1539, %parallel_loop3A_1541 : vector<16xi32>
      %parallel_loop3A_1543 = arith.constant 0 : i32
      %parallel_loop3A_1544 = vector.broadcast %parallel_loop3A_1543 : i32 to vector<16xi32>
      %parallel_loop3A_1545 = arith.cmpi slt, %parallel_loop3A_1349, %parallel_loop3A_1544 : vector<16xi32>
      %parallel_loop3A_1546 = arith.constant 16 : i32
      %parallel_loop3A_1547 = vector.broadcast %parallel_loop3A_1546 : i32 to vector<16xi32>
      %parallel_loop3A_1548 = arith.addi %parallel_loop3A_1349, %parallel_loop3A_1547 : vector<16xi32>
      %parallel_loop3A_1549 = arith.select %parallel_loop3A_1545, %parallel_loop3A_1548, %parallel_loop3A_1349 : vector<16xi1>, vector<16xi32>
      %parallel_loop3A_1550 = vector.shape_cast %parallel_loop3A_1549 : vector<16xi32> to vector<16x1xi32>
      %parallel_loop3A_1551 = vector.shape_cast %parallel_loop3A_1550 : vector<16x1xi32> to vector<16xi32>
      %parallel_loop3A_1552 = tpu.dynamic_gather %parallel_loop3A_1346[%parallel_loop3A_1551] in [0] : vector<16xf32>, vector<16xi32> -> vector<16xf32>
      %parallel_loop3A_1553 = arith.select %parallel_loop3A_1542, %parallel_loop3A_1278, %parallel_loop3A_1552 : vector<16xi1>, vector<16xf32>
      %parallel_loop3A_1554 = arith.constant 4 : i32
      %parallel_loop3A_1555 = vector.broadcast %parallel_loop3A_1554 : i32 to vector<16xi32>
      %parallel_loop3A_1556 = arith.andi %iota3A, %parallel_loop3A_1555 : vector<16xi32>
      %parallel_loop3A_1557 = arith.constant 4 : i32
      %parallel_loop3A_1558 = vector.broadcast %parallel_loop3A_1557 : i32 to vector<16xi32>
      %parallel_loop3A_1559 = arith.cmpi eq, %parallel_loop3A_1556, %parallel_loop3A_1558 : vector<16xi32>
      %parallel_loop3A_1560 = arith.constant 0 : i32
      %parallel_loop3A_1561 = vector.broadcast %parallel_loop3A_1560 : i32 to vector<16xi32>
      %parallel_loop3A_1562 = arith.cmpi slt, %parallel_loop3A_1349, %parallel_loop3A_1561 : vector<16xi32>
      %parallel_loop3A_1563 = arith.constant 16 : i32
      %parallel_loop3A_1564 = vector.broadcast %parallel_loop3A_1563 : i32 to vector<16xi32>
      %parallel_loop3A_1565 = arith.addi %parallel_loop3A_1349, %parallel_loop3A_1564 : vector<16xi32>
      %parallel_loop3A_1566 = arith.select %parallel_loop3A_1562, %parallel_loop3A_1565, %parallel_loop3A_1349 : vector<16xi1>, vector<16xi32>
      %parallel_loop3A_1567 = vector.shape_cast %parallel_loop3A_1566 : vector<16xi32> to vector<16x1xi32>
      %parallel_loop3A_1568 = vector.shape_cast %parallel_loop3A_1567 : vector<16x1xi32> to vector<16xi32>
      %parallel_loop3A_1569 = tpu.dynamic_gather %parallel_loop3A_1227[%parallel_loop3A_1568] in [0] : vector<16xf32>, vector<16xi32> -> vector<16xf32>
      %parallel_loop3A_1570 = arith.select %parallel_loop3A_1559, %parallel_loop3A_1295, %parallel_loop3A_1569 : vector<16xi1>, vector<16xf32>
      %parallel_loop3A_1571 = arith.constant 4 : i32
      %parallel_loop3A_1572 = vector.broadcast %parallel_loop3A_1571 : i32 to vector<16xi32>
      %parallel_loop3A_1573 = arith.andi %iota3A, %parallel_loop3A_1572 : vector<16xi32>
      %parallel_loop3A_1574 = arith.constant 4 : i32
      %parallel_loop3A_1575 = vector.broadcast %parallel_loop3A_1574 : i32 to vector<16xi32>
      %parallel_loop3A_1576 = arith.cmpi eq, %parallel_loop3A_1573, %parallel_loop3A_1575 : vector<16xi32>
      %parallel_loop3A_1577 = arith.constant 0 : i32
      %parallel_loop3A_1578 = vector.broadcast %parallel_loop3A_1577 : i32 to vector<16xi32>
      %parallel_loop3A_1579 = arith.cmpi slt, %parallel_loop3A_1349, %parallel_loop3A_1578 : vector<16xi32>
      %parallel_loop3A_1580 = arith.constant 16 : i32
      %parallel_loop3A_1581 = vector.broadcast %parallel_loop3A_1580 : i32 to vector<16xi32>
      %parallel_loop3A_1582 = arith.addi %parallel_loop3A_1349, %parallel_loop3A_1581 : vector<16xi32>
      %parallel_loop3A_1583 = arith.select %parallel_loop3A_1579, %parallel_loop3A_1582, %parallel_loop3A_1349 : vector<16xi1>, vector<16xi32>
      %parallel_loop3A_1584 = vector.shape_cast %parallel_loop3A_1583 : vector<16xi32> to vector<16x1xi32>
      %parallel_loop3A_1585 = vector.shape_cast %parallel_loop3A_1584 : vector<16x1xi32> to vector<16xi32>
      %parallel_loop3A_1586 = tpu.dynamic_gather %parallel_loop3A_1244[%parallel_loop3A_1585] in [0] : vector<16xf32>, vector<16xi32> -> vector<16xf32>
      %parallel_loop3A_1587 = arith.select %parallel_loop3A_1576, %parallel_loop3A_1312, %parallel_loop3A_1586 : vector<16xi1>, vector<16xf32>
      %parallel_loop3A_1588 = arith.constant 4 : i32
      %parallel_loop3A_1589 = vector.broadcast %parallel_loop3A_1588 : i32 to vector<16xi32>
      %parallel_loop3A_1590 = arith.andi %iota3A, %parallel_loop3A_1589 : vector<16xi32>
      %parallel_loop3A_1591 = arith.constant 4 : i32
      %parallel_loop3A_1592 = vector.broadcast %parallel_loop3A_1591 : i32 to vector<16xi32>
      %parallel_loop3A_1593 = arith.cmpi eq, %parallel_loop3A_1590, %parallel_loop3A_1592 : vector<16xi32>
      %parallel_loop3A_1594 = arith.constant 0 : i32
      %parallel_loop3A_1595 = vector.broadcast %parallel_loop3A_1594 : i32 to vector<16xi32>
      %parallel_loop3A_1596 = arith.cmpi slt, %parallel_loop3A_1349, %parallel_loop3A_1595 : vector<16xi32>
      %parallel_loop3A_1597 = arith.constant 16 : i32
      %parallel_loop3A_1598 = vector.broadcast %parallel_loop3A_1597 : i32 to vector<16xi32>
      %parallel_loop3A_1599 = arith.addi %parallel_loop3A_1349, %parallel_loop3A_1598 : vector<16xi32>
      %parallel_loop3A_1600 = arith.select %parallel_loop3A_1596, %parallel_loop3A_1599, %parallel_loop3A_1349 : vector<16xi1>, vector<16xi32>
      %parallel_loop3A_1601 = vector.shape_cast %parallel_loop3A_1600 : vector<16xi32> to vector<16x1xi32>
      %parallel_loop3A_1602 = vector.shape_cast %parallel_loop3A_1601 : vector<16x1xi32> to vector<16xi32>
      %parallel_loop3A_1603 = tpu.dynamic_gather %parallel_loop3A_1261[%parallel_loop3A_1602] in [0] : vector<16xf32>, vector<16xi32> -> vector<16xf32>
      %parallel_loop3A_1604 = arith.select %parallel_loop3A_1593, %parallel_loop3A_1329, %parallel_loop3A_1603 : vector<16xi1>, vector<16xf32>
      %parallel_loop3A_1605 = arith.constant 4 : i32
      %parallel_loop3A_1606 = vector.broadcast %parallel_loop3A_1605 : i32 to vector<16xi32>
      %parallel_loop3A_1607 = arith.andi %iota3A, %parallel_loop3A_1606 : vector<16xi32>
      %parallel_loop3A_1608 = arith.constant 4 : i32
      %parallel_loop3A_1609 = vector.broadcast %parallel_loop3A_1608 : i32 to vector<16xi32>
      %parallel_loop3A_1610 = arith.cmpi eq, %parallel_loop3A_1607, %parallel_loop3A_1609 : vector<16xi32>
      %parallel_loop3A_1611 = arith.constant 0 : i32
      %parallel_loop3A_1612 = vector.broadcast %parallel_loop3A_1611 : i32 to vector<16xi32>
      %parallel_loop3A_1613 = arith.cmpi slt, %parallel_loop3A_1349, %parallel_loop3A_1612 : vector<16xi32>
      %parallel_loop3A_1614 = arith.constant 16 : i32
      %parallel_loop3A_1615 = vector.broadcast %parallel_loop3A_1614 : i32 to vector<16xi32>
      %parallel_loop3A_1616 = arith.addi %parallel_loop3A_1349, %parallel_loop3A_1615 : vector<16xi32>
      %parallel_loop3A_1617 = arith.select %parallel_loop3A_1613, %parallel_loop3A_1616, %parallel_loop3A_1349 : vector<16xi1>, vector<16xi32>
      %parallel_loop3A_1618 = vector.shape_cast %parallel_loop3A_1617 : vector<16xi32> to vector<16x1xi32>
      %parallel_loop3A_1619 = vector.shape_cast %parallel_loop3A_1618 : vector<16x1xi32> to vector<16xi32>
      %parallel_loop3A_1620 = tpu.dynamic_gather %parallel_loop3A_1278[%parallel_loop3A_1619] in [0] : vector<16xf32>, vector<16xi32> -> vector<16xf32>
      %parallel_loop3A_1621 = arith.select %parallel_loop3A_1610, %parallel_loop3A_1346, %parallel_loop3A_1620 : vector<16xi1>, vector<16xf32>
      %parallel_loop3A_1622 = arith.constant 8 : i32
      %parallel_loop3A_1623 = vector.broadcast %parallel_loop3A_1622 : i32 to vector<16xi32>
      %parallel_loop3A_1624 = arith.xori %iota3A, %parallel_loop3A_1623 : vector<16xi32>
      %parallel_loop3A_1625 = arith.constant 8 : i32
      %parallel_loop3A_1626 = vector.broadcast %parallel_loop3A_1625 : i32 to vector<16xi32>
      %parallel_loop3A_1627 = arith.andi %iota3A, %parallel_loop3A_1626 : vector<16xi32>
      %parallel_loop3A_1628 = arith.constant 0 : i32
      %parallel_loop3A_1629 = vector.broadcast %parallel_loop3A_1628 : i32 to vector<16xi32>
      %parallel_loop3A_1630 = arith.cmpi eq, %parallel_loop3A_1627, %parallel_loop3A_1629 : vector<16xi32>
      %parallel_loop3A_1631 = arith.constant 0 : i32
      %parallel_loop3A_1632 = vector.broadcast %parallel_loop3A_1631 : i32 to vector<16xi32>
      %parallel_loop3A_1633 = arith.cmpi slt, %parallel_loop3A_1624, %parallel_loop3A_1632 : vector<16xi32>
      %parallel_loop3A_1634 = arith.constant 16 : i32
      %parallel_loop3A_1635 = vector.broadcast %parallel_loop3A_1634 : i32 to vector<16xi32>
      %parallel_loop3A_1636 = arith.addi %parallel_loop3A_1624, %parallel_loop3A_1635 : vector<16xi32>
      %parallel_loop3A_1637 = arith.select %parallel_loop3A_1633, %parallel_loop3A_1636, %parallel_loop3A_1624 : vector<16xi1>, vector<16xi32>
      %parallel_loop3A_1638 = vector.shape_cast %parallel_loop3A_1637 : vector<16xi32> to vector<16x1xi32>
      %parallel_loop3A_1639 = vector.shape_cast %parallel_loop3A_1638 : vector<16x1xi32> to vector<16xi32>
      %parallel_loop3A_1640 = tpu.dynamic_gather %parallel_loop3A_1502[%parallel_loop3A_1639] in [0] : vector<16xf32>, vector<16xi32> -> vector<16xf32>
      %parallel_loop3A_1641 = arith.select %parallel_loop3A_1630, %parallel_loop3A_1366, %parallel_loop3A_1640 : vector<16xi1>, vector<16xf32>
      %parallel_loop3A_1642 = arith.constant 8 : i32
      %parallel_loop3A_1643 = vector.broadcast %parallel_loop3A_1642 : i32 to vector<16xi32>
      %parallel_loop3A_1644 = arith.andi %iota3A, %parallel_loop3A_1643 : vector<16xi32>
      %parallel_loop3A_1645 = arith.constant 0 : i32
      %parallel_loop3A_1646 = vector.broadcast %parallel_loop3A_1645 : i32 to vector<16xi32>
      %parallel_loop3A_1647 = arith.cmpi eq, %parallel_loop3A_1644, %parallel_loop3A_1646 : vector<16xi32>
      %parallel_loop3A_1648 = arith.constant 0 : i32
      %parallel_loop3A_1649 = vector.broadcast %parallel_loop3A_1648 : i32 to vector<16xi32>
      %parallel_loop3A_1650 = arith.cmpi slt, %parallel_loop3A_1624, %parallel_loop3A_1649 : vector<16xi32>
      %parallel_loop3A_1651 = arith.constant 16 : i32
      %parallel_loop3A_1652 = vector.broadcast %parallel_loop3A_1651 : i32 to vector<16xi32>
      %parallel_loop3A_1653 = arith.addi %parallel_loop3A_1624, %parallel_loop3A_1652 : vector<16xi32>
      %parallel_loop3A_1654 = arith.select %parallel_loop3A_1650, %parallel_loop3A_1653, %parallel_loop3A_1624 : vector<16xi1>, vector<16xi32>
      %parallel_loop3A_1655 = vector.shape_cast %parallel_loop3A_1654 : vector<16xi32> to vector<16x1xi32>
      %parallel_loop3A_1656 = vector.shape_cast %parallel_loop3A_1655 : vector<16x1xi32> to vector<16xi32>
      %parallel_loop3A_1657 = tpu.dynamic_gather %parallel_loop3A_1519[%parallel_loop3A_1656] in [0] : vector<16xf32>, vector<16xi32> -> vector<16xf32>
      %parallel_loop3A_1658 = arith.select %parallel_loop3A_1647, %parallel_loop3A_1383, %parallel_loop3A_1657 : vector<16xi1>, vector<16xf32>
      %parallel_loop3A_1659 = arith.constant 8 : i32
      %parallel_loop3A_1660 = vector.broadcast %parallel_loop3A_1659 : i32 to vector<16xi32>
      %parallel_loop3A_1661 = arith.andi %iota3A, %parallel_loop3A_1660 : vector<16xi32>
      %parallel_loop3A_1662 = arith.constant 0 : i32
      %parallel_loop3A_1663 = vector.broadcast %parallel_loop3A_1662 : i32 to vector<16xi32>
      %parallel_loop3A_1664 = arith.cmpi eq, %parallel_loop3A_1661, %parallel_loop3A_1663 : vector<16xi32>
      %parallel_loop3A_1665 = arith.constant 0 : i32
      %parallel_loop3A_1666 = vector.broadcast %parallel_loop3A_1665 : i32 to vector<16xi32>
      %parallel_loop3A_1667 = arith.cmpi slt, %parallel_loop3A_1624, %parallel_loop3A_1666 : vector<16xi32>
      %parallel_loop3A_1668 = arith.constant 16 : i32
      %parallel_loop3A_1669 = vector.broadcast %parallel_loop3A_1668 : i32 to vector<16xi32>
      %parallel_loop3A_1670 = arith.addi %parallel_loop3A_1624, %parallel_loop3A_1669 : vector<16xi32>
      %parallel_loop3A_1671 = arith.select %parallel_loop3A_1667, %parallel_loop3A_1670, %parallel_loop3A_1624 : vector<16xi1>, vector<16xi32>
      %parallel_loop3A_1672 = vector.shape_cast %parallel_loop3A_1671 : vector<16xi32> to vector<16x1xi32>
      %parallel_loop3A_1673 = vector.shape_cast %parallel_loop3A_1672 : vector<16x1xi32> to vector<16xi32>
      %parallel_loop3A_1674 = tpu.dynamic_gather %parallel_loop3A_1536[%parallel_loop3A_1673] in [0] : vector<16xf32>, vector<16xi32> -> vector<16xf32>
      %parallel_loop3A_1675 = arith.select %parallel_loop3A_1664, %parallel_loop3A_1400, %parallel_loop3A_1674 : vector<16xi1>, vector<16xf32>
      %parallel_loop3A_1676 = arith.constant 8 : i32
      %parallel_loop3A_1677 = vector.broadcast %parallel_loop3A_1676 : i32 to vector<16xi32>
      %parallel_loop3A_1678 = arith.andi %iota3A, %parallel_loop3A_1677 : vector<16xi32>
      %parallel_loop3A_1679 = arith.constant 0 : i32
      %parallel_loop3A_1680 = vector.broadcast %parallel_loop3A_1679 : i32 to vector<16xi32>
      %parallel_loop3A_1681 = arith.cmpi eq, %parallel_loop3A_1678, %parallel_loop3A_1680 : vector<16xi32>
      %parallel_loop3A_1682 = arith.constant 0 : i32
      %parallel_loop3A_1683 = vector.broadcast %parallel_loop3A_1682 : i32 to vector<16xi32>
      %parallel_loop3A_1684 = arith.cmpi slt, %parallel_loop3A_1624, %parallel_loop3A_1683 : vector<16xi32>
      %parallel_loop3A_1685 = arith.constant 16 : i32
      %parallel_loop3A_1686 = vector.broadcast %parallel_loop3A_1685 : i32 to vector<16xi32>
      %parallel_loop3A_1687 = arith.addi %parallel_loop3A_1624, %parallel_loop3A_1686 : vector<16xi32>
      %parallel_loop3A_1688 = arith.select %parallel_loop3A_1684, %parallel_loop3A_1687, %parallel_loop3A_1624 : vector<16xi1>, vector<16xi32>
      %parallel_loop3A_1689 = vector.shape_cast %parallel_loop3A_1688 : vector<16xi32> to vector<16x1xi32>
      %parallel_loop3A_1690 = vector.shape_cast %parallel_loop3A_1689 : vector<16x1xi32> to vector<16xi32>
      %parallel_loop3A_1691 = tpu.dynamic_gather %parallel_loop3A_1553[%parallel_loop3A_1690] in [0] : vector<16xf32>, vector<16xi32> -> vector<16xf32>
      %parallel_loop3A_1692 = arith.select %parallel_loop3A_1681, %parallel_loop3A_1417, %parallel_loop3A_1691 : vector<16xi1>, vector<16xf32>
      %parallel_loop3A_1693 = arith.constant 8 : i32
      %parallel_loop3A_1694 = vector.broadcast %parallel_loop3A_1693 : i32 to vector<16xi32>
      %parallel_loop3A_1695 = arith.andi %iota3A, %parallel_loop3A_1694 : vector<16xi32>
      %parallel_loop3A_1696 = arith.constant 0 : i32
      %parallel_loop3A_1697 = vector.broadcast %parallel_loop3A_1696 : i32 to vector<16xi32>
      %parallel_loop3A_1698 = arith.cmpi eq, %parallel_loop3A_1695, %parallel_loop3A_1697 : vector<16xi32>
      %parallel_loop3A_1699 = arith.constant 0 : i32
      %parallel_loop3A_1700 = vector.broadcast %parallel_loop3A_1699 : i32 to vector<16xi32>
      %parallel_loop3A_1701 = arith.cmpi slt, %parallel_loop3A_1624, %parallel_loop3A_1700 : vector<16xi32>
      %parallel_loop3A_1702 = arith.constant 16 : i32
      %parallel_loop3A_1703 = vector.broadcast %parallel_loop3A_1702 : i32 to vector<16xi32>
      %parallel_loop3A_1704 = arith.addi %parallel_loop3A_1624, %parallel_loop3A_1703 : vector<16xi32>
      %parallel_loop3A_1705 = arith.select %parallel_loop3A_1701, %parallel_loop3A_1704, %parallel_loop3A_1624 : vector<16xi1>, vector<16xi32>
      %parallel_loop3A_1706 = vector.shape_cast %parallel_loop3A_1705 : vector<16xi32> to vector<16x1xi32>
      %parallel_loop3A_1707 = vector.shape_cast %parallel_loop3A_1706 : vector<16x1xi32> to vector<16xi32>
      %parallel_loop3A_1708 = tpu.dynamic_gather %parallel_loop3A_1570[%parallel_loop3A_1707] in [0] : vector<16xf32>, vector<16xi32> -> vector<16xf32>
      %parallel_loop3A_1709 = arith.select %parallel_loop3A_1698, %parallel_loop3A_1434, %parallel_loop3A_1708 : vector<16xi1>, vector<16xf32>
      %parallel_loop3A_1710 = arith.constant 8 : i32
      %parallel_loop3A_1711 = vector.broadcast %parallel_loop3A_1710 : i32 to vector<16xi32>
      %parallel_loop3A_1712 = arith.andi %iota3A, %parallel_loop3A_1711 : vector<16xi32>
      %parallel_loop3A_1713 = arith.constant 0 : i32
      %parallel_loop3A_1714 = vector.broadcast %parallel_loop3A_1713 : i32 to vector<16xi32>
      %parallel_loop3A_1715 = arith.cmpi eq, %parallel_loop3A_1712, %parallel_loop3A_1714 : vector<16xi32>
      %parallel_loop3A_1716 = arith.constant 0 : i32
      %parallel_loop3A_1717 = vector.broadcast %parallel_loop3A_1716 : i32 to vector<16xi32>
      %parallel_loop3A_1718 = arith.cmpi slt, %parallel_loop3A_1624, %parallel_loop3A_1717 : vector<16xi32>
      %parallel_loop3A_1719 = arith.constant 16 : i32
      %parallel_loop3A_1720 = vector.broadcast %parallel_loop3A_1719 : i32 to vector<16xi32>
      %parallel_loop3A_1721 = arith.addi %parallel_loop3A_1624, %parallel_loop3A_1720 : vector<16xi32>
      %parallel_loop3A_1722 = arith.select %parallel_loop3A_1718, %parallel_loop3A_1721, %parallel_loop3A_1624 : vector<16xi1>, vector<16xi32>
      %parallel_loop3A_1723 = vector.shape_cast %parallel_loop3A_1722 : vector<16xi32> to vector<16x1xi32>
      %parallel_loop3A_1724 = vector.shape_cast %parallel_loop3A_1723 : vector<16x1xi32> to vector<16xi32>
      %parallel_loop3A_1725 = tpu.dynamic_gather %parallel_loop3A_1587[%parallel_loop3A_1724] in [0] : vector<16xf32>, vector<16xi32> -> vector<16xf32>
      %parallel_loop3A_1726 = arith.select %parallel_loop3A_1715, %parallel_loop3A_1451, %parallel_loop3A_1725 : vector<16xi1>, vector<16xf32>
      %parallel_loop3A_1727 = arith.constant 8 : i32
      %parallel_loop3A_1728 = vector.broadcast %parallel_loop3A_1727 : i32 to vector<16xi32>
      %parallel_loop3A_1729 = arith.andi %iota3A, %parallel_loop3A_1728 : vector<16xi32>
      %parallel_loop3A_1730 = arith.constant 0 : i32
      %parallel_loop3A_1731 = vector.broadcast %parallel_loop3A_1730 : i32 to vector<16xi32>
      %parallel_loop3A_1732 = arith.cmpi eq, %parallel_loop3A_1729, %parallel_loop3A_1731 : vector<16xi32>
      %parallel_loop3A_1733 = arith.constant 0 : i32
      %parallel_loop3A_1734 = vector.broadcast %parallel_loop3A_1733 : i32 to vector<16xi32>
      %parallel_loop3A_1735 = arith.cmpi slt, %parallel_loop3A_1624, %parallel_loop3A_1734 : vector<16xi32>
      %parallel_loop3A_1736 = arith.constant 16 : i32
      %parallel_loop3A_1737 = vector.broadcast %parallel_loop3A_1736 : i32 to vector<16xi32>
      %parallel_loop3A_1738 = arith.addi %parallel_loop3A_1624, %parallel_loop3A_1737 : vector<16xi32>
      %parallel_loop3A_1739 = arith.select %parallel_loop3A_1735, %parallel_loop3A_1738, %parallel_loop3A_1624 : vector<16xi1>, vector<16xi32>
      %parallel_loop3A_1740 = vector.shape_cast %parallel_loop3A_1739 : vector<16xi32> to vector<16x1xi32>
      %parallel_loop3A_1741 = vector.shape_cast %parallel_loop3A_1740 : vector<16x1xi32> to vector<16xi32>
      %parallel_loop3A_1742 = tpu.dynamic_gather %parallel_loop3A_1604[%parallel_loop3A_1741] in [0] : vector<16xf32>, vector<16xi32> -> vector<16xf32>
      %parallel_loop3A_1743 = arith.select %parallel_loop3A_1732, %parallel_loop3A_1468, %parallel_loop3A_1742 : vector<16xi1>, vector<16xf32>
      %parallel_loop3A_1744 = arith.constant 8 : i32
      %parallel_loop3A_1745 = vector.broadcast %parallel_loop3A_1744 : i32 to vector<16xi32>
      %parallel_loop3A_1746 = arith.andi %iota3A, %parallel_loop3A_1745 : vector<16xi32>
      %parallel_loop3A_1747 = arith.constant 0 : i32
      %parallel_loop3A_1748 = vector.broadcast %parallel_loop3A_1747 : i32 to vector<16xi32>
      %parallel_loop3A_1749 = arith.cmpi eq, %parallel_loop3A_1746, %parallel_loop3A_1748 : vector<16xi32>
      %parallel_loop3A_1750 = arith.constant 0 : i32
      %parallel_loop3A_1751 = vector.broadcast %parallel_loop3A_1750 : i32 to vector<16xi32>
      %parallel_loop3A_1752 = arith.cmpi slt, %parallel_loop3A_1624, %parallel_loop3A_1751 : vector<16xi32>
      %parallel_loop3A_1753 = arith.constant 16 : i32
      %parallel_loop3A_1754 = vector.broadcast %parallel_loop3A_1753 : i32 to vector<16xi32>
      %parallel_loop3A_1755 = arith.addi %parallel_loop3A_1624, %parallel_loop3A_1754 : vector<16xi32>
      %parallel_loop3A_1756 = arith.select %parallel_loop3A_1752, %parallel_loop3A_1755, %parallel_loop3A_1624 : vector<16xi1>, vector<16xi32>
      %parallel_loop3A_1757 = vector.shape_cast %parallel_loop3A_1756 : vector<16xi32> to vector<16x1xi32>
      %parallel_loop3A_1758 = vector.shape_cast %parallel_loop3A_1757 : vector<16x1xi32> to vector<16xi32>
      %parallel_loop3A_1759 = tpu.dynamic_gather %parallel_loop3A_1621[%parallel_loop3A_1758] in [0] : vector<16xf32>, vector<16xi32> -> vector<16xf32>
      %parallel_loop3A_1760 = arith.select %parallel_loop3A_1749, %parallel_loop3A_1485, %parallel_loop3A_1759 : vector<16xi1>, vector<16xf32>
      %parallel_loop3A_1761 = arith.constant 8 : i32
      %parallel_loop3A_1762 = vector.broadcast %parallel_loop3A_1761 : i32 to vector<16xi32>
      %parallel_loop3A_1763 = arith.andi %iota3A, %parallel_loop3A_1762 : vector<16xi32>
      %parallel_loop3A_1764 = arith.constant 8 : i32
      %parallel_loop3A_1765 = vector.broadcast %parallel_loop3A_1764 : i32 to vector<16xi32>
      %parallel_loop3A_1766 = arith.cmpi eq, %parallel_loop3A_1763, %parallel_loop3A_1765 : vector<16xi32>
      %parallel_loop3A_1767 = arith.constant 0 : i32
      %parallel_loop3A_1768 = vector.broadcast %parallel_loop3A_1767 : i32 to vector<16xi32>
      %parallel_loop3A_1769 = arith.cmpi slt, %parallel_loop3A_1624, %parallel_loop3A_1768 : vector<16xi32>
      %parallel_loop3A_1770 = arith.constant 16 : i32
      %parallel_loop3A_1771 = vector.broadcast %parallel_loop3A_1770 : i32 to vector<16xi32>
      %parallel_loop3A_1772 = arith.addi %parallel_loop3A_1624, %parallel_loop3A_1771 : vector<16xi32>
      %parallel_loop3A_1773 = arith.select %parallel_loop3A_1769, %parallel_loop3A_1772, %parallel_loop3A_1624 : vector<16xi1>, vector<16xi32>
      %parallel_loop3A_1774 = vector.shape_cast %parallel_loop3A_1773 : vector<16xi32> to vector<16x1xi32>
      %parallel_loop3A_1775 = vector.shape_cast %parallel_loop3A_1774 : vector<16x1xi32> to vector<16xi32>
      %parallel_loop3A_1776 = tpu.dynamic_gather %parallel_loop3A_1366[%parallel_loop3A_1775] in [0] : vector<16xf32>, vector<16xi32> -> vector<16xf32>
      %parallel_loop3A_1777 = arith.select %parallel_loop3A_1766, %parallel_loop3A_1502, %parallel_loop3A_1776 : vector<16xi1>, vector<16xf32>
      %parallel_loop3A_1778 = arith.constant 8 : i32
      %parallel_loop3A_1779 = vector.broadcast %parallel_loop3A_1778 : i32 to vector<16xi32>
      %parallel_loop3A_1780 = arith.andi %iota3A, %parallel_loop3A_1779 : vector<16xi32>
      %parallel_loop3A_1781 = arith.constant 8 : i32
      %parallel_loop3A_1782 = vector.broadcast %parallel_loop3A_1781 : i32 to vector<16xi32>
      %parallel_loop3A_1783 = arith.cmpi eq, %parallel_loop3A_1780, %parallel_loop3A_1782 : vector<16xi32>
      %parallel_loop3A_1784 = arith.constant 0 : i32
      %parallel_loop3A_1785 = vector.broadcast %parallel_loop3A_1784 : i32 to vector<16xi32>
      %parallel_loop3A_1786 = arith.cmpi slt, %parallel_loop3A_1624, %parallel_loop3A_1785 : vector<16xi32>
      %parallel_loop3A_1787 = arith.constant 16 : i32
      %parallel_loop3A_1788 = vector.broadcast %parallel_loop3A_1787 : i32 to vector<16xi32>
      %parallel_loop3A_1789 = arith.addi %parallel_loop3A_1624, %parallel_loop3A_1788 : vector<16xi32>
      %parallel_loop3A_1790 = arith.select %parallel_loop3A_1786, %parallel_loop3A_1789, %parallel_loop3A_1624 : vector<16xi1>, vector<16xi32>
      %parallel_loop3A_1791 = vector.shape_cast %parallel_loop3A_1790 : vector<16xi32> to vector<16x1xi32>
      %parallel_loop3A_1792 = vector.shape_cast %parallel_loop3A_1791 : vector<16x1xi32> to vector<16xi32>
      %parallel_loop3A_1793 = tpu.dynamic_gather %parallel_loop3A_1383[%parallel_loop3A_1792] in [0] : vector<16xf32>, vector<16xi32> -> vector<16xf32>
      %parallel_loop3A_1794 = arith.select %parallel_loop3A_1783, %parallel_loop3A_1519, %parallel_loop3A_1793 : vector<16xi1>, vector<16xf32>
      %parallel_loop3A_1795 = arith.constant 8 : i32
      %parallel_loop3A_1796 = vector.broadcast %parallel_loop3A_1795 : i32 to vector<16xi32>
      %parallel_loop3A_1797 = arith.andi %iota3A, %parallel_loop3A_1796 : vector<16xi32>
      %parallel_loop3A_1798 = arith.constant 8 : i32
      %parallel_loop3A_1799 = vector.broadcast %parallel_loop3A_1798 : i32 to vector<16xi32>
      %parallel_loop3A_1800 = arith.cmpi eq, %parallel_loop3A_1797, %parallel_loop3A_1799 : vector<16xi32>
      %parallel_loop3A_1801 = arith.constant 0 : i32
      %parallel_loop3A_1802 = vector.broadcast %parallel_loop3A_1801 : i32 to vector<16xi32>
      %parallel_loop3A_1803 = arith.cmpi slt, %parallel_loop3A_1624, %parallel_loop3A_1802 : vector<16xi32>
      %parallel_loop3A_1804 = arith.constant 16 : i32
      %parallel_loop3A_1805 = vector.broadcast %parallel_loop3A_1804 : i32 to vector<16xi32>
      %parallel_loop3A_1806 = arith.addi %parallel_loop3A_1624, %parallel_loop3A_1805 : vector<16xi32>
      %parallel_loop3A_1807 = arith.select %parallel_loop3A_1803, %parallel_loop3A_1806, %parallel_loop3A_1624 : vector<16xi1>, vector<16xi32>
      %parallel_loop3A_1808 = vector.shape_cast %parallel_loop3A_1807 : vector<16xi32> to vector<16x1xi32>
      %parallel_loop3A_1809 = vector.shape_cast %parallel_loop3A_1808 : vector<16x1xi32> to vector<16xi32>
      %parallel_loop3A_1810 = tpu.dynamic_gather %parallel_loop3A_1400[%parallel_loop3A_1809] in [0] : vector<16xf32>, vector<16xi32> -> vector<16xf32>
      %parallel_loop3A_1811 = arith.select %parallel_loop3A_1800, %parallel_loop3A_1536, %parallel_loop3A_1810 : vector<16xi1>, vector<16xf32>
      %parallel_loop3A_1812 = arith.constant 8 : i32
      %parallel_loop3A_1813 = vector.broadcast %parallel_loop3A_1812 : i32 to vector<16xi32>
      %parallel_loop3A_1814 = arith.andi %iota3A, %parallel_loop3A_1813 : vector<16xi32>
      %parallel_loop3A_1815 = arith.constant 8 : i32
      %parallel_loop3A_1816 = vector.broadcast %parallel_loop3A_1815 : i32 to vector<16xi32>
      %parallel_loop3A_1817 = arith.cmpi eq, %parallel_loop3A_1814, %parallel_loop3A_1816 : vector<16xi32>
      %parallel_loop3A_1818 = arith.constant 0 : i32
      %parallel_loop3A_1819 = vector.broadcast %parallel_loop3A_1818 : i32 to vector<16xi32>
      %parallel_loop3A_1820 = arith.cmpi slt, %parallel_loop3A_1624, %parallel_loop3A_1819 : vector<16xi32>
      %parallel_loop3A_1821 = arith.constant 16 : i32
      %parallel_loop3A_1822 = vector.broadcast %parallel_loop3A_1821 : i32 to vector<16xi32>
      %parallel_loop3A_1823 = arith.addi %parallel_loop3A_1624, %parallel_loop3A_1822 : vector<16xi32>
      %parallel_loop3A_1824 = arith.select %parallel_loop3A_1820, %parallel_loop3A_1823, %parallel_loop3A_1624 : vector<16xi1>, vector<16xi32>
      %parallel_loop3A_1825 = vector.shape_cast %parallel_loop3A_1824 : vector<16xi32> to vector<16x1xi32>
      %parallel_loop3A_1826 = vector.shape_cast %parallel_loop3A_1825 : vector<16x1xi32> to vector<16xi32>
      %parallel_loop3A_1827 = tpu.dynamic_gather %parallel_loop3A_1417[%parallel_loop3A_1826] in [0] : vector<16xf32>, vector<16xi32> -> vector<16xf32>
      %parallel_loop3A_1828 = arith.select %parallel_loop3A_1817, %parallel_loop3A_1553, %parallel_loop3A_1827 : vector<16xi1>, vector<16xf32>
      %parallel_loop3A_1829 = arith.constant 8 : i32
      %parallel_loop3A_1830 = vector.broadcast %parallel_loop3A_1829 : i32 to vector<16xi32>
      %parallel_loop3A_1831 = arith.andi %iota3A, %parallel_loop3A_1830 : vector<16xi32>
      %parallel_loop3A_1832 = arith.constant 8 : i32
      %parallel_loop3A_1833 = vector.broadcast %parallel_loop3A_1832 : i32 to vector<16xi32>
      %parallel_loop3A_1834 = arith.cmpi eq, %parallel_loop3A_1831, %parallel_loop3A_1833 : vector<16xi32>
      %parallel_loop3A_1835 = arith.constant 0 : i32
      %parallel_loop3A_1836 = vector.broadcast %parallel_loop3A_1835 : i32 to vector<16xi32>
      %parallel_loop3A_1837 = arith.cmpi slt, %parallel_loop3A_1624, %parallel_loop3A_1836 : vector<16xi32>
      %parallel_loop3A_1838 = arith.constant 16 : i32
      %parallel_loop3A_1839 = vector.broadcast %parallel_loop3A_1838 : i32 to vector<16xi32>
      %parallel_loop3A_1840 = arith.addi %parallel_loop3A_1624, %parallel_loop3A_1839 : vector<16xi32>
      %parallel_loop3A_1841 = arith.select %parallel_loop3A_1837, %parallel_loop3A_1840, %parallel_loop3A_1624 : vector<16xi1>, vector<16xi32>
      %parallel_loop3A_1842 = vector.shape_cast %parallel_loop3A_1841 : vector<16xi32> to vector<16x1xi32>
      %parallel_loop3A_1843 = vector.shape_cast %parallel_loop3A_1842 : vector<16x1xi32> to vector<16xi32>
      %parallel_loop3A_1844 = tpu.dynamic_gather %parallel_loop3A_1434[%parallel_loop3A_1843] in [0] : vector<16xf32>, vector<16xi32> -> vector<16xf32>
      %parallel_loop3A_1845 = arith.select %parallel_loop3A_1834, %parallel_loop3A_1570, %parallel_loop3A_1844 : vector<16xi1>, vector<16xf32>
      %parallel_loop3A_1846 = arith.constant 8 : i32
      %parallel_loop3A_1847 = vector.broadcast %parallel_loop3A_1846 : i32 to vector<16xi32>
      %parallel_loop3A_1848 = arith.andi %iota3A, %parallel_loop3A_1847 : vector<16xi32>
      %parallel_loop3A_1849 = arith.constant 8 : i32
      %parallel_loop3A_1850 = vector.broadcast %parallel_loop3A_1849 : i32 to vector<16xi32>
      %parallel_loop3A_1851 = arith.cmpi eq, %parallel_loop3A_1848, %parallel_loop3A_1850 : vector<16xi32>
      %parallel_loop3A_1852 = arith.constant 0 : i32
      %parallel_loop3A_1853 = vector.broadcast %parallel_loop3A_1852 : i32 to vector<16xi32>
      %parallel_loop3A_1854 = arith.cmpi slt, %parallel_loop3A_1624, %parallel_loop3A_1853 : vector<16xi32>
      %parallel_loop3A_1855 = arith.constant 16 : i32
      %parallel_loop3A_1856 = vector.broadcast %parallel_loop3A_1855 : i32 to vector<16xi32>
      %parallel_loop3A_1857 = arith.addi %parallel_loop3A_1624, %parallel_loop3A_1856 : vector<16xi32>
      %parallel_loop3A_1858 = arith.select %parallel_loop3A_1854, %parallel_loop3A_1857, %parallel_loop3A_1624 : vector<16xi1>, vector<16xi32>
      %parallel_loop3A_1859 = vector.shape_cast %parallel_loop3A_1858 : vector<16xi32> to vector<16x1xi32>
      %parallel_loop3A_1860 = vector.shape_cast %parallel_loop3A_1859 : vector<16x1xi32> to vector<16xi32>
      %parallel_loop3A_1861 = tpu.dynamic_gather %parallel_loop3A_1451[%parallel_loop3A_1860] in [0] : vector<16xf32>, vector<16xi32> -> vector<16xf32>
      %parallel_loop3A_1862 = arith.select %parallel_loop3A_1851, %parallel_loop3A_1587, %parallel_loop3A_1861 : vector<16xi1>, vector<16xf32>
      %parallel_loop3A_1863 = arith.constant 8 : i32
      %parallel_loop3A_1864 = vector.broadcast %parallel_loop3A_1863 : i32 to vector<16xi32>
      %parallel_loop3A_1865 = arith.andi %iota3A, %parallel_loop3A_1864 : vector<16xi32>
      %parallel_loop3A_1866 = arith.constant 8 : i32
      %parallel_loop3A_1867 = vector.broadcast %parallel_loop3A_1866 : i32 to vector<16xi32>
      %parallel_loop3A_1868 = arith.cmpi eq, %parallel_loop3A_1865, %parallel_loop3A_1867 : vector<16xi32>
      %parallel_loop3A_1869 = arith.constant 0 : i32
      %parallel_loop3A_1870 = vector.broadcast %parallel_loop3A_1869 : i32 to vector<16xi32>
      %parallel_loop3A_1871 = arith.cmpi slt, %parallel_loop3A_1624, %parallel_loop3A_1870 : vector<16xi32>
      %parallel_loop3A_1872 = arith.constant 16 : i32
      %parallel_loop3A_1873 = vector.broadcast %parallel_loop3A_1872 : i32 to vector<16xi32>
      %parallel_loop3A_1874 = arith.addi %parallel_loop3A_1624, %parallel_loop3A_1873 : vector<16xi32>
      %parallel_loop3A_1875 = arith.select %parallel_loop3A_1871, %parallel_loop3A_1874, %parallel_loop3A_1624 : vector<16xi1>, vector<16xi32>
      %parallel_loop3A_1876 = vector.shape_cast %parallel_loop3A_1875 : vector<16xi32> to vector<16x1xi32>
      %parallel_loop3A_1877 = vector.shape_cast %parallel_loop3A_1876 : vector<16x1xi32> to vector<16xi32>
      %parallel_loop3A_1878 = tpu.dynamic_gather %parallel_loop3A_1468[%parallel_loop3A_1877] in [0] : vector<16xf32>, vector<16xi32> -> vector<16xf32>
      %parallel_loop3A_1879 = arith.select %parallel_loop3A_1868, %parallel_loop3A_1604, %parallel_loop3A_1878 : vector<16xi1>, vector<16xf32>
      %parallel_loop3A_1880 = arith.constant 8 : i32
      %parallel_loop3A_1881 = vector.broadcast %parallel_loop3A_1880 : i32 to vector<16xi32>
      %parallel_loop3A_1882 = arith.andi %iota3A, %parallel_loop3A_1881 : vector<16xi32>
      %parallel_loop3A_1883 = arith.constant 8 : i32
      %parallel_loop3A_1884 = vector.broadcast %parallel_loop3A_1883 : i32 to vector<16xi32>
      %parallel_loop3A_1885 = arith.cmpi eq, %parallel_loop3A_1882, %parallel_loop3A_1884 : vector<16xi32>
      %parallel_loop3A_1886 = arith.constant 0 : i32
      %parallel_loop3A_1887 = vector.broadcast %parallel_loop3A_1886 : i32 to vector<16xi32>
      %parallel_loop3A_1888 = arith.cmpi slt, %parallel_loop3A_1624, %parallel_loop3A_1887 : vector<16xi32>
      %parallel_loop3A_1889 = arith.constant 16 : i32
      %parallel_loop3A_1890 = vector.broadcast %parallel_loop3A_1889 : i32 to vector<16xi32>
      %parallel_loop3A_1891 = arith.addi %parallel_loop3A_1624, %parallel_loop3A_1890 : vector<16xi32>
      %parallel_loop3A_1892 = arith.select %parallel_loop3A_1888, %parallel_loop3A_1891, %parallel_loop3A_1624 : vector<16xi1>, vector<16xi32>
      %parallel_loop3A_1893 = vector.shape_cast %parallel_loop3A_1892 : vector<16xi32> to vector<16x1xi32>
      %parallel_loop3A_1894 = vector.shape_cast %parallel_loop3A_1893 : vector<16x1xi32> to vector<16xi32>
      %parallel_loop3A_1895 = tpu.dynamic_gather %parallel_loop3A_1485[%parallel_loop3A_1894] in [0] : vector<16xf32>, vector<16xi32> -> vector<16xf32>
      %parallel_loop3A_1896 = arith.select %parallel_loop3A_1885, %parallel_loop3A_1621, %parallel_loop3A_1895 : vector<16xi1>, vector<16xf32>
      %parallel_loop3A_1897 = arith.constant 16 : i32
      %parallel_loop3A_1898 = arith.muli %parallel_loop3A_280, %parallel_loop3A_1897 : i32
      %parallel_loop3A_1899 = arith.constant 0 : i32
      %parallel_loop3A_1900 = arith.addi %parallel_loop3A_1898, %parallel_loop3A_1899 : i32
      %parallel_loop3A_1901 = arith.constant 0 : i32
      %parallel_loop3A_1902 = arith.index_cast %parallel_loop3A_1901 : i32 to index
      %parallel_loop3A_1903 = arith.index_cast %parallel_loop3A_1900 : i32 to index
      %parallel_loop3A_1904 = arith.index_cast %parallel_loop3A_282 : i32 to index
      %parallel_loop3A_1905 = tpu.vector_load %arg9[%parallel_loop3A_1902, %parallel_loop3A_1903, %parallel_loop3A_1904] {strides = array<i32>} : memref<2x32x80xf32, #tpu.memory_space<vmem>>, vector<1x1x16xf32>,
      %parallel_loop3A_1906 = vector.shape_cast %parallel_loop3A_1905 : vector<1x1x16xf32> to vector<16xf32>
      %parallel_loop3A_1907 = vector.shape_cast %parallel_loop3A_1641 : vector<16xf32> to vector<1x1x16xf32>
      tpu.vector_store %arg9[%parallel_loop3A_1902, %parallel_loop3A_1903, %parallel_loop3A_1904], %parallel_loop3A_1907 {strides = array<i32>} : memref<2x32x80xf32, #tpu.memory_space<vmem>>, vector<1x1x16xf32>,
      %parallel_loop3A_1908 = arith.constant 16 : i32
      %parallel_loop3A_1909 = arith.muli %parallel_loop3A_280, %parallel_loop3A_1908 : i32
      %parallel_loop3A_1910 = arith.constant 1 : i32
      %parallel_loop3A_1911 = arith.addi %parallel_loop3A_1909, %parallel_loop3A_1910 : i32
      %parallel_loop3A_1912 = arith.constant 0 : i32
      %parallel_loop3A_1913 = arith.index_cast %parallel_loop3A_1912 : i32 to index
      %parallel_loop3A_1914 = arith.index_cast %parallel_loop3A_1911 : i32 to index
      %parallel_loop3A_1915 = arith.index_cast %parallel_loop3A_282 : i32 to index
      %parallel_loop3A_1916 = tpu.vector_load %arg9[%parallel_loop3A_1913, %parallel_loop3A_1914, %parallel_loop3A_1915] {strides = array<i32>} : memref<2x32x80xf32, #tpu.memory_space<vmem>>, vector<1x1x16xf32>,
      %parallel_loop3A_1917 = vector.shape_cast %parallel_loop3A_1916 : vector<1x1x16xf32> to vector<16xf32>
      %parallel_loop3A_1918 = vector.shape_cast %parallel_loop3A_1658 : vector<16xf32> to vector<1x1x16xf32>
      tpu.vector_store %arg9[%parallel_loop3A_1913, %parallel_loop3A_1914, %parallel_loop3A_1915], %parallel_loop3A_1918 {strides = array<i32>} : memref<2x32x80xf32, #tpu.memory_space<vmem>>, vector<1x1x16xf32>,
      %parallel_loop3A_1919 = arith.constant 16 : i32
      %parallel_loop3A_1920 = arith.muli %parallel_loop3A_280, %parallel_loop3A_1919 : i32
      %parallel_loop3A_1921 = arith.constant 2 : i32
      %parallel_loop3A_1922 = arith.addi %parallel_loop3A_1920, %parallel_loop3A_1921 : i32
      %parallel_loop3A_1923 = arith.constant 0 : i32
      %parallel_loop3A_1924 = arith.index_cast %parallel_loop3A_1923 : i32 to index
      %parallel_loop3A_1925 = arith.index_cast %parallel_loop3A_1922 : i32 to index
      %parallel_loop3A_1926 = arith.index_cast %parallel_loop3A_282 : i32 to index
      %parallel_loop3A_1927 = tpu.vector_load %arg9[%parallel_loop3A_1924, %parallel_loop3A_1925, %parallel_loop3A_1926] {strides = array<i32>} : memref<2x32x80xf32, #tpu.memory_space<vmem>>, vector<1x1x16xf32>,
      %parallel_loop3A_1928 = vector.shape_cast %parallel_loop3A_1927 : vector<1x1x16xf32> to vector<16xf32>
      %parallel_loop3A_1929 = vector.shape_cast %parallel_loop3A_1675 : vector<16xf32> to vector<1x1x16xf32>
      tpu.vector_store %arg9[%parallel_loop3A_1924, %parallel_loop3A_1925, %parallel_loop3A_1926], %parallel_loop3A_1929 {strides = array<i32>} : memref<2x32x80xf32, #tpu.memory_space<vmem>>, vector<1x1x16xf32>,
      %parallel_loop3A_1930 = arith.constant 16 : i32
      %parallel_loop3A_1931 = arith.muli %parallel_loop3A_280, %parallel_loop3A_1930 : i32
      %parallel_loop3A_1932 = arith.constant 3 : i32
      %parallel_loop3A_1933 = arith.addi %parallel_loop3A_1931, %parallel_loop3A_1932 : i32
      %parallel_loop3A_1934 = arith.constant 0 : i32
      %parallel_loop3A_1935 = arith.index_cast %parallel_loop3A_1934 : i32 to index
      %parallel_loop3A_1936 = arith.index_cast %parallel_loop3A_1933 : i32 to index
      %parallel_loop3A_1937 = arith.index_cast %parallel_loop3A_282 : i32 to index
      %parallel_loop3A_1938 = tpu.vector_load %arg9[%parallel_loop3A_1935, %parallel_loop3A_1936, %parallel_loop3A_1937] {strides = array<i32>} : memref<2x32x80xf32, #tpu.memory_space<vmem>>, vector<1x1x16xf32>,
      %parallel_loop3A_1939 = vector.shape_cast %parallel_loop3A_1938 : vector<1x1x16xf32> to vector<16xf32>
      %parallel_loop3A_1940 = vector.shape_cast %parallel_loop3A_1692 : vector<16xf32> to vector<1x1x16xf32>
      tpu.vector_store %arg9[%parallel_loop3A_1935, %parallel_loop3A_1936, %parallel_loop3A_1937], %parallel_loop3A_1940 {strides = array<i32>} : memref<2x32x80xf32, #tpu.memory_space<vmem>>, vector<1x1x16xf32>,
      %parallel_loop3A_1941 = arith.constant 16 : i32
      %parallel_loop3A_1942 = arith.muli %parallel_loop3A_280, %parallel_loop3A_1941 : i32
      %parallel_loop3A_1943 = arith.constant 4 : i32
      %parallel_loop3A_1944 = arith.addi %parallel_loop3A_1942, %parallel_loop3A_1943 : i32
      %parallel_loop3A_1945 = arith.constant 0 : i32
      %parallel_loop3A_1946 = arith.index_cast %parallel_loop3A_1945 : i32 to index
      %parallel_loop3A_1947 = arith.index_cast %parallel_loop3A_1944 : i32 to index
      %parallel_loop3A_1948 = arith.index_cast %parallel_loop3A_282 : i32 to index
      %parallel_loop3A_1949 = tpu.vector_load %arg9[%parallel_loop3A_1946, %parallel_loop3A_1947, %parallel_loop3A_1948] {strides = array<i32>} : memref<2x32x80xf32, #tpu.memory_space<vmem>>, vector<1x1x16xf32>,
      %parallel_loop3A_1950 = vector.shape_cast %parallel_loop3A_1949 : vector<1x1x16xf32> to vector<16xf32>
      %parallel_loop3A_1951 = vector.shape_cast %parallel_loop3A_1709 : vector<16xf32> to vector<1x1x16xf32>
      tpu.vector_store %arg9[%parallel_loop3A_1946, %parallel_loop3A_1947, %parallel_loop3A_1948], %parallel_loop3A_1951 {strides = array<i32>} : memref<2x32x80xf32, #tpu.memory_space<vmem>>, vector<1x1x16xf32>,
      %parallel_loop3A_1952 = arith.constant 16 : i32
      %parallel_loop3A_1953 = arith.muli %parallel_loop3A_280, %parallel_loop3A_1952 : i32
      %parallel_loop3A_1954 = arith.constant 5 : i32
      %parallel_loop3A_1955 = arith.addi %parallel_loop3A_1953, %parallel_loop3A_1954 : i32
      %parallel_loop3A_1956 = arith.constant 0 : i32
      %parallel_loop3A_1957 = arith.index_cast %parallel_loop3A_1956 : i32 to index
      %parallel_loop3A_1958 = arith.index_cast %parallel_loop3A_1955 : i32 to index
      %parallel_loop3A_1959 = arith.index_cast %parallel_loop3A_282 : i32 to index
      %parallel_loop3A_1960 = tpu.vector_load %arg9[%parallel_loop3A_1957, %parallel_loop3A_1958, %parallel_loop3A_1959] {strides = array<i32>} : memref<2x32x80xf32, #tpu.memory_space<vmem>>, vector<1x1x16xf32>,
      %parallel_loop3A_1961 = vector.shape_cast %parallel_loop3A_1960 : vector<1x1x16xf32> to vector<16xf32>
      %parallel_loop3A_1962 = vector.shape_cast %parallel_loop3A_1726 : vector<16xf32> to vector<1x1x16xf32>
      tpu.vector_store %arg9[%parallel_loop3A_1957, %parallel_loop3A_1958, %parallel_loop3A_1959], %parallel_loop3A_1962 {strides = array<i32>} : memref<2x32x80xf32, #tpu.memory_space<vmem>>, vector<1x1x16xf32>,
      %parallel_loop3A_1963 = arith.constant 16 : i32
      %parallel_loop3A_1964 = arith.muli %parallel_loop3A_280, %parallel_loop3A_1963 : i32
      %parallel_loop3A_1965 = arith.constant 6 : i32
      %parallel_loop3A_1966 = arith.addi %parallel_loop3A_1964, %parallel_loop3A_1965 : i32
      %parallel_loop3A_1967 = arith.constant 0 : i32
      %parallel_loop3A_1968 = arith.index_cast %parallel_loop3A_1967 : i32 to index
      %parallel_loop3A_1969 = arith.index_cast %parallel_loop3A_1966 : i32 to index
      %parallel_loop3A_1970 = arith.index_cast %parallel_loop3A_282 : i32 to index
      %parallel_loop3A_1971 = tpu.vector_load %arg9[%parallel_loop3A_1968, %parallel_loop3A_1969, %parallel_loop3A_1970] {strides = array<i32>} : memref<2x32x80xf32, #tpu.memory_space<vmem>>, vector<1x1x16xf32>,
      %parallel_loop3A_1972 = vector.shape_cast %parallel_loop3A_1971 : vector<1x1x16xf32> to vector<16xf32>
      %parallel_loop3A_1973 = vector.shape_cast %parallel_loop3A_1743 : vector<16xf32> to vector<1x1x16xf32>
      tpu.vector_store %arg9[%parallel_loop3A_1968, %parallel_loop3A_1969, %parallel_loop3A_1970], %parallel_loop3A_1973 {strides = array<i32>} : memref<2x32x80xf32, #tpu.memory_space<vmem>>, vector<1x1x16xf32>,
      %parallel_loop3A_1974 = arith.constant 16 : i32
      %parallel_loop3A_1975 = arith.muli %parallel_loop3A_280, %parallel_loop3A_1974 : i32
      %parallel_loop3A_1976 = arith.constant 7 : i32
      %parallel_loop3A_1977 = arith.addi %parallel_loop3A_1975, %parallel_loop3A_1976 : i32
      %parallel_loop3A_1978 = arith.constant 0 : i32
      %parallel_loop3A_1979 = arith.index_cast %parallel_loop3A_1978 : i32 to index
      %parallel_loop3A_1980 = arith.index_cast %parallel_loop3A_1977 : i32 to index
      %parallel_loop3A_1981 = arith.index_cast %parallel_loop3A_282 : i32 to index
      %parallel_loop3A_1982 = tpu.vector_load %arg9[%parallel_loop3A_1979, %parallel_loop3A_1980, %parallel_loop3A_1981] {strides = array<i32>} : memref<2x32x80xf32, #tpu.memory_space<vmem>>, vector<1x1x16xf32>,
      %parallel_loop3A_1983 = vector.shape_cast %parallel_loop3A_1982 : vector<1x1x16xf32> to vector<16xf32>
      %parallel_loop3A_1984 = vector.shape_cast %parallel_loop3A_1760 : vector<16xf32> to vector<1x1x16xf32>
      tpu.vector_store %arg9[%parallel_loop3A_1979, %parallel_loop3A_1980, %parallel_loop3A_1981], %parallel_loop3A_1984 {strides = array<i32>} : memref<2x32x80xf32, #tpu.memory_space<vmem>>, vector<1x1x16xf32>,
      %parallel_loop3A_1985 = arith.constant 16 : i32
      %parallel_loop3A_1986 = arith.muli %parallel_loop3A_280, %parallel_loop3A_1985 : i32
      %parallel_loop3A_1987 = arith.constant 8 : i32
      %parallel_loop3A_1988 = arith.addi %parallel_loop3A_1986, %parallel_loop3A_1987 : i32
      %parallel_loop3A_1989 = arith.constant 0 : i32
      %parallel_loop3A_1990 = arith.index_cast %parallel_loop3A_1989 : i32 to index
      %parallel_loop3A_1991 = arith.index_cast %parallel_loop3A_1988 : i32 to index
      %parallel_loop3A_1992 = arith.index_cast %parallel_loop3A_282 : i32 to index
      %parallel_loop3A_1993 = tpu.vector_load %arg9[%parallel_loop3A_1990, %parallel_loop3A_1991, %parallel_loop3A_1992] {strides = array<i32>} : memref<2x32x80xf32, #tpu.memory_space<vmem>>, vector<1x1x16xf32>,
      %parallel_loop3A_1994 = vector.shape_cast %parallel_loop3A_1993 : vector<1x1x16xf32> to vector<16xf32>
      %parallel_loop3A_1995 = vector.shape_cast %parallel_loop3A_1777 : vector<16xf32> to vector<1x1x16xf32>
      tpu.vector_store %arg9[%parallel_loop3A_1990, %parallel_loop3A_1991, %parallel_loop3A_1992], %parallel_loop3A_1995 {strides = array<i32>} : memref<2x32x80xf32, #tpu.memory_space<vmem>>, vector<1x1x16xf32>,
      %parallel_loop3A_1996 = arith.constant 16 : i32
      %parallel_loop3A_1997 = arith.muli %parallel_loop3A_280, %parallel_loop3A_1996 : i32
      %parallel_loop3A_1998 = arith.constant 9 : i32
      %parallel_loop3A_1999 = arith.addi %parallel_loop3A_1997, %parallel_loop3A_1998 : i32
      %parallel_loop3A_2000 = arith.constant 0 : i32
      %parallel_loop3A_2001 = arith.index_cast %parallel_loop3A_2000 : i32 to index
      %parallel_loop3A_2002 = arith.index_cast %parallel_loop3A_1999 : i32 to index
      %parallel_loop3A_2003 = arith.index_cast %parallel_loop3A_282 : i32 to index
      %parallel_loop3A_2004 = tpu.vector_load %arg9[%parallel_loop3A_2001, %parallel_loop3A_2002, %parallel_loop3A_2003] {strides = array<i32>} : memref<2x32x80xf32, #tpu.memory_space<vmem>>, vector<1x1x16xf32>,
      %parallel_loop3A_2005 = vector.shape_cast %parallel_loop3A_2004 : vector<1x1x16xf32> to vector<16xf32>
      %parallel_loop3A_2006 = vector.shape_cast %parallel_loop3A_1794 : vector<16xf32> to vector<1x1x16xf32>
      tpu.vector_store %arg9[%parallel_loop3A_2001, %parallel_loop3A_2002, %parallel_loop3A_2003], %parallel_loop3A_2006 {strides = array<i32>} : memref<2x32x80xf32, #tpu.memory_space<vmem>>, vector<1x1x16xf32>,
      %parallel_loop3A_2007 = arith.constant 16 : i32
      %parallel_loop3A_2008 = arith.muli %parallel_loop3A_280, %parallel_loop3A_2007 : i32
      %parallel_loop3A_2009 = arith.constant 10 : i32
      %parallel_loop3A_2010 = arith.addi %parallel_loop3A_2008, %parallel_loop3A_2009 : i32
      %parallel_loop3A_2011 = arith.constant 0 : i32
      %parallel_loop3A_2012 = arith.index_cast %parallel_loop3A_2011 : i32 to index
      %parallel_loop3A_2013 = arith.index_cast %parallel_loop3A_2010 : i32 to index
      %parallel_loop3A_2014 = arith.index_cast %parallel_loop3A_282 : i32 to index
      %parallel_loop3A_2015 = tpu.vector_load %arg9[%parallel_loop3A_2012, %parallel_loop3A_2013, %parallel_loop3A_2014] {strides = array<i32>} : memref<2x32x80xf32, #tpu.memory_space<vmem>>, vector<1x1x16xf32>,
      %parallel_loop3A_2016 = vector.shape_cast %parallel_loop3A_2015 : vector<1x1x16xf32> to vector<16xf32>
      %parallel_loop3A_2017 = vector.shape_cast %parallel_loop3A_1811 : vector<16xf32> to vector<1x1x16xf32>
      tpu.vector_store %arg9[%parallel_loop3A_2012, %parallel_loop3A_2013, %parallel_loop3A_2014], %parallel_loop3A_2017 {strides = array<i32>} : memref<2x32x80xf32, #tpu.memory_space<vmem>>, vector<1x1x16xf32>,
      %parallel_loop3A_2018 = arith.constant 16 : i32
      %parallel_loop3A_2019 = arith.muli %parallel_loop3A_280, %parallel_loop3A_2018 : i32
      %parallel_loop3A_2020 = arith.constant 11 : i32
      %parallel_loop3A_2021 = arith.addi %parallel_loop3A_2019, %parallel_loop3A_2020 : i32
      %parallel_loop3A_2022 = arith.constant 0 : i32
      %parallel_loop3A_2023 = arith.index_cast %parallel_loop3A_2022 : i32 to index
      %parallel_loop3A_2024 = arith.index_cast %parallel_loop3A_2021 : i32 to index
      %parallel_loop3A_2025 = arith.index_cast %parallel_loop3A_282 : i32 to index
      %parallel_loop3A_2026 = tpu.vector_load %arg9[%parallel_loop3A_2023, %parallel_loop3A_2024, %parallel_loop3A_2025] {strides = array<i32>} : memref<2x32x80xf32, #tpu.memory_space<vmem>>, vector<1x1x16xf32>,
      %parallel_loop3A_2027 = vector.shape_cast %parallel_loop3A_2026 : vector<1x1x16xf32> to vector<16xf32>
      %parallel_loop3A_2028 = vector.shape_cast %parallel_loop3A_1828 : vector<16xf32> to vector<1x1x16xf32>
      tpu.vector_store %arg9[%parallel_loop3A_2023, %parallel_loop3A_2024, %parallel_loop3A_2025], %parallel_loop3A_2028 {strides = array<i32>} : memref<2x32x80xf32, #tpu.memory_space<vmem>>, vector<1x1x16xf32>,
      %parallel_loop3A_2029 = arith.constant 16 : i32
      %parallel_loop3A_2030 = arith.muli %parallel_loop3A_280, %parallel_loop3A_2029 : i32
      %parallel_loop3A_2031 = arith.constant 12 : i32
      %parallel_loop3A_2032 = arith.addi %parallel_loop3A_2030, %parallel_loop3A_2031 : i32
      %parallel_loop3A_2033 = arith.constant 0 : i32
      %parallel_loop3A_2034 = arith.index_cast %parallel_loop3A_2033 : i32 to index
      %parallel_loop3A_2035 = arith.index_cast %parallel_loop3A_2032 : i32 to index
      %parallel_loop3A_2036 = arith.index_cast %parallel_loop3A_282 : i32 to index
      %parallel_loop3A_2037 = tpu.vector_load %arg9[%parallel_loop3A_2034, %parallel_loop3A_2035, %parallel_loop3A_2036] {strides = array<i32>} : memref<2x32x80xf32, #tpu.memory_space<vmem>>, vector<1x1x16xf32>,
      %parallel_loop3A_2038 = vector.shape_cast %parallel_loop3A_2037 : vector<1x1x16xf32> to vector<16xf32>
      %parallel_loop3A_2039 = vector.shape_cast %parallel_loop3A_1845 : vector<16xf32> to vector<1x1x16xf32>
      tpu.vector_store %arg9[%parallel_loop3A_2034, %parallel_loop3A_2035, %parallel_loop3A_2036], %parallel_loop3A_2039 {strides = array<i32>} : memref<2x32x80xf32, #tpu.memory_space<vmem>>, vector<1x1x16xf32>,
      %parallel_loop3A_2040 = arith.constant 16 : i32
      %parallel_loop3A_2041 = arith.muli %parallel_loop3A_280, %parallel_loop3A_2040 : i32
      %parallel_loop3A_2042 = arith.constant 13 : i32
      %parallel_loop3A_2043 = arith.addi %parallel_loop3A_2041, %parallel_loop3A_2042 : i32
      %parallel_loop3A_2044 = arith.constant 0 : i32
      %parallel_loop3A_2045 = arith.index_cast %parallel_loop3A_2044 : i32 to index
      %parallel_loop3A_2046 = arith.index_cast %parallel_loop3A_2043 : i32 to index
      %parallel_loop3A_2047 = arith.index_cast %parallel_loop3A_282 : i32 to index
      %parallel_loop3A_2048 = tpu.vector_load %arg9[%parallel_loop3A_2045, %parallel_loop3A_2046, %parallel_loop3A_2047] {strides = array<i32>} : memref<2x32x80xf32, #tpu.memory_space<vmem>>, vector<1x1x16xf32>,
      %parallel_loop3A_2049 = vector.shape_cast %parallel_loop3A_2048 : vector<1x1x16xf32> to vector<16xf32>
      %parallel_loop3A_2050 = vector.shape_cast %parallel_loop3A_1862 : vector<16xf32> to vector<1x1x16xf32>
      tpu.vector_store %arg9[%parallel_loop3A_2045, %parallel_loop3A_2046, %parallel_loop3A_2047], %parallel_loop3A_2050 {strides = array<i32>} : memref<2x32x80xf32, #tpu.memory_space<vmem>>, vector<1x1x16xf32>,
      %parallel_loop3A_2051 = arith.constant 16 : i32
      %parallel_loop3A_2052 = arith.muli %parallel_loop3A_280, %parallel_loop3A_2051 : i32
      %parallel_loop3A_2053 = arith.constant 14 : i32
      %parallel_loop3A_2054 = arith.addi %parallel_loop3A_2052, %parallel_loop3A_2053 : i32
      %parallel_loop3A_2055 = arith.constant 0 : i32
      %parallel_loop3A_2056 = arith.index_cast %parallel_loop3A_2055 : i32 to index
      %parallel_loop3A_2057 = arith.index_cast %parallel_loop3A_2054 : i32 to index
      %parallel_loop3A_2058 = arith.index_cast %parallel_loop3A_282 : i32 to index
      %parallel_loop3A_2059 = tpu.vector_load %arg9[%parallel_loop3A_2056, %parallel_loop3A_2057, %parallel_loop3A_2058] {strides = array<i32>} : memref<2x32x80xf32, #tpu.memory_space<vmem>>, vector<1x1x16xf32>,
      %parallel_loop3A_2060 = vector.shape_cast %parallel_loop3A_2059 : vector<1x1x16xf32> to vector<16xf32>
      %parallel_loop3A_2061 = vector.shape_cast %parallel_loop3A_1879 : vector<16xf32> to vector<1x1x16xf32>
      tpu.vector_store %arg9[%parallel_loop3A_2056, %parallel_loop3A_2057, %parallel_loop3A_2058], %parallel_loop3A_2061 {strides = array<i32>} : memref<2x32x80xf32, #tpu.memory_space<vmem>>, vector<1x1x16xf32>,
      %parallel_loop3A_2062 = arith.constant 16 : i32
      %parallel_loop3A_2063 = arith.muli %parallel_loop3A_280, %parallel_loop3A_2062 : i32
      %parallel_loop3A_2064 = arith.constant 15 : i32
      %parallel_loop3A_2065 = arith.addi %parallel_loop3A_2063, %parallel_loop3A_2064 : i32
      %parallel_loop3A_2066 = arith.constant 0 : i32
      %parallel_loop3A_2067 = arith.index_cast %parallel_loop3A_2066 : i32 to index
      %parallel_loop3A_2068 = arith.index_cast %parallel_loop3A_2065 : i32 to index
      %parallel_loop3A_2069 = arith.index_cast %parallel_loop3A_282 : i32 to index
      %parallel_loop3A_2070 = tpu.vector_load %arg9[%parallel_loop3A_2067, %parallel_loop3A_2068, %parallel_loop3A_2069] {strides = array<i32>} : memref<2x32x80xf32, #tpu.memory_space<vmem>>, vector<1x1x16xf32>,
      %parallel_loop3A_2071 = vector.shape_cast %parallel_loop3A_2070 : vector<1x1x16xf32> to vector<16xf32>
      %parallel_loop3A_2072 = vector.shape_cast %parallel_loop3A_1896 : vector<16xf32> to vector<1x1x16xf32>
      tpu.vector_store %arg9[%parallel_loop3A_2067, %parallel_loop3A_2068, %parallel_loop3A_2069], %parallel_loop3A_2072 {strides = array<i32>} : memref<2x32x80xf32, #tpu.memory_space<vmem>>, vector<1x1x16xf32>,
    } {sc.loop_unroll_factor = 1 : i64, sc.parallel_access}
    %dma_wait3A_213 = arith.constant 1 : i32
    %dma_wait3A_214 = arith.constant 0 : i32
    %dma_wait3A_215 = arith.constant 0 : i32
    %dma_wait3A_216 = tpu.memref_slice %arg9[%dma_wait3A_213, %dma_wait3A_214, %dma_wait3A_215] : memref<2x32x80xf32, #tpu.memory_space<vmem>> -> memref<1x32x80xf32, #tpu.memory_space<vmem>>
    %dma_wait3A_217 = tpu.memref_squeeze %dma_wait3A_216 : memref<1x32x80xf32, #tpu.memory_space<vmem>> -> memref<32x80xf32, #tpu.memory_space<vmem>>
    %dma_wait3A_218 = arith.constant 0 : i32
    %dma_wait3A_219 = tpu.memref_slice %arg6[%dma_wait3A_218, %mul3A_2] : memref<32x320000xf32, #tpu.memory_space<hbm>> -> memref<32x80xf32, #tpu.memory_space<hbm>>
    %dma_wait3A_220 = arith.constant 0 : i32
    %dma_wait3A_221 = tpu.memref_slice %arg6[%dma_wait3A_220, %mul3A_2] : memref<32x320000xf32, #tpu.memory_space<hbm>> -> memref<32x80xf32, #tpu.memory_space<hbm>>
    %dma_wait3A_222 = arith.constant 0 : i32
    %dma_wait3A_223 = arith.constant 0 : i32
    %dma_wait3A_224 = tpu.memref_slice %arg9[%dma_wait3A_213, %dma_wait3A_222, %dma_wait3A_223] : memref<2x32x80xf32, #tpu.memory_space<vmem>> -> memref<1x32x80xf32, #tpu.memory_space<vmem>>
    %dma_wait3A_225 = tpu.memref_squeeze %dma_wait3A_224 : memref<1x32x80xf32, #tpu.memory_space<vmem>> -> memref<32x80xf32, #tpu.memory_space<vmem>>
    tpu.wait_dma2 semaphore(%arg12 : memref<!tpu.dma_semaphore, #tpu.memory_space<semaphore_mem>>) src(%dma_wait3A_225 : memref<32x80xf32, #tpu.memory_space<vmem>>) dst(%dma_wait3A_221 : memref<32x80xf32, #tpu.memory_space<hbm>>)
    %add3A_226 = arith.constant 9920 : i32
    %add3A_227 = arith.addi %mul3A_2, %add3A_226 : i32
    %dma_start3A_228 = arith.constant 0 : i32
    %dma_start3A_229 = arith.constant 0 : i32
    %dma_start3A_230 = arith.constant 0 : i32
    %dma_start3A_231 = tpu.memref_slice %arg9[%dma_start3A_228, %dma_start3A_229, %dma_start3A_230] : memref<2x32x80xf32, #tpu.memory_space<vmem>> -> memref<1x32x80xf32, #tpu.memory_space<vmem>>
    %dma_start3A_232 = tpu.memref_squeeze %dma_start3A_231 : memref<1x32x80xf32, #tpu.memory_space<vmem>> -> memref<32x80xf32, #tpu.memory_space<vmem>>
    %dma_start3A_233 = arith.constant 0 : i32
    %dma_start3A_234 = tpu.memref_slice %arg6[%dma_start3A_233, %add3A_227] : memref<32x320000xf32, #tpu.memory_space<hbm>> -> memref<32x80xf32, #tpu.memory_space<hbm>>
    %dma_start3A_235 = arith.constant 0 : i32
    %dma_start3A_236 = tpu.memref_slice %arg6[%dma_start3A_235, %add3A_227] : memref<32x320000xf32, #tpu.memory_space<hbm>> -> memref<32x80xf32, #tpu.memory_space<hbm>>
    %dma_start3A_237 = arith.constant 0 : i32
    %dma_start3A_238 = arith.constant 0 : i32
    %dma_start3A_239 = tpu.memref_slice %arg9[%dma_start3A_228, %dma_start3A_237, %dma_start3A_238] : memref<2x32x80xf32, #tpu.memory_space<vmem>> -> memref<1x32x80xf32, #tpu.memory_space<vmem>>
    %dma_start3A_240 = tpu.memref_squeeze %dma_start3A_239 : memref<1x32x80xf32, #tpu.memory_space<vmem>> -> memref<32x80xf32, #tpu.memory_space<vmem>>
    tpu.enqueue_dma source(%dma_start3A_240 : memref<32x80xf32, #tpu.memory_space<vmem>>) target(%dma_start3A_236 : memref<32x80xf32, #tpu.memory_space<hbm>>) target_semaphore(%arg12 : memref<!tpu.dma_semaphore, #tpu.memory_space<semaphore_mem>>)
    %dma_wait3A_241 = arith.constant 0 : i32
    %dma_wait3A_242 = arith.constant 0 : i32
    %dma_wait3A_243 = arith.constant 0 : i32
    %dma_wait3A_244 = tpu.memref_slice %arg9[%dma_wait3A_241, %dma_wait3A_242, %dma_wait3A_243] : memref<2x32x80xf32, #tpu.memory_space<vmem>> -> memref<1x32x80xf32, #tpu.memory_space<vmem>>
    %dma_wait3A_245 = tpu.memref_squeeze %dma_wait3A_244 : memref<1x32x80xf32, #tpu.memory_space<vmem>> -> memref<32x80xf32, #tpu.memory_space<vmem>>
    %dma_wait3A_246 = arith.constant 0 : i32
    %dma_wait3A_247 = tpu.memref_slice %arg6[%dma_wait3A_246, %mul3A_2] : memref<32x320000xf32, #tpu.memory_space<hbm>> -> memref<32x80xf32, #tpu.memory_space<hbm>>
    %dma_wait3A_248 = arith.constant 0 : i32
    %dma_wait3A_249 = tpu.memref_slice %arg6[%dma_wait3A_248, %mul3A_2] : memref<32x320000xf32, #tpu.memory_space<hbm>> -> memref<32x80xf32, #tpu.memory_space<hbm>>
    %dma_wait3A_250 = arith.constant 0 : i32
    %dma_wait3A_251 = arith.constant 0 : i32
    %dma_wait3A_252 = tpu.memref_slice %arg9[%dma_wait3A_241, %dma_wait3A_250, %dma_wait3A_251] : memref<2x32x80xf32, #tpu.memory_space<vmem>> -> memref<1x32x80xf32, #tpu.memory_space<vmem>>
    %dma_wait3A_253 = tpu.memref_squeeze %dma_wait3A_252 : memref<1x32x80xf32, #tpu.memory_space<vmem>> -> memref<32x80xf32, #tpu.memory_space<vmem>>
    tpu.wait_dma2 semaphore(%arg12 : memref<!tpu.dma_semaphore, #tpu.memory_space<semaphore_mem>>) src(%dma_wait3A_253 : memref<32x80xf32, #tpu.memory_space<vmem>>) dst(%dma_wait3A_249 : memref<32x80xf32, #tpu.memory_space<hbm>>)
    return
  }
}

module attributes {stable_mosaic.version = 14 : i64} {
  func.func @_tables_body(%arg0: i32, %arg1: memref<2000x128xf32, #tpu.memory_space<vmem>>, %arg2: memref<2000x128xf32, #tpu.memory_space<vmem>>, %arg3: memref<128x32xf32, #tpu.memory_space<vmem>>, %arg4: memref<128x32xf32, #tpu.memory_space<vmem>>, %arg5: memref<96x32xf32, #tpu.memory_space<vmem>>, %arg6: memref<2000x32xf32, #tpu.memory_space<vmem>>, %arg7: memref<2000x32xf32, #tpu.memory_space<vmem>>, %arg8: memref<2000x32xf32, #tpu.memory_space<vmem>>) attributes {dimension_semantics = [#tpu.dimension_semantics<arbitrary>], iteration_bounds = array<i64: 5>, scalar_prefetch = 0 : i64, scratch_operands = 0 : i64, tpu.core_type = #tpu.core_type<tc>, window_params = [{transform_indices = @transform_0, window_bounds = array<i64: 2000, 128>}, {transform_indices = @transform_1, window_bounds = array<i64: 2000, 128>}, {pipeline_mode = #tpu.pipeline_mode<synchronous>, transform_indices = @transform_2, window_bounds = array<i64: 128, 32>}, {pipeline_mode = #tpu.pipeline_mode<synchronous>, transform_indices = @transform_3, window_bounds = array<i64: 128, 32>}, {pipeline_mode = #tpu.pipeline_mode<synchronous>, transform_indices = @transform_4, window_bounds = array<i64: 96, 32>}, {transform_indices = @transform_5, window_bounds = array<i64: 2000, 32>}, {transform_indices = @transform_6, window_bounds = array<i64: 2000, 32>}, {transform_indices = @transform_7, window_bounds = array<i64: 2000, 32>}]} {
    %get3A = arith.constant 0 : index
    %get3A_0 = arith.constant 0 : index
    %get3A_1 = vector.load %arg3[%get3A, %get3A_0] : memref<128x32xf32, #tpu.memory_space<vmem>>, vector<128x32xf32>
    %get3A_2 = arith.constant 0 : index
    %get3A_3 = arith.constant 0 : index
    %get3A_4 = vector.load %arg5[%get3A_2, %get3A_3] : memref<96x32xf32, #tpu.memory_space<vmem>>, vector<32x32xf32>
    %dot_general3A = arith.constant dense<0.000000e+00> : vector<128x32xf32>
    %dot_general3A_5 = tpu.matmul %get3A_1, %get3A_4, %dot_general3A {dimension_numbers = #tpu.dot_dimension_numbers<[1], [0], [0], [1], [0, 0, 1, 1], [], []>, transpose_lhs_hint = false} : vector<128x32xf32>, vector<32x32xf32>, vector<128x32xf32> -> vector<128x32xf32>
    %get3A_6 = arith.constant 0 : index
    %get3A_7 = arith.constant 0 : index
    %get3A_8 = vector.load %arg3[%get3A_6, %get3A_7] : memref<128x32xf32, #tpu.memory_space<vmem>>, vector<128x32xf32>
    %get3A_9 = arith.constant 32 : index
    %get3A_10 = arith.constant 0 : index
    %get3A_11 = vector.load %arg5[%get3A_9, %get3A_10] : memref<96x32xf32, #tpu.memory_space<vmem>>, vector<32x32xf32>
    %dot_general3A_12 = arith.constant dense<0.000000e+00> : vector<128x32xf32>
    %dot_general3A_13 = tpu.matmul %get3A_8, %get3A_11, %dot_general3A_12 {dimension_numbers = #tpu.dot_dimension_numbers<[1], [0], [0], [1], [0, 0, 1, 1], [], []>, transpose_lhs_hint = false} : vector<128x32xf32>, vector<32x32xf32>, vector<128x32xf32> -> vector<128x32xf32>
    %get3A_14 = arith.constant 0 : index
    %get3A_15 = arith.constant 0 : index
    %get3A_16 = vector.load %arg4[%get3A_14, %get3A_15] : memref<128x32xf32, #tpu.memory_space<vmem>>, vector<128x32xf32>
    %get3A_17 = arith.constant 64 : index
    %get3A_18 = arith.constant 0 : index
    %get3A_19 = vector.load %arg5[%get3A_17, %get3A_18] : memref<96x32xf32, #tpu.memory_space<vmem>>, vector<32x32xf32>
    %dot_general3A_20 = arith.constant dense<0.000000e+00> : vector<128x32xf32>
    %dot_general3A_21 = tpu.matmul %get3A_16, %get3A_19, %dot_general3A_20 {dimension_numbers = #tpu.dot_dimension_numbers<[1], [0], [0], [1], [0, 0, 1, 1], [], []>, transpose_lhs_hint = false} : vector<128x32xf32>, vector<32x32xf32>, vector<128x32xf32> -> vector<128x32xf32>
    %get3A_22 = arith.constant 0 : index
    %get3A_23 = arith.constant 0 : index
    %get3A_24 = vector.load %arg1[%get3A_22, %get3A_23] : memref<2000x128xf32, #tpu.memory_space<vmem>>, vector<2000x128xf32>
    %get3A_25 = arith.constant 0 : index
    %get3A_26 = arith.constant 0 : index
    %get3A_27 = vector.load %arg2[%get3A_25, %get3A_26] : memref<2000x128xf32, #tpu.memory_space<vmem>>, vector<2000x128xf32>
    %dot_general3A_28 = arith.constant dense<0.000000e+00> : vector<2000x32xf32>
    %dot_general3A_29 = tpu.matmul %get3A_24, %dot_general3A_5, %dot_general3A_28 {dimension_numbers = #tpu.dot_dimension_numbers<[1], [0], [0], [1], [0, 0, 1, 1], [], []>, transpose_lhs_hint = false} : vector<2000x128xf32>, vector<128x32xf32>, vector<2000x32xf32> -> vector<2000x32xf32>
    %swap3A = arith.constant 0 : index
    %swap3A_30 = arith.constant 0 : index
    %swap3A_31 = vector.load %arg6[%swap3A, %swap3A_30] : memref<2000x32xf32, #tpu.memory_space<vmem>>, vector<2000x32xf32>
    tpu.vector_store %arg6[%swap3A, %swap3A_30], %dot_general3A_29 {strides = array<i32>} : memref<2000x32xf32, #tpu.memory_space<vmem>>, vector<2000x32xf32>,
    %dot_general3A_32 = arith.constant dense<0.000000e+00> : vector<2000x32xf32>
    %dot_general3A_33 = tpu.matmul %get3A_24, %dot_general3A_13, %dot_general3A_32 {dimension_numbers = #tpu.dot_dimension_numbers<[1], [0], [0], [1], [0, 0, 1, 1], [], []>, transpose_lhs_hint = false} : vector<2000x128xf32>, vector<128x32xf32>, vector<2000x32xf32> -> vector<2000x32xf32>
    %swap3A_34 = arith.constant 0 : index
    %swap3A_35 = arith.constant 0 : index
    %swap3A_36 = vector.load %arg7[%swap3A_34, %swap3A_35] : memref<2000x32xf32, #tpu.memory_space<vmem>>, vector<2000x32xf32>
    tpu.vector_store %arg7[%swap3A_34, %swap3A_35], %dot_general3A_33 {strides = array<i32>} : memref<2000x32xf32, #tpu.memory_space<vmem>>, vector<2000x32xf32>,
    %dot_general3A_37 = arith.constant dense<0.000000e+00> : vector<2000x32xf32>
    %dot_general3A_38 = tpu.matmul %get3A_27, %dot_general3A_21, %dot_general3A_37 {dimension_numbers = #tpu.dot_dimension_numbers<[1], [0], [0], [1], [0, 0, 1, 1], [], []>, transpose_lhs_hint = false} : vector<2000x128xf32>, vector<128x32xf32>, vector<2000x32xf32> -> vector<2000x32xf32>
    %swap3A_39 = arith.constant 0 : index
    %swap3A_40 = arith.constant 0 : index
    %swap3A_41 = vector.load %arg8[%swap3A_39, %swap3A_40] : memref<2000x32xf32, #tpu.memory_space<vmem>>, vector<2000x32xf32>
    tpu.vector_store %arg8[%swap3A_39, %swap3A_40], %dot_general3A_38 {strides = array<i32>} : memref<2000x32xf32, #tpu.memory_space<vmem>>, vector<2000x32xf32>,
    return
  }
  func.func @transform_0(%arg0: i32) -> (i32, i32) {
    %c0_i32 = arith.constant 0 : i32
    %c0_i32_0 = arith.constant 0 : i32
    return %arg0, %c0_i32 : i32, i32
  }
  func.func @transform_1(%arg0: i32) -> (i32, i32) {
    %c0_i32 = arith.constant 0 : i32
    %c0_i32_0 = arith.constant 0 : i32
    return %arg0, %c0_i32 : i32, i32
  }
  func.func @transform_2(%arg0: i32) -> (i32, i32) {
    %c0_i32 = arith.constant 0 : i32
    %c0_i32_0 = arith.constant 0 : i32
    %c0_i32_1 = arith.constant 0 : i32
    return %c0_i32, %c0_i32_0 : i32, i32
  }
  func.func @transform_3(%arg0: i32) -> (i32, i32) {
    %c0_i32 = arith.constant 0 : i32
    %c0_i32_0 = arith.constant 0 : i32
    %c0_i32_1 = arith.constant 0 : i32
    return %c0_i32, %c0_i32_0 : i32, i32
  }
  func.func @transform_4(%arg0: i32) -> (i32, i32) {
    %c0_i32 = arith.constant 0 : i32
    %c0_i32_0 = arith.constant 0 : i32
    %c0_i32_1 = arith.constant 0 : i32
    return %c0_i32, %c0_i32_0 : i32, i32
  }
  func.func @transform_5(%arg0: i32) -> (i32, i32) {
    %c0_i32 = arith.constant 0 : i32
    %c0_i32_0 = arith.constant 0 : i32
    return %arg0, %c0_i32 : i32, i32
  }
  func.func @transform_6(%arg0: i32) -> (i32, i32) {
    %c0_i32 = arith.constant 0 : i32
    %c0_i32_0 = arith.constant 0 : i32
    return %arg0, %c0_i32 : i32, i32
  }
  func.func @transform_7(%arg0: i32) -> (i32, i32) {
    %c0_i32 = arith.constant 0 : i32
    %c0_i32_0 = arith.constant 0 : i32
    return %arg0, %c0_i32 : i32, i32
  }
}

</mosaic_0001>

<sc_bundles>
// kernel: kernel.4.cloned.1.call-start
scs
__scs_entry_jumppad:
0x0: {  	(pc) =	sbr.rel $0x88, $3  }
0x1: {  	(tag) =	ssettag $0x0;
	lr =	simm.s32 $0x1  }
0x2: {  	[smem:$0x3F9B] =	sst lr;
	_ =	strace $0xD0000000  }
0x3: {  	_ = 	snop  }
0x4: {  	_ = 	snop  }
0x5: {  	_ = 	snop  }
0x6: {  	_ = 	snop  }
0x7: {  	_ = 	snop  }
__scs_overlays_trampoline_lowered:
0x8: {  	[smem:$0x3FAA] =	sst s0  }
0x9: {  	[smem:$0x3FAB] =	sst s1  }
0xa: {  	[smem:$0x3FAC] =	sst s2  }
0xb: {  	[smem:$0x3FAD] =	sst s3  }
0xc: {  	[smem:$0x3FAE] =	sst s4  }
0xd: {  	[smem:$0x3FAF] =	sst s5  }
0xe: {  	[smem:$0x3FB0] =	sst s6  }
0xf: {  	[smem:$0x3FB1] =	sst s7  }
0x10: {  	[smem:$0x3FB2] =	sst s8  }
0x11: {  	[smem:$0x3FB3] =	sst s9;
	s0 =	simm.s32 @!p0 $0x0  }
0x12: {  	s1 =	sld [smem:$0x3F99];
	s0 =	simm.s32 @p0 $0x1  }
0x13: {  	[smem:$0x3FB4] =	sst s0;
	s0 =	simm.s32 @!p1 $0x0  }
0x14: {  	s2 =	sld [smem:$0x3F98];
	s0 =	simm.s32 @p1 $0x1  }
0x15: {  	[smem:$0x3FB5] =	sst s0;
	s0 =	simm.s32 @!p2 $0x0  }
0x16: {  	s3 =	sld [smem:$0x3FDB];
	s0 =	simm.s32 @p2 $0x1  }
0x17: {  	s4 =	simm.s32 $0x1BF5;
	[smem:$0x3FB7] =	sst s0  }
0x18: {  	s0 =	sld [smem:$0x3F9A];
	_ =	swait.ge [sflag:s4], $0x0  }
0x19: {  	s7 =	sld [smem:$0x3F9B]  }
0x1a: {  	s8 =	sadd.s32 $0xFFFFE003, lr  }
0x1b: {  	s9 =	sadd.s32 $0xFFFFFEF7, lr;
	s5 =	simm.s32 $0xFFFFFFFF;
	p2 =	slt.u32 s8, $0xFFFFF086  }
0x1c: {  	p1 =	slt.u32 s9, $0xF7A;
	s5 =	simm.s32 @!p2 $0x0  }
0x1d: {  	s5 =	simm.s32 @p1 $0x1;
	p0 =	seq.s32 s7, s2  }
0x1e: {  	s7 =	smul.u32 @!p0 $0xF7A, s2;
	p2 =	seq.s32 @!p0 s5, $0x0  }
0x1f: {  	s9 =	smul.u32 $0xF7A, s1;
	s8 =	simm.s32 @!p0 $0x1BF5;
	p2 =	por !p2, p0  }
0x20: {  	[sflag:s8] =	ssyncset.s32 @!p0 $0xFFFFF086;
	s6 =	sadd.s32 @!p0 s3, s7;
	s7 =	simm.s32 @!p0 $0x108  }
0x21: {  	s3 =	sadd.s32 s3, s9;
	s6 =	sadd.s32 @!p0 $0x88, s6;
	s7 =	simm.s32 @p2 $0x1082  }
0x22: {  	[simem:s7], [sflag:s8] =	dma.local @!p0 [hbm:s6], $0xF7A  }
0x23: {  	s9 =	sor.u32 $0xD0000000, s2;
	s6 =	simm.s32 $0x108;
	_ =	swait.ge @!p0 [sflag:s8], $0x0  }
0x24: {  	s3 =	sadd.s32 $0x88, s3;
	s6 =	simm.s32 @!p1 $0x1082;
	[sflag:s4] =	ssyncset.s32 $0xFFFFF086  }
0x25: {  	[simem:s6], [sflag:s4] =	dma.local [hbm:s3], $0xF7A  }
0x26: {  	[smem:$0x3F9B] =	sst s1;
	(tag) =	ssettag s2;
	_ =	strace s9  }
0x27: {  	s1 =	sld [smem:$0x3FAB]  }
0x28: {  	s2 =	sld [smem:$0x3FAC]  }
0x29: {  	s4 =	sld [smem:$0x3FAE]  }
0x2a: {  	p0 =	seq.s32 s5, $0x0;
	s5 =	sld [smem:$0x3FAF]  }
0x2b: {  	s6 =	sld [smem:$0x3FB0]  }
0x2c: {  	s7 =	sld [smem:$0x3FB1]  }
0x2d: {  	s3 =	simm.s32 $0x108;
	s8 =	sld [smem:$0x3FB2]  }
0x2e: {  	s3 =	simm.s32 @!p0 $0x1082;
	s9 =	sld [smem:$0x3FB3]  }
0x2f: {  	lr =	sadd.s32 s0, s3;
	s0 =	sld [smem:$0x3FAA]  }
0x30: {  	s3 =	sld [smem:$0x3FAD]  }
0x31: {  	[smem:$0x3FB6] =	sst s10  }
0x32: {  	s10 =	sld [smem:$0x3FB4];
	_ =	sdelay $0x3  }
0x33: {  	p0 =	seq.s32 s10, $0x1;
	s10 =	sld [smem:$0x3FB6];
	_ =	sdelay $0x3  }
0x34: {  	[smem:$0x3FB6] =	sst s10  }
0x35: {  	s10 =	sld [smem:$0x3FB5];
	_ =	sdelay $0x3  }
0x36: {  	p1 =	seq.s32 s10, $0x1;
	s10 =	sld [smem:$0x3FB6];
	_ =	sdelay $0x3  }
0x37: {  	[smem:$0x3FB6] =	sst s10  }
0x38: {  	s10 =	sld [smem:$0x3FB7]  }
0x39: {  	_ = 	snop;
	(pc) =	sbr.ind lr, $3  }
0x3a: {  	_ = 	snop  }
0x3b: {  	_ = 	snop  }
0x3c: {  	p2 =	seq.s32 s10, $0x1;
	s10 =	sld [smem:$0x3FB6]  }
0x3d: {  	_ =	shalt  }
0x3e: {  	_ =	shalt  }
0x3f: {  	_ =	shalt  }
0x40: {  	_ =	shalt  }
0x41: {  	_ =	shalt  }
0x42: {  	_ =	shalt  }
0x43: {  	_ =	shalt  }
0x44: {  	_ =	shalt  }
0x45: {  	_ =	shalt  }
0x46: {  	_ =	shalt  }
0x47: {  	_ =	shalt  }
0x48: {  	_ =	shalt  }
0x49: {  	_ =	shalt  }
0x4a: {  	_ =	shalt  }
0x4b: {  	_ =	shalt  }
0x4c: {  	_ =	shalt  }
0x4d: {  	_ =	shalt  }
0x4e: {  	_ =	shalt  }
0x4f: {  	_ =	shalt  }
0x50: {  	_ =	shalt  }
0x51: {  	_ =	shalt  }
0x52: {  	_ =	shalt  }
0x53: {  	_ =	shalt  }
0x54: {  	_ =	shalt  }
0x55: {  	_ =	shalt  }
0x56: {  	_ =	shalt  }
0x57: {  	_ =	shalt  }
0x58: {  	_ =	shalt  }
0x59: {  	_ =	shalt  }
0x5a: {  	_ =	shalt  }
0x5b: {  	_ =	shalt  }
0x5c: {  	_ =	shalt  }
0x5d: {  	_ =	shalt  }
0x5e: {  	_ =	shalt  }
0x5f: {  	_ =	shalt  }
0x60: {  	_ =	shalt  }
0x61: {  	_ =	shalt  }
0x62: {  	_ =	shalt  }
0x63: {  	_ =	shalt  }
0x64: {  	_ =	shalt  }
0x65: {  	_ =	shalt  }
0x66: {  	_ =	shalt  }
0x67: {  	_ =	shalt  }
0x68: {  	_ =	shalt  }
0x69: {  	_ =	shalt  }
0x6a: {  	_ =	shalt  }
0x6b: {  	_ =	shalt  }
0x6c: {  	_ =	shalt  }
0x6d: {  	_ =	shalt  }
0x6e: {  	_ =	shalt  }
0x6f: {  	_ =	shalt  }
0x70: {  	_ =	shalt  }
0x71: {  	_ =	shalt  }
0x72: {  	_ =	shalt  }
0x73: {  	_ =	shalt  }
0x74: {  	_ =	shalt  }
0x75: {  	_ =	shalt  }
0x76: {  	_ =	shalt  }
0x77: {  	_ =	shalt  }
0x78: {  	_ =	shalt  }
0x79: {  	_ =	shalt  }
0x7a: {  	_ =	shalt  }
0x7b: {  	_ =	shalt  }
0x7c: {  	_ =	shalt  }
0x7d: {  	_ =	shalt  }
0x7e: {  	_ =	shalt  }
0x7f: {  	_ =	shalt  }
0x80: {  	_ =	shalt  }
0x81: {  	_ =	shalt  }
0x82: {  	_ =	shalt  }
0x83: {  	_ =	shalt  }
0x84: {  	_ =	shalt  }
0x85: {  	_ =	shalt  }
0x86: {  	_ =	shalt  }
0x87: {  	_ =	shalt  }
.Lfunc_end0:
.L_simem_size_0:
called_computation_lowered:
.L_overlay_start_0:
0x88: {  	s2 =	sld [smem:$0x3FD9]  }
0x89: {  	s3 =	sld [smem:$0x3FFE];
	_ =	sdelay $0x1  }
0x8a: {  	s1 =	srdreg.scid  }
0x8b: {  	s0 =	sand.u32 $0x1, s1  }
0x8c: {  	s17 =	sshll.u32 s0, $0xA;
	s2 =	sadd.s32 s3, s2  }
0x8d: {  	s2 =	sadd.s32 s2, s17  }
0x8e: {  	[smem:$0x3FC2] =	sst s2  }
0x8f: {  	_ = 	snop  }
0x90: {  	s2 =	sld [smem:$0x3FD0];
	(tm) =	ssettm $0x1  }
0x91: {  	s18 =	sld [smem:$0x3FFB];
	_ =	sdelay $0x3  }
0x92: {  	_ =	strace s18  }
0x93: {  	s3 =	sld [smem:$0x3FFC];
	_ =	sdelay $0x3  }
0x94: {  	_ =	strace s3  }
0x95: {  	s3 =	sld [smem:$0x3FFD];
	_ =	sdelay $0x3  }
0x96: {  	_ =	strace s3  }
0x97: {  	_ =	strace $0x8FFFFFFF  }
0x98: {  	s19 =	sld [smem:$0x3FDB];
	_ =	sdelay $0x1  }
0x99: {  	s4 =	simm.s32 $_scs_section_size  }
0x9a: {  	s5 =	simm.s32 $_size__tile_overlayer_lowered;
	s6 =	simm.s32 $_tile_overlayer_lowered  }
0x9b: {  	s22 =	simm.s32 $0x1BFF;
	s21 =	sshll.u32 s6, $0x1;
	s3 =	sadd.s32 s4, s19  }
0x9c: {  	s7 =	simm.s32 $0x0;
	s20 =	sshll.u32 s5, $0x1;
	s5 =	sadd.s32 s21, s3  }
0x9d: {  	[timem:s7], [sflag:s22] =	dma.local [hbm:s5], s20  }
0x9e: {  	_ =	swait.ge [sflag:s22], s20  }
0x9f: {  	s4 =	ssub.s32 $0x0, s20;
	[sflag:s22] =	ssyncset.done $0x0  }
0xa0: {  	[sflag:s22] =	ssyncadd.s32 s4;
	_ =	sdelay $0x1  }
0xa1: {  	s23 =	simm.s32 $0x1B8B  }
0xa2: {  	_ =	swait.ge [sflag:s23], $0x1  }
0xa3: {  	[sflag:s23] =	ssyncset.done $0x0  }
0xa4: {  	s25 =	simm.s32 $0x1B8E;
	s24 =	sld [smem:$0x3FFE];
	[sflag:s23] =	ssyncadd.s32 $0xFFFFFFFF  }
0xa5: {  	s26 =	simm.s32 $execute0_lowered;
	[smem:$0x3FD2] =	sst s25  }
0xa6: {  	s5 =	sshll.u32 s26, $0x1;
	_ =	strace $0x80000046;
	[dreg:$0x1] =	wrdreg $0xFFFFFFFF  }
0xa7: {  	s28 =	simm.s32 $_size_execute0_lowered;
	s3 =	sadd.s32 s3, s5;
	[dreg:$0x0] =	wrdreg $0x0  }
0xa8: {  	s5 =	sshll.u32 s28, $0x1;
	[dreg:$0x2] =	wrdreg s3  }
0xa9: {  	[dreg:$0x3] =	wrdreg s5  }
0xaa: {  	[dreg:$0x4] =	wrdreg $0xC0  }
0xab: {  	_ =	task [dreg:s7], $0x5FFFF  }
0xac: {  	[dreg:$0x1] =	wrdreg $0xFFFFFFFF  }
0xad: {  	[dreg:$0x0] =	wrdreg $0x60  }
0xae: {  	[dreg:$0x2] =	wrdreg s24  }
0xaf: {  	[dreg:$0x3] =	wrdreg s2  }
0xb0: {  	[dreg:$0x4] =	wrdreg $0x9  }
0xb1: {  	_ =	task.clear_ibuf [dreg:s7], $0x5FFFF;
	_ =	strace $0x90000046  }
0xb2: {  	s29 =	simm.s32 $0x9;
	_ =	strace $0x80000048  }
0xb3: {  	_ =	swait.ge [sflag:s29], $0x1  }
0xb4: {  	[sflag:s29] =	ssyncadd.s32 $0xFFFFFFFF  }
0xb5: {  	_ =	strace $0x90000048  }
0xb6: {  	_ =	sfence  }
0xb7: {  	s30 =	sld [smem:$0x0];
	_ =	sdelay $0x2  }
0xb8: {  	s31 =	sshll.u32 s1, $0xD;
	s1 =	sshrl.u32 s1, $0x2  }
0xb9: {  	s3 =	sand.u32 $0x4000, s31;
	s1 =	sadd.s32 s1, s30  }
0xba: {  	s0 =	sor.u32 s3, s0;
	s1 =	sshll.u32 s1, $0x11  }
0xbb: {  	s0 =	sor.u32 s1, s0  }
0xbc: {  	s0 =	sadd.s32 $0x8F2B, s0  }
0xbd: {  	[sflag:s0] =	ssyncadd.remote.s32 $0x1  }
0xbe: {  	_ =	sfence.sel $0xFFFF  }
0xbf: {  	[dreg:$0x0] =	wrdreg $0xFFFFFFFF;
	(pc) =	sbr.abs _section_cstart, $3  }
0xc0: {  	[dreg:$0x1] =	wrdreg $0xFFFFFFFF  }
0xc1: {  	_ =	task.clear_ibuf [dreg:s7], $0x2FFFF;
	_ =	strace $0x9FFFFFFF  }
0xc2: {  	(tm) =	ssettm $0x7FFFFFFF  }
0xc3: {  	_ =	shalt  }
tec
execute0_lowered:
.L_overlay_start_1:
0x0: {  	(tag) =	ssettag $0x1  }
0x1: {  	v0 =	vimm.s32 $0xEFCDAB89  }
0x2: {  	vm0 =	vcmask $0xB08;
	vm1 =	vcmask $0x300;
	v1 =	vimm.s32 $0x67452301  }
0x3: {  	v2 =	vimm.s32 $0xDCFE98BA;
	v3 =	vimm.s32 $0x54761032;
	vm2 =	vcmask $0x700  }
0x4: {  	vm3 =	vcmask $0x3B38;
	v4 =	vimm.s32 $0xFEDCBA98;
	v5 =	vimm.s32 $0x76543210  }
0x5: {  	s0 =	rddreg [dreg:$0x0];
	s1 =	srdreg.scid;
	v0 =	vunpack.c.l.s4.s8 v0;
	vm0 =	vmor vm1, vm0;
	vm1 =	vcmask $0x1310  }
0x6: {  	s2 =	stileid.u32;
	s3 =	rddreg [dreg:$0x1];
	s4 =	simm.s32 $0x0;
	v1 =	vunpack.c.l.s4.s8 v1;
	v2 =	vunpack.c.l.s4.s8 v2;
	v3 =	vunpack.c.l.s4.s8 v3  }
0x7: {  	s1 =	sand.u32 $0x1, s1;
	s2 =	sshll.u32 s2, $0x1;
	[smem:$0x7FF] =	sst s4;
	v4 =	vunpack.c.l.s4.s8 v4;
	vm0 =	vmor vm0, vm1;
	vm1 =	vcmask $0x1B18  }
0x8: {  	s5 =	sadd.s32 $0x800, s0;
	s6 =	sadd.s32 $0xA600, s0;
	s2 =	sor.u32 s1, s2;
	v0 =	vunpack.c.0.s8.s32 v0;
	vm0 =	vmor vm0, vm1;
	vm1 =	vcmask $0x2320  }
0x9: {  	s7 =	sadd.s32 $0x14400, s0;
	s1 =	ssub.s32 $0x2, s1;
	v1 =	vunpack.c.0.s8.s32 v1;
	s22 =	smul.u32 $0x2710, s2;
	vm0 =	vmor vm0, vm1;
	vm1 =	vcmask $0x2B28  }
0xa: {  	s8 =	sadd.s32 $0x1E200, s0;
	_ =	strace $0x80000047;
	s23 =	sshrl.u32 s1, $0x1;
	v4 =	vunpack.c.0.s8.s32 v4;
	vm0 =	vmor vm0, vm1;
	vm1 =	vcmask $0x3330  }
0xb: {  	[dreg:$0x4] =	wrdreg s8;
	s0 =	ssub.s32 s1, s23;
	v0 =	vcombine.low v1, v0;
	v1 =	vunpack.c.0.s8.s32 v2;
	v2 =	vunpack.c.0.s8.s32 v3;
	s31 =	sadd.s32 $0xA0, s22  }
0xc: {  	s2 =	sshrl.u32 s22, $0x3;
	v3 =	vimm.s32 $0x32107654;
	s0 =	smax.u32 s0, $0x1;
	vm0 =	vmor vm0, vm1;
	vm1 =	vcmask $0x1710;
	[dreg:$0xa] =	wrdreg s31  }
0xd: {  	s3 =	sadd.s32 s3, s2;
	v3 =	vunpack.c.l.s4.s8 v3;
	[dreg:$0xc] =	wrdreg s0;
	v1 =	vcombine.low v2, v1;
	v2 =	vimm.s32 $0xBA98FEDC  }
0xe: {  	vm1 =	vmor vm2, vm1;
	vm2 =	vcmask $0x2720;
	s9 =	sadd.s32 $0x9C40, s3;
	[dreg:$0x3] =	wrdreg s3;
	v2 =	vunpack.c.l.s4.s8 v2  }
0xf: {  	v5 =	vunpack.c.l.s4.s8 v5;
	v4 =	vand.u32 $0xF, v4;
	s24 =	sadd.s32 $0x13880, s3;
	[dreg:$0x5] =	wrdreg s9;
	vm1 =	vmor vm1, vm2  }
0x10: {  	s18 =	simm.s32 $0x50;
	s25 =	sadd.s32 $0xA, s3;
	[dreg:$0x6] =	wrdreg s24;
	vm2 =	vcmask $0x3730;
	v3 =	vunpack.c.0.s8.s32 v3;
	v2 =	vunpack.c.0.s8.s32 v2  }
0x11: {  	s20 =	simm.s32 $0x1;
	vm0 =	vmor vm0, vm3;
	s26 =	sadd.s32 $0x9C4A, s3;
	vm3 =	vcmask $0xF00;
	[dreg:$0x7] =	wrdreg s25;
	vm1 =	vmor vm1, vm2  }
0x12: {  	s29 =	sadd.s32 s8, s2;
	s30 =	sadd.s32 $0x1388A, s3;
	[dreg:$0x8] =	wrdreg s26;
	vm2 =	vcmask $0x2F20;
	v2 =	vcombine.low v3, v2;
	v3 =	vunpack.c.0.s8.s32 v5  }
0x13: {  	s28 =	simm.s32 $0x2;
	s1 =	sadd.s32 $0x4D8, s29;
	v0 =	vand.u32 $0xF, v0;
	[dreg:$0x9] =	wrdreg s30;
	v1 =	vand.u32 $0xF, v1;
	vm2 =	vmor vm3, vm2  }
0x14: {  	s15 =	smov.u32 s22;
	[dreg:$0xb] =	wrdreg s1;
	s1 =	simm.s32 $0x0;
	vm3 =	vmmov $0xff;
	v2 =	vand.u32 $0xF, v2;
	v3 =	vcombine.low v4, v3  }
.LBB2_1:
0x15: {  	[dreg:$0xd] =	wrdreg s1  }
0x16: {  	s0 =	simm.s32 $0x0;
	s16 =	rddreg [dreg:$0x3]  }
0x17: {  	[tilespmem:s0], [sflag:$0x1] =	stream.linear.gather [hbm4b:s16+s0], $0x50, $0x38;
	[tilespmem:$0x51E0] =	vst v63  }
0x18: {  	s17 =	rddreg [dreg:$0x5]  }
0x19: {  	[tilespmem:s18], [sflag:$0x1] =	stream.linear.gather [hbm4b:s17+s0], $0x50, $0x38;
	[tilespmem:$0x51E0] =	vst v63  }
0x1a: {  	s19 =	rddreg [dreg:$0x6];
	s2 =	simm.s32 $0xA0  }
0x1b: {  	[tilespmem:s2], [sflag:$0x1] =	stream.linear.gather [hbm4b:s19+s0], $0x50, $0x38;
	[tilespmem:$0x51E0] =	vst v63  }
0x1c: {  	_ =	swait.ge [sflag:s20], $0x50  }
0x1d: {  	[sflag:s20] =	ssyncset.done $0x0  }
0x1e: {  	[sflag:s20] =	ssyncadd.s32 $0xFFFFFFB0  }
0x1f: {  	_ =	swait.ge [sflag:s20], $0x50  }
0x20: {  	[sflag:s20] =	ssyncset.done $0x0  }
0x21: {  	[sflag:s20] =	ssyncadd.s32 $0xFFFFFFB0  }
0x22: {  	_ =	swait.ge [sflag:s20], $0x50  }
0x23: {  	[sflag:s20] =	ssyncset.done $0x0  }
0x24: {  	s21 =	simm.s32 $0x1E0;
	[sflag:s20] =	ssyncadd.s32 $0xFFFFFFB0  }
0x25: {  	[tilespmem:s21], [sflag:$0x2] =	stream.indirect.gather [hbm4b:s5+s18], $0x20, s0, s18, $0xb8;
	[tilespmem:$0x51E0] =	vst v63  }
0x26: {  	s22 =	simm.s32 $0xBE0  }
0x27: {  	[tilespmem:s22], [sflag:$0x2] =	stream.indirect.gather [hbm4b:s6+s18], $0x20, s18, s18, $0xb8;
	[tilespmem:$0x51E0] =	vst v63  }
0x28: {  	s23 =	simm.s32 $0x15E0  }
0x29: {  	[tilespmem:s23], [sflag:$0x2] =	stream.indirect.gather [hbm4b:s7+s18], $0x20, s2, s18, $0xb8;
	[tilespmem:$0x51E0] =	vst v63  }
0x2a: {  	s25 =	simm.s32 $0xF0;
	s24 =	rddreg [dreg:$0x7]  }
0x2b: {  	[tilespmem:s25], [sflag:$0x1] =	stream.linear.gather [hbm4b:s24+s0], $0x50, $0x38;
	[tilespmem:$0x51E0] =	vst v63  }
0x2c: {  	s29 =	simm.s32 $0x140;
	s26 =	rddreg [dreg:$0x8]  }
0x2d: {  	[tilespmem:s29], [sflag:$0x1] =	stream.linear.gather [hbm4b:s26+s0], $0x50, $0x38;
	[tilespmem:$0x51E0] =	vst v63  }
0x2e: {  	s31 =	simm.s32 $0x190;
	s30 =	rddreg [dreg:$0x9]  }
0x2f: {  	[tilespmem:s31], [sflag:$0x1] =	stream.linear.gather [hbm4b:s30+s0], $0x50, $0x38;
	[tilespmem:$0x51E0] =	vst v63  }
0x30: {  	s0 =	simm.s32 $0x0  }
.LBB2_2:
0x31: {  	_ =	swait.ge [sflag:s20], $0x50  }
0x32: {  	[sflag:s20] =	ssyncset.done $0x0  }
0x33: {  	[sflag:s20] =	ssyncadd.s32 $0xFFFFFFB0  }
0x34: {  	s19 =	sand.u32 $0x1, s0;
	_ =	swait.ge [sflag:s20], $0x50  }
0x35: {  	s1 =	sxor.u32 $0x1, s19;
	[sflag:s20] =	ssyncset.done $0x0  }
0x36: {  	s2 =	smul.u32 $0x7800, s1;
	[sflag:s20] =	ssyncadd.s32 $0xFFFFFFB0  }
0x37: {  	s1 =	smul.u32 $0x3C0, s1;
	_ =	swait.ge [sflag:s20], $0x50  }
0x38: {  	s2 =	sshrl.u32 s2, $0x2;
	[sflag:s20] =	ssyncset.done $0x0  }
0x39: {  	s1 =	sshrl.u32 s1, $0x2;
	s3 =	sor.u32 $0x1E0, s2;
	[sflag:s20] =	ssyncadd.s32 $0xFFFFFFB0  }
0x3a: {  	[tilespmem:s3], [sflag:$0x2] =	stream.indirect.gather [hbm4b:s5+s18], $0x20, s1, s18, $0xb8;
	[tilespmem:$0x51E0] =	vst v63  }
0x3b: {  	s14 =	sadd.s32 $0x50, s1;
	s8 =	sadd.s32 $0xBE0, s2  }
0x3c: {  	[tilespmem:s8], [sflag:$0x2] =	stream.indirect.gather [hbm4b:s6+s18], $0x20, s14, s18, $0xb8;
	[tilespmem:$0x51E0] =	vst v63  }
0x3d: {  	s2 =	sadd.s32 $0x15E0, s2;
	s1 =	sadd.s32 $0xA0, s1  }
0x3e: {  	[tilespmem:s2], [sflag:$0x2] =	stream.indirect.gather [hbm4b:s7+s18], $0x20, s1, s18, $0xb8;
	[tilespmem:$0x51E0] =	vst v63  }
0x3f: {  	_ =	swait.ge [sflag:s28], $0xA00  }
0x40: {  	[sflag:s28] =	ssyncset.done $0x0  }
0x41: {  	[sflag:s28] =	ssyncadd.s32 $0xFFFFF600  }
0x42: {  	s16 =	smul.u32 $0x7800, s19;
	_ =	swait.ge [sflag:s28], $0xA00  }
0x43: {  	p0 =	seq.s32 s0, $0x7B;
	s23 =	simm.s32 $0x0;
	[sflag:s28] =	ssyncset.done $0x0  }
0x44: {  	s25 =	sand.u32 $0x1, s23;
	s17 =	sshrl.u32 s16, $0x2;
	[sflag:s28] =	ssyncadd.s32 $0xFFFFF600  }
0x45: {  	s22 =	sor.u32 $0x1E0, s17;
	s1 =	smul.u32 @!p0 $0x50, s0;
	_ =	swait.ge [sflag:s28], $0xA00  }
0x46: {  	s21 =	sadd.s32 $0x15E0, s17;
	[sflag:s28] =	ssyncset.done $0x0;
	s2 =	rddreg [dreg:$0xa]  }
0x47: {  	s1 =	sadd.s32 @!p0 s1, s2;
	s2 =	smul.u32 @!p0 $0x3C0, s19;
	[sflag:s28] =	ssyncadd.s32 $0xFFFFF600  }
0x48: {  	s23 =	sadd.s32 $0xBE0, s17;
	s1 =	sshrl.u32 @!p0 s1, $0x3;
	s3 =	rddreg [dreg:$0x1]  }
0x49: {  	s2 =	sshrl.u32 @!p0 s2, $0x2;
	s1 =	sadd.s32 @!p0 s3, s1;
	s3 =	simm.s32 @!p0 $0x0  }
0x4a: {  	[tilespmem:s2], [sflag:$0x1] =	stream.linear.gather @!p0 [hbm4b:s1+s3], $0x50, $0x38;
	[tilespmem:$0x51E0] =	vst v63  }
0x4b: {  	s24 =	sadd.s32 $0x0, s21;
	s8 =	sadd.s32 @!p0 $0x50, s2;
	s10 =	sadd.s32 @!p0 $0x9C40, s1  }
0x4c: {  	[tilespmem:s8], [sflag:$0x1] =	stream.linear.gather @!p0 [hbm4b:s10+s3], $0x50, $0x38;
	[tilespmem:$0x51E0] =	vst v63  }
0x4d: {  	s2 =	sadd.s32 @!p0 $0xA0, s2;
	s1 =	sadd.s32 @!p0 $0x13880, s1;
	s10 =	sshll.u32 s25, $0x4  }
0x4e: {  	[tilespmem:s2], [sflag:$0x1] =	stream.linear.gather @!p0 [hbm4b:s1+s3], $0x50, $0x38;
	[tilespmem:$0x51E0] =	vst v63  }
0x4f: {  	s26 =	sadd.s32 $0x0, s22;
	s1 =	simm.s32 $0x0;
	s2 =	sadd.s32 s10, s24  }
0x50: {  	s29 =	sadd.s32 $0x0, s23;
	s3 =	sadd.s32 s10, s26;
	v4 =	vld [tilespmem:s2+$0x0];
	s2 =	sor.u32 $0x20, s1  }
0x51: {  	s30 =	sadd.s32 s10, s29;
	v9 =	vld [tilespmem:s3+$0x0];
	s11 =	sor.u32 $0x40, s1;
	s4 =	sadd.s32 s2, s21  }
0x52: {  	v10 =	vld [tilespmem:s30+$0x0];
	s12 =	sor.u32 $0x60, s1;
	s13 =	sadd.s32 s11, s21;
	s9 =	sadd.s32 s10, s4  }
0x53: {  	s16 =	sadd.s32 s12, s21;
	s14 =	sadd.s32 s10, s13;
	v5 =	vld [tilespmem:s9+$0x0]  }
0x54: {  	s30 =	sadd.s32 s11, s22;
	s17 =	sadd.s32 s10, s16;
	v6 =	vld [tilespmem:s14+$0x0]  }
0x55: {  	s13 =	sor.u32 $0x80, s1;
	s3 =	sadd.s32 s10, s30;
	s4 =	sadd.s32 s11, s23;
	v7 =	vld [tilespmem:s17+$0x0]  }
0x56: {  	s24 =	sadd.s32 s13, s21;
	v13 =	vld [tilespmem:s3+$0x0];
	s8 =	sadd.s32 s10, s4  }
0x57: {  	s14 =	sadd.s32 s2, s22;
	s26 =	sadd.s32 s10, s24;
	v14 =	vld [tilespmem:s8+$0x0]  }
0x58: {  	s2 =	sadd.s32 s2, s23;
	s29 =	sadd.s32 s10, s14;
	v8 =	vld [tilespmem:s26+$0x0]  }
0x59: {  	s9 =	sadd.s32 s12, s22;
	s2 =	sadd.s32 s10, s2;
	v11 =	vld [tilespmem:s29+$0x0]  }
0x5a: {  	s12 =	sadd.s32 s12, s23;
	s11 =	sadd.s32 s10, s9;
	v12 =	vld [tilespmem:s2+$0x0]  }
0x5b: {  	s16 =	sadd.s32 s13, s22;
	s14 =	sadd.s32 s10, s12;
	v15 =	vld [tilespmem:s11+$0x0]  }
0x5c: {  	s17 =	sadd.s32 s13, s23;
	s3 =	sadd.s32 s10, s16;
	v16 =	vld [tilespmem:s14+$0x0];
	s2 =	sor.u32 $0xA0, s1  }
0x5d: {  	s24 =	sadd.s32 s10, s17;
	v17 =	vld [tilespmem:s3+$0x0];
	s26 =	sadd.s32 s2, s22  }
0x5e: {  	v18 =	vld [tilespmem:s24+$0x0];
	s3 =	sor.u32 $0xC0, s1;
	s29 =	sadd.s32 s2, s23;
	s8 =	sadd.s32 s10, s26  }
0x5f: {  	s4 =	sadd.s32 s3, s22;
	s30 =	sadd.s32 s10, s29;
	v19 =	vld [tilespmem:s8+$0x0]  }
0x60: {  	s9 =	sadd.s32 s3, s23;
	s11 =	sadd.s32 s10, s4;
	v20 =	vld [tilespmem:s30+$0x0]  }
0x61: {  	v9 =	vadd.f32 v10, v9;
	s2 =	sadd.s32 s2, s21;
	s13 =	sadd.s32 s10, s9;
	s8 =	sor.u32 $0xE0, s1;
	v21 =	vld [tilespmem:s11+$0x0]  }
0x62: {  	s2 =	sadd.s32 s10, s2;
	v22 =	vld [tilespmem:s13+$0x0];
	s14 =	sadd.s32 s8, s22;
	v10 =	vadd.f32 v12, v11;
	v12 =	vadd.f32 v14, v13  }
0x63: {  	s11 =	sor.u32 $0x100, s1;
	s16 =	sadd.s32 s8, s23;
	s12 =	sadd.s32 s10, s14;
	v13 =	vadd.f32 v16, v15;
	v15 =	vadd.f32 v18, v17;
	v18 =	vld [tilespmem:s2+$0x0]  }
0x64: {  	s24 =	sadd.s32 s11, s22;
	s17 =	sadd.s32 s10, s16;
	v23 =	vld [tilespmem:s12+$0x0]  }
0x65: {  	s26 =	sadd.s32 s11, s23;
	s13 =	sadd.s32 s10, s24;
	v24 =	vld [tilespmem:s17+$0x0];
	s12 =	sor.u32 $0x120, s1  }
0x66: {  	s29 =	sadd.s32 s10, s26;
	v25 =	vld [tilespmem:s13+$0x0];
	s30 =	sadd.s32 s12, s22  }
0x67: {  	v26 =	vld [tilespmem:s29+$0x0];
	s13 =	sor.u32 $0x140, s1;
	s16 =	sadd.s32 s12, s23;
	s14 =	sadd.s32 s10, s30  }
0x68: {  	s9 =	sadd.s32 s13, s22;
	s4 =	sadd.s32 s10, s16;
	v27 =	vld [tilespmem:s14+$0x0]  }
0x69: {  	s17 =	sadd.s32 s13, s23;
	s16 =	sadd.s32 s10, s9;
	v28 =	vld [tilespmem:s4+$0x0];
	s14 =	sor.u32 $0x160, s1  }
0x6a: {  	s17 =	sadd.s32 s10, s17;
	v29 =	vld [tilespmem:s16+$0x0];
	s24 =	sadd.s32 s14, s22  }
0x6b: {  	v30 =	vld [tilespmem:s17+$0x0];
	s16 =	sor.u32 $0x180, s1;
	s17 =	sadd.s32 s10, s24;
	s24 =	sadd.s32 s14, s23  }
0x6c: {  	s29 =	sadd.s32 s16, s22;
	v31 =	vld [tilespmem:s17+$0x0];
	s26 =	sadd.s32 s10, s24  }
0x6d: {  	s24 =	sadd.s32 s10, s29;
	s17 =	sor.u32 $0x1A0, s1;
	v32 =	vld [tilespmem:s26+$0x0];
	s26 =	sadd.s32 s16, s23  }
0x6e: {  	v33 =	vld [tilespmem:s24+$0x0];
	s4 =	sadd.s32 s17, s22;
	s30 =	sadd.s32 s10, s26  }
0x6f: {  	s29 =	sadd.s32 s17, s23;
	s24 =	sor.u32 $0x1C0, s1;
	s26 =	sadd.s32 s10, s4;
	v34 =	vld [tilespmem:s30+$0x0]  }
0x70: {  	s9 =	sadd.s32 s10, s29;
	v35 =	vld [tilespmem:s26+$0x0];
	s30 =	sadd.s32 s24, s22  }
0x71: {  	s1 =	sor.u32 $0x1E0, s1;
	v36 =	vld [tilespmem:s9+$0x0];
	s9 =	sadd.s32 s24, s23;
	s4 =	sadd.s32 s10, s30  }
0x72: {  	s26 =	sadd.s32 s8, s21;
	s30 =	sadd.s32 s10, s9;
	v37 =	vld [tilespmem:s4+$0x0];
	s4 =	sadd.s32 s1, s22  }
0x73: {  	s29 =	sadd.s32 s10, s26;
	v11 =	vld [tilespmem:s30+$0x0];
	s30 =	sadd.s32 s1, s23;
	s9 =	sadd.s32 s10, s4  }
0x74: {  	v16 =	vadd.f32 v20, v19;
	v20 =	vadd.f32 v24, v23;
	v24 =	vld [tilespmem:s29+$0x0];
	s4 =	sadd.s32 s10, s30;
	s30 =	sadd.s32 s11, s21;
	s11 =	sadd.s32 s13, s21  }
0x75: {  	s8 =	sadd.s32 s12, s21;
	v17 =	vld [tilespmem:s4+$0x0];
	s12 =	sadd.s32 s10, s11  }
0x76: {  	v4 =	vadd.f32 v4, v9;
	s4 =	sadd.s32 s10, s30;
	v9 =	vld [tilespmem:s12+$0x0]  }
0x77: {  	s3 =	sadd.s32 s3, s21;
	v23 =	vadd.f32 v28, v27;
	v27 =	vld [tilespmem:s4+$0x0]  }
0x78: {  	v7 =	vadd.f32 v7, v13;
	v19 =	vadd.f32 v22, v21;
	v14 =	vld [tilespmem:s9+$0x0];
	s9 =	sadd.s32 s10, s3  }
0x79: {  	v22 =	vadd.f32 v26, v25;
	v25 =	vadd.f32 v30, v29;
	v21 =	vld [tilespmem:s9+$0x0];
	s9 =	sadd.s32 s10, s8  }
0x7a: {  	v5 =	vadd.f32 v5, v10;
	s26 =	sadd.s32 s16, s21;
	v30 =	vld [tilespmem:s9+$0x0]  }
0x7b: {  	v6 =	vadd.f32 v6, v12;
	s29 =	sadd.s32 s10, s26;
	s13 =	sadd.s32 s14, s21;
	v9 =	vadd.f32 v9, v25;
	v25 =	vmul.f32 $2.000000030e-01, v7  }
0x7c: {  	v12 =	vadd.f32 v18, v16;
	s14 =	sadd.s32 s10, s13;
	s11 =	simm.s32 $0x1;
	s8 =	sadd.s32 s24, s21;
	v18 =	vadd.f32 v27, v22;
	v22 =	vmul.f32 $2.000000030e-01, v5  }
0x7d: {  	s1 =	sadd.s32 s1, s21;
	v10 =	vld [tilespmem:s14+$0x0];
	s24 =	sand.u32 $0x1, s11;
	s9 =	sadd.s32 s10, s8;
	v16 =	vadd.f32 v24, v20;
	v24 =	vmul.f32 $2.000000030e-01, v6;
	v7 =	vmax.f32 v7, v25  }
0x7e: {  	v8 =	vadd.f32 v8, v15;
	s1 =	sadd.s32 s10, s1;
	s12 =	sadd.s32 $0x0, s21;
	s26 =	sshll.u32 s24, $0x4;
	v20 =	vld [tilespmem:s9+$0x0];
	v61 =	vmax.f32 v5, v22;
	v5 =	vperm.xlane v7, v0  }
0x7f: {  	v6 =	vmax.f32 v6, v24;
	v15 =	vadd.f32 v21, v19;
	v19 =	vadd.f32 v30, v23;
	v23 =	vld [tilespmem:s1+$0x0];
	s1 =	sadd.s32 s26, s12  }
0x80: {  	s30 =	sadd.s32 s17, s21;
	v62 =	vsel vm0, v6, v5;
	v5 =	vld [tilespmem:s1+$0x0]  }
0x81: {  	s4 =	sadd.s32 s10, s30  }
0x82: {  	v11 =	vadd.f32 v11, v37;
	v14 =	vadd.f32 v17, v14;
	v17 =	vld [tilespmem:s4+$0x0]  }
0x83: {  	v26 =	vadd.f32 v32, v31  }
0x84: {  	s14 =	sadd.s32 $0x0, s23;
	v11 =	vadd.f32 v20, v11;
	v20 =	vmul.f32 $2.000000030e-01, v9  }
0x85: {  	v13 =	vld [tilespmem:s29+$0x0];
	v29 =	vadd.f32 v36, v35;
	s16 =	sadd.s32 s26, s14;
	v10 =	vadd.f32 v10, v26;
	[tilespmem:$0x1FFC0] =	vst v5  }
0x86: {  	v21 =	vmul.f32 $2.000000030e-01, v4;
	v27 =	vmul.f32 $2.000000030e-01, v12;
	v25 =	vmax.f32 v9, v20;
	v9 =	vld [tilespmem:s16+$0x0]  }
0x87: {  	v56 =	vmul.f32 $2.000000030e-01, v10;
	v17 =	vadd.f32 v17, v29;
	v29 =	vmul.f32 $2.000000030e-01, v18  }
0x88: {  	s10 =	simm.s32 $0x0;
	v60 =	vmax.f32 v4, v21;
	v31 =	vmul.f32 $2.000000030e-01, v19;
	v4 =	vperm.xlane v61, v0  }
0x89: {  	s13 =	sadd.s32 $0x0, s22;
	v12 =	vmax.f32 v12, v27;
	s1 =	sor.u32 $0x20, s10;
	v24 =	vmax.f32 v18, v29;
	v29 =	vmax.f32 v10, v56  }
0x8a: {  	s2 =	sadd.s32 s26, s13;
	v27 =	vmax.f32 v19, v31;
	v31 =	vsel vm0, v60, v4;
	s17 =	sadd.s32 s1, s21;
	v4 =	vperm.xlane v29, v0  }
0x8b: {  	s29 =	sadd.s32 s26, s17;
	v51 =	vld [tilespmem:s2+$0x0];
	[tilespmem:$0x1FF80] =	vst v9  }
0x8c: {  	v55 =	vsel vm0, v25, v4;
	v4 =	vld [tilespmem:s29+$0x0];
	_ =	sdelay $0x2  }
0x8d: {  	v28 =	vadd.f32 v34, v33;
	s8 =	sor.u32 $0x40, s10  }
0x8e: {  	s30 =	sadd.s32 s8, s21;
	v26 =	vmul.f32 $2.000000030e-01, v8  }
0x8f: {  	v13 =	vadd.f32 v13, v28;
	s4 =	sadd.s32 s26, s30;
	v30 =	vmul.f32 $2.000000030e-01, v16;
	[tilespmem:$0x1FFD0] =	vst v4  }
0x90: {  	v28 =	vmul.f32 $2.000000030e-01, v15;
	v22 =	vmax.f32 v8, v26;
	v8 =	vperm.xlane v12, v0;
	v4 =	vld [tilespmem:s4+$0x0]  }
0x91: {  	v16 =	vmax.f32 v16, v30  }
0x92: {  	v58 =	vmul.f32 $2.000000030e-01, v11;
	v15 =	vmax.f32 v15, v28;
	v63 =	vsel vm0, v22, v8  }
0x93: {  	s11 =	sor.u32 $0x60, s10;
	v14 =	vadd.f32 v23, v14;
	v23 =	vmul.f32 $2.000000030e-01, v13;
	v10 =	vperm.xlane v16, v0  }
0x94: {  	s9 =	sadd.s32 s11, s21;
	v57 =	vmul.f32 $2.000000030e-01, v17;
	v28 =	vmax.f32 v11, v58;
	v8 =	vperm.xlane v63, v1  }
0x95: {  	s13 =	sadd.s32 s26, s9;
	v11 =	vperm.xlane v27, v0;
	v59 =	vmul.f32 $2.000000030e-01, v14;
	v54 =	vsel vm0, v15, v10;
	[tilespmem:$0x1FFE0] =	vst v4  }
0x96: {  	v17 =	vmax.f32 v17, v57;
	v40 =	vsel vm1, v8, v54;
	v5 =	vperm.xlane v31, v1;
	v8 =	vld [tilespmem:s13+$0x0]  }
0x97: {  	v23 =	vmax.f32 v13, v23;
	v38 =	vsel vm0, v24, v11;
	v13 =	vperm.xlane v17, v0  }
0x98: {  	v11 =	vperm.xlane v38, v1;
	v30 =	vmax.f32 v14, v59;
	v5 =	vsel vm1, v5, v62  }
0x99: {  	v14 =	vperm.xlane v30, v0;
	v39 =	vsel vm0, v23, v13;
	v13 =	vperm.xlane v5, v2  }
0x9a: {  	s12 =	sor.u32 $0x80, s10;
	v26 =	vperm.xlane v39, v1;
	v4 =	vsel vm1, v11, v55  }
0x9b: {  	s14 =	sadd.s32 s12, s21;
	v41 =	vsel vm0, v28, v14;
	v14 =	vperm.xlane v4, v2;
	[tilespmem:$0x1FFF0] =	vst v8;
	v8 =	vsel vm2, v13, v40  }
0x9c: {  	s17 =	sadd.s32 s26, s14;
	s16 =	sadd.s32 s1, s22;
	v42 =	vsel vm1, v26, v41;
	v26 =	vperm.xlane v8, v3  }
0x9d: {  	v44 =	vperm.xlane v15, v0;
	s1 =	sadd.s32 s1, s23;
	s29 =	sadd.s32 s26, s16;
	v15 =	vsel vm2, v14, v42;
	v11 =	vld [tilespmem:s17+$0x0]  }
0x9e: {  	s9 =	sadd.s32 s11, s22;
	s1 =	sadd.s32 s26, s1;
	v21 =	vld [tilespmem:s29+$0x0];
	v9 =	vsel vm3, v26, v15  }
0x9f: {  	s13 =	sadd.s32 s26, s9;
	v19 =	vld [tilespmem:s1+$0x0];
	[tilespmem:$0x1FFB0] =	vst v9  }
0xa0: {  	v9 =	vld [tilespmem:s13+$0x0];
	_ =	sdelay $0x1  }
0xa1: {  	s30 =	sadd.s32 s8, s22  }
0xa2: {  	s3 =	sadd.s32 s26, s30;
	s4 =	sadd.s32 s8, s23  }
0xa3: {  	v43 =	vperm.xlane v22, v0;
	s14 =	sadd.s32 s11, s23;
	v23 =	vperm.xlane v23, v0;
	s8 =	sadd.s32 s26, s4;
	v22 =	vld [tilespmem:s3+$0x0]  }
0xa4: {  	v45 =	vperm.xlane v25, v0;
	v24 =	vperm.xlane v24, v0;
	s16 =	sadd.s32 s26, s14;
	s17 =	sadd.s32 s12, s22;
	v18 =	vld [tilespmem:s8+$0x0];
	[tilespmem:$0x1FFA0] =	vst v9  }
0xa5: {  	s30 =	sadd.s32 s12, s23;
	v17 =	vsel vm0, v23, v17;
	v23 =	vperm.xlane v62, v1;
	s29 =	sadd.s32 s26, s17;
	s8 =	sor.u32 $0xA0, s10;
	v25 =	vld [tilespmem:s16+$0x0]  }
0xa6: {  	v36 =	vperm.xlane v60, v0;
	v24 =	vsel vm0, v24, v27;
	v27 =	vsel vm0, v45, v29;
	s3 =	sadd.s32 s26, s30;
	s4 =	sadd.s32 s8, s22;
	v29 =	vld [tilespmem:s29+$0x0]  }
0xa7: {  	v6 =	vperm.xlane v6, v0;
	v23 =	vsel vm1, v31, v23;
	s13 =	sor.u32 $0xC0, s10;
	s11 =	sadd.s32 s8, s23;
	s9 =	sadd.s32 s26, s4;
	v31 =	vld [tilespmem:s3+$0x0]  }
0xa8: {  	v12 =	vsel vm0, v43, v12;
	v56 =	vsel vm0, v36, v61;
	s14 =	sadd.s32 s13, s22;
	s12 =	sadd.s32 s26, s11;
	v13 =	vld [tilespmem:s9+$0x0]  }
0xa9: {  	v60 =	vperm.xlane v12, v1;
	v6 =	vsel vm0, v6, v7;
	v7 =	vperm.xlane v28, v0;
	s17 =	sadd.s32 s13, s23;
	v35 =	vld [tilespmem:s12+$0x0];
	s16 =	sadd.s32 s26, s14;
	s3 =	sor.u32 $0xE0, s10  }
0xaa: {  	v16 =	vsel vm0, v44, v16;
	v32 =	vperm.xlane v56, v1;
	v46 =	vperm.xlane v55, v1;
	s29 =	sadd.s32 s26, s17;
	v36 =	vld [tilespmem:s16+$0x0];
	s30 =	sadd.s32 s3, s22  }
0xab: {  	v57 =	vperm.xlane v6, v1;
	v44 =	vsel vm1, v60, v16;
	v41 =	vperm.xlane v41, v1;
	s14 =	sor.u32 $0x100, s10;
	v49 =	vld [tilespmem:s29+$0x0];
	s9 =	sadd.s32 s3, s23;
	s4 =	sadd.s32 s26, s30  }
0xac: {  	v58 =	vperm.xlane v54, v1;
	v59 =	vperm.xlane v16, v1;
	v16 =	vsel vm1, v38, v46;
	s12 =	sadd.s32 s14, s22;
	s11 =	sadd.s32 s26, s9;
	v38 =	vld [tilespmem:s4+$0x0]  }
0xad: {  	v6 =	vsel vm1, v32, v6;
	v61 =	vsel vm1, v56, v57;
	v37 =	vsel vm1, v39, v41;
	s1 =	sor.u32 $0x120, s10;
	s16 =	sadd.s32 s14, s23;
	s2 =	sadd.s32 s26, s12;
	v39 =	vld [tilespmem:s11+$0x0]  }
0xae: {  	v52 =	vperm.xlane v6, v2;
	v7 =	vsel vm0, v7, v30;
	v47 =	vperm.xlane v27, v1;
	s29 =	sadd.s32 s1, s22;
	s17 =	sadd.s32 s26, s16;
	v50 =	vld [tilespmem:s2+$0x0]  }
0xaf: {  	v34 =	vsel vm1, v63, v58;
	v32 =	vperm.xlane v61, v2;
	v62 =	vperm.xlane v24, v1;
	s30 =	sadd.s32 s1, s23;
	s16 =	sor.u32 $0x160, s10;
	v14 =	vld [tilespmem:s17+$0x0];
	s11 =	sadd.s32 s26, s29  }
0xb0: {  	v12 =	vsel vm1, v12, v59;
	v63 =	vperm.xlane v7, v1;
	v48 =	vperm.xlane v17, v1;
	s2 =	sor.u32 $0x140, s10;
	s4 =	sadd.s32 s26, s30;
	s30 =	sadd.s32 s16, s22;
	v9 =	vld [tilespmem:s11+$0x0]  }
0xb1: {  	v24 =	vsel vm1, v24, v47;
	v47 =	vperm.xlane v34, v2;
	v27 =	vsel vm1, v62, v27;
	s9 =	sadd.s32 s2, s22;
	v53 =	vld [tilespmem:s4+$0x0];
	s4 =	sadd.s32 s26, s30  }
0xb2: {  	v41 =	vsel vm1, v17, v63;
	v43 =	vsel vm1, v48, v7;
	v7 =	vperm.xlane v12, v2;
	s17 =	sadd.s32 s2, s23;
	s12 =	sadd.s32 s26, s9;
	v60 =	vld [tilespmem:s4+$0x0]  }
0xb3: {  	v17 =	vperm.xlane v40, v2;
	v48 =	vperm.xlane v44, v2;
	v46 =	vsel vm2, v23, v47;
	s29 =	sadd.s32 s26, s17;
	s9 =	sadd.s32 s16, s23;
	s17 =	sor.u32 $0x180, s10;
	v55 =	vld [tilespmem:s12+$0x0]  }
0xb4: {  	v23 =	vperm.xlane v23, v2;
	v45 =	vsel vm2, v61, v7;
	v7 =	vperm.xlane v37, v2;
	v57 =	vld [tilespmem:s29+$0x0];
	s29 =	sadd.s32 s26, s9;
	s30 =	sadd.s32 s17, s22  }
0xb5: {  	v47 =	vperm.xlane v41, v2;
	v54 =	vsel vm2, v5, v17;
	v5 =	vperm.xlane v42, v2;
	s9 =	sadd.s32 s17, s23;
	v61 =	vld [tilespmem:s29+$0x0];
	s4 =	sadd.s32 s26, s30;
	s29 =	sor.u32 $0x1A0, s10  }
0xb6: {  	v56 =	vsel vm2, v6, v48;
	v48 =	vperm.xlane v24, v2;
	v17 =	vsel vm2, v16, v7;
	s30 =	sadd.s32 s26, s9;
	v62 =	vld [tilespmem:s4+$0x0];
	s4 =	sadd.s32 s29, s22  }
0xb7: {  	v40 =	vperm.xlane v16, v2;
	v16 =	vsel vm2, v24, v47;
	v24 =	vsel vm2, v52, v44;
	v44 =	vld [tilespmem:s30+$0x0];
	s30 =	sadd.s32 s29, s23;
	s9 =	sadd.s32 s26, s4  }
0xb8: {  	v58 =	vsel vm2, v23, v34;
	s4 =	sadd.s32 s26, s30;
	v33 =	vld [tilespmem:s9+$0x0]  }
0xb9: {  	v23 =	vsel vm2, v32, v12;
	v12 =	vsel vm2, v4, v5;
	v4 =	vsel vm2, v48, v41;
	v30 =	vld [tilespmem:s4+$0x0]  }
0xba: {  	v34 =	vperm.xlane v4, v3;
	[tilespmem:$0x1FF70] =	vst v4;
	v4 =	vld [tilespmem:$0x1FF80];
	_ =	sdelay $0x4  }
0xbb: {  	v59 =	vperm.xlane v27, v2;
	s12 =	sor.u32 $0x1C0, s10;
	v51 =	vadd.f32 v4, v51;
	v4 =	vld [tilespmem:$0x1FFA0]  }
0xbc: {  	s19 =	smul.u32 $0x2800, s19;
	s11 =	sor.u32 $0x1E0, s10;
	s9 =	sadd.s32 s12, s22  }
0xbd: {  	v5 =	vsel vm2, v59, v43;
	v42 =	vperm.xlane v43, v2;
	s31 =	sadd.s32 s12, s23;
	s30 =	sadd.s32 s26, s9;
	s9 =	sadd.s32 s11, s22  }
0xbe: {  	s4 =	sadd.s32 s26, s31;
	s31 =	smul.u32 $0x1400, s25;
	v26 =	vld [tilespmem:s30+$0x0];
	[tilespmem:$0x1FF90] =	vst v5;
	s25 =	sadd.s32 s26, s9  }
0xbf: {  	v7 =	vsel vm2, v27, v42;
	v43 =	vadd.f32 v18, v22;
	s10 =	sshrl.u32 s19, $0x2;
	v18 =	vld [tilespmem:s25+$0x0]  }
0xc0: {  	v27 =	vperm.xlane v17, v3;
	v28 =	vadd.f32 v19, v21;
	s19 =	sshrl.u32 s31, $0x2;
	s25 =	sadd.s32 $0x3DE0, s10;
	v21 =	vadd.f32 v25, v4;
	v4 =	vld [tilespmem:$0x1FFB0]  }
0xc1: {  	v48 =	vperm.xlane v16, v3;
	s30 =	sadd.s32 s19, s25  }
0xc2: {  	v10 =	vsel vm3, v46, v27;
	s31 =	sadd.s32 $0x0, s30  }
0xc3: {  	v20 =	vsel vm3, v45, v48;
	[tilespmem:s31+$0x0] =	vst v10  }
0xc4: {  	[tilespmem:s31+$0x50] =	vst v20  }
0xc5: {  	v19 =	vld [tilespmem:s4+$0x0];
	[tilespmem:s31+$0x460] =	vst v4  }
0xc6: {  	v4 =	vld [tilespmem:$0x1FFC0]  }
0xc7: {  	s4 =	sadd.s32 s11, s23  }
0xc8: {  	s9 =	sadd.s32 s26, s4  }
0xc9: {  	v22 =	vperm.xlane v46, v3;
	v46 =	vadd.f32 v31, v29;
	v25 =	vperm.xlane v45, v3;
	v45 =	vld [tilespmem:s9+$0x0]  }
0xca: {  	v31 =	vadd.f32 v35, v13;
	v35 =	vadd.f32 v39, v38  }
0xcb: {  	v38 =	vadd.f32 v19, v26;
	v26 =	vadd.f32 v4, v51;
	v4 =	vld [tilespmem:$0x1FFD0]  }
0xcc: {  	v59 =	vperm.xlane v12, v3;
	_ =	sdelay $0x1  }
0xcd: {  	v30 =	vadd.f32 v30, v33;
	v33 =	vadd.f32 v45, v18;
	v18 =	vsel vm3, v54, v59  }
0xce: {  	[tilespmem:s31+$0xA0] =	vst v18  }
0xcf: {  	v19 =	vadd.f32 v4, v28;
	v4 =	vld [tilespmem:$0x1FFE0]  }
0xd0: {  	s8 =	sadd.s32 s8, s21  }
0xd1: {  	s8 =	sadd.s32 s26, s8;
	s3 =	sadd.s32 s3, s21  }
0xd2: {  	s3 =	sadd.s32 s26, s3;
	v47 =	vld [tilespmem:s8+$0x0]  }
0xd3: {  	v32 =	vperm.xlane v15, v3;
	v63 =	vperm.xlane v7, v3;
	s1 =	sadd.s32 s1, s21;
	v42 =	vld [tilespmem:s3+$0x0]  }
0xd4: {  	v27 =	vperm.xlane v5, v3;
	v6 =	vsel vm2, v40, v37;
	s13 =	sadd.s32 s13, s21;
	s1 =	sadd.s32 s26, s1;
	v28 =	vadd.f32 v4, v43;
	v4 =	vld [tilespmem:$0x1FFF0]  }
0xd5: {  	v63 =	vsel vm3, v56, v63;
	v52 =	vperm.xlane v6, v3;
	s2 =	sadd.s32 s2, s21;
	v40 =	vadd.f32 v14, v50;
	v50 =	vld [tilespmem:s1+$0x0];
	s4 =	sadd.s32 s26, s13  }
0xd6: {  	v15 =	vperm.xlane v54, v3;
	v13 =	vperm.xlane v56, v3;
	v37 =	vadd.f32 v49, v36;
	s13 =	sadd.s32 s26, s2;
	v48 =	vld [tilespmem:s4+$0x0];
	s9 =	sadd.s32 s14, s21  }
0xd7: {  	v14 =	vperm.xlane v58, v3;
	v41 =	vadd.f32 v53, v9;
	v36 =	vadd.f32 v44, v62;
	v44 =	vld [tilespmem:s13+$0x0];
	s14 =	sadd.s32 s16, s21;
	s10 =	sadd.s32 s26, s9  }
0xd8: {  	v39 =	vadd.f32 v57, v55;
	v55 =	vperm.xlane v23, v3;
	v57 =	vperm.xlane v24, v3;
	s19 =	simm.s32 $0x0;
	s30 =	sadd.s32 s17, s21;
	s16 =	sadd.s32 s26, s14;
	v49 =	vld [tilespmem:s10+$0x0]  }
0xd9: {  	v29 =	vadd.f32 v61, v60;
	s2 =	sadd.s32 s29, s21;
	s1 =	sadd.s32 s26, s30;
	s10 =	simm.s32 $0x2;
	v18 =	vsel vm3, v58, v52;
	[tilespmem:s31+$0xF0] =	vst v63;
	v20 =	vadd.f32 v4, v21;
	v21 =	vld [tilespmem:s16+$0x0]  }
.LBB2_3:
0xda: {  	v11 =	vadd.f32 v11, v46;
	v43 =	vld [tilespmem:s1+$0x0];
	v23 =	vsel vm3, v23, v34;
	v8 =	vsel vm3, v8, v32  }
0xdb: {  	s4 =	sadd.s32 s26, s2;
	s8 =	sadd.s32 s12, s21;
	[tilespmem:s31+$0x140] =	vst v18;
	v24 =	vsel vm3, v24, v27;
	v17 =	vsel vm3, v22, v17;
	v16 =	vsel vm3, v25, v16;
	v10 =	vld [tilespmem:$0x1FF70]  }
0xdc: {  	s11 =	sadd.s32 s11, s21;
	v59 =	vld [tilespmem:s4+$0x0];
	s9 =	sadd.s32 s26, s8;
	[tilespmem:s31+$0x190] =	vst v23;
	v27 =	vmul.f32 $2.000000030e-01, v19;
	v31 =	vadd.f32 v47, v31;
	v18 =	vadd.f32 v48, v37  }
0xdd: {  	s12 =	sadd.s32 s26, s11;
	v60 =	vld [tilespmem:s9+$0x0];
	[tilespmem:s31+$0x1E0] =	vst v8;
	v8 =	vmul.f32 $2.000000030e-01, v26;
	v34 =	vadd.f32 v42, v35;
	v23 =	vadd.f32 v49, v40  }
0xde: {  	v37 =	vadd.f32 v50, v41;
	v39 =	vadd.f32 v44, v39;
	v61 =	vld [tilespmem:s12+$0x0];
	[tilespmem:s31+$0x230] =	vst v24;
	v24 =	vmul.f32 $2.000000030e-01, v28  }
0xdf: {  	v41 =	vmul.f32 $2.000000030e-01, v20;
	v21 =	vadd.f32 v21, v29;
	v29 =	vmul.f32 $2.000000030e-01, v11  }
0xe0: {  	v32 =	vmax.f32 v19, v27;
	v62 =	vmul.f32 $2.000000030e-01, v31;
	v63 =	vmul.f32 $2.000000030e-01, v18  }
0xe1: {  	v36 =	vadd.f32 v43, v36;
	v52 =	vmul.f32 $2.000000030e-01, v34;
	v53 =	vmul.f32 $2.000000030e-01, v23  }
0xe2: {  	v9 =	vmovc v55;
	[tilespmem:s31+$0x280] =	vst v17;
	v45 =	vmul.f32 $2.000000030e-01, v37;
	v54 =	vmul.f32 $2.000000030e-01, v39;
	v17 =	vmax.f32 v28, v24  }
0xe3: {  	v41 =	vmax.f32 v20, v41;
	v9 =	vsel vm3, v9, v10;
	v30 =	vadd.f32 v59, v30  }
0xe4: {  	v56 =	vmul.f32 $2.000000030e-01, v21;
	v31 =	vmax.f32 v31, v62;
	v51 =	vperm.xlane v17, v0  }
0xe5: {  	v38 =	vadd.f32 v60, v38;
	v58 =	vmul.f32 $2.000000030e-01, v36;
	v27 =	vmax.f32 v18, v63  }
0xe6: {  	v42 =	vmax.f32 v34, v52;
	v28 =	vmax.f32 v23, v53;
	v35 =	vmax.f32 v37, v45  }
0xe7: {  	[tilespmem:s31+$0x2D0] =	vst v16;
	v16 =	vperm.xlane v31, v0;
	v33 =	vadd.f32 v61, v33;
	v59 =	vmul.f32 $2.000000030e-01, v30  }
0xe8: {  	v61 =	vmax.f32 v26, v8;
	v26 =	vmax.f32 v11, v29;
	v8 =	vperm.xlane v32, v0  }
0xe9: {  	v29 =	vmax.f32 v39, v54;
	v11 =	vperm.xlane v41, v0;
	v19 =	vperm.xlane v42, v0  }
0xea: {  	s2 =	sshrl.u32 s10, $0x1;
	v37 =	vmax.f32 v21, v56;
	v20 =	vperm.xlane v35, v0;
	v22 =	vmul.f32 $2.000000030e-01, v38  }
0xeb: {  	s1 =	sand.u32 $0x1, s10;
	s11 =	sshll.u32 s2, $0x9;
	v36 =	vmax.f32 v36, v58;
	v43 =	vsel vm0, v26, v16;
	v52 =	vperm.xlane v26, v0  }
0xec: {  	s26 =	sshll.u32 s1, $0x4;
	s13 =	sadd.s32 s11, s23;
	v60 =	vmul.f32 $2.000000030e-01, v33;
	v39 =	vmax.f32 v30, v59;
	v40 =	vsel vm0, v17, v11  }
0xed: {  	s13 =	sadd.s32 s26, s13;
	v62 =	vsel vm0, v27, v19;
	v30 =	vmax.f32 v38, v22;
	v38 =	vsel vm0, v61, v8  }
0xee: {  	s3 =	sadd.s32 s11, s21;
	s14 =	sor.u32 $0x20, s11;
	s16 =	sor.u32 $0x40, s11;
	v25 =	vld [tilespmem:s13+$0x0];
	v34 =	vsel vm0, v28, v20;
	v20 =	vperm.xlane v43, v1;
	v23 =	vperm.xlane v38, v1  }
0xef: {  	s3 =	sadd.s32 s26, s3;
	s29 =	sadd.s32 s16, s21;
	s9 =	sadd.s32 s14, s22;
	v10 =	vld [tilespmem:$0x1FF90];
	v8 =	vperm.xlane v37, v0;
	v21 =	vperm.xlane v39, v0;
	v33 =	vmax.f32 v33, v60  }
0xf0: {  	s17 =	sadd.s32 s14, s21;
	s13 =	sadd.s32 s26, s29;
	s29 =	sadd.s32 s26, s9;
	v18 =	vld [tilespmem:s3+$0x0];
	v24 =	vperm.xlane v34, v1;
	v11 =	vperm.xlane v33, v0;
	v16 =	vsel vm1, v23, v40  }
0xf1: {  	s8 =	sadd.s32 s11, s22;
	s12 =	smul.u32 $0x1400, s24;
	s24 =	sadd.s32 s26, s17;
	v26 =	vld [tilespmem:s29+$0x0];
	v63 =	vsel vm0, v29, v8;
	v46 =	vsel vm0, v36, v21;
	v8 =	vperm.xlane v16, v2  }
0xf2: {  	s8 =	sadd.s32 s26, s8;
	s14 =	sadd.s32 s14, s23;
	v19 =	vld [tilespmem:s24+$0x0];
	v23 =	vsel vm1, v20, v62;
	v24 =	vsel vm1, v24, v63;
	v54 =	vperm.xlane v46, v1  }
0xf3: {  	s19 =	sshll.u32 s19, $0x4;
	s14 =	sadd.s32 s26, s14;
	v22 =	vld [tilespmem:s8+$0x0];
	s8 =	sor.u32 $0x60, s11;
	v48 =	vsel vm0, v30, v11;
	v56 =	vperm.xlane v24, v2;
	v8 =	vsel vm2, v8, v23  }
0xf4: {  	s12 =	sshrl.u32 s12, $0x2;
	s3 =	sor.u32 $0x80, s11;
	v59 =	vperm.xlane v28, v0;
	v28 =	vld [tilespmem:s14+$0x0];
	s17 =	sadd.s32 s8, s21;
	v17 =	vsel vm1, v54, v48;
	v58 =	vperm.xlane v8, v3  }
0xf5: {  	s12 =	sadd.s32 s12, s25;
	s4 =	sadd.s32 s3, s21;
	v53 =	vperm.xlane v27, v0;
	s30 =	sadd.s32 s26, s17;
	v20 =	vld [tilespmem:s13+$0x0];
	v27 =	vsel vm2, v56, v17  }
0xf6: {  	v12 =	vsel vm3, v15, v12;
	s17 =	sadd.s32 s26, s4;
	v21 =	vld [tilespmem:s30+$0x0];
	s30 =	sadd.s32 s16, s22;
	s13 =	sadd.s32 s19, s12;
	v54 =	vperm.xlane v29, v0;
	v29 =	vsel vm3, v58, v27  }
0xf7: {  	v7 =	vsel vm3, v13, v7;
	v6 =	vsel vm3, v14, v6;
	s9 =	sadd.s32 s16, s23;
	v50 =	vperm.xlane v61, v0;
	v11 =	vld [tilespmem:s17+$0x0];
	s4 =	sadd.s32 s26, s30;
	[tilespmem:s13+$0x460] =	vst v29  }
0xf8: {  	v41 =	vsel vm0, v51, v41;
	v42 =	vsel vm0, v53, v42;
	v10 =	vsel vm3, v57, v10;
	s14 =	sadd.s32 s8, s22;
	s12 =	sadd.s32 s26, s9;
	v29 =	vld [tilespmem:s4+$0x0]  }
0xf9: {  	v32 =	vsel vm0, v50, v32;
	v50 =	vperm.xlane v40, v1;
	v60 =	vperm.xlane v30, v0;
	s16 =	sadd.s32 s26, s14;
	s17 =	sadd.s32 s8, s23;
	v30 =	vld [tilespmem:s12+$0x0]  }
0xfa: {  	v61 =	vsel vm0, v52, v31;
	v49 =	vsel vm0, v59, v35;
	v36 =	vperm.xlane v36, v0;
	s14 =	sor.u32 $0xA0, s11;
	s30 =	sadd.s32 s3, s22;
	s29 =	sadd.s32 s26, s17;
	v31 =	vld [tilespmem:s16+$0x0]  }
0xfb: {  	v59 =	vperm.xlane v61, v1;
	v44 =	vsel vm1, v38, v50;
	s19 =	smov.u32 s2;
	v47 =	vsel vm0, v60, v33;
	s9 =	sadd.s32 s14, s22;
	s2 =	sadd.s32 s26, s30;
	v33 =	vld [tilespmem:s29+$0x0]  }
0xfc: {  	v40 =	vperm.xlane v63, v1;
	v63 =	vperm.xlane v49, v1;
	v53 =	vsel vm0, v36, v39;
	s17 =	sadd.s32 s14, s23;
	v15 =	vld [tilespmem:s2+$0x0];
	[tilespmem:s31+$0x320] =	vst v12;
	s12 =	sadd.s32 s26, s9  }
0xfd: {  	v60 =	vperm.xlane v47, v1;
	v13 =	vperm.xlane v23, v2;
	v28 =	vadd.f32 v28, v26;
	s4 =	sadd.s32 s3, s23;
	s16 =	sor.u32 $0xC0, s11;
	s29 =	sadd.s32 s26, s17;
	v36 =	vld [tilespmem:s12+$0x0]  }
0xfe: {  	v48 =	vperm.xlane v48, v1;
	v52 =	vsel vm0, v54, v37;
	v54 =	vperm.xlane v41, v1;
	s8 =	sadd.s32 s26, s4;
	s30 =	sadd.s32 s16, s22;
	v37 =	vld [tilespmem:s29+$0x0]  }
0xff: {  	v34 =	vsel vm1, v34, v40;
	v56 =	vperm.xlane v62, v1;
	v19 =	vadd.f32 v19, v28;
	s17 =	sor.u32 $0xE0, s11;
	s3 =	sadd.s32 s16, s23;
	v35 =	vld [tilespmem:s8+$0x0];
	s2 =	sadd.s32 s26, s30  }
0x100: {  	v46 =	vsel vm1, v46, v48;
	v12 =	vsel vm1, v32, v54;
	v32 =	vperm.xlane v32, v1;
	s12 =	sadd.s32 s17, s23;
	s4 =	sadd.s32 s26, s3;
	s8 =	sadd.s32 s17, s22;
	v38 =	vld [tilespmem:s2+$0x0]  }
0x101: {  	v48 =	vsel vm1, v53, v60;
	v60 =	vperm.xlane v34, v2;
	v62 =	vperm.xlane v52, v1;
	s29 =	sadd.s32 s26, s12;
	v39 =	vld [tilespmem:s4+$0x0];
	s9 =	sadd.s32 s26, s8;
	s8 =	sor.u32 $0x100, s11  }
0x102: {  	v43 =	vsel vm1, v43, v56;
	v58 =	vperm.xlane v42, v1;
	v32 =	vsel vm1, v32, v41;
	v41 =	vld [tilespmem:s29+$0x0];
	s30 =	sadd.s32 s8, s22  }
0x103: {  	v56 =	vsel vm1, v59, v42;
	v49 =	vsel vm1, v49, v62;
	v62 =	vperm.xlane v43, v2;
	v40 =	vld [tilespmem:s9+$0x0];
	s3 =	sadd.s32 s8, s23;
	s2 =	sadd.s32 s26, s30;
	s30 =	sor.u32 $0x120, s11  }
0x104: {  	v50 =	vsel vm1, v63, v52;
	v51 =	vsel vm1, v61, v58;
	v61 =	vperm.xlane v53, v1;
	s4 =	sadd.s32 s26, s3;
	v42 =	vld [tilespmem:s2+$0x0];
	s9 =	sadd.s32 s30, s22;
	[tilespmem:s31+$0x370] =	vst v7  }
0x105: {  	v23 =	vperm.xlane v56, v2;
	v63 =	vperm.xlane v51, v2;
	v53 =	vsel vm2, v44, v62;
	s3 =	sor.u32 $0x140, s11;
	s29 =	sadd.s32 s30, s23;
	v14 =	vld [tilespmem:s4+$0x0];
	s12 =	sadd.s32 s26, s9;
	[tilespmem:s31+$0x3C0] =	vst v6  }
0x106: {  	s24 =	smov.u32 s1;
	v54 =	vperm.xlane v12, v2;
	v47 =	vsel vm1, v61, v47;
	v61 =	vperm.xlane v49, v2;
	s2 =	sadd.s32 s26, s29;
	s4 =	sadd.s32 s3, s22;
	v55 =	vld [tilespmem:s12+$0x0]  }
0x107: {  	s1 =	sor.u32 $0x160, s11;
	v52 =	vsel vm2, v12, v63;
	v12 =	vperm.xlane v48, v2;
	v58 =	vperm.xlane v47, v2;
	s9 =	sadd.s32 s3, s23;
	v4 =	vld [tilespmem:s2+$0x0];
	s2 =	sadd.s32 s26, s4  }
0x108: {  	v45 =	vsel vm2, v32, v23;
	v32 =	vperm.xlane v32, v2;
	v63 =	vperm.xlane v50, v2;
	s29 =	sadd.s32 s26, s9;
	s4 =	sadd.s32 s1, s22;
	v59 =	vld [tilespmem:s2+$0x0]  }
0x109: {  	v7 =	vperm.xlane v44, v2;
	v44 =	vsel vm2, v16, v13;
	v13 =	vperm.xlane v17, v2;
	v62 =	vld [tilespmem:s29+$0x0];
	s12 =	sadd.s32 s26, s4;
	s29 =	sadd.s32 s1, s23;
	s2 =	sor.u32 $0x180, s11  }
0x10a: {  	v23 =	vsel vm2, v54, v51;
	v16 =	vsel vm2, v49, v12;
	v6 =	vperm.xlane v46, v2;
	v5 =	vld [tilespmem:s12+$0x0];
	s9 =	sadd.s32 s26, s29;
	s4 =	sadd.s32 s2, s22  }
0x10b: {  	v43 =	vsel vm2, v7, v43;
	v12 =	vsel vm2, v24, v13;
	v7 =	vsel vm2, v50, v58;
	s29 =	sor.u32 $0x1A0, s11;
	v49 =	vld [tilespmem:s9+$0x0];
	s9 =	sadd.s32 s26, s4;
	s4 =	sadd.s32 s2, s23  }
0x10c: {  	v24 =	vsel vm2, v32, v56;
	v13 =	vsel vm2, v61, v48;
	v17 =	vsel vm2, v34, v6;
	v50 =	vld [tilespmem:s9+$0x0];
	s4 =	sadd.s32 s26, s4;
	s9 =	sadd.s32 s29, s22  }
0x10d: {  	v6 =	vsel vm2, v60, v46;
	v46 =	vsel vm2, v63, v47;
	s12 =	sor.u32 $0x1C0, s11;
	v32 =	vperm.xlane v17, v3;
	v51 =	vld [tilespmem:s4+$0x0];
	s4 =	sadd.s32 s26, s9;
	s9 =	sadd.s32 s29, s23  }
0x10e: {  	v47 =	vperm.xlane v16, v3;
	v48 =	vmov v13;
	v56 =	vperm.xlane v12, v3;
	v54 =	vld [tilespmem:s4+$0x0];
	s4 =	sadd.s32 s26, s9;
	s9 =	sadd.s32 s12, s22;
	[tilespmem:s31+$0x410] =	vst v9  }
0x10f: {  	v58 =	vperm.xlane v7, v3;
	s11 =	sor.u32 $0x1E0, s11;
	v61 =	vperm.xlane v6, v3;
	v9 =	vsel vm3, v53, v32;
	v57 =	vld [tilespmem:s4+$0x0];
	s4 =	sadd.s32 s26, s9;
	s9 =	sadd.s32 s12, s23;
	[tilespmem:s31+$0x4B0] =	vst v10  }
0x110: {  	v34 =	vperm.xlane v48, v3;
	v13 =	vmov v46;
	v10 =	vsel vm3, v52, v47;
	s31 =	smov.u32 s13;
	v63 =	vld [tilespmem:s4+$0x0];
	s4 =	sadd.s32 s26, s9;
	s9 =	sadd.s32 s11, s22;
	[tilespmem:s13+$0x0] =	vst v9  }
0x111: {  	s14 =	sadd.s32 s14, s21;
	v32 =	vperm.xlane v27, v3;
	v27 =	vperm.xlane v46, v3;
	v46 =	vadd.f32 v35, v15;
	v26 =	vld [tilespmem:s4+$0x0];
	s9 =	sadd.s32 s26, s9;
	[tilespmem:s31+$0x50] =	vst v10  }
0x112: {  	s14 =	sadd.s32 s26, s14;
	s3 =	sadd.s32 s3, s21;
	v15 =	vperm.xlane v44, v3;
	v35 =	vadd.f32 v41, v40;
	v10 =	vadd.f32 v33, v31;
	v33 =	vld [tilespmem:s9+$0x0]  }
0x113: {  	s3 =	sadd.s32 s26, s3;
	v40 =	vadd.f32 v14, v42;
	v9 =	vadd.f32 v25, v22;
	s13 =	sadd.s32 s11, s23;
	v22 =	vperm.xlane v53, v3;
	v47 =	vld [tilespmem:s14+$0x0]  }
0x114: {  	s16 =	sadd.s32 s16, s21;
	v53 =	vadd.f32 v30, v29;
	v29 =	vadd.f32 v49, v5;
	v5 =	vsel vm3, v44, v56;
	s9 =	sadd.s32 s26, s13;
	v44 =	vld [tilespmem:s3+$0x0]  }
0x115: {  	p0 =	sne.s32 s10, $0x9;
	[tilespmem:$0x1FF70] =	vst v48;
	v41 =	vadd.f32 v4, v55;
	v25 =	vperm.xlane v52, v3;
	v31 =	vadd.f32 v37, v36;
	s13 =	sadd.s32 s17, s21;
	v52 =	vld [tilespmem:s9+$0x0];
	s9 =	sadd.s32 s26, s16  }
.Ltmp0:
0x116: {  	s8 =	sadd.s32 s8, s21;
	[tilespmem:$0x1FF90] =	vst v13;
	v13 =	vperm.xlane v45, v3;
	v37 =	vadd.f32 v39, v38;
	v39 =	vadd.f32 v62, v59;
	s14 =	sadd.s32 s26, s13;
	v48 =	vld [tilespmem:s9+$0x0];
	(pc) =	sbr.rel @p0 .LBB2_3-.Ltmp0, $4  }
0x117: {  	v14 =	vperm.xlane v43, v3;
	s17 =	sadd.s32 s30, s21;
	v36 =	vadd.f32 v51, v50;
	v28 =	vadd.f32 v20, v53;
	s16 =	sadd.s32 s26, s8;
	v42 =	vld [tilespmem:s14+$0x0]  }
0x118: {  	s1 =	sadd.s32 s1, s21;
	v55 =	vperm.xlane v23, v3;
	s30 =	sadd.s32 s26, s17;
	v20 =	vadd.f32 v21, v10;
	v49 =	vld [tilespmem:s16+$0x0];
	v30 =	vadd.f32 v57, v54  }
0x119: {  	s1 =	sadd.s32 s26, s1;
	s2 =	sadd.s32 s2, s21;
	v50 =	vld [tilespmem:s30+$0x0];
	[tilespmem:s31+$0xA0] =	vst v5;
	v38 =	vadd.f32 v26, v63;
	v26 =	vadd.f32 v18, v9;
	v9 =	vsel vm3, v45, v58  }
0x11a: {  	s10 =	sadd.s32 $0x1, s10;
	v57 =	vperm.xlane v24, v3;
	v21 =	vld [tilespmem:s1+$0x0];
	s1 =	sadd.s32 s26, s2;
	s2 =	sadd.s32 s29, s21;
	v18 =	vsel vm3, v43, v61;
	[tilespmem:s31+$0xF0] =	vst v9;
	v33 =	vadd.f32 v52, v33  }
0x11b: {  	v5 =	vadd.f32 v11, v46;
	v10 =	vadd.f32 v47, v31;
	v11 =	vsel vm3, v23, v34  }
0x11c: {  	v23 =	vadd.f32 v48, v37;
	v8 =	vsel vm3, v8, v32;
	v24 =	vsel vm3, v24, v27  }
0x11d: {  	v61 =	vmul.f32 $2.000000030e-01, v26;
	v63 =	vmul.f32 $2.000000030e-01, v19;
	v39 =	vadd.f32 v44, v39  }
0x11e: {  	v48 =	vmul.f32 $2.000000030e-01, v28;
	v43 =	vmul.f32 $2.000000030e-01, v20;
	v17 =	vsel vm3, v22, v17  }
0x11f: {  	v16 =	vsel vm3, v25, v16;
	v12 =	vsel vm3, v15, v12;
	v7 =	vsel vm3, v13, v7  }
0x120: {  	v6 =	vsel vm3, v14, v6;
	v32 =	vadd.f32 v49, v40;
	v49 =	vmul.f32 $2.000000030e-01, v5  }
0x121: {  	v9 =	vld [tilespmem:s1+$0x0];
	s14 =	sadd.s32 s26, s2;
	s16 =	sadd.s32 s12, s21;
	v34 =	vadd.f32 v42, v35;
	v51 =	vmul.f32 $2.000000030e-01, v23;
	v54 =	vmul.f32 $2.000000030e-01, v39  }
0x122: {  	s22 =	sadd.s32 s11, s21;
	v59 =	vld [tilespmem:s14+$0x0];
	s17 =	sadd.s32 s26, s16;
	v26 =	vmax.f32 v26, v61;
	v19 =	vmax.f32 v19, v63;
	v28 =	vmax.f32 v28, v48  }
0x123: {  	s23 =	sadd.s32 s26, s22;
	v60 =	vld [tilespmem:s17+$0x0];
	v20 =	vmax.f32 v20, v43;
	v37 =	vadd.f32 v50, v41;
	v50 =	vmul.f32 $2.000000030e-01, v10  }
0x124: {  	v62 =	vld [tilespmem:s23+$0x0];
	v45 =	vmul.f32 $2.000000030e-01, v34;
	v47 =	vperm.xlane v20, v0;
	v21 =	vadd.f32 v21, v29  }
0x125: {  	v52 =	vmul.f32 $2.000000030e-01, v32;
	v5 =	vmax.f32 v5, v49;
	v23 =	vmax.f32 v23, v51  }
0x126: {  	v9 =	vadd.f32 v9, v36;
	v53 =	vmul.f32 $2.000000030e-01, v37;
	v10 =	vmax.f32 v10, v50  }
0x127: {  	v29 =	vmax.f32 v34, v45;
	v34 =	vmax.f32 v39, v54;
	v30 =	vadd.f32 v59, v30  }
0x128: {  	v56 =	vmul.f32 $2.000000030e-01, v21;
	v31 =	vmax.f32 v32, v52;
	v48 =	vperm.xlane v10, v0  }
0x129: {  	v49 =	vperm.xlane v29, v0;
	v35 =	vadd.f32 v60, v38;
	v33 =	vadd.f32 v62, v33  }
0x12a: {  	v58 =	vmul.f32 $2.000000030e-01, v9;
	v32 =	vmax.f32 v37, v53;
	v62 =	vperm.xlane v19, v0  }
0x12b: {  	v59 =	vmul.f32 $2.000000030e-01, v30;
	v21 =	vmax.f32 v21, v56;
	v37 =	vperm.xlane v32, v0  }
0x12c: {  	v36 =	vsel vm0, v23, v49;
	v23 =	vperm.xlane v23, v0;
	v60 =	vmul.f32 $2.000000030e-01, v35  }
0x12d: {  	v61 =	vmul.f32 $2.000000030e-01, v33;
	v9 =	vmax.f32 v9, v58;
	v25 =	vsel vm0, v26, v62  }
0x12e: {  	v50 =	vperm.xlane v21, v0;
	v26 =	vperm.xlane v26, v0;
	v22 =	vmax.f32 v30, v59  }
0x12f: {  	v30 =	vsel vm0, v28, v47;
	v53 =	vperm.xlane v25, v1;
	v37 =	vsel vm0, v31, v37  }
0x130: {  	v28 =	vperm.xlane v28, v0;
	v31 =	vperm.xlane v31, v0;
	v23 =	vsel vm0, v23, v29  }
0x131: {  	v47 =	vperm.xlane v36, v1;
	v63 =	vmax.f32 v35, v60;
	v33 =	vmax.f32 v33, v61  }
0x132: {  	v51 =	vperm.xlane v22, v0;
	v35 =	vsel vm0, v5, v48;
	v56 =	vperm.xlane v37, v1  }
0x133: {  	v38 =	vsel vm0, v34, v50;
	v5 =	vperm.xlane v5, v0;
	v34 =	vperm.xlane v34, v0  }
0x134: {  	v19 =	vsel vm0, v26, v19;
	v48 =	vperm.xlane v23, v1;
	v52 =	vperm.xlane v33, v0  }
0x135: {  	v54 =	vperm.xlane v35, v1;
	v41 =	vsel vm1, v53, v30;
	v20 =	vsel vm0, v28, v20  }
0x136: {  	v27 =	vperm.xlane v63, v0;
	v62 =	vsel vm0, v31, v32;
	v50 =	vperm.xlane v38, v1  }
0x137: {  	v39 =	vsel vm0, v9, v51;
	v58 =	vperm.xlane v41, v2;
	v43 =	vsel vm1, v56, v38  }
0x138: {  	v5 =	vsel vm0, v5, v10;
	v9 =	vperm.xlane v9, v0;
	v21 =	vsel vm0, v34, v21  }
0x139: {  	v34 =	vperm.xlane v30, v1;
	v46 =	vperm.xlane v20, v1;
	v30 =	vsel vm1, v35, v47  }
0x13a: {  	v42 =	vsel vm1, v54, v36;
	v59 =	vperm.xlane v39, v1;
	v40 =	vsel vm0, v63, v52  }
0x13b: {  	v60 =	vperm.xlane v43, v2;
	v63 =	vsel vm0, v27, v33;
	v49 =	vperm.xlane v5, v1  }
0x13c: {  	v51 =	vperm.xlane v21, v1;
	v52 =	vperm.xlane v62, v1;
	v5 =	vsel vm1, v5, v48  }
0x13d: {  	v44 =	vsel vm2, v58, v42;
	v9 =	vsel vm0, v9, v22;
	v25 =	vsel vm1, v25, v34  }
0x13e: {  	v27 =	vsel vm1, v19, v46;
	v53 =	vperm.xlane v40, v1;
	v54 =	vperm.xlane v63, v1  }
0x13f: {  	[tilespmem:s31+$0x140] =	vst v18;
	v19 =	vperm.xlane v19, v1;
	v58 =	vsel vm1, v37, v50;
	v31 =	vperm.xlane v42, v2  }
0x140: {  	[tilespmem:s31+$0x190] =	vst v11;
	v45 =	vsel vm1, v59, v40;
	v61 =	vperm.xlane v44, v3;
	v56 =	vperm.xlane v9, v1  }
0x141: {  	[tilespmem:s31+$0x1E0] =	vst v8;
	v29 =	vsel vm1, v62, v51;
	v62 =	vperm.xlane v30, v2;
	v34 =	vperm.xlane v25, v2  }
0x142: {  	[tilespmem:s31+$0x230] =	vst v24;
	v23 =	vsel vm1, v49, v23;
	v35 =	vperm.xlane v27, v2;
	v40 =	vperm.xlane v58, v2  }
0x143: {  	s24 =	smul.u32 $0x1400, s24;
	[tilespmem:s31+$0x280] =	vst v17;
	v28 =	vsel vm2, v60, v45;
	v60 =	vsel vm1, v39, v53;
	v9 =	vsel vm1, v9, v54  }
0x144: {  	[tilespmem:s31+$0x2D0] =	vst v16;
	v13 =	vsel vm2, v41, v31;
	v38 =	vperm.xlane v45, v2;
	v41 =	vperm.xlane v29, v2  }
0x145: {  	[tilespmem:s31+$0x320] =	vst v12;
	s1 =	sshrl.u32 s24, $0x2;
	v10 =	vsel vm3, v61, v28;
	v61 =	vsel vm1, v56, v63;
	v63 =	vperm.xlane v5, v2  }
0x146: {  	s26 =	sshll.u32 s19, $0x4;
	[tilespmem:s31+$0x370] =	vst v7;
	s1 =	sadd.s32 s1, s25;
	v33 =	vsel vm2, v25, v62;
	v36 =	vperm.xlane v60, v2;
	v12 =	vsel vm2, v40, v60  }
0x147: {  	[tilespmem:s31+$0x3C0] =	vst v6;
	s1 =	sadd.s32 s26, s1;
	v37 =	vperm.xlane v9, v2;
	v15 =	vsel vm2, v34, v30;
	v53 =	vperm.xlane v12, v3  }
0x148: {  	v5 =	vsel vm2, v35, v5;
	[tilespmem:s1+$0x460] =	vst v10;
	v10 =	vsel vm2, v43, v38;
	v14 =	vperm.xlane v33, v3  }
0x149: {  	v60 =	vperm.xlane v15, v3;
	v16 =	vsel vm2, v58, v36;
	v4 =	vld [tilespmem:$0x1FF70];
	v56 =	vsel vm3, v15, v53  }
0x14a: {  	v9 =	vsel vm2, v41, v9;
	v49 =	vld [tilespmem:$0x1FF90];
	v50 =	vperm.xlane v10, v3;
	v14 =	vsel vm3, v14, v16;
	[tilespmem:s1+$0x140] =	vst v56  }
0x14b: {  	v8 =	vsel vm2, v27, v63;
	v54 =	vperm.xlane v9, v3;
	v63 =	vsel vm3, v60, v12;
	[tilespmem:s1+$0x280] =	vst v14  }
0x14c: {  	v46 =	vsel vm2, v29, v37;
	v47 =	vperm.xlane v16, v3;
	v18 =	vsel vm3, v13, v50;
	[tilespmem:s1+$0x3C0] =	vst v63  }
0x14d: {  	v59 =	vsel vm1, v52, v21;
	v48 =	vperm.xlane v46, v3;
	v17 =	vsel vm3, v5, v54;
	[tilespmem:s1+$0xA0] =	vst v18  }
0x14e: {  	v45 =	vperm.xlane v59, v2;
	v13 =	vperm.xlane v13, v3;
	v22 =	vsel vm3, v33, v47;
	[tilespmem:s1+$0x190] =	vst v17  }
0x14f: {  	v19 =	vsel vm1, v19, v20;
	v32 =	vperm.xlane v23, v2;
	v52 =	vsel vm3, v8, v48;
	[tilespmem:s1+$0x0] =	vst v22  }
0x150: {  	v39 =	vperm.xlane v61, v2;
	v11 =	vsel vm2, v45, v61;
	[tilespmem:s1+$0x50] =	vst v52;
	v61 =	vsel vm3, v13, v10  }
0x151: {  	v42 =	vperm.xlane v19, v2;
	v8 =	vperm.xlane v8, v3;
	v4 =	vsel vm3, v55, v4;
	[tilespmem:s1+$0x320] =	vst v61  }
0x152: {  	v20 =	vsel vm2, v19, v32;
	v27 =	vsel vm3, v57, v49;
	v55 =	vperm.xlane v28, v3;
	[tilespmem:s31+$0x410] =	vst v4  }
0x153: {  	v7 =	vsel vm2, v42, v23;
	v57 =	vperm.xlane v11, v3;
	v6 =	vsel vm3, v8, v46;
	[tilespmem:s31+$0x4B0] =	vst v27  }
0x154: {  	v4 =	vsel vm2, v59, v39;
	v59 =	vperm.xlane v20, v3;
	[tilespmem:s1+$0x2D0] =	vst v6;
	v18 =	vsel vm3, v44, v55  }
0x155: {  	v51 =	vperm.xlane v4, v3;
	v58 =	vsel vm3, v7, v57;
	[tilespmem:s1+$0x1E0] =	vst v18  }
0x156: {  	v5 =	vperm.xlane v5, v3;
	[tilespmem:s1+$0x230] =	vst v58;
	v4 =	vsel vm3, v59, v4  }
0x157: {  	v62 =	vperm.xlane v7, v3;
	v21 =	vsel vm3, v20, v51;
	[tilespmem:s1+$0x370] =	vst v4  }
0x158: {  	v4 =	vsel vm3, v5, v9;
	[tilespmem:s1+$0xF0] =	vst v21  }
0x159: {  	p0 =	seq.s32 s0, $0x0;
	v5 =	vsel vm3, v62, v11;
	[tilespmem:s1+$0x410] =	vst v4  }
0x15a: {  	[tilespmem:s1+$0x4B0] =	vst v5;
	s1 =	simm.s32 @!p0 $0x3  }
0x15b: {  	_ =	swait.ge @!p0 [sflag:s1], $0xA00  }
0x15c: {  	s29 =	smul.u32 $0x50, s0;
	s0 =	sadd.s32 $0x1, s0;
	[sflag:s1] =	ssyncset.done @!p0 $0x0  }
0x15d: {  	[sflag:s1] =	ssyncadd.s32 @!p0 $0xFFFFF600;
	p0 =	sne.s32 s0, $0x7C  }
.Ltmp1:
0x15e: {  	_ = 	snop;
	(pc) =	sbr.rel @p0 .LBB2_2-.Ltmp1, $4  }
0x15f: {  	s2 =	sadd.s32 s15, s29  }
0x160: {  	s2 =	sshrl.u32 s2, $0x3;
	s30 =	rddreg [dreg:$0x4]  }
0x161: {  	s31 =	simm.s32 $0x4E200;
	s1 =	sadd.s32 s30, s2  }
0x162: {  	[hbm4b:s1+s18] =	stream.strided.scatter [tilespmem:s25], [sflag:$0x3], $0xA00, s31, s18, $0x38;
	[tilespmem:$0x51E0] =	vst v63  }
0x163: {  	_ =	swait.ge [sflag:s28], $0xA00  }
0x164: {  	[sflag:s28] =	ssyncset.done $0x0  }
0x165: {  	[sflag:s28] =	ssyncadd.s32 $0xFFFFF600  }
0x166: {  	_ =	swait.ge [sflag:s28], $0xA00  }
0x167: {  	[sflag:s28] =	ssyncset.done $0x0  }
0x168: {  	s0 =	simm.s32 $0x0;
	[sflag:s28] =	ssyncadd.s32 $0xFFFFF600  }
0x169: {  	s26 =	simm.s32 $0x0;
	s10 =	sand.u32 $0x1, s0;
	_ =	swait.ge [sflag:s28], $0xA00  }
0x16a: {  	s0 =	sand.u32 $0x3FFFFE00, s26;
	s1 =	sshll.u32 s10, $0x4;
	[sflag:s28] =	ssyncset.done $0x0  }
0x16b: {  	s0 =	sor.u32 s1, s0;
	[sflag:s28] =	ssyncadd.s32 $0xFFFFF600  }
0x16c: {  	v4 =	vld [tilespmem:s0+$0x15E0]  }
0x16d: {  	v5 =	vld [tilespmem:s0+$0x1600]  }
0x16e: {  	v6 =	vld [tilespmem:s0+$0x1620]  }
0x16f: {  	v7 =	vld [tilespmem:s0+$0x1640]  }
0x170: {  	v8 =	vld [tilespmem:s0+$0x1660]  }
0x171: {  	v9 =	vld [tilespmem:s0+$0x1E0]  }
0x172: {  	v10 =	vld [tilespmem:s0+$0xBE0]  }
0x173: {  	v11 =	vld [tilespmem:s0+$0x200]  }
0x174: {  	v12 =	vld [tilespmem:s0+$0xC00]  }
0x175: {  	v13 =	vld [tilespmem:s0+$0x220]  }
0x176: {  	v14 =	vld [tilespmem:s0+$0xC20]  }
0x177: {  	v15 =	vld [tilespmem:s0+$0x240]  }
0x178: {  	v16 =	vld [tilespmem:s0+$0xC40]  }
0x179: {  	v17 =	vld [tilespmem:s0+$0x260]  }
0x17a: {  	v18 =	vld [tilespmem:s0+$0xC60]  }
0x17b: {  	v19 =	vld [tilespmem:s0+$0x280]  }
0x17c: {  	v20 =	vld [tilespmem:s0+$0xC80]  }
0x17d: {  	v21 =	vld [tilespmem:s0+$0x2A0]  }
0x17e: {  	v22 =	vld [tilespmem:s0+$0xCA0]  }
0x17f: {  	v23 =	vld [tilespmem:s0+$0x2C0]  }
0x180: {  	v24 =	vld [tilespmem:s0+$0xCC0]  }
0x181: {  	v25 =	vld [tilespmem:s0+$0x2E0]  }
0x182: {  	v26 =	vld [tilespmem:s0+$0xCE0]  }
0x183: {  	v27 =	vld [tilespmem:s0+$0x300]  }
0x184: {  	v28 =	vld [tilespmem:s0+$0xD00]  }
0x185: {  	v29 =	vld [tilespmem:s0+$0x320]  }
0x186: {  	v30 =	vld [tilespmem:s0+$0xD20]  }
0x187: {  	v31 =	vld [tilespmem:s0+$0x340]  }
0x188: {  	v32 =	vld [tilespmem:s0+$0xD40]  }
0x189: {  	v33 =	vld [tilespmem:s0+$0x360]  }
0x18a: {  	v34 =	vld [tilespmem:s0+$0xD60]  }
0x18b: {  	v35 =	vld [tilespmem:s0+$0x380]  }
0x18c: {  	v36 =	vld [tilespmem:s0+$0xD80];
	v9 =	vadd.f32 v10, v9  }
0x18d: {  	v37 =	vld [tilespmem:s0+$0x3A0];
	v10 =	vadd.f32 v12, v11;
	v12 =	vadd.f32 v14, v13  }
0x18e: {  	v13 =	vadd.f32 v16, v15;
	v15 =	vadd.f32 v18, v17;
	v18 =	vld [tilespmem:s0+$0x1680]  }
0x18f: {  	v16 =	vadd.f32 v20, v19;
	v20 =	vadd.f32 v24, v23;
	v24 =	vld [tilespmem:s0+$0x16C0]  }
0x190: {  	v11 =	vld [tilespmem:s0+$0xDA0]  }
0x191: {  	v14 =	vld [tilespmem:s0+$0x3C0]  }
0x192: {  	v17 =	vld [tilespmem:s0+$0xDC0];
	v19 =	vadd.f32 v22, v21;
	v22 =	vadd.f32 v26, v25  }
0x193: {  	v21 =	vld [tilespmem:s0+$0x16A0];
	v23 =	vadd.f32 v28, v27;
	v6 =	vadd.f32 v6, v12  }
0x194: {  	v12 =	vadd.f32 v18, v16;
	v16 =	vadd.f32 v24, v20;
	v20 =	vld [tilespmem:s0+$0x17A0]  }
0x195: {  	v25 =	vadd.f32 v30, v29;
	v28 =	vadd.f32 v34, v33;
	v30 =	vld [tilespmem:s0+$0x1700]  }
0x196: {  	v29 =	vadd.f32 v36, v35;
	v4 =	vadd.f32 v4, v9;
	v9 =	vld [tilespmem:s0+$0x1720]  }
0x197: {  	v7 =	vadd.f32 v7, v13;
	v13 =	vld [tilespmem:s0+$0x1760];
	v11 =	vadd.f32 v11, v37  }
0x198: {  	v27 =	vld [tilespmem:s0+$0x16E0];
	v5 =	vadd.f32 v5, v10;
	v8 =	vadd.f32 v8, v15  }
0x199: {  	v10 =	vld [tilespmem:s0+$0x1740];
	v14 =	vadd.f32 v17, v14;
	v11 =	vadd.f32 v20, v11  }
0x19a: {  	v15 =	vadd.f32 v21, v19;
	v17 =	vld [tilespmem:s0+$0x1780];
	v19 =	vadd.f32 v30, v23;
	v24 =	vmul.f32 $2.000000030e-01, v6  }
0x19b: {  	v23 =	vld [tilespmem:s0+$0x17C0];
	s0 =	simm.s32 $0x1;
	v9 =	vadd.f32 v9, v25;
	v25 =	vmul.f32 $2.000000030e-01, v7;
	v55 =	vmul.f32 $2.000000030e-01, v11  }
0x19c: {  	s29 =	simm.s32 $0x100;
	s21 =	sand.u32 $0x1, s0;
	v13 =	vadd.f32 v13, v28;
	v28 =	vmul.f32 $2.000000030e-01, v15;
	v6 =	vmax.f32 v6, v24  }
0x19d: {  	s1 =	sand.u32 $0x3FFFFE00, s29;
	s2 =	sshll.u32 s21, $0x4;
	v7 =	vmax.f32 v7, v25;
	v25 =	vmax.f32 v11, v55;
	v11 =	vperm.xlane v6, v0  }
0x19e: {  	v26 =	vadd.f32 v32, v31;
	s22 =	sor.u32 s2, s1  }
0x19f: {  	v15 =	vmax.f32 v15, v28;
	v17 =	vadd.f32 v17, v29;
	v28 =	vsel vm0, v11, v7;
	v11 =	vld [tilespmem:s22+$0x15E0]  }
0x1a0: {  	v18 =	vadd.f32 v27, v22;
	v21 =	vmul.f32 $2.000000030e-01, v4;
	v22 =	vmul.f32 $2.000000030e-01, v5  }
0x1a1: {  	v14 =	vadd.f32 v23, v14;
	v23 =	vmul.f32 $2.000000030e-01, v13;
	v54 =	vmul.f32 $2.000000030e-01, v17  }
0x1a2: {  	v10 =	vadd.f32 v10, v26;
	v26 =	vmul.f32 $2.000000030e-01, v8;
	v4 =	vmax.f32 v4, v21  }
0x1a3: {  	v13 =	vmax.f32 v13, v23;
	v23 =	vmax.f32 v17, v54;
	v17 =	vperm.xlane v4, v0  }
0x1a4: {  	v5 =	vmax.f32 v5, v22;
	[tilespmem:$0x1FF20] =	vst v11  }
0x1a5: {  	v8 =	vmax.f32 v8, v26;
	v26 =	vsel vm0, v17, v5;
	v17 =	vld [tilespmem:s22+$0x1600];
	_ =	sdelay $0x4  }
0x1a6: {  	[tilespmem:$0x1FF30] =	vst v17  }
0x1a7: {  	v17 =	vld [tilespmem:s22+$0x1620];
	_ =	sdelay $0x4  }
0x1a8: {  	[tilespmem:$0x1FF40] =	vst v17  }
0x1a9: {  	v17 =	vld [tilespmem:s22+$0x1640];
	_ =	sdelay $0x2  }
0x1aa: {  	v27 =	vmul.f32 $2.000000030e-01, v12  }
0x1ab: {  	v30 =	vmul.f32 $2.000000030e-01, v16  }
0x1ac: {  	v31 =	vmul.f32 $2.000000030e-01, v19;
	v53 =	vmul.f32 $2.000000030e-01, v10;
	v12 =	vmax.f32 v12, v27;
	[tilespmem:$0x1FF50] =	vst v17  }
0x1ad: {  	v16 =	vmax.f32 v16, v30;
	v29 =	vmul.f32 $2.000000030e-01, v18;
	v20 =	vmul.f32 $2.000000030e-01, v9;
	v17 =	vld [tilespmem:s22+$0x1660]  }
0x1ae: {  	v24 =	vmax.f32 v19, v31;
	v19 =	vperm.xlane v15, v0;
	v56 =	vmul.f32 $2.000000030e-01, v14  }
0x1af: {  	v22 =	vmax.f32 v18, v29;
	v9 =	vmax.f32 v9, v20;
	v18 =	vperm.xlane v8, v0  }
0x1b0: {  	v31 =	vsel vm0, v19, v16;
	v16 =	vperm.xlane v16, v0;
	v20 =	vperm.xlane v22, v0  }
0x1b1: {  	v10 =	vmax.f32 v10, v53;
	v21 =	vperm.xlane v9, v0;
	v27 =	vperm.xlane v13, v0  }
0x1b2: {  	v14 =	vmax.f32 v14, v56;
	v30 =	vsel vm0, v18, v12;
	v12 =	vperm.xlane v12, v0;
	[tilespmem:$0x1FF60] =	vst v17  }
0x1b3: {  	v57 =	vsel vm0, v20, v24;
	v58 =	vperm.xlane v30, v1;
	v24 =	vperm.xlane v24, v0;
	v39 =	vld [tilespmem:s22+$0x1E0]  }
0x1b4: {  	v27 =	vsel vm0, v27, v23;
	v59 =	vperm.xlane v57, v1;
	v5 =	vperm.xlane v5, v0;
	v40 =	vld [tilespmem:s22+$0xBE0]  }
0x1b5: {  	v60 =	vsel vm0, v21, v10;
	v62 =	vperm.xlane v27, v1;
	v7 =	vperm.xlane v7, v0;
	v42 =	vld [tilespmem:s22+$0x200]  }
0x1b6: {  	v29 =	vperm.xlane v26, v1;
	v4 =	vsel vm0, v4, v5;
	v5 =	vperm.xlane v10, v0;
	v20 =	vld [tilespmem:s22+$0xC00]  }
0x1b7: {  	v34 =	vsel vm1, v59, v60;
	v10 =	vperm.xlane v23, v0;
	v11 =	vperm.xlane v25, v0;
	v44 =	vld [tilespmem:s22+$0x220]  }
0x1b8: {  	v6 =	vsel vm0, v6, v7;
	v7 =	vsel vm0, v8, v12;
	v8 =	vperm.xlane v14, v0;
	v23 =	vld [tilespmem:s22+$0xC20]  }
0x1b9: {  	v12 =	vsel vm0, v15, v16;
	v15 =	vsel vm0, v22, v24;
	v38 =	vsel vm0, v11, v14;
	v14 =	vld [tilespmem:s22+$0x240]  }
0x1ba: {  	v22 =	vperm.xlane v31, v1;
	v29 =	vsel vm1, v29, v28;
	v63 =	vperm.xlane v34, v2;
	v24 =	vld [tilespmem:s22+$0xC40]  }
0x1bb: {  	v16 =	vperm.xlane v4, v1;
	v10 =	vsel vm0, v13, v10;
	v13 =	vperm.xlane v28, v1;
	v28 =	vld [tilespmem:s22+$0x260]  }
0x1bc: {  	v33 =	vsel vm1, v58, v31;
	v46 =	vperm.xlane v15, v1;
	v61 =	vperm.xlane v29, v2;
	v45 =	vld [tilespmem:s22+$0xC60]  }
0x1bd: {  	v5 =	vsel vm0, v9, v5;
	v9 =	vperm.xlane v6, v1;
	v13 =	vsel vm1, v26, v13;
	v26 =	vld [tilespmem:s22+$0x280]  }
0x1be: {  	v8 =	vsel vm0, v25, v8;
	v22 =	vsel vm1, v30, v22;
	v25 =	vperm.xlane v7, v1;
	v35 =	vld [tilespmem:s22+$0xC80]  }
0x1bf: {  	v31 =	vperm.xlane v5, v1;
	v6 =	vsel vm1, v16, v6;
	v16 =	vperm.xlane v60, v1;
	v47 =	vld [tilespmem:s22+$0x2A0]  }
0x1c0: {  	v5 =	vsel vm1, v46, v5;
	v4 =	vsel vm1, v4, v9;
	v9 =	vperm.xlane v12, v1;
	v17 =	vld [tilespmem:s22+$0xCA0]  }
0x1c1: {  	v11 =	vsel vm2, v61, v33;
	v37 =	vsel vm1, v62, v38;
	v38 =	vperm.xlane v38, v1;
	v32 =	vld [tilespmem:s22+$0x2C0]  }
0x1c2: {  	v12 =	vsel vm1, v25, v12;
	v25 =	vperm.xlane v10, v1;
	v15 =	vsel vm1, v15, v31;
	v46 =	vld [tilespmem:s22+$0xCC0]  }
0x1c3: {  	v7 =	vsel vm1, v7, v9;
	v9 =	vperm.xlane v8, v1;
	v27 =	vsel vm1, v27, v38;
	v38 =	vld [tilespmem:s22+$0x2E0]  }
0x1c4: {  	v31 =	vsel vm1, v57, v16;
	v16 =	vperm.xlane v22, v2;
	v33 =	vperm.xlane v33, v2;
	v48 =	vld [tilespmem:s22+$0xCE0]  }
0x1c5: {  	v57 =	vperm.xlane v5, v2;
	v9 =	vsel vm1, v10, v9;
	v10 =	vperm.xlane v7, v2;
	v50 =	vld [tilespmem:s22+$0x300]  }
0x1c6: {  	v41 =	vperm.xlane v11, v3;
	v43 =	vperm.xlane v15, v2;
	v8 =	vsel vm1, v25, v8;
	v52 =	vld [tilespmem:s22+$0xD00]  }
0x1c7: {  	v25 =	vperm.xlane v12, v2;
	v51 =	vperm.xlane v9, v2;
	v49 =	vsel vm2, v4, v10;
	v54 =	vld [tilespmem:s22+$0x320]  }
0x1c8: {  	v10 =	vperm.xlane v13, v2;
	v13 =	vsel vm2, v13, v16;
	v16 =	vperm.xlane v6, v2;
	v55 =	vld [tilespmem:s22+$0xD20]  }
0x1c9: {  	v53 =	vsel vm2, v6, v25;
	v4 =	vperm.xlane v4, v2;
	v6 =	vperm.xlane v27, v2;
	v58 =	vld [tilespmem:s22+$0x340]  }
0x1ca: {  	v36 =	vsel vm2, v63, v37;
	v60 =	vsel vm2, v16, v12;
	v16 =	vsel vm2, v15, v51;
	v51 =	vld [tilespmem:s22+$0xD40]  }
0x1cb: {  	v56 =	vsel vm2, v4, v7;
	v4 =	vperm.xlane v31, v2;
	v15 =	vsel vm2, v31, v6;
	v31 =	vld [tilespmem:s22+$0x360]  }
0x1cc: {  	s30 =	smul.u32 $0x1400, s10;
	v29 =	vsel vm2, v29, v33;
	v25 =	vperm.xlane v8, v2;
	v6 =	vsel vm2, v43, v9;
	v9 =	vld [tilespmem:s22+$0xD60]  }
0x1cd: {  	s31 =	simm.s32 $0x0;
	v33 =	vperm.xlane v37, v2;
	v59 =	vsel vm2, v10, v22;
	v4 =	vsel vm2, v4, v27;
	v27 =	vld [tilespmem:s22+$0x380]  }
0x1ce: {  	s2 =	sand.u32 $0xFFFFFFF0, s31;
	s1 =	sshrl.u32 s30, $0x2;
	v10 =	vsel vm2, v5, v25;
	v5 =	vsel vm2, v57, v8;
	v12 =	vperm.xlane v16, v3;
	v62 =	vld [tilespmem:s22+$0xD80];
	[tilespmem:$0x1FF00] =	vst v4  }
0x1cf: {  	s19 =	sadd.s32 s2, s1;
	v41 =	vsel vm3, v41, v36;
	v22 =	vperm.xlane v15, v3;
	v19 =	vld [tilespmem:s22+$0x3A0];
	[tilespmem:$0x1FF10] =	vst v5  }
0x1d0: {  	v7 =	vsel vm2, v34, v33;
	v33 =	vsel vm3, v49, v12;
	[tilespmem:s19+$0x4290] =	vst v41  }
0x1d1: {  	v18 =	vsel vm3, v13, v22;
	[tilespmem:s19+$0x3DE0] =	vst v33  }
0x1d2: {  	[tilespmem:s19+$0x3E30] =	vst v18  }
0x1d3: {  	v30 =	vperm.xlane v4, v3;
	v4 =	vld [tilespmem:$0x1FF20];
	v20 =	vadd.f32 v20, v42  }
0x1d4: {  	v42 =	vadd.f32 v23, v44;
	v44 =	vadd.f32 v24, v14;
	v24 =	vld [tilespmem:s22+$0x3C0]  }
0x1d5: {  	v22 =	vperm.xlane v49, v3;
	v49 =	vadd.f32 v35, v26;
	v26 =	vld [tilespmem:s22+$0xDC0];
	_ =	sdelay $0x2  }
0x1d6: {  	v39 =	vadd.f32 v40, v39;
	v40 =	vld [tilespmem:s22+$0xDA0]  }
0x1d7: {  	v45 =	vadd.f32 v45, v28;
	v28 =	vadd.f32 v62, v27  }
0x1d8: {  	v27 =	vadd.f32 v26, v24;
	v24 =	vadd.f32 v4, v39;
	v4 =	vld [tilespmem:$0x1FF30]  }
0x1d9: {  	v57 =	vperm.xlane v10, v3;
	_ =	sdelay $0x1  }
0x1da: {  	v33 =	vadd.f32 v9, v31;
	v31 =	vadd.f32 v40, v19;
	v19 =	vsel vm3, v53, v57  }
0x1db: {  	[tilespmem:s19+$0x3E80] =	vst v19  }
0x1dc: {  	v18 =	vadd.f32 v4, v20;
	v4 =	vld [tilespmem:$0x1FF40];
	_ =	sdelay $0x4  }
0x1dd: {  	v26 =	vadd.f32 v4, v42;
	v4 =	vld [tilespmem:$0x1FF50]  }
0x1de: {  	v61 =	vperm.xlane v7, v3;
	v21 =	vld [tilespmem:s22+$0x1680]  }
0x1df: {  	v37 =	vld [tilespmem:s22+$0x16E0]  }
0x1e0: {  	v25 =	vperm.xlane v36, v3;
	v47 =	vadd.f32 v17, v47;
	v17 =	vld [tilespmem:s22+$0x16A0];
	v20 =	vsel vm3, v29, v61  }
0x1e1: {  	v63 =	vperm.xlane v6, v3;
	v43 =	vperm.xlane v5, v3;
	v35 =	vadd.f32 v48, v38;
	v48 =	vld [tilespmem:s22+$0x16C0];
	[tilespmem:s19+$0x3ED0] =	vst v20  }
0x1e2: {  	v12 =	vperm.xlane v29, v3;
	v23 =	vperm.xlane v13, v3;
	v19 =	vadd.f32 v4, v44;
	v4 =	vld [tilespmem:$0x1FF60]  }
0x1e3: {  	v41 =	vld [tilespmem:s22+$0x1760];
	v14 =	vperm.xlane v53, v3;
	v46 =	vadd.f32 v46, v32;
	v36 =	vadd.f32 v52, v50  }
0x1e4: {  	v13 =	vperm.xlane v56, v3;
	v34 =	vadd.f32 v55, v54;
	v32 =	vadd.f32 v51, v58;
	v38 =	vld [tilespmem:s22+$0x1700]  }
0x1e5: {  	v54 =	vperm.xlane v59, v3;
	v9 =	vperm.xlane v60, v3;
	v39 =	vld [tilespmem:s22+$0x1720];
	v29 =	vsel vm3, v56, v63  }
0x1e6: {  	v21 =	vadd.f32 v21, v49;
	v40 =	vld [tilespmem:s22+$0x1740];
	v63 =	vsel vm3, v59, v30;
	v30 =	vadd.f32 v48, v46;
	[tilespmem:s19+$0x3F20] =	vst v29  }
0x1e7: {  	s10 =	simm.s32 $0x2;
	v42 =	vld [tilespmem:s22+$0x1780];
	v29 =	vadd.f32 v17, v47;
	v17 =	vsel vm3, v60, v43;
	[tilespmem:s19+$0x3F70] =	vst v63;
	v20 =	vadd.f32 v4, v45  }
.LBB2_6:
0x1e8: {  	v60 =	vld [tilespmem:s22+$0x17A0];
	[tilespmem:s19+$0x3FC0] =	vst v17;
	v17 =	vmul.f32 $2.000000030e-01, v24;
	v16 =	vsel vm3, v22, v16  }
0x1e9: {  	v15 =	vsel vm3, v23, v15;
	v11 =	vsel vm3, v11, v25;
	v25 =	vmul.f32 $2.000000030e-01, v18  }
0x1ea: {  	v35 =	vadd.f32 v37, v35;
	v62 =	vmul.f32 $2.000000030e-01, v19;
	v63 =	vmul.f32 $2.000000030e-01, v20  }
0x1eb: {  	v36 =	vadd.f32 v38, v36;
	v43 =	vmul.f32 $2.000000030e-01, v21;
	v52 =	vmul.f32 $2.000000030e-01, v29  }
0x1ec: {  	v34 =	vadd.f32 v39, v34;
	v61 =	vld [tilespmem:s22+$0x17C0];
	v44 =	vmul.f32 $2.000000030e-01, v30;
	[tilespmem:s19+$0x4010] =	vst v11;
	v11 =	vmul.f32 $2.000000030e-01, v26  }
0x1ed: {  	[tilespmem:s19+$0x4060] =	vst v16;
	v32 =	vadd.f32 v40, v32;
	v16 =	vmax.f32 v24, v17;
	v53 =	vmul.f32 $2.000000030e-01, v35  }
0x1ee: {  	v33 =	vadd.f32 v41, v33;
	v45 =	vmul.f32 $2.000000030e-01, v36;
	v55 =	vmul.f32 $2.000000030e-01, v34  }
0x1ef: {  	v23 =	vmax.f32 v18, v25;
	v24 =	vmax.f32 v19, v62;
	v39 =	vmax.f32 v20, v63  }
0x1f0: {  	v25 =	vmax.f32 v21, v43;
	v57 =	vmax.f32 v29, v52;
	v28 =	vadd.f32 v42, v28  }
0x1f1: {  	v46 =	vmul.f32 $2.000000030e-01, v32;
	v49 =	vmax.f32 v26, v11;
	v11 =	vperm.xlane v16, v0  }
0x1f2: {  	v26 =	vmax.f32 v30, v44;
	v18 =	vperm.xlane v39, v0;
	v19 =	vperm.xlane v57, v0  }
0x1f3: {  	v50 =	vperm.xlane v23, v0;
	v31 =	vadd.f32 v60, v31;
	v56 =	vmul.f32 $2.000000030e-01, v33  }
0x1f4: {  	v30 =	vmax.f32 v35, v53;
	v29 =	vmax.f32 v36, v45;
	v34 =	vmax.f32 v34, v55  }
0x1f5: {  	[tilespmem:s19+$0x40B0] =	vst v15;
	v15 =	vperm.xlane v49, v0;
	v62 =	vperm.xlane v26, v0;
	v27 =	vadd.f32 v61, v27  }
0x1f6: {  	v47 =	vmul.f32 $2.000000030e-01, v28;
	v32 =	vmax.f32 v32, v46;
	v20 =	vperm.xlane v30, v0  }
0x1f7: {  	v37 =	vsel vm0, v11, v23;
	v11 =	vperm.xlane v34, v0;
	v41 =	vsel vm0, v18, v25  }
0x1f8: {  	s1 =	sand.u32 $0x1, s10;
	s2 =	sshll.u32 s10, $0x8;
	v42 =	vsel vm0, v19, v26;
	v22 =	vmul.f32 $2.000000030e-01, v31;
	v33 =	vmax.f32 v33, v56  }
0x1f9: {  	s3 =	sshll.u32 s1, $0x4;
	s2 =	sand.u32 $0x3FFFFE00, s2;
	v60 =	vsel vm0, v15, v24;
	v15 =	vperm.xlane v37, v1;
	v48 =	vmul.f32 $2.000000030e-01, v27  }
0x1fa: {  	v4 =	vld [tilespmem:$0x1FF00];
	s22 =	sor.u32 s3, s2;
	v58 =	vmax.f32 v28, v47;
	v21 =	vperm.xlane v33, v0;
	v43 =	vsel vm0, v20, v29  }
0x1fb: {  	v17 =	vld [tilespmem:s22+$0x15E0];
	v44 =	vsel vm0, v11, v32;
	v31 =	vmax.f32 v31, v22;
	v15 =	vsel vm1, v15, v60  }
0x1fc: {  	v18 =	vld [tilespmem:s22+$0x1600];
	v28 =	vperm.xlane v43, v1;
	v59 =	vmax.f32 v27, v48;
	v27 =	vperm.xlane v41, v1  }
0x1fd: {  	v19 =	vld [tilespmem:s22+$0x1620];
	v22 =	vperm.xlane v31, v0;
	v45 =	vsel vm0, v21, v58;
	v11 =	vperm.xlane v15, v2  }
0x1fe: {  	v23 =	vld [tilespmem:s22+$0xBE0];
	v28 =	vsel vm1, v28, v44;
	v46 =	vsel vm1, v27, v42;
	v27 =	vperm.xlane v45, v1  }
0x1ff: {  	s29 =	smul.u32 $0x1400, s21;
	v26 =	vld [tilespmem:s22+$0xC00];
	v47 =	vsel vm0, v22, v59;
	v61 =	vperm.xlane v28, v2;
	v11 =	vsel vm2, v11, v46  }
0x200: {  	s30 =	sshll.u32 s0, $0x3;
	v52 =	vperm.xlane v24, v0;
	v24 =	vld [tilespmem:s22+$0x200];
	v51 =	vsel vm1, v27, v47;
	v27 =	vperm.xlane v11, v3  }
0x201: {  	s21 =	smov.u32 s1;
	s1 =	sand.u32 $0xFFFFFFF0, s30;
	s2 =	sshrl.u32 s29, $0x2;
	v53 =	vperm.xlane v25, v0;
	v20 =	vld [tilespmem:s22+$0x1640];
	v25 =	vsel vm2, v61, v51  }
0x202: {  	s31 =	sadd.s32 s1, s2;
	v21 =	vld [tilespmem:s22+$0x1660];
	v27 =	vsel vm3, v27, v25  }
0x203: {  	v10 =	vsel vm3, v14, v10;
	v22 =	vld [tilespmem:s22+$0x1E0];
	[tilespmem:s31+$0x4290] =	vst v27  }
0x204: {  	v8 =	vmovc v54;
	v7 =	vsel vm3, v12, v7;
	v6 =	vsel vm3, v13, v6;
	v63 =	vperm.xlane v29, v0;
	v27 =	vld [tilespmem:s22+$0x220]  }
0x205: {  	v8 =	vsel vm3, v8, v4;
	v49 =	vsel vm0, v49, v52;
	v35 =	vperm.xlane v58, v0;
	v29 =	vld [tilespmem:s22+$0xC20]  }
0x206: {  	v40 =	vsel vm0, v57, v62;
	v32 =	vperm.xlane v32, v0;
	v48 =	vsel vm0, v30, v63;
	v30 =	vld [tilespmem:s22+$0x240]  }
0x207: {  	v57 =	vperm.xlane v49, v1;
	v58 =	vperm.xlane v60, v1;
	v33 =	vsel vm0, v33, v35;
	v35 =	vld [tilespmem:s22+$0xC40]  }
0x208: {  	v32 =	vsel vm0, v34, v32;
	v60 =	vperm.xlane v40, v1;
	v36 =	vperm.xlane v59, v0;
	v14 =	vld [tilespmem:s22+$0x260];
	[tilespmem:s19+$0x4100] =	vst v10  }
0x209: {  	v16 =	vsel vm0, v16, v50;
	v62 =	vperm.xlane v32, v1;
	v44 =	vperm.xlane v44, v1;
	v50 =	vld [tilespmem:s22+$0xC60]  }
0x20a: {  	v39 =	vsel vm0, v39, v53;
	v63 =	vperm.xlane v48, v1;
	v59 =	vperm.xlane v16, v1;
	v52 =	vld [tilespmem:s22+$0x280]  }
0x20b: {  	v16 =	vsel vm1, v16, v57;
	v42 =	vperm.xlane v42, v1;
	v34 =	vsel vm1, v39, v60;
	v53 =	vld [tilespmem:s22+$0xC80]  }
0x20c: {  	v26 =	vadd.f32 v26, v24;
	v31 =	vsel vm0, v31, v36;
	v43 =	vsel vm1, v43, v44;
	v54 =	vld [tilespmem:s22+$0x2A0]  }
0x20d: {  	v32 =	vsel vm1, v63, v32;
	v41 =	vsel vm1, v41, v42;
	v61 =	vperm.xlane v39, v1;
	v42 =	vld [tilespmem:s22+$0xCA0]  }
0x20e: {  	v46 =	vperm.xlane v46, v2;
	v38 =	vsel vm1, v59, v49;
	v57 =	vperm.xlane v31, v1;
	v44 =	vld [tilespmem:s22+$0x2C0]  }
0x20f: {  	v47 =	vperm.xlane v47, v1;
	v60 =	vperm.xlane v41, v2;
	v36 =	vsel vm1, v61, v40;
	v40 =	vld [tilespmem:s22+$0xCC0]  }
0x210: {  	v10 =	vsel vm1, v37, v58;
	v37 =	vsel vm1, v48, v62;
	v12 =	vperm.xlane v36, v2;
	v48 =	vld [tilespmem:s22+$0x2E0];
	[tilespmem:s19+$0x4150] =	vst v7  }
0x211: {  	v59 =	vperm.xlane v34, v2;
	v46 =	vsel vm2, v15, v46;
	v7 =	vperm.xlane v16, v2;
	v13 =	vld [tilespmem:s22+$0xCE0];
	[tilespmem:s19+$0x41A0] =	vst v6  }
0x212: {  	v39 =	vsel vm1, v45, v47;
	v47 =	vsel vm2, v10, v60;
	v56 =	vsel vm2, v38, v12;
	v49 =	vld [tilespmem:s22+$0x300]  }
0x213: {  	v12 =	vperm.xlane v39, v2;
	v55 =	vld [tilespmem:s22+$0xD00];
	v60 =	vsel vm2, v7, v34;
	v34 =	vperm.xlane v43, v2  }
0x214: {  	v51 =	vperm.xlane v51, v2;
	v58 =	vperm.xlane v33, v1;
	v33 =	vsel vm1, v33, v57;
	v57 =	vld [tilespmem:s22+$0x320]  }
0x215: {  	v45 =	vsel vm2, v16, v59;
	v59 =	vld [tilespmem:s22+$0xD20];
	v15 =	vsel vm2, v43, v12;
	v12 =	vsel vm2, v34, v39  }
0x216: {  	v18 =	vadd.f32 v18, v26;
	v16 =	vperm.xlane v10, v2;
	v10 =	vperm.xlane v33, v2;
	v4 =	vmovc v12;
	v12 =	vld [tilespmem:$0x1FF10]  }
0x217: {  	v61 =	vperm.xlane v32, v2;
	v31 =	vsel vm1, v58, v31;
	v6 =	vperm.xlane v38, v2;
	v62 =	vld [tilespmem:s22+$0x340]  }
0x218: {  	v58 =	vperm.xlane v37, v2;
	v63 =	vsel vm2, v16, v41;
	v16 =	vsel vm2, v37, v10;
	v37 =	vld [tilespmem:s22+$0xD40]  }
0x219: {  	v38 =	vperm.xlane v31, v2;
	v7 =	vsel vm2, v28, v51;
	v28 =	vld [tilespmem:s22+$0x360];
	v31 =	vsel vm2, v61, v31  }
0x21a: {  	v5 =	vsel vm2, v6, v36;
	v6 =	vsel vm2, v58, v33;
	v33 =	vld [tilespmem:s22+$0xD60];
	v61 =	vperm.xlane v16, v3  }
0x21b: {  	v10 =	vsel vm2, v32, v38;
	v34 =	vperm.xlane v15, v3;
	v38 =	vld [tilespmem:s22+$0x380];
	[tilespmem:s19+$0x41F0] =	vst v8;
	v9 =	vsel vm3, v9, v12  }
0x21c: {  	v25 =	vperm.xlane v25, v3;
	v41 =	vperm.xlane v7, v3;
	v43 =	vld [tilespmem:s22+$0xD80];
	v8 =	vsel vm3, v45, v61;
	[tilespmem:s19+$0x4240] =	vst v9;
	s19 =	smov.u32 s31  }
0x21d: {  	v51 =	vperm.xlane v6, v3;
	v29 =	vadd.f32 v29, v27;
	v12 =	vsel vm3, v47, v34;
	v61 =	vld [tilespmem:s22+$0x3A0];
	[tilespmem:s19+$0x3DE0] =	vst v8  }
0x21e: {  	v30 =	vadd.f32 v35, v30;
	v39 =	vperm.xlane v10, v3;
	v42 =	vadd.f32 v42, v54;
	v24 =	vld [tilespmem:s22+$0xDA0];
	[tilespmem:s19+$0x3E30] =	vst v12  }
0x21f: {  	v44 =	vadd.f32 v40, v44;
	v54 =	vperm.xlane v63, v3;
	v58 =	vperm.xlane v4, v3;
	v27 =	vld [tilespmem:s22+$0x3C0]  }
0x220: {  	v8 =	vadd.f32 v23, v22;
	v22 =	vperm.xlane v45, v3;
	v45 =	vadd.f32 v50, v14;
	v50 =	vld [tilespmem:s22+$0xDC0]  }
0x221: {  	v35 =	vadd.f32 v13, v48;
	v23 =	vperm.xlane v47, v3;
	v47 =	vadd.f32 v53, v52;
	v52 =	vld [tilespmem:s22+$0x1680]  }
0x222: {  	[tilespmem:$0x1FF00] =	vst v4;
	v4 =	vperm.xlane v31, v3;
	v26 =	vadd.f32 v19, v29;
	v19 =	vadd.f32 v20, v30;
	v53 =	vld [tilespmem:s22+$0x16A0]  }
0x223: {  	v13 =	vperm.xlane v60, v3;
	v36 =	vadd.f32 v55, v49;
	v32 =	vadd.f32 v37, v62;
	v48 =	vld [tilespmem:s22+$0x16C0]  }
0x224: {  	p0 =	sne.s32 s10, $0x9;
	v62 =	vsel vm3, v56, v39;
	v33 =	vadd.f32 v33, v28;
	v34 =	vadd.f32 v59, v57;
	v9 =	vmovc v31;
	v37 =	vld [tilespmem:s22+$0x16E0]  }
.Ltmp2:
0x225: {  	v28 =	vadd.f32 v43, v38;
	v14 =	vperm.xlane v56, v3;
	v12 =	vperm.xlane v46, v3;
	[tilespmem:$0x1FF10] =	vst v9;
	v38 =	vld [tilespmem:s22+$0x1700];
	(pc) =	sbr.rel @p0 .LBB2_6-.Ltmp2, $4  }
0x226: {  	v39 =	vld [tilespmem:s22+$0x1720];
	[tilespmem:s19+$0x3E80] =	vst v62;
	v31 =	vadd.f32 v24, v61;
	v24 =	vadd.f32 v17, v8;
	v8 =	vsel vm3, v46, v41  }
0x227: {  	v9 =	vperm.xlane v5, v3;
	v20 =	vadd.f32 v21, v45;
	v40 =	vld [tilespmem:s22+$0x1740];
	v17 =	vsel vm3, v60, v51;
	[tilespmem:s19+$0x3ED0] =	vst v8  }
0x228: {  	v27 =	vadd.f32 v50, v27;
	v21 =	vadd.f32 v52, v47;
	v8 =	vsel vm3, v63, v58;
	v41 =	vld [tilespmem:s22+$0x1760];
	[tilespmem:s19+$0x3F20] =	vst v17  }
0x229: {  	s0 =	smov.u32 s10;
	s10 =	sadd.s32 $0x1, s10;
	v29 =	vadd.f32 v53, v42;
	v30 =	vadd.f32 v48, v44;
	v17 =	vsel vm3, v5, v4;
	v42 =	vld [tilespmem:s22+$0x1780];
	[tilespmem:s19+$0x3F70] =	vst v8  }
0x22a: {  	v4 =	vadd.f32 v37, v35;
	v51 =	vmul.f32 $2.000000030e-01, v24  }
0x22b: {  	v5 =	vadd.f32 v38, v36;
	v52 =	vmul.f32 $2.000000030e-01, v18;
	v55 =	vmul.f32 $2.000000030e-01, v26  }
0x22c: {  	v11 =	vsel vm3, v11, v25;
	v56 =	vmul.f32 $2.000000030e-01, v19;
	v57 =	vmul.f32 $2.000000030e-01, v20  }
0x22d: {  	v58 =	vmul.f32 $2.000000030e-01, v21;
	v16 =	vsel vm3, v22, v16;
	v15 =	vsel vm3, v23, v15  }
0x22e: {  	v10 =	vsel vm3, v14, v10;
	v7 =	vsel vm3, v12, v7;
	v6 =	vsel vm3, v13, v6  }
0x22f: {  	v34 =	vadd.f32 v39, v34;
	v59 =	vmul.f32 $2.000000030e-01, v29;
	v43 =	vmul.f32 $2.000000030e-01, v30  }
0x230: {  	v32 =	vadd.f32 v40, v32;
	v60 =	vmul.f32 $2.000000030e-01, v4;
	v44 =	vmul.f32 $2.000000030e-01, v5  }
0x231: {  	v8 =	vld [tilespmem:s22+$0x17A0];
	v24 =	vmax.f32 v24, v51;
	v18 =	vmax.f32 v18, v52;
	v26 =	vmax.f32 v26, v55  }
0x232: {  	v53 =	vld [tilespmem:s22+$0x17C0];
	v19 =	vmax.f32 v19, v56;
	v20 =	vmax.f32 v20, v57;
	v21 =	vmax.f32 v21, v58  }
0x233: {  	v33 =	vadd.f32 v41, v33;
	v61 =	vmul.f32 $2.000000030e-01, v34;
	v29 =	vmax.f32 v29, v59  }
0x234: {  	v30 =	vmax.f32 v30, v43;
	v48 =	vperm.xlane v24, v0;
	v49 =	vperm.xlane v26, v0  }
0x235: {  	v50 =	vperm.xlane v20, v0;
	v28 =	vadd.f32 v42, v28;
	v45 =	vmul.f32 $2.000000030e-01, v32  }
0x236: {  	v4 =	vmax.f32 v4, v60;
	v51 =	vperm.xlane v29, v0;
	v8 =	vadd.f32 v8, v31  }
0x237: {  	v27 =	vadd.f32 v53, v27;
	v62 =	vmul.f32 $2.000000030e-01, v33;
	v31 =	vmax.f32 v34, v61  }
0x238: {  	v52 =	vperm.xlane v4, v0;
	v23 =	vsel vm0, v49, v19;
	v19 =	vperm.xlane v19, v0  }
0x239: {  	v34 =	vsel vm0, v50, v21;
	v21 =	vperm.xlane v21, v0;
	v63 =	vmul.f32 $2.000000030e-01, v28  }
0x23a: {  	v5 =	vmax.f32 v5, v44;
	v53 =	vperm.xlane v31, v0;
	v58 =	vperm.xlane v34, v1  }
0x23b: {  	v32 =	vmax.f32 v32, v45;
	v46 =	vmul.f32 $2.000000030e-01, v8;
	v47 =	vmul.f32 $2.000000030e-01, v27  }
0x23c: {  	v33 =	vmax.f32 v33, v62;
	v35 =	vsel vm0, v52, v5;
	v5 =	vperm.xlane v5, v0  }
0x23d: {  	v19 =	vsel vm0, v26, v19;
	v20 =	vsel vm0, v20, v21;
	v22 =	vmax.f32 v28, v63  }
0x23e: {  	v28 =	vsel vm0, v48, v18;
	v55 =	vperm.xlane v33, v0;
	v59 =	vperm.xlane v35, v1  }
0x23f: {  	v36 =	vsel vm0, v53, v32;
	v18 =	vperm.xlane v18, v0;
	v50 =	vperm.xlane v19, v1  }
0x240: {  	v8 =	vmax.f32 v8, v46;
	v25 =	vmax.f32 v27, v47;
	v57 =	vperm.xlane v28, v1  }
0x241: {  	v27 =	vsel vm0, v51, v30;
	v30 =	vperm.xlane v30, v0;
	v47 =	vperm.xlane v32, v0  }
0x242: {  	v4 =	vsel vm0, v4, v5;
	v51 =	vperm.xlane v23, v1;
	v56 =	vperm.xlane v8, v0  }
0x243: {  	v37 =	vsel vm0, v55, v22;
	v40 =	vsel vm1, v58, v27;
	v41 =	vsel vm1, v59, v36  }
0x244: {  	v18 =	vsel vm0, v24, v18;
	v22 =	vperm.xlane v22, v0;
	v48 =	vperm.xlane v25, v0  }
0x245: {  	v59 =	vperm.xlane v36, v1;
	v39 =	vsel vm1, v57, v23;
	v61 =	vperm.xlane v37, v1  }
0x246: {  	v62 =	vperm.xlane v41, v2;
	v49 =	vsel vm0, v29, v30;
	v5 =	vsel vm0, v31, v47  }
0x247: {  	v52 =	vperm.xlane v18, v1;
	v53 =	vsel vm1, v18, v50;
	v21 =	vsel vm1, v28, v51  }
0x248: {  	v57 =	vperm.xlane v20, v1;
	v60 =	vperm.xlane v39, v2;
	v38 =	vsel vm0, v56, v25  }
0x249: {  	v22 =	vsel vm0, v33, v22;
	v8 =	vsel vm0, v8, v48;
	v55 =	vperm.xlane v49, v1  }
0x24a: {  	v56 =	vperm.xlane v27, v1;
	v58 =	vperm.xlane v5, v1;
	v23 =	vsel vm1, v35, v59  }
0x24b: {  	v14 =	vperm.xlane v53, v2;
	v36 =	vperm.xlane v21, v2;
	v43 =	vsel vm1, v61, v38  }
0x24c: {  	v19 =	vsel vm1, v52, v19;
	v61 =	vperm.xlane v8, v1;
	v25 =	vsel vm1, v57, v49  }
0x24d: {  	v47 =	vperm.xlane v23, v2;
	v42 =	vsel vm2, v60, v40;
	v44 =	vsel vm2, v62, v43  }
0x24e: {  	v60 =	vperm.xlane v4, v1;
	v18 =	vsel vm1, v20, v55;
	v62 =	vperm.xlane v38, v1  }
0x24f: {  	v24 =	vsel vm1, v34, v56;
	v33 =	vperm.xlane v25, v2;
	v34 =	vperm.xlane v40, v2  }
0x250: {  	[tilespmem:s19+$0x3FC0] =	vst v17;
	v4 =	vsel vm1, v4, v58;
	v46 =	vperm.xlane v43, v2;
	v63 =	vperm.xlane v42, v3  }
0x251: {  	[tilespmem:s19+$0x4010] =	vst v11;
	v20 =	vsel vm1, v22, v61;
	v31 =	vperm.xlane v18, v2;
	v32 =	vperm.xlane v24, v2  }
0x252: {  	[tilespmem:s19+$0x4060] =	vst v16;
	v27 =	vperm.xlane v4, v2;
	v14 =	vsel vm2, v14, v18;
	v16 =	vsel vm2, v36, v24  }
0x253: {  	s1 =	smul.u32 $0x1400, s21;
	[tilespmem:s19+$0x40B0] =	vst v15;
	v59 =	vperm.xlane v44, v3;
	v5 =	vsel vm1, v60, v5;
	v30 =	vsel vm1, v37, v62  }
0x254: {  	s0 =	sshll.u32 s0, $0x3;
	[tilespmem:s19+$0x4100] =	vst v10;
	v37 =	vperm.xlane v19, v2;
	v38 =	vperm.xlane v20, v2;
	v12 =	vsel vm2, v19, v33  }
0x255: {  	s0 =	sand.u32 $0xFFFFFFF0, s0;
	[tilespmem:s19+$0x4150] =	vst v7;
	s1 =	sshrl.u32 s1, $0x2;
	v45 =	vsel vm3, v63, v44;
	v63 =	vperm.xlane v22, v1;
	v35 =	vsel vm2, v53, v31  }
0x256: {  	[tilespmem:s19+$0x41A0] =	vst v6;
	s0 =	sadd.s32 s0, s1;
	v40 =	vperm.xlane v30, v2;
	v48 =	vperm.xlane v5, v2;
	v7 =	vsel vm2, v47, v30  }
0x257: {  	v61 =	vsel vm3, v42, v59;
	[tilespmem:s0+$0x4290] =	vst v45;
	v4 =	vsel vm2, v4, v38;
	v57 =	vperm.xlane v7, v3  }
0x258: {  	v13 =	vperm.xlane v35, v3;
	v8 =	vsel vm1, v63, v8;
	v49 =	vsel vm2, v23, v40;
	v51 =	vld [tilespmem:$0x1FF00]  }
0x259: {  	v50 =	vperm.xlane v4, v3;
	v52 =	vld [tilespmem:$0x1FF10];
	[tilespmem:s0+$0x4010] =	vst v61;
	v45 =	vperm.xlane v8, v2;
	v18 =	vsel vm3, v16, v57  }
0x25a: {  	v23 =	vperm.xlane v49, v3;
	v8 =	vsel vm2, v48, v8;
	v4 =	vsel vm3, v13, v4;
	[tilespmem:s0+$0x3F70] =	vst v18  }
0x25b: {  	v17 =	vsel vm2, v21, v32;
	v19 =	vsel vm3, v35, v50;
	v58 =	vperm.xlane v8, v3;
	[tilespmem:s0+$0x4060] =	vst v4  }
0x25c: {  	v15 =	vsel vm2, v37, v25;
	v23 =	vsel vm3, v17, v23;
	[tilespmem:s0+$0x3DE0] =	vst v19  }
0x25d: {  	v10 =	vsel vm2, v41, v46;
	[tilespmem:s0+$0x3E30] =	vst v23;
	v60 =	vsel vm3, v15, v58  }
0x25e: {  	v11 =	vsel vm2, v39, v34;
	v55 =	vperm.xlane v10, v3;
	v21 =	vsel vm3, v54, v51;
	[tilespmem:s0+$0x3FC0] =	vst v60  }
0x25f: {  	v5 =	vsel vm2, v5, v45;
	v17 =	vperm.xlane v17, v3;
	v9 =	vsel vm3, v9, v52;
	[tilespmem:s19+$0x41F0] =	vst v21  }
0x260: {  	v53 =	vperm.xlane v5, v3;
	v54 =	vsel vm2, v27, v20;
	v20 =	vsel vm3, v11, v55;
	[tilespmem:s19+$0x4240] =	vst v9  }
0x261: {  	v4 =	vperm.xlane v14, v3;
	v6 =	vsel vm3, v17, v49;
	[tilespmem:s0+$0x3ED0] =	vst v20  }
0x262: {  	v62 =	vperm.xlane v16, v3;
	v21 =	vsel vm3, v12, v53;
	[tilespmem:s0+$0x40B0] =	vst v6  }
0x263: {  	v56 =	vperm.xlane v54, v3;
	v4 =	vsel vm3, v4, v54;
	[tilespmem:s0+$0x3E80] =	vst v21  }
0x264: {  	v12 =	vperm.xlane v12, v3;
	[tilespmem:s0+$0x41A0] =	vst v4;
	v4 =	vsel vm3, v62, v7  }
0x265: {  	v11 =	vperm.xlane v11, v3;
	v19 =	vsel vm3, v14, v56;
	[tilespmem:s0+$0x41F0] =	vst v4  }
0x266: {  	v63 =	vperm.xlane v15, v3;
	v5 =	vsel vm3, v12, v5;
	[tilespmem:s0+$0x3F20] =	vst v19  }
0x267: {  	[tilespmem:s0+$0x4100] =	vst v5;
	v5 =	vsel vm3, v11, v10  }
0x268: {  	[tilespmem:s0+$0x4150] =	vst v5;
	v5 =	vsel vm3, v63, v8  }
0x269: {  	s2 =	simm.s32 $0x3;
	[tilespmem:s0+$0x4240] =	vst v5  }
0x26a: {  	_ =	swait.ge [sflag:s2], $0xA00  }
0x26b: {  	s29 =	simm.s32 $0x4E200;
	[sflag:s2] =	ssyncset.done $0x0  }
0x26c: {  	s3 =	simm.s32 $0x3DE0;
	s26 =	rddreg [dreg:$0xb];
	[sflag:s2] =	ssyncadd.s32 $0xFFFFF600  }
0x26d: {  	[hbm4b:s26+s18] =	stream.strided.scatter [tilespmem:s3], [sflag:$0x3], $0xA00, s29, s18, $0x38;
	[tilespmem:$0x51E0] =	vst v63  }
0x26e: {  	_ =	swait.ge [sflag:s2], $0xA00  }
0x26f: {  	s30 =	rddreg [dreg:$0xd]  }
0x270: {  	s31 =	rddreg [dreg:$0xc];
	s1 =	sadd.s32 $0x1, s30  }
0x271: {  	p0 =	sne.s32 s1, s31  }
.Ltmp3:
0x272: {  	_ = 	snop;
	(pc) =	sbr.rel @p0 .LBB2_1-.Ltmp3, $3  }
0x273: {  	_ =	sdelay $0x1  }
0x274: {  	[sflag:s2] =	ssyncset.done $0x0  }
0x275: {  	[sflag:s2] =	ssyncadd.s32 $0xFFFFF600  }
0x276: {  	_ =	sfence.sel $0x180000  }
0x277: {  	[bflag:$0x0] =	sbarrier.arrive $0xFFFF  }
0x278: {  	_ =	strace $0x90000047  }
0x279: {  	s0 =	stileid.u32;
	[bflag:$0x2] =	sbarrier.arrive $0xFFFF  }
0x27a: {  	p0 =	sne.s32 s0, $0x0;
	s0 =	rddreg [dreg:$0x2]  }
0x27b: {  	s0 =	sadd.s32 @!p0 $0x100000, s0  }
0x27c: {  	[sflag:s0] =	ssyncadd.tile.s32 @!p0 $0x1;
	_ =	shalt  }
.Lfunc_end2:
_tile_overlayer_lowered:
.L_overlay_start_2:
0x27d: {  	(tag) =	ssettag $0x2  }
0x27e: {  	s0 =	rddreg [dreg:$0x0];
	s2 =	stileid.u32  }
0x27f: {  	s1 =	rddreg [dreg:$0x1];
	p0 =	sne.s32 s2, $0x0  }
0x280: {  	s3 =	rddreg [dreg:$0x2];
	[bflag:$0x3] =	sbarrier.arrive $0xFFFF;
	s2 =	simm.s32 @!p0 $0x1C04  }
0x281: {  	[timem:s3], [sflag:s2] =	dma.local @!p0 [hbm:s0], s1  }
0x282: {  	s0 =	simm.s32 @!p0 $0x4  }
0x283: {  	_ =	swait.ge @!p0 [sflag:s0], s1  }
0x284: {  	s1 =	ssub.s32 @!p0 $0x0, s1;
	[sflag:s0] =	ssyncset.done @!p0 $0x0  }
0x285: {  	[sflag:s0] =	ssyncadd.s32 @!p0 s1  }
0x286: {  	[bflag:$0x3] =	sbarrier.arrive $0xFFFF  }
0x287: {  	_ =	shalt  }

</sc_bundles>
